<compile_context>
chip_gen: v7x
topology: tpu7x:2x2x1
jax: 0.10.2.dev20260603
libtpu: 0.0.44.dev20260713+nightly
codegen_flags: <defaults>
</compile_context>

<pallas_src>
import functools

import jax
import jax.numpy as jnp
from jax import lax
from jax.experimental import pallas as pl
from jax.experimental.pallas import tpu as pltpu
from jax.experimental.pallas import tpu_sc as plsc

N = 10000
E = 320000
D = 128
DE = 16
G = 64
H = 128
MLP_DIM = 256
C = 10
EPS = 1e-5

NC = 2
NS = 16
NW = NC * NS
BS = 128
KB = 80
CHK = 8
KBO = KB // CHK
EPW = KB * BS
EP = NW * EPW
NP = 10240
RPS = NP // NS
NBUF = 2
ZB = BS

_HIGH = jax.lax.Precision.HIGHEST


def _dot(a, b):
    return jnp.dot(a, b, precision=_HIGH, preferred_element_type=jnp.float32)


def _dotd(a, b):
    return jnp.dot(a, b, preferred_element_type=jnp.float32)



def _zero_acc(zrow, rows, acc_sh, s):
    pltpu.sync_copy(zrow, rows)
    for t in range(RPS // ZB):
        base = s * RPS + t * ZB
        pltpu.sync_copy(rows, acc_sh.at[pl.ds(base, ZB)])


def _writeback(rows, acc_sh, out, c, s):
    for t in range(RPS // ZB):
        base = s * RPS + t * ZB
        pltpu.sync_copy(acc_sh.at[pl.ds(base, ZB)], rows)
        pltpu.sync_copy(rows, out.at[c, pl.ds(base, ZB)])


def _pipelined_blocks(load_block, dst_v, acc_sh, bufs, gsems, ssems):
    nbuf = len(bufs)
    gd = [None] * CHK
    sd = [None] * CHK
    for ji in range(min(nbuf, CHK)):
        gd[ji] = load_block(ji, bufs[ji], gsems[ji])
    for ji in range(CHK):
        b = ji % nbuf
        gd[ji].wait()
        sd[ji] = pltpu.async_copy(bufs[b], acc_sh.at[dst_v.at[ji]],
                                  ssems[b], add=True)
        nxt = ji + nbuf
        if nxt < CHK:
            sd[ji].wait()
            gd[nxt] = load_block(nxt, bufs[b], gsems[b])
    for ji in range(CHK - nbuf, CHK):
        sd[ji].wait()


def _sc_gather_body(table, src3, dst3, zrow,
                    out_a,
                    acc_sh, src_v, dst_v, bufs, gsems, ssems):
    c = lax.axis_index("c")
    s = lax.axis_index("s")
    wid = s * NC + c

    _zero_acc(zrow, bufs[0], acc_sh, s)
    plsc.subcore_barrier()

    @pl.loop(0, KBO)
    def _chunk(ko):
        pltpu.sync_copy(src3.at[wid, pl.ds(ko * CHK, CHK)], src_v)
        pltpu.sync_copy(dst3.at[wid, pl.ds(ko * CHK, CHK)], dst_v)

        def load(ji, buf, sem):
            return pltpu.async_copy(table.at[src_v.at[ji]], buf, sem)

        _pipelined_blocks(load, dst_v, acc_sh, bufs, gsems, ssems)

    plsc.subcore_barrier()
    _writeback(bufs[0], acc_sh, out_a, c, s)


def _sc_aug_body(eaug, dst3, zrow,
                 out_u,
                 acc_sh, dst_v, bufs, gsems, ssems):
    c = lax.axis_index("c")
    s = lax.axis_index("s")
    wid = s * NC + c

    _zero_acc(zrow, bufs[0], acc_sh, s)
    plsc.subcore_barrier()

    @pl.loop(0, KBO)
    def _chunk(ko):
        pltpu.sync_copy(dst3.at[wid, pl.ds(ko * CHK, CHK)], dst_v)

        def load(ji, buf, sem):
            base_e = (wid * KB + ko * CHK + ji) * BS
            return pltpu.async_copy(eaug.at[pl.ds(base_e, BS)], buf, sem)

        _pipelined_blocks(load, dst_v, acc_sh, bufs, gsems, ssems)

    plsc.subcore_barrier()
    _writeback(bufs[0], acc_sh, out_u, c, s)


@functools.cache
def _sc_passes():
    mesh = plsc.VectorSubcoreMesh(core_axis_name="c", subcore_axis_name="s",
                                  num_cores=NC, num_subcores=NS)
    rowbufs = tuple(pltpu.VMEM((BS, D), jnp.float32) for _ in range(NBUF))
    sems = tuple(pltpu.SemaphoreType.DMA for _ in range(NBUF))
    gather = pl.kernel(
        _sc_gather_body,
        out_type=jax.ShapeDtypeStruct((NC, NP, D), jnp.float32),
        mesh=mesh,
        scratch_types=(
            pltpu.VMEM_SHARED((NP, D), jnp.float32),
            pltpu.VMEM((CHK, BS), jnp.int32),
            pltpu.VMEM((CHK, BS), jnp.int32),
            rowbufs,
            sems,
            sems,
        ),
    )
    aug = pl.kernel(
        _sc_aug_body,
        out_type=jax.ShapeDtypeStruct((NC, NP, D), jnp.float32),
        mesh=mesh,
        scratch_types=(
            pltpu.VMEM_SHARED((NP, D), jnp.float32),
            pltpu.VMEM((CHK, BS), jnp.int32),
            rowbufs,
            sems,
            sems,
        ),
    )
    return gather, aug



BR = 1024
NBLK = NP // BR


def _rowmask(i):
    rows = i * BR + lax.broadcasted_iota(jnp.int32, (BR, 1), 0)
    return (rows < N).astype(jnp.float32)


def _tc_mp_body(x_ref, a_ref, u_ref, wd_ref, ws_ref, we_ref, b_ref,
                h_ref, stats_ref):
    i = pl.program_id(0)
    x = x_ref[...]
    u = u_ref[0] + u_ref[1]
    deg = u[:, 16:17] + 1.0
    aea = u[:, :DE] + 1.0
    a_sum = a_ref[0] + a_ref[1] + x
    pre = (deg * _dotd(x, wd_ref[...]) + _dotd(a_sum, ws_ref[...])
           + _dotd(aea, we_ref[...]) + deg * b_ref[...])
    h = jnp.maximum(pre, 0.0) * _rowmask(i)
    h_ref[...] = h
    blk = jnp.concatenate([jnp.sum(h, axis=0, keepdims=True),
                           jnp.sum(h * h, axis=0, keepdims=True)], axis=0)

    @pl.when(i == 0)
    def _():
        stats_ref[...] = jnp.zeros_like(stats_ref)

    stats_ref[...] += blk


def _bn_apply(h, stats, g, be, i):
    mu = stats[0:1] * (1.0 / N)
    var = stats[1:2] * (1.0 / N) - mu * mu
    hn = (h - mu) / jnp.sqrt(var + EPS) * g + be
    return jnp.maximum(hn, 0.0) * _rowmask(i)


def _tc_bn1_body(h_ref, stats_ref, g_ref, be_ref, out_ref):
    out_ref[...] = _bn_apply(h_ref[...], stats_ref[...], g_ref[...],
                             be_ref[...], pl.program_id(0))


def _onehot(batch_blk):
    gidx = lax.broadcasted_iota(jnp.int32, (BR, G), 1)
    return (batch_blk == gidx).astype(jnp.float32)


def _tc_bn2_body(h_ref, stats_ref, g_ref, be_ref, batch_ref,
                 out_ref, pool_ref):
    i = pl.program_id(0)
    h2 = _bn_apply(h_ref[...], stats_ref[...], g_ref[...], be_ref[...], i)
    out_ref[...] = h2
    pool_blk = lax.dot_general(_onehot(batch_ref[...]), h2,
                               (((0,), (0,)), ((), ())),
                               preferred_element_type=jnp.float32)

    @pl.when(i == 0)
    def _():
        pool_ref[...] = jnp.zeros_like(pool_ref)

    pool_ref[...] += pool_blk


def _tc_mlp_body(h2_ref, pool_ref, batch_ref, wf1h_ref, wf1r_ref, bf1_ref,
                 wf2_ref, bf2_ref, out_ref):
    rep = _dotd(_onehot(batch_ref[...]), pool_ref[...])
    no = jnp.maximum(_dotd(h2_ref[...], wf1h_ref[...]) +
                     _dotd(rep, wf1r_ref[...]) + bf1_ref[...], 0.0)
    out_ref[...] = _dotd(no, wf2_ref[...]) + bf2_ref[...]


def _blk(shape, imap):
    return pl.BlockSpec(shape, imap)

_row = lambda i: (i, 0)
_fix = lambda i: (0, 0)
_row3 = lambda i: (0, i, 0)


def _build_tc(interpret=False):
    tc_mp = pl.pallas_call(
        _tc_mp_body,
        grid=(NBLK,),
        in_specs=[
            _blk((BR, D), _row),
            _blk((NC, BR, D), _row3),
            _blk((NC, BR, D), _row3),
            _blk((D, H), _fix),
            _blk((D, H), _fix),
            _blk((DE, H), _fix),
            _blk((1, H), _fix),
        ],
        out_specs=(_blk((BR, H), _row), _blk((2, H), _fix)),
        out_shape=(jax.ShapeDtypeStruct((NP, H), jnp.float32),
                   jax.ShapeDtypeStruct((2, H), jnp.float32)),
        interpret=interpret)

    tc_bn1 = pl.pallas_call(
        _tc_bn1_body,
        grid=(NBLK,),
        in_specs=[
            _blk((BR, H), _row),
            _blk((2, H), _fix),
            _blk((1, H), _fix),
            _blk((1, H), _fix),
        ],
        out_specs=_blk((BR, H), _row),
        out_shape=jax.ShapeDtypeStruct((NP, H), jnp.float32),
        interpret=interpret)

    tc_bn2 = pl.pallas_call(
        _tc_bn2_body,
        grid=(NBLK,),
        in_specs=[
            _blk((BR, H), _row),
            _blk((2, H), _fix),
            _blk((1, H), _fix),
            _blk((1, H), _fix),
            _blk((BR, 1), _row),
        ],
        out_specs=(_blk((BR, H), _row), _blk((G, H), _fix)),
        out_shape=(jax.ShapeDtypeStruct((NP, H), jnp.float32),
                   jax.ShapeDtypeStruct((G, H), jnp.float32)),
        interpret=interpret)

    tc_mlp = pl.pallas_call(
        _tc_mlp_body,
        grid=(NBLK,),
        in_specs=[
            _blk((BR, H), _row),
            _blk((G, H), _fix),
            _blk((BR, 1), _row),
            _blk((H, MLP_DIM), _fix),
            _blk((H, MLP_DIM), _fix),
            _blk((1, MLP_DIM), _fix),
            _blk((MLP_DIM, C), _fix),
            _blk((1, C), _fix),
        ],
        out_specs=_blk((BR, C), _row),
        out_shape=jax.ShapeDtypeStruct((NP, C), jnp.float32),
        interpret=interpret)
    return tc_mp, tc_bn1, tc_bn2, tc_mlp


_tc_mp, _tc_bn1, _tc_bn2, _tc_mlp = _build_tc()



def kernel(x, edge_index, edge_attr, batch, mask,
           W1, b1, g1, be1, W2, b2, g2, be2, Wf1, bf1, Wf2, bf2):
    del mask
    src = edge_index[0]
    dst = edge_index[1]
    pad_e = EP - E
    pad_ids = jnp.arange(pad_e, dtype=jnp.int32)
    src3 = jnp.concatenate([src, pad_ids % N]).reshape(NW, KB, BS)
    dst3 = jnp.concatenate(
        [dst, N + pad_ids % (NP - N)]).reshape(NW, KB, BS)
    eaug = jnp.pad(jnp.concatenate(
        [edge_attr, jnp.ones((E, 1), jnp.float32)], axis=1),
        ((0, pad_e), (0, D - DE - 1)))

    x_pad = jnp.concatenate([x, jnp.zeros((NP - N, D), jnp.float32)])
    batch2 = jnp.concatenate(
        [batch, jnp.full((NP - N,), G, jnp.int32)]).reshape(NP, 1)

    zrow = jnp.zeros((BS, D), jnp.float32)

    wd1 = W1[:, :D].T
    ws1 = W1[:, D:2 * D].T
    we1 = W1[:, 2 * D:].T
    wd2 = W2[:, :H].T
    ws2 = W2[:, H:2 * H].T
    we2 = W2[:, 2 * H:].T
    wf1h = Wf1[:, :H].T
    wf1r = Wf1[:, H:].T
    wf2 = Wf2.T

    sc_gather, sc_aug = _sc_passes()
    u1 = sc_aug(eaug, dst3, zrow)
    a1 = sc_gather(x_pad, src3, dst3, zrow)
    hp1, stats1 = _tc_mp(x_pad, a1, u1, wd1, ws1, we1, b1.reshape(1, H))
    h1 = _tc_bn1(hp1, stats1, g1.reshape(1, H), be1.reshape(1, H))
    a2 = sc_gather(h1, src3, dst3, zrow)
    hp2, stats2 = _tc_mp(h1, a2, u1, wd2, ws2, we2, b2.reshape(1, H))
    h2, pool = _tc_bn2(hp2, stats2, g2.reshape(1, H), be2.reshape(1, H),
                       batch2)
    out = _tc_mlp(h2, pool, batch2, wf1h, wf1r, bf1.reshape(1, MLP_DIM),
                  wf2, bf2.reshape(1, C))
    return out[:N]

# --- scband reference (transcript-rebuilt; emitter-appended) ---
"""Pipeline reference for scband-model-withgraph-embedding-modif-73375221285172 (READ-ONLY COPY).

The authoritative reference and input builder live on the scoring server;
editing this copy changes nothing except your own understanding.
"""

import jax, jax.numpy as jnp
import numpy as np

N = 10000
E = 320000
D = 128
DE = 16
G = 64
H = 128
MLP = 256
C = 10
EPS = 1e-5


def setup_inputs(seed: int = 0):
    key = jax.random.key(seed)
    ks = jax.random.split(key, 16)
    x = jax.random.normal(ks[0], (N, D), dtype=jnp.float32)
    edge_index = jax.random.randint(ks[1], (2, E), 0, N, dtype=jnp.int32)
    edge_attr = jax.random.normal(ks[2], (E, DE), dtype=jnp.float32)
    batch = jnp.sort(jax.random.randint(ks[3], (N,), 0, G, dtype=jnp.int32))
    mask = jnp.ones((N,), dtype=bool)
    s1 = 1.0 / np.sqrt(2 * D + DE)
    W1 = jax.random.uniform(ks[4], (H, 2 * D + DE), jnp.float32, -s1, s1)
    b1 = jax.random.uniform(ks[5], (H,), jnp.float32, -s1, s1)
    g1 = jnp.ones((H,), jnp.float32)
    be1 = jnp.zeros((H,), jnp.float32)
    s2 = 1.0 / np.sqrt(2 * H + DE)
    W2 = jax.random.uniform(ks[6], (H, 2 * H + DE), jnp.float32, -s2, s2)
    b2 = jax.random.uniform(ks[7], (H,), jnp.float32, -s2, s2)
    g2 = jnp.ones((H,), jnp.float32)
    be2 = jnp.zeros((H,), jnp.float32)
    sf1 = 1.0 / np.sqrt(2 * H)
    Wf1 = jax.random.uniform(ks[8], (MLP, 2 * H), jnp.float32, -sf1, sf1)
    bf1 = jax.random.uniform(ks[9], (MLP,), jnp.float32, -sf1, sf1)
    sf2 = 1.0 / np.sqrt(MLP)
    Wf2 = jax.random.uniform(ks[10], (C, MLP), jnp.float32, -sf2, sf2)
    bf2 = jax.random.uniform(ks[11], (C,), jnp.float32, -sf2, sf2)
    return {"x": x, "edge_index": edge_index, "edge_attr": edge_attr, "batch": batch, "mask": mask,
            "W1": W1, "b1": b1, "g1": g1, "be1": be1,
            "W2": W2, "b2": b2, "g2": g2, "be2": be2,
            "Wf1": Wf1, "bf1": bf1, "Wf2": Wf2, "bf2": bf2}


def _mp(x, ei, ea, W, b):
    src = ei[0]
    dst = ei[1]
    m = jnp.concatenate([x[dst], x[src], ea], axis=1) @ W.T + b
    out = jnp.zeros((x.shape[0], W.shape[0]), x.dtype).at[dst].add(m)
    return jax.nn.relu(out)


def _bn(x, g, b):
    mu = jnp.mean(x, axis=0)
    var = jnp.var(x, axis=0)
    return (x - mu) / jnp.sqrt(var + EPS) * g + b


def reference(x, edge_index, edge_attr, batch, mask, W1, b1, g1, be1, W2, b2, g2, be2, Wf1, bf1, Wf2, bf2):
    n = x.shape[0]
    loops = jnp.arange(n, dtype=edge_index.dtype)
    ei = jnp.concatenate([edge_index, jnp.stack([loops, loops])], axis=1)
    ea = jnp.concatenate([edge_attr, jnp.ones((n, edge_attr.shape[1]), edge_attr.dtype)], axis=0)
    h = _mp(x, ei, ea, W1, b1)
    h = jax.nn.relu(_bn(h, g1, be1))
    h = _mp(h, ei, ea, W2, b2)
    h = jax.nn.relu(_bn(h, g2, be2))
    pool = jax.ops.segment_sum(h, batch, num_segments=G)
    rep = jnp.take(pool, batch, axis=0)
    ni = jnp.concatenate([h, rep], axis=1)
    no = jax.nn.relu(ni @ Wf1.T + bf1)
    return no @ Wf2.T + bf2

if __name__ == "__main__":
    import jax
    _d = setup_inputs()
    print(jax.jit(kernel)(*tuple(_d.values())))

</pallas_src>

<mosaic_0001>
#map = affine_map<(d0, d1) -> (0, 0)>
#map1 = affine_map<(d0, d1) -> (0, 0, 0)>
module attributes {stable_mosaic.version = 14 : i64} {
  func.func @_sc_gather_body(%arg0: i32, %arg1: i32, %arg2: memref<10240x128xf32, #tpu.memory_space<hbm>>, %arg3: memref<32x80x128xi32, #tpu.memory_space<hbm>>, %arg4: memref<32x80x128xi32, #tpu.memory_space<hbm>>, %arg5: memref<128x128xf32, #tpu.memory_space<hbm>>, %arg6: memref<2x10240x128xf32, #tpu.memory_space<hbm>>, %arg7: memref<10240x128xf32, #tpu.memory_space<vmem_shared>>, %arg8: memref<8x128xi32, #tpu.memory_space<vmem>>, %arg9: memref<8x128xi32, #tpu.memory_space<vmem>>, %arg10: memref<128x128xf32, #tpu.memory_space<vmem>>, %arg11: memref<128x128xf32, #tpu.memory_space<vmem>>, %arg12: memref<!tpu.dma_semaphore, #tpu.memory_space<semaphore_mem>>, %arg13: memref<!tpu.dma_semaphore, #tpu.memory_space<semaphore_mem>>, %arg14: memref<!tpu.dma_semaphore, #tpu.memory_space<semaphore_mem>>, %arg15: memref<!tpu.dma_semaphore, #tpu.memory_space<semaphore_mem>>) attributes {dimension_semantics = [#tpu.dimension_semantics<core_parallel>, #tpu.dimension_semantics<subcore_parallel>], iteration_bounds = array<i64: 2, 16>, scalar_prefetch = 0 : i64, scratch_operands = 9 : i64, tpu.core_type = #tpu.core_type<sc_vector_subcore>, window_params = [{transform_indices = #map}, {transform_indices = #map1}, {transform_indices = #map1}, {transform_indices = #map}, {transform_indices = #map1}]} {
    %mul3A = arith.constant 2 : i32
    %mul3A_0 = arith.muli %arg1, %mul3A : i32
    %add3A = arith.addi %mul3A_0, %arg0 : i32
    "tpu.region"() ({
      %run_scoped3A = tpu.sem_alloc : memref<!tpu.dma_semaphore, #tpu.memory_space<semaphore_mem>>
      tpu.enqueue_dma source(%arg5 : memref<128x128xf32, #tpu.memory_space<hbm>>) target(%arg10 : memref<128x128xf32, #tpu.memory_space<vmem>>) target_semaphore(%run_scoped3A : memref<!tpu.dma_semaphore, #tpu.memory_space<semaphore_mem>>)
      tpu.wait_dma2 semaphore(%run_scoped3A : memref<!tpu.dma_semaphore, #tpu.memory_space<semaphore_mem>>) src(%arg5 : memref<128x128xf32, #tpu.memory_space<hbm>>) dst(%arg10 : memref<128x128xf32, #tpu.memory_space<vmem>>)
      tpu.yield
    }) : () -> ()
    %mul3A_1 = arith.constant 640 : i32
    %mul3A_2 = arith.muli %arg1, %mul3A_1 : i32
    %add3A_3 = arith.constant 0 : i32
    %add3A_4 = arith.addi %mul3A_2, %add3A_3 : i32
    "tpu.region"() ({
      %run_scoped3A = tpu.sem_alloc : memref<!tpu.dma_semaphore, #tpu.memory_space<semaphore_mem>>
      %dma_start3A = arith.constant 0 : i32
      %dma_start3A_46 = tpu.memref_slice %arg7[%add3A_4, %dma_start3A] : memref<10240x128xf32, #tpu.memory_space<vmem_shared>> -> memref<128x128xf32, #tpu.memory_space<vmem_shared>>
      %dma_start3A_47 = arith.constant 0 : i32
      %dma_start3A_48 = tpu.memref_slice %arg7[%add3A_4, %dma_start3A_47] : memref<10240x128xf32, #tpu.memory_space<vmem_shared>> -> memref<128x128xf32, #tpu.memory_space<vmem_shared>>
      tpu.enqueue_dma source(%arg10 : memref<128x128xf32, #tpu.memory_space<vmem>>) target(%dma_start3A_48 : memref<128x128xf32, #tpu.memory_space<vmem_shared>>) target_semaphore(%run_scoped3A : memref<!tpu.dma_semaphore, #tpu.memory_space<semaphore_mem>>)
      %dma_wait3A = arith.constant 0 : i32
      %dma_wait3A_49 = tpu.memref_slice %arg7[%add3A_4, %dma_wait3A] : memref<10240x128xf32, #tpu.memory_space<vmem_shared>> -> memref<128x128xf32, #tpu.memory_space<vmem_shared>>
      %dma_wait3A_50 = arith.constant 0 : i32
      %dma_wait3A_51 = tpu.memref_slice %arg7[%add3A_4, %dma_wait3A_50] : memref<10240x128xf32, #tpu.memory_space<vmem_shared>> -> memref<128x128xf32, #tpu.memory_space<vmem_shared>>
      tpu.wait_dma2 semaphore(%run_scoped3A : memref<!tpu.dma_semaphore, #tpu.memory_space<semaphore_mem>>) src(%arg10 : memref<128x128xf32, #tpu.memory_space<vmem>>) dst(%dma_wait3A_51 : memref<128x128xf32, #tpu.memory_space<vmem_shared>>)
      tpu.yield
    }) : () -> ()
    %mul3A_5 = arith.constant 640 : i32
    %mul3A_6 = arith.muli %arg1, %mul3A_5 : i32
    %add3A_7 = arith.constant 128 : i32
    %add3A_8 = arith.addi %mul3A_6, %add3A_7 : i32
    "tpu.region"() ({
      %run_scoped3A = tpu.sem_alloc : memref<!tpu.dma_semaphore, #tpu.memory_space<semaphore_mem>>
      %dma_start3A = arith.constant 0 : i32
      %dma_start3A_46 = tpu.memref_slice %arg7[%add3A_8, %dma_start3A] : memref<10240x128xf32, #tpu.memory_space<vmem_shared>> -> memref<128x128xf32, #tpu.memory_space<vmem_shared>>
      %dma_start3A_47 = arith.constant 0 : i32
      %dma_start3A_48 = tpu.memref_slice %arg7[%add3A_8, %dma_start3A_47] : memref<10240x128xf32, #tpu.memory_space<vmem_shared>> -> memref<128x128xf32, #tpu.memory_space<vmem_shared>>
      tpu.enqueue_dma source(%arg10 : memref<128x128xf32, #tpu.memory_space<vmem>>) target(%dma_start3A_48 : memref<128x128xf32, #tpu.memory_space<vmem_shared>>) target_semaphore(%run_scoped3A : memref<!tpu.dma_semaphore, #tpu.memory_space<semaphore_mem>>)
      %dma_wait3A = arith.constant 0 : i32
      %dma_wait3A_49 = tpu.memref_slice %arg7[%add3A_8, %dma_wait3A] : memref<10240x128xf32, #tpu.memory_space<vmem_shared>> -> memref<128x128xf32, #tpu.memory_space<vmem_shared>>
      %dma_wait3A_50 = arith.constant 0 : i32
      %dma_wait3A_51 = tpu.memref_slice %arg7[%add3A_8, %dma_wait3A_50] : memref<10240x128xf32, #tpu.memory_space<vmem_shared>> -> memref<128x128xf32, #tpu.memory_space<vmem_shared>>
      tpu.wait_dma2 semaphore(%run_scoped3A : memref<!tpu.dma_semaphore, #tpu.memory_space<semaphore_mem>>) src(%arg10 : memref<128x128xf32, #tpu.memory_space<vmem>>) dst(%dma_wait3A_51 : memref<128x128xf32, #tpu.memory_space<vmem_shared>>)
      tpu.yield
    }) : () -> ()
    %mul3A_9 = arith.constant 640 : i32
    %mul3A_10 = arith.muli %arg1, %mul3A_9 : i32
    %add3A_11 = arith.constant 256 : i32
    %add3A_12 = arith.addi %mul3A_10, %add3A_11 : i32
    "tpu.region"() ({
      %run_scoped3A = tpu.sem_alloc : memref<!tpu.dma_semaphore, #tpu.memory_space<semaphore_mem>>
      %dma_start3A = arith.constant 0 : i32
      %dma_start3A_46 = tpu.memref_slice %arg7[%add3A_12, %dma_start3A] : memref<10240x128xf32, #tpu.memory_space<vmem_shared>> -> memref<128x128xf32, #tpu.memory_space<vmem_shared>>
      %dma_start3A_47 = arith.constant 0 : i32
      %dma_start3A_48 = tpu.memref_slice %arg7[%add3A_12, %dma_start3A_47] : memref<10240x128xf32, #tpu.memory_space<vmem_shared>> -> memref<128x128xf32, #tpu.memory_space<vmem_shared>>
      tpu.enqueue_dma source(%arg10 : memref<128x128xf32, #tpu.memory_space<vmem>>) target(%dma_start3A_48 : memref<128x128xf32, #tpu.memory_space<vmem_shared>>) target_semaphore(%run_scoped3A : memref<!tpu.dma_semaphore, #tpu.memory_space<semaphore_mem>>)
      %dma_wait3A = arith.constant 0 : i32
      %dma_wait3A_49 = tpu.memref_slice %arg7[%add3A_12, %dma_wait3A] : memref<10240x128xf32, #tpu.memory_space<vmem_shared>> -> memref<128x128xf32, #tpu.memory_space<vmem_shared>>
      %dma_wait3A_50 = arith.constant 0 : i32
      %dma_wait3A_51 = tpu.memref_slice %arg7[%add3A_12, %dma_wait3A_50] : memref<10240x128xf32, #tpu.memory_space<vmem_shared>> -> memref<128x128xf32, #tpu.memory_space<vmem_shared>>
      tpu.wait_dma2 semaphore(%run_scoped3A : memref<!tpu.dma_semaphore, #tpu.memory_space<semaphore_mem>>) src(%arg10 : memref<128x128xf32, #tpu.memory_space<vmem>>) dst(%dma_wait3A_51 : memref<128x128xf32, #tpu.memory_space<vmem_shared>>)
      tpu.yield
    }) : () -> ()
    %mul3A_13 = arith.constant 640 : i32
    %mul3A_14 = arith.muli %arg1, %mul3A_13 : i32
    %add3A_15 = arith.constant 384 : i32
    %add3A_16 = arith.addi %mul3A_14, %add3A_15 : i32
    "tpu.region"() ({
      %run_scoped3A = tpu.sem_alloc : memref<!tpu.dma_semaphore, #tpu.memory_space<semaphore_mem>>
      %dma_start3A = arith.constant 0 : i32
      %dma_start3A_46 = tpu.memref_slice %arg7[%add3A_16, %dma_start3A] : memref<10240x128xf32, #tpu.memory_space<vmem_shared>> -> memref<128x128xf32, #tpu.memory_space<vmem_shared>>
      %dma_start3A_47 = arith.constant 0 : i32
      %dma_start3A_48 = tpu.memref_slice %arg7[%add3A_16, %dma_start3A_47] : memref<10240x128xf32, #tpu.memory_space<vmem_shared>> -> memref<128x128xf32, #tpu.memory_space<vmem_shared>>
      tpu.enqueue_dma source(%arg10 : memref<128x128xf32, #tpu.memory_space<vmem>>) target(%dma_start3A_48 : memref<128x128xf32, #tpu.memory_space<vmem_shared>>) target_semaphore(%run_scoped3A : memref<!tpu.dma_semaphore, #tpu.memory_space<semaphore_mem>>)
      %dma_wait3A = arith.constant 0 : i32
      %dma_wait3A_49 = tpu.memref_slice %arg7[%add3A_16, %dma_wait3A] : memref<10240x128xf32, #tpu.memory_space<vmem_shared>> -> memref<128x128xf32, #tpu.memory_space<vmem_shared>>
      %dma_wait3A_50 = arith.constant 0 : i32
      %dma_wait3A_51 = tpu.memref_slice %arg7[%add3A_16, %dma_wait3A_50] : memref<10240x128xf32, #tpu.memory_space<vmem_shared>> -> memref<128x128xf32, #tpu.memory_space<vmem_shared>>
      tpu.wait_dma2 semaphore(%run_scoped3A : memref<!tpu.dma_semaphore, #tpu.memory_space<semaphore_mem>>) src(%arg10 : memref<128x128xf32, #tpu.memory_space<vmem>>) dst(%dma_wait3A_51 : memref<128x128xf32, #tpu.memory_space<vmem_shared>>)
      tpu.yield
    }) : () -> ()
    %mul3A_17 = arith.constant 640 : i32
    %mul3A_18 = arith.muli %arg1, %mul3A_17 : i32
    %add3A_19 = arith.constant 512 : i32
    %add3A_20 = arith.addi %mul3A_18, %add3A_19 : i32
    "tpu.region"() ({
      %run_scoped3A = tpu.sem_alloc : memref<!tpu.dma_semaphore, #tpu.memory_space<semaphore_mem>>
      %dma_start3A = arith.constant 0 : i32
      %dma_start3A_46 = tpu.memref_slice %arg7[%add3A_20, %dma_start3A] : memref<10240x128xf32, #tpu.memory_space<vmem_shared>> -> memref<128x128xf32, #tpu.memory_space<vmem_shared>>
      %dma_start3A_47 = arith.constant 0 : i32
      %dma_start3A_48 = tpu.memref_slice %arg7[%add3A_20, %dma_start3A_47] : memref<10240x128xf32, #tpu.memory_space<vmem_shared>> -> memref<128x128xf32, #tpu.memory_space<vmem_shared>>
      tpu.enqueue_dma source(%arg10 : memref<128x128xf32, #tpu.memory_space<vmem>>) target(%dma_start3A_48 : memref<128x128xf32, #tpu.memory_space<vmem_shared>>) target_semaphore(%run_scoped3A : memref<!tpu.dma_semaphore, #tpu.memory_space<semaphore_mem>>)
      %dma_wait3A = arith.constant 0 : i32
      %dma_wait3A_49 = tpu.memref_slice %arg7[%add3A_20, %dma_wait3A] : memref<10240x128xf32, #tpu.memory_space<vmem_shared>> -> memref<128x128xf32, #tpu.memory_space<vmem_shared>>
      %dma_wait3A_50 = arith.constant 0 : i32
      %dma_wait3A_51 = tpu.memref_slice %arg7[%add3A_20, %dma_wait3A_50] : memref<10240x128xf32, #tpu.memory_space<vmem_shared>> -> memref<128x128xf32, #tpu.memory_space<vmem_shared>>
      tpu.wait_dma2 semaphore(%run_scoped3A : memref<!tpu.dma_semaphore, #tpu.memory_space<semaphore_mem>>) src(%arg10 : memref<128x128xf32, #tpu.memory_space<vmem>>) dst(%dma_wait3A_51 : memref<128x128xf32, #tpu.memory_space<vmem_shared>>)
      tpu.yield
    }) : () -> ()
    %barrier3A = arith.constant 0 : index
    tpu.barrier barrier_id(%barrier3A)
    %scan3A = arith.constant 0 : i32
    %scan3A_21 = arith.constant 10 : i32
    %scan3A_22 = arith.addi %scan3A, %scan3A_21 : i32
    %scan3A_23 = arith.constant 1 : i32
    scf.for %scan3A_46 = %scan3A to %scan3A_22 step %scan3A_23  : i32 {
      %mul3A_47 = arith.constant 1 : i32
      %mul3A_48 = arith.muli %scan3A_46, %mul3A_47 : i32
      %add3A_49 = arith.constant 0 : i32
      %add3A_50 = arith.addi %add3A_49, %mul3A_48 : i32
      %mul3A_51 = arith.constant 8 : i32
      %mul3A_52 = arith.muli %add3A_50, %mul3A_51 : i32
      "tpu.region"() ({
        %run_scoped3A = tpu.sem_alloc : memref<!tpu.dma_semaphore, #tpu.memory_space<semaphore_mem>>
        %dma_start3A_277 = arith.constant 0 : i32
        %dma_start3A_278 = tpu.memref_slice %arg3[%add3A, %mul3A_52, %dma_start3A_277] : memref<32x80x128xi32, #tpu.memory_space<hbm>> -> memref<1x8x128xi32, #tpu.memory_space<hbm>>
        %dma_start3A_279 = tpu.memref_squeeze %dma_start3A_278 : memref<1x8x128xi32, #tpu.memory_space<hbm>> -> memref<8x128xi32, #tpu.memory_space<hbm>>
        %dma_start3A_280 = arith.constant 0 : i32
        %dma_start3A_281 = tpu.memref_slice %arg3[%add3A, %mul3A_52, %dma_start3A_280] : memref<32x80x128xi32, #tpu.memory_space<hbm>> -> memref<1x8x128xi32, #tpu.memory_space<hbm>>
        %dma_start3A_282 = tpu.memref_squeeze %dma_start3A_281 : memref<1x8x128xi32, #tpu.memory_space<hbm>> -> memref<8x128xi32, #tpu.memory_space<hbm>>
        tpu.enqueue_dma source(%dma_start3A_282 : memref<8x128xi32, #tpu.memory_space<hbm>>) target(%arg8 : memref<8x128xi32, #tpu.memory_space<vmem>>) target_semaphore(%run_scoped3A : memref<!tpu.dma_semaphore, #tpu.memory_space<semaphore_mem>>)
        %dma_wait3A_283 = arith.constant 0 : i32
        %dma_wait3A_284 = tpu.memref_slice %arg3[%add3A, %mul3A_52, %dma_wait3A_283] : memref<32x80x128xi32, #tpu.memory_space<hbm>> -> memref<1x8x128xi32, #tpu.memory_space<hbm>>
        %dma_wait3A_285 = tpu.memref_squeeze %dma_wait3A_284 : memref<1x8x128xi32, #tpu.memory_space<hbm>> -> memref<8x128xi32, #tpu.memory_space<hbm>>
        %dma_wait3A_286 = arith.constant 0 : i32
        %dma_wait3A_287 = tpu.memref_slice %arg3[%add3A, %mul3A_52, %dma_wait3A_286] : memref<32x80x128xi32, #tpu.memory_space<hbm>> -> memref<1x8x128xi32, #tpu.memory_space<hbm>>
        %dma_wait3A_288 = tpu.memref_squeeze %dma_wait3A_287 : memref<1x8x128xi32, #tpu.memory_space<hbm>> -> memref<8x128xi32, #tpu.memory_space<hbm>>
        tpu.wait_dma2 semaphore(%run_scoped3A : memref<!tpu.dma_semaphore, #tpu.memory_space<semaphore_mem>>) src(%dma_wait3A_288 : memref<8x128xi32, #tpu.memory_space<hbm>>) dst(%arg8 : memref<8x128xi32, #tpu.memory_space<vmem>>)
        tpu.yield
      }) : () -> ()
      %mul3A_53 = arith.constant 8 : i32
      %mul3A_54 = arith.muli %add3A_50, %mul3A_53 : i32
      "tpu.region"() ({
        %run_scoped3A = tpu.sem_alloc : memref<!tpu.dma_semaphore, #tpu.memory_space<semaphore_mem>>
        %dma_start3A_277 = arith.constant 0 : i32
        %dma_start3A_278 = tpu.memref_slice %arg4[%add3A, %mul3A_54, %dma_start3A_277] : memref<32x80x128xi32, #tpu.memory_space<hbm>> -> memref<1x8x128xi32, #tpu.memory_space<hbm>>
        %dma_start3A_279 = tpu.memref_squeeze %dma_start3A_278 : memref<1x8x128xi32, #tpu.memory_space<hbm>> -> memref<8x128xi32, #tpu.memory_space<hbm>>
        %dma_start3A_280 = arith.constant 0 : i32
        %dma_start3A_281 = tpu.memref_slice %arg4[%add3A, %mul3A_54, %dma_start3A_280] : memref<32x80x128xi32, #tpu.memory_space<hbm>> -> memref<1x8x128xi32, #tpu.memory_space<hbm>>
        %dma_start3A_282 = tpu.memref_squeeze %dma_start3A_281 : memref<1x8x128xi32, #tpu.memory_space<hbm>> -> memref<8x128xi32, #tpu.memory_space<hbm>>
        tpu.enqueue_dma source(%dma_start3A_282 : memref<8x128xi32, #tpu.memory_space<hbm>>) target(%arg9 : memref<8x128xi32, #tpu.memory_space<vmem>>) target_semaphore(%run_scoped3A : memref<!tpu.dma_semaphore, #tpu.memory_space<semaphore_mem>>)
        %dma_wait3A_283 = arith.constant 0 : i32
        %dma_wait3A_284 = tpu.memref_slice %arg4[%add3A, %mul3A_54, %dma_wait3A_283] : memref<32x80x128xi32, #tpu.memory_space<hbm>> -> memref<1x8x128xi32, #tpu.memory_space<hbm>>
        %dma_wait3A_285 = tpu.memref_squeeze %dma_wait3A_284 : memref<1x8x128xi32, #tpu.memory_space<hbm>> -> memref<8x128xi32, #tpu.memory_space<hbm>>
        %dma_wait3A_286 = arith.constant 0 : i32
        %dma_wait3A_287 = tpu.memref_slice %arg4[%add3A, %mul3A_54, %dma_wait3A_286] : memref<32x80x128xi32, #tpu.memory_space<hbm>> -> memref<1x8x128xi32, #tpu.memory_space<hbm>>
        %dma_wait3A_288 = tpu.memref_squeeze %dma_wait3A_287 : memref<1x8x128xi32, #tpu.memory_space<hbm>> -> memref<8x128xi32, #tpu.memory_space<hbm>>
        tpu.wait_dma2 semaphore(%run_scoped3A : memref<!tpu.dma_semaphore, #tpu.memory_space<semaphore_mem>>) src(%dma_wait3A_288 : memref<8x128xi32, #tpu.memory_space<hbm>>) dst(%arg9 : memref<8x128xi32, #tpu.memory_space<vmem>>)
        tpu.yield
      }) : () -> ()
      %dma_start3A = arith.constant 0 : i32
      %dma_start3A_55 = arith.constant 0 : i32
      %dma_start3A_56 = tpu.memref_slice %arg8[%dma_start3A, %dma_start3A_55] : memref<8x128xi32, #tpu.memory_space<vmem>> -> memref<1x128xi32, #tpu.memory_space<vmem>>
      %dma_start3A_57 = tpu.memref_squeeze %dma_start3A_56 : memref<1x128xi32, #tpu.memory_space<vmem>> -> memref<128xi32, #tpu.memory_space<vmem>>
      %dma_start3A_58 = arith.constant 0 : i32
      %dma_start3A_59 = arith.constant 0 : i32
      %dma_start3A_60 = tpu.memref_slice %arg2[%dma_start3A_58, %dma_start3A_59] : memref<10240x128xf32, #tpu.memory_space<hbm>> -> memref<10240x128xf32, #tpu.memory_space<hbm>>
      tpu.enqueue_indirect_dma source(%dma_start3A_60 : memref<10240x128xf32, #tpu.memory_space<hbm>>) target(%arg10 : memref<128x128xf32, #tpu.memory_space<vmem>>) offsets(%dma_start3A_57 : memref<128xi32, #tpu.memory_space<vmem>>) semaphore(%arg12 : memref<!tpu.dma_semaphore, #tpu.memory_space<semaphore_mem>>)
      %dma_start3A_61 = arith.constant 1 : i32
      %dma_start3A_62 = arith.constant 0 : i32
      %dma_start3A_63 = tpu.memref_slice %arg8[%dma_start3A_61, %dma_start3A_62] : memref<8x128xi32, #tpu.memory_space<vmem>> -> memref<1x128xi32, #tpu.memory_space<vmem>>
      %dma_start3A_64 = tpu.memref_squeeze %dma_start3A_63 : memref<1x128xi32, #tpu.memory_space<vmem>> -> memref<128xi32, #tpu.memory_space<vmem>>
      %dma_start3A_65 = arith.constant 0 : i32
      %dma_start3A_66 = arith.constant 0 : i32
      %dma_start3A_67 = tpu.memref_slice %arg2[%dma_start3A_65, %dma_start3A_66] : memref<10240x128xf32, #tpu.memory_space<hbm>> -> memref<10240x128xf32, #tpu.memory_space<hbm>>
      tpu.enqueue_indirect_dma source(%dma_start3A_67 : memref<10240x128xf32, #tpu.memory_space<hbm>>) target(%arg11 : memref<128x128xf32, #tpu.memory_space<vmem>>) offsets(%dma_start3A_64 : memref<128xi32, #tpu.memory_space<vmem>>) semaphore(%arg13 : memref<!tpu.dma_semaphore, #tpu.memory_space<semaphore_mem>>)
      %dma_wait3A = arith.constant 0 : i32
      %dma_wait3A_68 = arith.constant 0 : i32
      %dma_wait3A_69 = tpu.memref_slice %arg8[%dma_wait3A, %dma_wait3A_68] : memref<8x128xi32, #tpu.memory_space<vmem>> -> memref<1x128xi32, #tpu.memory_space<vmem>>
      %dma_wait3A_70 = tpu.memref_squeeze %dma_wait3A_69 : memref<1x128xi32, #tpu.memory_space<vmem>> -> memref<128xi32, #tpu.memory_space<vmem>>
      %dma_wait3A_71 = arith.constant 0 : i32
      %dma_wait3A_72 = arith.constant 0 : i32
      %dma_wait3A_73 = tpu.memref_slice %arg2[%dma_wait3A_71, %dma_wait3A_72] : memref<10240x128xf32, #tpu.memory_space<hbm>> -> memref<10240x128xf32, #tpu.memory_space<hbm>>
      tpu.wait_indirect_dma semaphore(%arg12 : memref<!tpu.dma_semaphore, #tpu.memory_space<semaphore_mem>>) src(%dma_wait3A_73 : memref<10240x128xf32, #tpu.memory_space<hbm>>) dst(%arg10 : memref<128x128xf32, #tpu.memory_space<vmem>>)
      %dma_start3A_74 = arith.constant 0 : i32
      %dma_start3A_75 = arith.constant 0 : i32
      %dma_start3A_76 = tpu.memref_slice %arg9[%dma_start3A_74, %dma_start3A_75] : memref<8x128xi32, #tpu.memory_space<vmem>> -> memref<1x128xi32, #tpu.memory_space<vmem>>
      %dma_start3A_77 = tpu.memref_squeeze %dma_start3A_76 : memref<1x128xi32, #tpu.memory_space<vmem>> -> memref<128xi32, #tpu.memory_space<vmem>>
      %dma_start3A_78 = arith.constant 0 : i32
      %dma_start3A_79 = arith.constant 0 : i32
      %dma_start3A_80 = tpu.memref_slice %arg7[%dma_start3A_78, %dma_start3A_79] : memref<10240x128xf32, #tpu.memory_space<vmem_shared>> -> memref<10240x128xf32, #tpu.memory_space<vmem_shared>>
      tpu.enqueue_indirect_dma source(%arg10 : memref<128x128xf32, #tpu.memory_space<vmem>>) target(%dma_start3A_80 : memref<10240x128xf32, #tpu.memory_space<vmem_shared>>) offsets(%dma_start3A_77 : memref<128xi32, #tpu.memory_space<vmem>>) semaphore(%arg14 : memref<!tpu.dma_semaphore, #tpu.memory_space<semaphore_mem>>) {add = true}
      %dma_wait3A_81 = arith.constant 0 : i32
      %dma_wait3A_82 = arith.constant 0 : i32
      %dma_wait3A_83 = tpu.memref_slice %arg9[%dma_wait3A_81, %dma_wait3A_82] : memref<8x128xi32, #tpu.memory_space<vmem>> -> memref<1x128xi32, #tpu.memory_space<vmem>>
      %dma_wait3A_84 = tpu.memref_squeeze %dma_wait3A_83 : memref<1x128xi32, #tpu.memory_space<vmem>> -> memref<128xi32, #tpu.memory_space<vmem>>
      %dma_wait3A_85 = arith.constant 0 : i32
      %dma_wait3A_86 = arith.constant 0 : i32
      %dma_wait3A_87 = tpu.memref_slice %arg7[%dma_wait3A_85, %dma_wait3A_86] : memref<10240x128xf32, #tpu.memory_space<vmem_shared>> -> memref<10240x128xf32, #tpu.memory_space<vmem_shared>>
      tpu.wait_indirect_dma semaphore(%arg14 : memref<!tpu.dma_semaphore, #tpu.memory_space<semaphore_mem>>) src(%arg10 : memref<128x128xf32, #tpu.memory_space<vmem>>) dst(%dma_wait3A_87 : memref<10240x128xf32, #tpu.memory_space<vmem_shared>>)
      %dma_start3A_88 = arith.constant 2 : i32
      %dma_start3A_89 = arith.constant 0 : i32
      %dma_start3A_90 = tpu.memref_slice %arg8[%dma_start3A_88, %dma_start3A_89] : memref<8x128xi32, #tpu.memory_space<vmem>> -> memref<1x128xi32, #tpu.memory_space<vmem>>
      %dma_start3A_91 = tpu.memref_squeeze %dma_start3A_90 : memref<1x128xi32, #tpu.memory_space<vmem>> -> memref<128xi32, #tpu.memory_space<vmem>>
      %dma_start3A_92 = arith.constant 0 : i32
      %dma_start3A_93 = arith.constant 0 : i32
      %dma_start3A_94 = tpu.memref_slice %arg2[%dma_start3A_92, %dma_start3A_93] : memref<10240x128xf32, #tpu.memory_space<hbm>> -> memref<10240x128xf32, #tpu.memory_space<hbm>>
      tpu.enqueue_indirect_dma source(%dma_start3A_94 : memref<10240x128xf32, #tpu.memory_space<hbm>>) target(%arg10 : memref<128x128xf32, #tpu.memory_space<vmem>>) offsets(%dma_start3A_91 : memref<128xi32, #tpu.memory_space<vmem>>) semaphore(%arg12 : memref<!tpu.dma_semaphore, #tpu.memory_space<semaphore_mem>>)
      %dma_wait3A_95 = arith.constant 1 : i32
      %dma_wait3A_96 = arith.constant 0 : i32
      %dma_wait3A_97 = tpu.memref_slice %arg8[%dma_wait3A_95, %dma_wait3A_96] : memref<8x128xi32, #tpu.memory_space<vmem>> -> memref<1x128xi32, #tpu.memory_space<vmem>>
      %dma_wait3A_98 = tpu.memref_squeeze %dma_wait3A_97 : memref<1x128xi32, #tpu.memory_space<vmem>> -> memref<128xi32, #tpu.memory_space<vmem>>
      %dma_wait3A_99 = arith.constant 0 : i32
      %dma_wait3A_100 = arith.constant 0 : i32
      %dma_wait3A_101 = tpu.memref_slice %arg2[%dma_wait3A_99, %dma_wait3A_100] : memref<10240x128xf32, #tpu.memory_space<hbm>> -> memref<10240x128xf32, #tpu.memory_space<hbm>>
      tpu.wait_indirect_dma semaphore(%arg13 : memref<!tpu.dma_semaphore, #tpu.memory_space<semaphore_mem>>) src(%dma_wait3A_101 : memref<10240x128xf32, #tpu.memory_space<hbm>>) dst(%arg11 : memref<128x128xf32, #tpu.memory_space<vmem>>)
      %dma_start3A_102 = arith.constant 1 : i32
      %dma_start3A_103 = arith.constant 0 : i32
      %dma_start3A_104 = tpu.memref_slice %arg9[%dma_start3A_102, %dma_start3A_103] : memref<8x128xi32, #tpu.memory_space<vmem>> -> memref<1x128xi32, #tpu.memory_space<vmem>>
      %dma_start3A_105 = tpu.memref_squeeze %dma_start3A_104 : memref<1x128xi32, #tpu.memory_space<vmem>> -> memref<128xi32, #tpu.memory_space<vmem>>
      %dma_start3A_106 = arith.constant 0 : i32
      %dma_start3A_107 = arith.constant 0 : i32
      %dma_start3A_108 = tpu.memref_slice %arg7[%dma_start3A_106, %dma_start3A_107] : memref<10240x128xf32, #tpu.memory_space<vmem_shared>> -> memref<10240x128xf32, #tpu.memory_space<vmem_shared>>
      tpu.enqueue_indirect_dma source(%arg11 : memref<128x128xf32, #tpu.memory_space<vmem>>) target(%dma_start3A_108 : memref<10240x128xf32, #tpu.memory_space<vmem_shared>>) offsets(%dma_start3A_105 : memref<128xi32, #tpu.memory_space<vmem>>) semaphore(%arg15 : memref<!tpu.dma_semaphore, #tpu.memory_space<semaphore_mem>>) {add = true}
      %dma_wait3A_109 = arith.constant 1 : i32
      %dma_wait3A_110 = arith.constant 0 : i32
      %dma_wait3A_111 = tpu.memref_slice %arg9[%dma_wait3A_109, %dma_wait3A_110] : memref<8x128xi32, #tpu.memory_space<vmem>> -> memref<1x128xi32, #tpu.memory_space<vmem>>
      %dma_wait3A_112 = tpu.memref_squeeze %dma_wait3A_111 : memref<1x128xi32, #tpu.memory_space<vmem>> -> memref<128xi32, #tpu.memory_space<vmem>>
      %dma_wait3A_113 = arith.constant 0 : i32
      %dma_wait3A_114 = arith.constant 0 : i32
      %dma_wait3A_115 = tpu.memref_slice %arg7[%dma_wait3A_113, %dma_wait3A_114] : memref<10240x128xf32, #tpu.memory_space<vmem_shared>> -> memref<10240x128xf32, #tpu.memory_space<vmem_shared>>
      tpu.wait_indirect_dma semaphore(%arg15 : memref<!tpu.dma_semaphore, #tpu.memory_space<semaphore_mem>>) src(%arg11 : memref<128x128xf32, #tpu.memory_space<vmem>>) dst(%dma_wait3A_115 : memref<10240x128xf32, #tpu.memory_space<vmem_shared>>)
      %dma_start3A_116 = arith.constant 3 : i32
      %dma_start3A_117 = arith.constant 0 : i32
      %dma_start3A_118 = tpu.memref_slice %arg8[%dma_start3A_116, %dma_start3A_117] : memref<8x128xi32, #tpu.memory_space<vmem>> -> memref<1x128xi32, #tpu.memory_space<vmem>>
      %dma_start3A_119 = tpu.memref_squeeze %dma_start3A_118 : memref<1x128xi32, #tpu.memory_space<vmem>> -> memref<128xi32, #tpu.memory_space<vmem>>
      %dma_start3A_120 = arith.constant 0 : i32
      %dma_start3A_121 = arith.constant 0 : i32
      %dma_start3A_122 = tpu.memref_slice %arg2[%dma_start3A_120, %dma_start3A_121] : memref<10240x128xf32, #tpu.memory_space<hbm>> -> memref<10240x128xf32, #tpu.memory_space<hbm>>
      tpu.enqueue_indirect_dma source(%dma_start3A_122 : memref<10240x128xf32, #tpu.memory_space<hbm>>) target(%arg11 : memref<128x128xf32, #tpu.memory_space<vmem>>) offsets(%dma_start3A_119 : memref<128xi32, #tpu.memory_space<vmem>>) semaphore(%arg13 : memref<!tpu.dma_semaphore, #tpu.memory_space<semaphore_mem>>)
      %dma_wait3A_123 = arith.constant 2 : i32
      %dma_wait3A_124 = arith.constant 0 : i32
      %dma_wait3A_125 = tpu.memref_slice %arg8[%dma_wait3A_123, %dma_wait3A_124] : memref<8x128xi32, #tpu.memory_space<vmem>> -> memref<1x128xi32, #tpu.memory_space<vmem>>
      %dma_wait3A_126 = tpu.memref_squeeze %dma_wait3A_125 : memref<1x128xi32, #tpu.memory_space<vmem>> -> memref<128xi32, #tpu.memory_space<vmem>>
      %dma_wait3A_127 = arith.constant 0 : i32
      %dma_wait3A_128 = arith.constant 0 : i32
      %dma_wait3A_129 = tpu.memref_slice %arg2[%dma_wait3A_127, %dma_wait3A_128] : memref<10240x128xf32, #tpu.memory_space<hbm>> -> memref<10240x128xf32, #tpu.memory_space<hbm>>
      tpu.wait_indirect_dma semaphore(%arg12 : memref<!tpu.dma_semaphore, #tpu.memory_space<semaphore_mem>>) src(%dma_wait3A_129 : memref<10240x128xf32, #tpu.memory_space<hbm>>) dst(%arg10 : memref<128x128xf32, #tpu.memory_space<vmem>>)
      %dma_start3A_130 = arith.constant 2 : i32
      %dma_start3A_131 = arith.constant 0 : i32
      %dma_start3A_132 = tpu.memref_slice %arg9[%dma_start3A_130, %dma_start3A_131] : memref<8x128xi32, #tpu.memory_space<vmem>> -> memref<1x128xi32, #tpu.memory_space<vmem>>
      %dma_start3A_133 = tpu.memref_squeeze %dma_start3A_132 : memref<1x128xi32, #tpu.memory_space<vmem>> -> memref<128xi32, #tpu.memory_space<vmem>>
      %dma_start3A_134 = arith.constant 0 : i32
      %dma_start3A_135 = arith.constant 0 : i32
      %dma_start3A_136 = tpu.memref_slice %arg7[%dma_start3A_134, %dma_start3A_135] : memref<10240x128xf32, #tpu.memory_space<vmem_shared>> -> memref<10240x128xf32, #tpu.memory_space<vmem_shared>>
      tpu.enqueue_indirect_dma source(%arg10 : memref<128x128xf32, #tpu.memory_space<vmem>>) target(%dma_start3A_136 : memref<10240x128xf32, #tpu.memory_space<vmem_shared>>) offsets(%dma_start3A_133 : memref<128xi32, #tpu.memory_space<vmem>>) semaphore(%arg14 : memref<!tpu.dma_semaphore, #tpu.memory_space<semaphore_mem>>) {add = true}
      %dma_wait3A_137 = arith.constant 2 : i32
      %dma_wait3A_138 = arith.constant 0 : i32
      %dma_wait3A_139 = tpu.memref_slice %arg9[%dma_wait3A_137, %dma_wait3A_138] : memref<8x128xi32, #tpu.memory_space<vmem>> -> memref<1x128xi32, #tpu.memory_space<vmem>>
      %dma_wait3A_140 = tpu.memref_squeeze %dma_wait3A_139 : memref<1x128xi32, #tpu.memory_space<vmem>> -> memref<128xi32, #tpu.memory_space<vmem>>
      %dma_wait3A_141 = arith.constant 0 : i32
      %dma_wait3A_142 = arith.constant 0 : i32
      %dma_wait3A_143 = tpu.memref_slice %arg7[%dma_wait3A_141, %dma_wait3A_142] : memref<10240x128xf32, #tpu.memory_space<vmem_shared>> -> memref<10240x128xf32, #tpu.memory_space<vmem_shared>>
      tpu.wait_indirect_dma semaphore(%arg14 : memref<!tpu.dma_semaphore, #tpu.memory_space<semaphore_mem>>) src(%arg10 : memref<128x128xf32, #tpu.memory_space<vmem>>) dst(%dma_wait3A_143 : memref<10240x128xf32, #tpu.memory_space<vmem_shared>>)
      %dma_start3A_144 = arith.constant 4 : i32
      %dma_start3A_145 = arith.constant 0 : i32
      %dma_start3A_146 = tpu.memref_slice %arg8[%dma_start3A_144, %dma_start3A_145] : memref<8x128xi32, #tpu.memory_space<vmem>> -> memref<1x128xi32, #tpu.memory_space<vmem>>
      %dma_start3A_147 = tpu.memref_squeeze %dma_start3A_146 : memref<1x128xi32, #tpu.memory_space<vmem>> -> memref<128xi32, #tpu.memory_space<vmem>>
      %dma_start3A_148 = arith.constant 0 : i32
      %dma_start3A_149 = arith.constant 0 : i32
      %dma_start3A_150 = tpu.memref_slice %arg2[%dma_start3A_148, %dma_start3A_149] : memref<10240x128xf32, #tpu.memory_space<hbm>> -> memref<10240x128xf32, #tpu.memory_space<hbm>>
      tpu.enqueue_indirect_dma source(%dma_start3A_150 : memref<10240x128xf32, #tpu.memory_space<hbm>>) target(%arg10 : memref<128x128xf32, #tpu.memory_space<vmem>>) offsets(%dma_start3A_147 : memref<128xi32, #tpu.memory_space<vmem>>) semaphore(%arg12 : memref<!tpu.dma_semaphore, #tpu.memory_space<semaphore_mem>>)
      %dma_wait3A_151 = arith.constant 3 : i32
      %dma_wait3A_152 = arith.constant 0 : i32
      %dma_wait3A_153 = tpu.memref_slice %arg8[%dma_wait3A_151, %dma_wait3A_152] : memref<8x128xi32, #tpu.memory_space<vmem>> -> memref<1x128xi32, #tpu.memory_space<vmem>>
      %dma_wait3A_154 = tpu.memref_squeeze %dma_wait3A_153 : memref<1x128xi32, #tpu.memory_space<vmem>> -> memref<128xi32, #tpu.memory_space<vmem>>
      %dma_wait3A_155 = arith.constant 0 : i32
      %dma_wait3A_156 = arith.constant 0 : i32
      %dma_wait3A_157 = tpu.memref_slice %arg2[%dma_wait3A_155, %dma_wait3A_156] : memref<10240x128xf32, #tpu.memory_space<hbm>> -> memref<10240x128xf32, #tpu.memory_space<hbm>>
      tpu.wait_indirect_dma semaphore(%arg13 : memref<!tpu.dma_semaphore, #tpu.memory_space<semaphore_mem>>) src(%dma_wait3A_157 : memref<10240x128xf32, #tpu.memory_space<hbm>>) dst(%arg11 : memref<128x128xf32, #tpu.memory_space<vmem>>)
      %dma_start3A_158 = arith.constant 3 : i32
      %dma_start3A_159 = arith.constant 0 : i32
      %dma_start3A_160 = tpu.memref_slice %arg9[%dma_start3A_158, %dma_start3A_159] : memref<8x128xi32, #tpu.memory_space<vmem>> -> memref<1x128xi32, #tpu.memory_space<vmem>>
      %dma_start3A_161 = tpu.memref_squeeze %dma_start3A_160 : memref<1x128xi32, #tpu.memory_space<vmem>> -> memref<128xi32, #tpu.memory_space<vmem>>
      %dma_start3A_162 = arith.constant 0 : i32
      %dma_start3A_163 = arith.constant 0 : i32
      %dma_start3A_164 = tpu.memref_slice %arg7[%dma_start3A_162, %dma_start3A_163] : memref<10240x128xf32, #tpu.memory_space<vmem_shared>> -> memref<10240x128xf32, #tpu.memory_space<vmem_shared>>
      tpu.enqueue_indirect_dma source(%arg11 : memref<128x128xf32, #tpu.memory_space<vmem>>) target(%dma_start3A_164 : memref<10240x128xf32, #tpu.memory_space<vmem_shared>>) offsets(%dma_start3A_161 : memref<128xi32, #tpu.memory_space<vmem>>) semaphore(%arg15 : memref<!tpu.dma_semaphore, #tpu.memory_space<semaphore_mem>>) {add = true}
      %dma_wait3A_165 = arith.constant 3 : i32
      %dma_wait3A_166 = arith.constant 0 : i32
      %dma_wait3A_167 = tpu.memref_slice %arg9[%dma_wait3A_165, %dma_wait3A_166] : memref<8x128xi32, #tpu.memory_space<vmem>> -> memref<1x128xi32, #tpu.memory_space<vmem>>
      %dma_wait3A_168 = tpu.memref_squeeze %dma_wait3A_167 : memref<1x128xi32, #tpu.memory_space<vmem>> -> memref<128xi32, #tpu.memory_space<vmem>>
      %dma_wait3A_169 = arith.constant 0 : i32
      %dma_wait3A_170 = arith.constant 0 : i32
      %dma_wait3A_171 = tpu.memref_slice %arg7[%dma_wait3A_169, %dma_wait3A_170] : memref<10240x128xf32, #tpu.memory_space<vmem_shared>> -> memref<10240x128xf32, #tpu.memory_space<vmem_shared>>
      tpu.wait_indirect_dma semaphore(%arg15 : memref<!tpu.dma_semaphore, #tpu.memory_space<semaphore_mem>>) src(%arg11 : memref<128x128xf32, #tpu.memory_space<vmem>>) dst(%dma_wait3A_171 : memref<10240x128xf32, #tpu.memory_space<vmem_shared>>)
      %dma_start3A_172 = arith.constant 5 : i32
      %dma_start3A_173 = arith.constant 0 : i32
      %dma_start3A_174 = tpu.memref_slice %arg8[%dma_start3A_172, %dma_start3A_173] : memref<8x128xi32, #tpu.memory_space<vmem>> -> memref<1x128xi32, #tpu.memory_space<vmem>>
      %dma_start3A_175 = tpu.memref_squeeze %dma_start3A_174 : memref<1x128xi32, #tpu.memory_space<vmem>> -> memref<128xi32, #tpu.memory_space<vmem>>
      %dma_start3A_176 = arith.constant 0 : i32
      %dma_start3A_177 = arith.constant 0 : i32
      %dma_start3A_178 = tpu.memref_slice %arg2[%dma_start3A_176, %dma_start3A_177] : memref<10240x128xf32, #tpu.memory_space<hbm>> -> memref<10240x128xf32, #tpu.memory_space<hbm>>
      tpu.enqueue_indirect_dma source(%dma_start3A_178 : memref<10240x128xf32, #tpu.memory_space<hbm>>) target(%arg11 : memref<128x128xf32, #tpu.memory_space<vmem>>) offsets(%dma_start3A_175 : memref<128xi32, #tpu.memory_space<vmem>>) semaphore(%arg13 : memref<!tpu.dma_semaphore, #tpu.memory_space<semaphore_mem>>)
      %dma_wait3A_179 = arith.constant 4 : i32
      %dma_wait3A_180 = arith.constant 0 : i32
      %dma_wait3A_181 = tpu.memref_slice %arg8[%dma_wait3A_179, %dma_wait3A_180] : memref<8x128xi32, #tpu.memory_space<vmem>> -> memref<1x128xi32, #tpu.memory_space<vmem>>
      %dma_wait3A_182 = tpu.memref_squeeze %dma_wait3A_181 : memref<1x128xi32, #tpu.memory_space<vmem>> -> memref<128xi32, #tpu.memory_space<vmem>>
      %dma_wait3A_183 = arith.constant 0 : i32
      %dma_wait3A_184 = arith.constant 0 : i32
      %dma_wait3A_185 = tpu.memref_slice %arg2[%dma_wait3A_183, %dma_wait3A_184] : memref<10240x128xf32, #tpu.memory_space<hbm>> -> memref<10240x128xf32, #tpu.memory_space<hbm>>
      tpu.wait_indirect_dma semaphore(%arg12 : memref<!tpu.dma_semaphore, #tpu.memory_space<semaphore_mem>>) src(%dma_wait3A_185 : memref<10240x128xf32, #tpu.memory_space<hbm>>) dst(%arg10 : memref<128x128xf32, #tpu.memory_space<vmem>>)
      %dma_start3A_186 = arith.constant 4 : i32
      %dma_start3A_187 = arith.constant 0 : i32
      %dma_start3A_188 = tpu.memref_slice %arg9[%dma_start3A_186, %dma_start3A_187] : memref<8x128xi32, #tpu.memory_space<vmem>> -> memref<1x128xi32, #tpu.memory_space<vmem>>
      %dma_start3A_189 = tpu.memref_squeeze %dma_start3A_188 : memref<1x128xi32, #tpu.memory_space<vmem>> -> memref<128xi32, #tpu.memory_space<vmem>>
      %dma_start3A_190 = arith.constant 0 : i32
      %dma_start3A_191 = arith.constant 0 : i32
      %dma_start3A_192 = tpu.memref_slice %arg7[%dma_start3A_190, %dma_start3A_191] : memref<10240x128xf32, #tpu.memory_space<vmem_shared>> -> memref<10240x128xf32, #tpu.memory_space<vmem_shared>>
      tpu.enqueue_indirect_dma source(%arg10 : memref<128x128xf32, #tpu.memory_space<vmem>>) target(%dma_start3A_192 : memref<10240x128xf32, #tpu.memory_space<vmem_shared>>) offsets(%dma_start3A_189 : memref<128xi32, #tpu.memory_space<vmem>>) semaphore(%arg14 : memref<!tpu.dma_semaphore, #tpu.memory_space<semaphore_mem>>) {add = true}
      %dma_wait3A_193 = arith.constant 4 : i32
      %dma_wait3A_194 = arith.constant 0 : i32
      %dma_wait3A_195 = tpu.memref_slice %arg9[%dma_wait3A_193, %dma_wait3A_194] : memref<8x128xi32, #tpu.memory_space<vmem>> -> memref<1x128xi32, #tpu.memory_space<vmem>>
      %dma_wait3A_196 = tpu.memref_squeeze %dma_wait3A_195 : memref<1x128xi32, #tpu.memory_space<vmem>> -> memref<128xi32, #tpu.memory_space<vmem>>
      %dma_wait3A_197 = arith.constant 0 : i32
      %dma_wait3A_198 = arith.constant 0 : i32
      %dma_wait3A_199 = tpu.memref_slice %arg7[%dma_wait3A_197, %dma_wait3A_198] : memref<10240x128xf32, #tpu.memory_space<vmem_shared>> -> memref<10240x128xf32, #tpu.memory_space<vmem_shared>>
      tpu.wait_indirect_dma semaphore(%arg14 : memref<!tpu.dma_semaphore, #tpu.memory_space<semaphore_mem>>) src(%arg10 : memref<128x128xf32, #tpu.memory_space<vmem>>) dst(%dma_wait3A_199 : memref<10240x128xf32, #tpu.memory_space<vmem_shared>>)
      %dma_start3A_200 = arith.constant 6 : i32
      %dma_start3A_201 = arith.constant 0 : i32
      %dma_start3A_202 = tpu.memref_slice %arg8[%dma_start3A_200, %dma_start3A_201] : memref<8x128xi32, #tpu.memory_space<vmem>> -> memref<1x128xi32, #tpu.memory_space<vmem>>
      %dma_start3A_203 = tpu.memref_squeeze %dma_start3A_202 : memref<1x128xi32, #tpu.memory_space<vmem>> -> memref<128xi32, #tpu.memory_space<vmem>>
      %dma_start3A_204 = arith.constant 0 : i32
      %dma_start3A_205 = arith.constant 0 : i32
      %dma_start3A_206 = tpu.memref_slice %arg2[%dma_start3A_204, %dma_start3A_205] : memref<10240x128xf32, #tpu.memory_space<hbm>> -> memref<10240x128xf32, #tpu.memory_space<hbm>>
      tpu.enqueue_indirect_dma source(%dma_start3A_206 : memref<10240x128xf32, #tpu.memory_space<hbm>>) target(%arg10 : memref<128x128xf32, #tpu.memory_space<vmem>>) offsets(%dma_start3A_203 : memref<128xi32, #tpu.memory_space<vmem>>) semaphore(%arg12 : memref<!tpu.dma_semaphore, #tpu.memory_space<semaphore_mem>>)
      %dma_wait3A_207 = arith.constant 5 : i32
      %dma_wait3A_208 = arith.constant 0 : i32
      %dma_wait3A_209 = tpu.memref_slice %arg8[%dma_wait3A_207, %dma_wait3A_208] : memref<8x128xi32, #tpu.memory_space<vmem>> -> memref<1x128xi32, #tpu.memory_space<vmem>>
      %dma_wait3A_210 = tpu.memref_squeeze %dma_wait3A_209 : memref<1x128xi32, #tpu.memory_space<vmem>> -> memref<128xi32, #tpu.memory_space<vmem>>
      %dma_wait3A_211 = arith.constant 0 : i32
      %dma_wait3A_212 = arith.constant 0 : i32
      %dma_wait3A_213 = tpu.memref_slice %arg2[%dma_wait3A_211, %dma_wait3A_212] : memref<10240x128xf32, #tpu.memory_space<hbm>> -> memref<10240x128xf32, #tpu.memory_space<hbm>>
      tpu.wait_indirect_dma semaphore(%arg13 : memref<!tpu.dma_semaphore, #tpu.memory_space<semaphore_mem>>) src(%dma_wait3A_213 : memref<10240x128xf32, #tpu.memory_space<hbm>>) dst(%arg11 : memref<128x128xf32, #tpu.memory_space<vmem>>)
      %dma_start3A_214 = arith.constant 5 : i32
      %dma_start3A_215 = arith.constant 0 : i32
      %dma_start3A_216 = tpu.memref_slice %arg9[%dma_start3A_214, %dma_start3A_215] : memref<8x128xi32, #tpu.memory_space<vmem>> -> memref<1x128xi32, #tpu.memory_space<vmem>>
      %dma_start3A_217 = tpu.memref_squeeze %dma_start3A_216 : memref<1x128xi32, #tpu.memory_space<vmem>> -> memref<128xi32, #tpu.memory_space<vmem>>
      %dma_start3A_218 = arith.constant 0 : i32
      %dma_start3A_219 = arith.constant 0 : i32
      %dma_start3A_220 = tpu.memref_slice %arg7[%dma_start3A_218, %dma_start3A_219] : memref<10240x128xf32, #tpu.memory_space<vmem_shared>> -> memref<10240x128xf32, #tpu.memory_space<vmem_shared>>
      tpu.enqueue_indirect_dma source(%arg11 : memref<128x128xf32, #tpu.memory_space<vmem>>) target(%dma_start3A_220 : memref<10240x128xf32, #tpu.memory_space<vmem_shared>>) offsets(%dma_start3A_217 : memref<128xi32, #tpu.memory_space<vmem>>) semaphore(%arg15 : memref<!tpu.dma_semaphore, #tpu.memory_space<semaphore_mem>>) {add = true}
      %dma_wait3A_221 = arith.constant 5 : i32
      %dma_wait3A_222 = arith.constant 0 : i32
      %dma_wait3A_223 = tpu.memref_slice %arg9[%dma_wait3A_221, %dma_wait3A_222] : memref<8x128xi32, #tpu.memory_space<vmem>> -> memref<1x128xi32, #tpu.memory_space<vmem>>
      %dma_wait3A_224 = tpu.memref_squeeze %dma_wait3A_223 : memref<1x128xi32, #tpu.memory_space<vmem>> -> memref<128xi32, #tpu.memory_space<vmem>>
      %dma_wait3A_225 = arith.constant 0 : i32
      %dma_wait3A_226 = arith.constant 0 : i32
      %dma_wait3A_227 = tpu.memref_slice %arg7[%dma_wait3A_225, %dma_wait3A_226] : memref<10240x128xf32, #tpu.memory_space<vmem_shared>> -> memref<10240x128xf32, #tpu.memory_space<vmem_shared>>
      tpu.wait_indirect_dma semaphore(%arg15 : memref<!tpu.dma_semaphore, #tpu.memory_space<semaphore_mem>>) src(%arg11 : memref<128x128xf32, #tpu.memory_space<vmem>>) dst(%dma_wait3A_227 : memref<10240x128xf32, #tpu.memory_space<vmem_shared>>)
      %dma_start3A_228 = arith.constant 7 : i32
      %dma_start3A_229 = arith.constant 0 : i32
      %dma_start3A_230 = tpu.memref_slice %arg8[%dma_start3A_228, %dma_start3A_229] : memref<8x128xi32, #tpu.memory_space<vmem>> -> memref<1x128xi32, #tpu.memory_space<vmem>>
      %dma_start3A_231 = tpu.memref_squeeze %dma_start3A_230 : memref<1x128xi32, #tpu.memory_space<vmem>> -> memref<128xi32, #tpu.memory_space<vmem>>
      %dma_start3A_232 = arith.constant 0 : i32
      %dma_start3A_233 = arith.constant 0 : i32
      %dma_start3A_234 = tpu.memref_slice %arg2[%dma_start3A_232, %dma_start3A_233] : memref<10240x128xf32, #tpu.memory_space<hbm>> -> memref<10240x128xf32, #tpu.memory_space<hbm>>
      tpu.enqueue_indirect_dma source(%dma_start3A_234 : memref<10240x128xf32, #tpu.memory_space<hbm>>) target(%arg11 : memref<128x128xf32, #tpu.memory_space<vmem>>) offsets(%dma_start3A_231 : memref<128xi32, #tpu.memory_space<vmem>>) semaphore(%arg13 : memref<!tpu.dma_semaphore, #tpu.memory_space<semaphore_mem>>)
      %dma_wait3A_235 = arith.constant 6 : i32
      %dma_wait3A_236 = arith.constant 0 : i32
      %dma_wait3A_237 = tpu.memref_slice %arg8[%dma_wait3A_235, %dma_wait3A_236] : memref<8x128xi32, #tpu.memory_space<vmem>> -> memref<1x128xi32, #tpu.memory_space<vmem>>
      %dma_wait3A_238 = tpu.memref_squeeze %dma_wait3A_237 : memref<1x128xi32, #tpu.memory_space<vmem>> -> memref<128xi32, #tpu.memory_space<vmem>>
      %dma_wait3A_239 = arith.constant 0 : i32
      %dma_wait3A_240 = arith.constant 0 : i32
      %dma_wait3A_241 = tpu.memref_slice %arg2[%dma_wait3A_239, %dma_wait3A_240] : memref<10240x128xf32, #tpu.memory_space<hbm>> -> memref<10240x128xf32, #tpu.memory_space<hbm>>
      tpu.wait_indirect_dma semaphore(%arg12 : memref<!tpu.dma_semaphore, #tpu.memory_space<semaphore_mem>>) src(%dma_wait3A_241 : memref<10240x128xf32, #tpu.memory_space<hbm>>) dst(%arg10 : memref<128x128xf32, #tpu.memory_space<vmem>>)
      %dma_start3A_242 = arith.constant 6 : i32
      %dma_start3A_243 = arith.constant 0 : i32
      %dma_start3A_244 = tpu.memref_slice %arg9[%dma_start3A_242, %dma_start3A_243] : memref<8x128xi32, #tpu.memory_space<vmem>> -> memref<1x128xi32, #tpu.memory_space<vmem>>
      %dma_start3A_245 = tpu.memref_squeeze %dma_start3A_244 : memref<1x128xi32, #tpu.memory_space<vmem>> -> memref<128xi32, #tpu.memory_space<vmem>>
      %dma_start3A_246 = arith.constant 0 : i32
      %dma_start3A_247 = arith.constant 0 : i32
      %dma_start3A_248 = tpu.memref_slice %arg7[%dma_start3A_246, %dma_start3A_247] : memref<10240x128xf32, #tpu.memory_space<vmem_shared>> -> memref<10240x128xf32, #tpu.memory_space<vmem_shared>>
      tpu.enqueue_indirect_dma source(%arg10 : memref<128x128xf32, #tpu.memory_space<vmem>>) target(%dma_start3A_248 : memref<10240x128xf32, #tpu.memory_space<vmem_shared>>) offsets(%dma_start3A_245 : memref<128xi32, #tpu.memory_space<vmem>>) semaphore(%arg14 : memref<!tpu.dma_semaphore, #tpu.memory_space<semaphore_mem>>) {add = true}
      %dma_wait3A_249 = arith.constant 7 : i32
      %dma_wait3A_250 = arith.constant 0 : i32
      %dma_wait3A_251 = tpu.memref_slice %arg8[%dma_wait3A_249, %dma_wait3A_250] : memref<8x128xi32, #tpu.memory_space<vmem>> -> memref<1x128xi32, #tpu.memory_space<vmem>>
      %dma_wait3A_252 = tpu.memref_squeeze %dma_wait3A_251 : memref<1x128xi32, #tpu.memory_space<vmem>> -> memref<128xi32, #tpu.memory_space<vmem>>
      %dma_wait3A_253 = arith.constant 0 : i32
      %dma_wait3A_254 = arith.constant 0 : i32
      %dma_wait3A_255 = tpu.memref_slice %arg2[%dma_wait3A_253, %dma_wait3A_254] : memref<10240x128xf32, #tpu.memory_space<hbm>> -> memref<10240x128xf32, #tpu.memory_space<hbm>>
      tpu.wait_indirect_dma semaphore(%arg13 : memref<!tpu.dma_semaphore, #tpu.memory_space<semaphore_mem>>) src(%dma_wait3A_255 : memref<10240x128xf32, #tpu.memory_space<hbm>>) dst(%arg11 : memref<128x128xf32, #tpu.memory_space<vmem>>)
      %dma_start3A_256 = arith.constant 7 : i32
      %dma_start3A_257 = arith.constant 0 : i32
      %dma_start3A_258 = tpu.memref_slice %arg9[%dma_start3A_256, %dma_start3A_257] : memref<8x128xi32, #tpu.memory_space<vmem>> -> memref<1x128xi32, #tpu.memory_space<vmem>>
      %dma_start3A_259 = tpu.memref_squeeze %dma_start3A_258 : memref<1x128xi32, #tpu.memory_space<vmem>> -> memref<128xi32, #tpu.memory_space<vmem>>
      %dma_start3A_260 = arith.constant 0 : i32
      %dma_start3A_261 = arith.constant 0 : i32
      %dma_start3A_262 = tpu.memref_slice %arg7[%dma_start3A_260, %dma_start3A_261] : memref<10240x128xf32, #tpu.memory_space<vmem_shared>> -> memref<10240x128xf32, #tpu.memory_space<vmem_shared>>
      tpu.enqueue_indirect_dma source(%arg11 : memref<128x128xf32, #tpu.memory_space<vmem>>) target(%dma_start3A_262 : memref<10240x128xf32, #tpu.memory_space<vmem_shared>>) offsets(%dma_start3A_259 : memref<128xi32, #tpu.memory_space<vmem>>) semaphore(%arg15 : memref<!tpu.dma_semaphore, #tpu.memory_space<semaphore_mem>>) {add = true}
      %dma_wait3A_263 = arith.constant 6 : i32
      %dma_wait3A_264 = arith.constant 0 : i32
      %dma_wait3A_265 = tpu.memref_slice %arg9[%dma_wait3A_263, %dma_wait3A_264] : memref<8x128xi32, #tpu.memory_space<vmem>> -> memref<1x128xi32, #tpu.memory_space<vmem>>
      %dma_wait3A_266 = tpu.memref_squeeze %dma_wait3A_265 : memref<1x128xi32, #tpu.memory_space<vmem>> -> memref<128xi32, #tpu.memory_space<vmem>>
      %dma_wait3A_267 = arith.constant 0 : i32
      %dma_wait3A_268 = arith.constant 0 : i32
      %dma_wait3A_269 = tpu.memref_slice %arg7[%dma_wait3A_267, %dma_wait3A_268] : memref<10240x128xf32, #tpu.memory_space<vmem_shared>> -> memref<10240x128xf32, #tpu.memory_space<vmem_shared>>
      tpu.wait_indirect_dma semaphore(%arg14 : memref<!tpu.dma_semaphore, #tpu.memory_space<semaphore_mem>>) src(%arg10 : memref<128x128xf32, #tpu.memory_space<vmem>>) dst(%dma_wait3A_269 : memref<10240x128xf32, #tpu.memory_space<vmem_shared>>)
      %dma_wait3A_270 = arith.constant 7 : i32
      %dma_wait3A_271 = arith.constant 0 : i32
      %dma_wait3A_272 = tpu.memref_slice %arg9[%dma_wait3A_270, %dma_wait3A_271] : memref<8x128xi32, #tpu.memory_space<vmem>> -> memref<1x128xi32, #tpu.memory_space<vmem>>
      %dma_wait3A_273 = tpu.memref_squeeze %dma_wait3A_272 : memref<1x128xi32, #tpu.memory_space<vmem>> -> memref<128xi32, #tpu.memory_space<vmem>>
      %dma_wait3A_274 = arith.constant 0 : i32
      %dma_wait3A_275 = arith.constant 0 : i32
      %dma_wait3A_276 = tpu.memref_slice %arg7[%dma_wait3A_274, %dma_wait3A_275] : memref<10240x128xf32, #tpu.memory_space<vmem_shared>> -> memref<10240x128xf32, #tpu.memory_space<vmem_shared>>
      tpu.wait_indirect_dma semaphore(%arg15 : memref<!tpu.dma_semaphore, #tpu.memory_space<semaphore_mem>>) src(%arg11 : memref<128x128xf32, #tpu.memory_space<vmem>>) dst(%dma_wait3A_276 : memref<10240x128xf32, #tpu.memory_space<vmem_shared>>)
    }
    %scan3A_24 = arith.constant 10 : i32
    %barrier3A_25 = arith.constant 0 : index
    tpu.barrier barrier_id(%barrier3A_25)
    %mul3A_26 = arith.constant 640 : i32
    %mul3A_27 = arith.muli %arg1, %mul3A_26 : i32
    %add3A_28 = arith.constant 0 : i32
    %add3A_29 = arith.addi %mul3A_27, %add3A_28 : i32
    "tpu.region"() ({
      %run_scoped3A = tpu.sem_alloc : memref<!tpu.dma_semaphore, #tpu.memory_space<semaphore_mem>>
      %dma_start3A = arith.constant 0 : i32
      %dma_start3A_46 = tpu.memref_slice %arg7[%add3A_29, %dma_start3A] : memref<10240x128xf32, #tpu.memory_space<vmem_shared>> -> memref<128x128xf32, #tpu.memory_space<vmem_shared>>
      %dma_start3A_47 = arith.constant 0 : i32
      %dma_start3A_48 = tpu.memref_slice %arg7[%add3A_29, %dma_start3A_47] : memref<10240x128xf32, #tpu.memory_space<vmem_shared>> -> memref<128x128xf32, #tpu.memory_space<vmem_shared>>
      tpu.enqueue_dma source(%dma_start3A_48 : memref<128x128xf32, #tpu.memory_space<vmem_shared>>) target(%arg10 : memref<128x128xf32, #tpu.memory_space<vmem>>) target_semaphore(%run_scoped3A : memref<!tpu.dma_semaphore, #tpu.memory_space<semaphore_mem>>)
      %dma_wait3A = arith.constant 0 : i32
      %dma_wait3A_49 = tpu.memref_slice %arg7[%add3A_29, %dma_wait3A] : memref<10240x128xf32, #tpu.memory_space<vmem_shared>> -> memref<128x128xf32, #tpu.memory_space<vmem_shared>>
      %dma_wait3A_50 = arith.constant 0 : i32
      %dma_wait3A_51 = tpu.memref_slice %arg7[%add3A_29, %dma_wait3A_50] : memref<10240x128xf32, #tpu.memory_space<vmem_shared>> -> memref<128x128xf32, #tpu.memory_space<vmem_shared>>
      tpu.wait_dma2 semaphore(%run_scoped3A : memref<!tpu.dma_semaphore, #tpu.memory_space<semaphore_mem>>) src(%dma_wait3A_51 : memref<128x128xf32, #tpu.memory_space<vmem_shared>>) dst(%arg10 : memref<128x128xf32, #tpu.memory_space<vmem>>)
      tpu.yield
    }) : () -> ()
    "tpu.region"() ({
      %run_scoped3A = tpu.sem_alloc : memref<!tpu.dma_semaphore, #tpu.memory_space<semaphore_mem>>
      %dma_start3A = arith.constant 0 : i32
      %dma_start3A_46 = tpu.memref_slice %arg6[%arg0, %add3A_29, %dma_start3A] : memref<2x10240x128xf32, #tpu.memory_space<hbm>> -> memref<1x128x128xf32, #tpu.memory_space<hbm>>
      %dma_start3A_47 = tpu.memref_squeeze %dma_start3A_46 : memref<1x128x128xf32, #tpu.memory_space<hbm>> -> memref<128x128xf32, #tpu.memory_space<hbm>>
      %dma_start3A_48 = arith.constant 0 : i32
      %dma_start3A_49 = tpu.memref_slice %arg6[%arg0, %add3A_29, %dma_start3A_48] : memref<2x10240x128xf32, #tpu.memory_space<hbm>> -> memref<1x128x128xf32, #tpu.memory_space<hbm>>
      %dma_start3A_50 = tpu.memref_squeeze %dma_start3A_49 : memref<1x128x128xf32, #tpu.memory_space<hbm>> -> memref<128x128xf32, #tpu.memory_space<hbm>>
      tpu.enqueue_dma source(%arg10 : memref<128x128xf32, #tpu.memory_space<vmem>>) target(%dma_start3A_50 : memref<128x128xf32, #tpu.memory_space<hbm>>) target_semaphore(%run_scoped3A : memref<!tpu.dma_semaphore, #tpu.memory_space<semaphore_mem>>)
      %dma_wait3A = arith.constant 0 : i32
      %dma_wait3A_51 = tpu.memref_slice %arg6[%arg0, %add3A_29, %dma_wait3A] : memref<2x10240x128xf32, #tpu.memory_space<hbm>> -> memref<1x128x128xf32, #tpu.memory_space<hbm>>
      %dma_wait3A_52 = tpu.memref_squeeze %dma_wait3A_51 : memref<1x128x128xf32, #tpu.memory_space<hbm>> -> memref<128x128xf32, #tpu.memory_space<hbm>>
      %dma_wait3A_53 = arith.constant 0 : i32
      %dma_wait3A_54 = tpu.memref_slice %arg6[%arg0, %add3A_29, %dma_wait3A_53] : memref<2x10240x128xf32, #tpu.memory_space<hbm>> -> memref<1x128x128xf32, #tpu.memory_space<hbm>>
      %dma_wait3A_55 = tpu.memref_squeeze %dma_wait3A_54 : memref<1x128x128xf32, #tpu.memory_space<hbm>> -> memref<128x128xf32, #tpu.memory_space<hbm>>
      tpu.wait_dma2 semaphore(%run_scoped3A : memref<!tpu.dma_semaphore, #tpu.memory_space<semaphore_mem>>) src(%arg10 : memref<128x128xf32, #tpu.memory_space<vmem>>) dst(%dma_wait3A_55 : memref<128x128xf32, #tpu.memory_space<hbm>>)
      tpu.yield
    }) : () -> ()
    %mul3A_30 = arith.constant 640 : i32
    %mul3A_31 = arith.muli %arg1, %mul3A_30 : i32
    %add3A_32 = arith.constant 128 : i32
    %add3A_33 = arith.addi %mul3A_31, %add3A_32 : i32
    "tpu.region"() ({
      %run_scoped3A = tpu.sem_alloc : memref<!tpu.dma_semaphore, #tpu.memory_space<semaphore_mem>>
      %dma_start3A = arith.constant 0 : i32
      %dma_start3A_46 = tpu.memref_slice %arg7[%add3A_33, %dma_start3A] : memref<10240x128xf32, #tpu.memory_space<vmem_shared>> -> memref<128x128xf32, #tpu.memory_space<vmem_shared>>
      %dma_start3A_47 = arith.constant 0 : i32
      %dma_start3A_48 = tpu.memref_slice %arg7[%add3A_33, %dma_start3A_47] : memref<10240x128xf32, #tpu.memory_space<vmem_shared>> -> memref<128x128xf32, #tpu.memory_space<vmem_shared>>
      tpu.enqueue_dma source(%dma_start3A_48 : memref<128x128xf32, #tpu.memory_space<vmem_shared>>) target(%arg10 : memref<128x128xf32, #tpu.memory_space<vmem>>) target_semaphore(%run_scoped3A : memref<!tpu.dma_semaphore, #tpu.memory_space<semaphore_mem>>)
      %dma_wait3A = arith.constant 0 : i32
      %dma_wait3A_49 = tpu.memref_slice %arg7[%add3A_33, %dma_wait3A] : memref<10240x128xf32, #tpu.memory_space<vmem_shared>> -> memref<128x128xf32, #tpu.memory_space<vmem_shared>>
      %dma_wait3A_50 = arith.constant 0 : i32
      %dma_wait3A_51 = tpu.memref_slice %arg7[%add3A_33, %dma_wait3A_50] : memref<10240x128xf32, #tpu.memory_space<vmem_shared>> -> memref<128x128xf32, #tpu.memory_space<vmem_shared>>
      tpu.wait_dma2 semaphore(%run_scoped3A : memref<!tpu.dma_semaphore, #tpu.memory_space<semaphore_mem>>) src(%dma_wait3A_51 : memref<128x128xf32, #tpu.memory_space<vmem_shared>>) dst(%arg10 : memref<128x128xf32, #tpu.memory_space<vmem>>)
      tpu.yield
    }) : () -> ()
    "tpu.region"() ({
      %run_scoped3A = tpu.sem_alloc : memref<!tpu.dma_semaphore, #tpu.memory_space<semaphore_mem>>
      %dma_start3A = arith.constant 0 : i32
      %dma_start3A_46 = tpu.memref_slice %arg6[%arg0, %add3A_33, %dma_start3A] : memref<2x10240x128xf32, #tpu.memory_space<hbm>> -> memref<1x128x128xf32, #tpu.memory_space<hbm>>
      %dma_start3A_47 = tpu.memref_squeeze %dma_start3A_46 : memref<1x128x128xf32, #tpu.memory_space<hbm>> -> memref<128x128xf32, #tpu.memory_space<hbm>>
      %dma_start3A_48 = arith.constant 0 : i32
      %dma_start3A_49 = tpu.memref_slice %arg6[%arg0, %add3A_33, %dma_start3A_48] : memref<2x10240x128xf32, #tpu.memory_space<hbm>> -> memref<1x128x128xf32, #tpu.memory_space<hbm>>
      %dma_start3A_50 = tpu.memref_squeeze %dma_start3A_49 : memref<1x128x128xf32, #tpu.memory_space<hbm>> -> memref<128x128xf32, #tpu.memory_space<hbm>>
      tpu.enqueue_dma source(%arg10 : memref<128x128xf32, #tpu.memory_space<vmem>>) target(%dma_start3A_50 : memref<128x128xf32, #tpu.memory_space<hbm>>) target_semaphore(%run_scoped3A : memref<!tpu.dma_semaphore, #tpu.memory_space<semaphore_mem>>)
      %dma_wait3A = arith.constant 0 : i32
      %dma_wait3A_51 = tpu.memref_slice %arg6[%arg0, %add3A_33, %dma_wait3A] : memref<2x10240x128xf32, #tpu.memory_space<hbm>> -> memref<1x128x128xf32, #tpu.memory_space<hbm>>
      %dma_wait3A_52 = tpu.memref_squeeze %dma_wait3A_51 : memref<1x128x128xf32, #tpu.memory_space<hbm>> -> memref<128x128xf32, #tpu.memory_space<hbm>>
      %dma_wait3A_53 = arith.constant 0 : i32
      %dma_wait3A_54 = tpu.memref_slice %arg6[%arg0, %add3A_33, %dma_wait3A_53] : memref<2x10240x128xf32, #tpu.memory_space<hbm>> -> memref<1x128x128xf32, #tpu.memory_space<hbm>>
      %dma_wait3A_55 = tpu.memref_squeeze %dma_wait3A_54 : memref<1x128x128xf32, #tpu.memory_space<hbm>> -> memref<128x128xf32, #tpu.memory_space<hbm>>
      tpu.wait_dma2 semaphore(%run_scoped3A : memref<!tpu.dma_semaphore, #tpu.memory_space<semaphore_mem>>) src(%arg10 : memref<128x128xf32, #tpu.memory_space<vmem>>) dst(%dma_wait3A_55 : memref<128x128xf32, #tpu.memory_space<hbm>>)
      tpu.yield
    }) : () -> ()
    %mul3A_34 = arith.constant 640 : i32
    %mul3A_35 = arith.muli %arg1, %mul3A_34 : i32
    %add3A_36 = arith.constant 256 : i32
    %add3A_37 = arith.addi %mul3A_35, %add3A_36 : i32
    "tpu.region"() ({
      %run_scoped3A = tpu.sem_alloc : memref<!tpu.dma_semaphore, #tpu.memory_space<semaphore_mem>>
      %dma_start3A = arith.constant 0 : i32
      %dma_start3A_46 = tpu.memref_slice %arg7[%add3A_37, %dma_start3A] : memref<10240x128xf32, #tpu.memory_space<vmem_shared>> -> memref<128x128xf32, #tpu.memory_space<vmem_shared>>
      %dma_start3A_47 = arith.constant 0 : i32
      %dma_start3A_48 = tpu.memref_slice %arg7[%add3A_37, %dma_start3A_47] : memref<10240x128xf32, #tpu.memory_space<vmem_shared>> -> memref<128x128xf32, #tpu.memory_space<vmem_shared>>
      tpu.enqueue_dma source(%dma_start3A_48 : memref<128x128xf32, #tpu.memory_space<vmem_shared>>) target(%arg10 : memref<128x128xf32, #tpu.memory_space<vmem>>) target_semaphore(%run_scoped3A : memref<!tpu.dma_semaphore, #tpu.memory_space<semaphore_mem>>)
      %dma_wait3A = arith.constant 0 : i32
      %dma_wait3A_49 = tpu.memref_slice %arg7[%add3A_37, %dma_wait3A] : memref<10240x128xf32, #tpu.memory_space<vmem_shared>> -> memref<128x128xf32, #tpu.memory_space<vmem_shared>>
      %dma_wait3A_50 = arith.constant 0 : i32
      %dma_wait3A_51 = tpu.memref_slice %arg7[%add3A_37, %dma_wait3A_50] : memref<10240x128xf32, #tpu.memory_space<vmem_shared>> -> memref<128x128xf32, #tpu.memory_space<vmem_shared>>
      tpu.wait_dma2 semaphore(%run_scoped3A : memref<!tpu.dma_semaphore, #tpu.memory_space<semaphore_mem>>) src(%dma_wait3A_51 : memref<128x128xf32, #tpu.memory_space<vmem_shared>>) dst(%arg10 : memref<128x128xf32, #tpu.memory_space<vmem>>)
      tpu.yield
    }) : () -> ()
    "tpu.region"() ({
      %run_scoped3A = tpu.sem_alloc : memref<!tpu.dma_semaphore, #tpu.memory_space<semaphore_mem>>
      %dma_start3A = arith.constant 0 : i32
      %dma_start3A_46 = tpu.memref_slice %arg6[%arg0, %add3A_37, %dma_start3A] : memref<2x10240x128xf32, #tpu.memory_space<hbm>> -> memref<1x128x128xf32, #tpu.memory_space<hbm>>
      %dma_start3A_47 = tpu.memref_squeeze %dma_start3A_46 : memref<1x128x128xf32, #tpu.memory_space<hbm>> -> memref<128x128xf32, #tpu.memory_space<hbm>>
      %dma_start3A_48 = arith.constant 0 : i32
      %dma_start3A_49 = tpu.memref_slice %arg6[%arg0, %add3A_37, %dma_start3A_48] : memref<2x10240x128xf32, #tpu.memory_space<hbm>> -> memref<1x128x128xf32, #tpu.memory_space<hbm>>
      %dma_start3A_50 = tpu.memref_squeeze %dma_start3A_49 : memref<1x128x128xf32, #tpu.memory_space<hbm>> -> memref<128x128xf32, #tpu.memory_space<hbm>>
      tpu.enqueue_dma source(%arg10 : memref<128x128xf32, #tpu.memory_space<vmem>>) target(%dma_start3A_50 : memref<128x128xf32, #tpu.memory_space<hbm>>) target_semaphore(%run_scoped3A : memref<!tpu.dma_semaphore, #tpu.memory_space<semaphore_mem>>)
      %dma_wait3A = arith.constant 0 : i32
      %dma_wait3A_51 = tpu.memref_slice %arg6[%arg0, %add3A_37, %dma_wait3A] : memref<2x10240x128xf32, #tpu.memory_space<hbm>> -> memref<1x128x128xf32, #tpu.memory_space<hbm>>
      %dma_wait3A_52 = tpu.memref_squeeze %dma_wait3A_51 : memref<1x128x128xf32, #tpu.memory_space<hbm>> -> memref<128x128xf32, #tpu.memory_space<hbm>>
      %dma_wait3A_53 = arith.constant 0 : i32
      %dma_wait3A_54 = tpu.memref_slice %arg6[%arg0, %add3A_37, %dma_wait3A_53] : memref<2x10240x128xf32, #tpu.memory_space<hbm>> -> memref<1x128x128xf32, #tpu.memory_space<hbm>>
      %dma_wait3A_55 = tpu.memref_squeeze %dma_wait3A_54 : memref<1x128x128xf32, #tpu.memory_space<hbm>> -> memref<128x128xf32, #tpu.memory_space<hbm>>
      tpu.wait_dma2 semaphore(%run_scoped3A : memref<!tpu.dma_semaphore, #tpu.memory_space<semaphore_mem>>) src(%arg10 : memref<128x128xf32, #tpu.memory_space<vmem>>) dst(%dma_wait3A_55 : memref<128x128xf32, #tpu.memory_space<hbm>>)
      tpu.yield
    }) : () -> ()
    %mul3A_38 = arith.constant 640 : i32
    %mul3A_39 = arith.muli %arg1, %mul3A_38 : i32
    %add3A_40 = arith.constant 384 : i32
    %add3A_41 = arith.addi %mul3A_39, %add3A_40 : i32
    "tpu.region"() ({
      %run_scoped3A = tpu.sem_alloc : memref<!tpu.dma_semaphore, #tpu.memory_space<semaphore_mem>>
      %dma_start3A = arith.constant 0 : i32
      %dma_start3A_46 = tpu.memref_slice %arg7[%add3A_41, %dma_start3A] : memref<10240x128xf32, #tpu.memory_space<vmem_shared>> -> memref<128x128xf32, #tpu.memory_space<vmem_shared>>
      %dma_start3A_47 = arith.constant 0 : i32
      %dma_start3A_48 = tpu.memref_slice %arg7[%add3A_41, %dma_start3A_47] : memref<10240x128xf32, #tpu.memory_space<vmem_shared>> -> memref<128x128xf32, #tpu.memory_space<vmem_shared>>
      tpu.enqueue_dma source(%dma_start3A_48 : memref<128x128xf32, #tpu.memory_space<vmem_shared>>) target(%arg10 : memref<128x128xf32, #tpu.memory_space<vmem>>) target_semaphore(%run_scoped3A : memref<!tpu.dma_semaphore, #tpu.memory_space<semaphore_mem>>)
      %dma_wait3A = arith.constant 0 : i32
      %dma_wait3A_49 = tpu.memref_slice %arg7[%add3A_41, %dma_wait3A] : memref<10240x128xf32, #tpu.memory_space<vmem_shared>> -> memref<128x128xf32, #tpu.memory_space<vmem_shared>>
      %dma_wait3A_50 = arith.constant 0 : i32
      %dma_wait3A_51 = tpu.memref_slice %arg7[%add3A_41, %dma_wait3A_50] : memref<10240x128xf32, #tpu.memory_space<vmem_shared>> -> memref<128x128xf32, #tpu.memory_space<vmem_shared>>
      tpu.wait_dma2 semaphore(%run_scoped3A : memref<!tpu.dma_semaphore, #tpu.memory_space<semaphore_mem>>) src(%dma_wait3A_51 : memref<128x128xf32, #tpu.memory_space<vmem_shared>>) dst(%arg10 : memref<128x128xf32, #tpu.memory_space<vmem>>)
      tpu.yield
    }) : () -> ()
    "tpu.region"() ({
      %run_scoped3A = tpu.sem_alloc : memref<!tpu.dma_semaphore, #tpu.memory_space<semaphore_mem>>
      %dma_start3A = arith.constant 0 : i32
      %dma_start3A_46 = tpu.memref_slice %arg6[%arg0, %add3A_41, %dma_start3A] : memref<2x10240x128xf32, #tpu.memory_space<hbm>> -> memref<1x128x128xf32, #tpu.memory_space<hbm>>
      %dma_start3A_47 = tpu.memref_squeeze %dma_start3A_46 : memref<1x128x128xf32, #tpu.memory_space<hbm>> -> memref<128x128xf32, #tpu.memory_space<hbm>>
      %dma_start3A_48 = arith.constant 0 : i32
      %dma_start3A_49 = tpu.memref_slice %arg6[%arg0, %add3A_41, %dma_start3A_48] : memref<2x10240x128xf32, #tpu.memory_space<hbm>> -> memref<1x128x128xf32, #tpu.memory_space<hbm>>
      %dma_start3A_50 = tpu.memref_squeeze %dma_start3A_49 : memref<1x128x128xf32, #tpu.memory_space<hbm>> -> memref<128x128xf32, #tpu.memory_space<hbm>>
      tpu.enqueue_dma source(%arg10 : memref<128x128xf32, #tpu.memory_space<vmem>>) target(%dma_start3A_50 : memref<128x128xf32, #tpu.memory_space<hbm>>) target_semaphore(%run_scoped3A : memref<!tpu.dma_semaphore, #tpu.memory_space<semaphore_mem>>)
      %dma_wait3A = arith.constant 0 : i32
      %dma_wait3A_51 = tpu.memref_slice %arg6[%arg0, %add3A_41, %dma_wait3A] : memref<2x10240x128xf32, #tpu.memory_space<hbm>> -> memref<1x128x128xf32, #tpu.memory_space<hbm>>
      %dma_wait3A_52 = tpu.memref_squeeze %dma_wait3A_51 : memref<1x128x128xf32, #tpu.memory_space<hbm>> -> memref<128x128xf32, #tpu.memory_space<hbm>>
      %dma_wait3A_53 = arith.constant 0 : i32
      %dma_wait3A_54 = tpu.memref_slice %arg6[%arg0, %add3A_41, %dma_wait3A_53] : memref<2x10240x128xf32, #tpu.memory_space<hbm>> -> memref<1x128x128xf32, #tpu.memory_space<hbm>>
      %dma_wait3A_55 = tpu.memref_squeeze %dma_wait3A_54 : memref<1x128x128xf32, #tpu.memory_space<hbm>> -> memref<128x128xf32, #tpu.memory_space<hbm>>
      tpu.wait_dma2 semaphore(%run_scoped3A : memref<!tpu.dma_semaphore, #tpu.memory_space<semaphore_mem>>) src(%arg10 : memref<128x128xf32, #tpu.memory_space<vmem>>) dst(%dma_wait3A_55 : memref<128x128xf32, #tpu.memory_space<hbm>>)
      tpu.yield
    }) : () -> ()
    %mul3A_42 = arith.constant 640 : i32
    %mul3A_43 = arith.muli %arg1, %mul3A_42 : i32
    %add3A_44 = arith.constant 512 : i32
    %add3A_45 = arith.addi %mul3A_43, %add3A_44 : i32
    "tpu.region"() ({
      %run_scoped3A = tpu.sem_alloc : memref<!tpu.dma_semaphore, #tpu.memory_space<semaphore_mem>>
      %dma_start3A = arith.constant 0 : i32
      %dma_start3A_46 = tpu.memref_slice %arg7[%add3A_45, %dma_start3A] : memref<10240x128xf32, #tpu.memory_space<vmem_shared>> -> memref<128x128xf32, #tpu.memory_space<vmem_shared>>
      %dma_start3A_47 = arith.constant 0 : i32
      %dma_start3A_48 = tpu.memref_slice %arg7[%add3A_45, %dma_start3A_47] : memref<10240x128xf32, #tpu.memory_space<vmem_shared>> -> memref<128x128xf32, #tpu.memory_space<vmem_shared>>
      tpu.enqueue_dma source(%dma_start3A_48 : memref<128x128xf32, #tpu.memory_space<vmem_shared>>) target(%arg10 : memref<128x128xf32, #tpu.memory_space<vmem>>) target_semaphore(%run_scoped3A : memref<!tpu.dma_semaphore, #tpu.memory_space<semaphore_mem>>)
      %dma_wait3A = arith.constant 0 : i32
      %dma_wait3A_49 = tpu.memref_slice %arg7[%add3A_45, %dma_wait3A] : memref<10240x128xf32, #tpu.memory_space<vmem_shared>> -> memref<128x128xf32, #tpu.memory_space<vmem_shared>>
      %dma_wait3A_50 = arith.constant 0 : i32
      %dma_wait3A_51 = tpu.memref_slice %arg7[%add3A_45, %dma_wait3A_50] : memref<10240x128xf32, #tpu.memory_space<vmem_shared>> -> memref<128x128xf32, #tpu.memory_space<vmem_shared>>
      tpu.wait_dma2 semaphore(%run_scoped3A : memref<!tpu.dma_semaphore, #tpu.memory_space<semaphore_mem>>) src(%dma_wait3A_51 : memref<128x128xf32, #tpu.memory_space<vmem_shared>>) dst(%arg10 : memref<128x128xf32, #tpu.memory_space<vmem>>)
      tpu.yield
    }) : () -> ()
    "tpu.region"() ({
      %run_scoped3A = tpu.sem_alloc : memref<!tpu.dma_semaphore, #tpu.memory_space<semaphore_mem>>
      %dma_start3A = arith.constant 0 : i32
      %dma_start3A_46 = tpu.memref_slice %arg6[%arg0, %add3A_45, %dma_start3A] : memref<2x10240x128xf32, #tpu.memory_space<hbm>> -> memref<1x128x128xf32, #tpu.memory_space<hbm>>
      %dma_start3A_47 = tpu.memref_squeeze %dma_start3A_46 : memref<1x128x128xf32, #tpu.memory_space<hbm>> -> memref<128x128xf32, #tpu.memory_space<hbm>>
      %dma_start3A_48 = arith.constant 0 : i32
      %dma_start3A_49 = tpu.memref_slice %arg6[%arg0, %add3A_45, %dma_start3A_48] : memref<2x10240x128xf32, #tpu.memory_space<hbm>> -> memref<1x128x128xf32, #tpu.memory_space<hbm>>
      %dma_start3A_50 = tpu.memref_squeeze %dma_start3A_49 : memref<1x128x128xf32, #tpu.memory_space<hbm>> -> memref<128x128xf32, #tpu.memory_space<hbm>>
      tpu.enqueue_dma source(%arg10 : memref<128x128xf32, #tpu.memory_space<vmem>>) target(%dma_start3A_50 : memref<128x128xf32, #tpu.memory_space<hbm>>) target_semaphore(%run_scoped3A : memref<!tpu.dma_semaphore, #tpu.memory_space<semaphore_mem>>)
      %dma_wait3A = arith.constant 0 : i32
      %dma_wait3A_51 = tpu.memref_slice %arg6[%arg0, %add3A_45, %dma_wait3A] : memref<2x10240x128xf32, #tpu.memory_space<hbm>> -> memref<1x128x128xf32, #tpu.memory_space<hbm>>
      %dma_wait3A_52 = tpu.memref_squeeze %dma_wait3A_51 : memref<1x128x128xf32, #tpu.memory_space<hbm>> -> memref<128x128xf32, #tpu.memory_space<hbm>>
      %dma_wait3A_53 = arith.constant 0 : i32
      %dma_wait3A_54 = tpu.memref_slice %arg6[%arg0, %add3A_45, %dma_wait3A_53] : memref<2x10240x128xf32, #tpu.memory_space<hbm>> -> memref<1x128x128xf32, #tpu.memory_space<hbm>>
      %dma_wait3A_55 = tpu.memref_squeeze %dma_wait3A_54 : memref<1x128x128xf32, #tpu.memory_space<hbm>> -> memref<128x128xf32, #tpu.memory_space<hbm>>
      tpu.wait_dma2 semaphore(%run_scoped3A : memref<!tpu.dma_semaphore, #tpu.memory_space<semaphore_mem>>) src(%arg10 : memref<128x128xf32, #tpu.memory_space<vmem>>) dst(%dma_wait3A_55 : memref<128x128xf32, #tpu.memory_space<hbm>>)
      tpu.yield
    }) : () -> ()
    return
  }
}

#map = affine_map<(d0, d1) -> (0, 0)>
#map1 = affine_map<(d0, d1) -> (0, 0, 0)>
module attributes {stable_mosaic.version = 14 : i64} {
  func.func @_sc_aug_body(%arg0: i32, %arg1: i32, %arg2: memref<327680x128xf32, #tpu.memory_space<hbm>>, %arg3: memref<32x80x128xi32, #tpu.memory_space<hbm>>, %arg4: memref<128x128xf32, #tpu.memory_space<hbm>>, %arg5: memref<2x10240x128xf32, #tpu.memory_space<hbm>>, %arg6: memref<10240x128xf32, #tpu.memory_space<vmem_shared>>, %arg7: memref<8x128xi32, #tpu.memory_space<vmem>>, %arg8: memref<128x128xf32, #tpu.memory_space<vmem>>, %arg9: memref<128x128xf32, #tpu.memory_space<vmem>>, %arg10: memref<!tpu.dma_semaphore, #tpu.memory_space<semaphore_mem>>, %arg11: memref<!tpu.dma_semaphore, #tpu.memory_space<semaphore_mem>>, %arg12: memref<!tpu.dma_semaphore, #tpu.memory_space<semaphore_mem>>, %arg13: memref<!tpu.dma_semaphore, #tpu.memory_space<semaphore_mem>>) attributes {dimension_semantics = [#tpu.dimension_semantics<core_parallel>, #tpu.dimension_semantics<subcore_parallel>], iteration_bounds = array<i64: 2, 16>, scalar_prefetch = 0 : i64, scratch_operands = 8 : i64, tpu.core_type = #tpu.core_type<sc_vector_subcore>, window_params = [{transform_indices = #map}, {transform_indices = #map1}, {transform_indices = #map}, {transform_indices = #map1}]} {
    %mul3A = arith.constant 2 : i32
    %mul3A_0 = arith.muli %arg1, %mul3A : i32
    %add3A = arith.addi %mul3A_0, %arg0 : i32
    "tpu.region"() ({
      %run_scoped3A = tpu.sem_alloc : memref<!tpu.dma_semaphore, #tpu.memory_space<semaphore_mem>>
      tpu.enqueue_dma source(%arg4 : memref<128x128xf32, #tpu.memory_space<hbm>>) target(%arg8 : memref<128x128xf32, #tpu.memory_space<vmem>>) target_semaphore(%run_scoped3A : memref<!tpu.dma_semaphore, #tpu.memory_space<semaphore_mem>>)
      tpu.wait_dma2 semaphore(%run_scoped3A : memref<!tpu.dma_semaphore, #tpu.memory_space<semaphore_mem>>) src(%arg4 : memref<128x128xf32, #tpu.memory_space<hbm>>) dst(%arg8 : memref<128x128xf32, #tpu.memory_space<vmem>>)
      tpu.yield
    }) : () -> ()
    %mul3A_1 = arith.constant 640 : i32
    %mul3A_2 = arith.muli %arg1, %mul3A_1 : i32
    %add3A_3 = arith.constant 0 : i32
    %add3A_4 = arith.addi %mul3A_2, %add3A_3 : i32
    "tpu.region"() ({
      %run_scoped3A = tpu.sem_alloc : memref<!tpu.dma_semaphore, #tpu.memory_space<semaphore_mem>>
      %dma_start3A = arith.constant 0 : i32
      %dma_start3A_46 = tpu.memref_slice %arg6[%add3A_4, %dma_start3A] : memref<10240x128xf32, #tpu.memory_space<vmem_shared>> -> memref<128x128xf32, #tpu.memory_space<vmem_shared>>
      %dma_start3A_47 = arith.constant 0 : i32
      %dma_start3A_48 = tpu.memref_slice %arg6[%add3A_4, %dma_start3A_47] : memref<10240x128xf32, #tpu.memory_space<vmem_shared>> -> memref<128x128xf32, #tpu.memory_space<vmem_shared>>
      tpu.enqueue_dma source(%arg8 : memref<128x128xf32, #tpu.memory_space<vmem>>) target(%dma_start3A_48 : memref<128x128xf32, #tpu.memory_space<vmem_shared>>) target_semaphore(%run_scoped3A : memref<!tpu.dma_semaphore, #tpu.memory_space<semaphore_mem>>)
      %dma_wait3A = arith.constant 0 : i32
      %dma_wait3A_49 = tpu.memref_slice %arg6[%add3A_4, %dma_wait3A] : memref<10240x128xf32, #tpu.memory_space<vmem_shared>> -> memref<128x128xf32, #tpu.memory_space<vmem_shared>>
      %dma_wait3A_50 = arith.constant 0 : i32
      %dma_wait3A_51 = tpu.memref_slice %arg6[%add3A_4, %dma_wait3A_50] : memref<10240x128xf32, #tpu.memory_space<vmem_shared>> -> memref<128x128xf32, #tpu.memory_space<vmem_shared>>
      tpu.wait_dma2 semaphore(%run_scoped3A : memref<!tpu.dma_semaphore, #tpu.memory_space<semaphore_mem>>) src(%arg8 : memref<128x128xf32, #tpu.memory_space<vmem>>) dst(%dma_wait3A_51 : memref<128x128xf32, #tpu.memory_space<vmem_shared>>)
      tpu.yield
    }) : () -> ()
    %mul3A_5 = arith.constant 640 : i32
    %mul3A_6 = arith.muli %arg1, %mul3A_5 : i32
    %add3A_7 = arith.constant 128 : i32
    %add3A_8 = arith.addi %mul3A_6, %add3A_7 : i32
    "tpu.region"() ({
      %run_scoped3A = tpu.sem_alloc : memref<!tpu.dma_semaphore, #tpu.memory_space<semaphore_mem>>
      %dma_start3A = arith.constant 0 : i32
      %dma_start3A_46 = tpu.memref_slice %arg6[%add3A_8, %dma_start3A] : memref<10240x128xf32, #tpu.memory_space<vmem_shared>> -> memref<128x128xf32, #tpu.memory_space<vmem_shared>>
      %dma_start3A_47 = arith.constant 0 : i32
      %dma_start3A_48 = tpu.memref_slice %arg6[%add3A_8, %dma_start3A_47] : memref<10240x128xf32, #tpu.memory_space<vmem_shared>> -> memref<128x128xf32, #tpu.memory_space<vmem_shared>>
      tpu.enqueue_dma source(%arg8 : memref<128x128xf32, #tpu.memory_space<vmem>>) target(%dma_start3A_48 : memref<128x128xf32, #tpu.memory_space<vmem_shared>>) target_semaphore(%run_scoped3A : memref<!tpu.dma_semaphore, #tpu.memory_space<semaphore_mem>>)
      %dma_wait3A = arith.constant 0 : i32
      %dma_wait3A_49 = tpu.memref_slice %arg6[%add3A_8, %dma_wait3A] : memref<10240x128xf32, #tpu.memory_space<vmem_shared>> -> memref<128x128xf32, #tpu.memory_space<vmem_shared>>
      %dma_wait3A_50 = arith.constant 0 : i32
      %dma_wait3A_51 = tpu.memref_slice %arg6[%add3A_8, %dma_wait3A_50] : memref<10240x128xf32, #tpu.memory_space<vmem_shared>> -> memref<128x128xf32, #tpu.memory_space<vmem_shared>>
      tpu.wait_dma2 semaphore(%run_scoped3A : memref<!tpu.dma_semaphore, #tpu.memory_space<semaphore_mem>>) src(%arg8 : memref<128x128xf32, #tpu.memory_space<vmem>>) dst(%dma_wait3A_51 : memref<128x128xf32, #tpu.memory_space<vmem_shared>>)
      tpu.yield
    }) : () -> ()
    %mul3A_9 = arith.constant 640 : i32
    %mul3A_10 = arith.muli %arg1, %mul3A_9 : i32
    %add3A_11 = arith.constant 256 : i32
    %add3A_12 = arith.addi %mul3A_10, %add3A_11 : i32
    "tpu.region"() ({
      %run_scoped3A = tpu.sem_alloc : memref<!tpu.dma_semaphore, #tpu.memory_space<semaphore_mem>>
      %dma_start3A = arith.constant 0 : i32
      %dma_start3A_46 = tpu.memref_slice %arg6[%add3A_12, %dma_start3A] : memref<10240x128xf32, #tpu.memory_space<vmem_shared>> -> memref<128x128xf32, #tpu.memory_space<vmem_shared>>
      %dma_start3A_47 = arith.constant 0 : i32
      %dma_start3A_48 = tpu.memref_slice %arg6[%add3A_12, %dma_start3A_47] : memref<10240x128xf32, #tpu.memory_space<vmem_shared>> -> memref<128x128xf32, #tpu.memory_space<vmem_shared>>
      tpu.enqueue_dma source(%arg8 : memref<128x128xf32, #tpu.memory_space<vmem>>) target(%dma_start3A_48 : memref<128x128xf32, #tpu.memory_space<vmem_shared>>) target_semaphore(%run_scoped3A : memref<!tpu.dma_semaphore, #tpu.memory_space<semaphore_mem>>)
      %dma_wait3A = arith.constant 0 : i32
      %dma_wait3A_49 = tpu.memref_slice %arg6[%add3A_12, %dma_wait3A] : memref<10240x128xf32, #tpu.memory_space<vmem_shared>> -> memref<128x128xf32, #tpu.memory_space<vmem_shared>>
      %dma_wait3A_50 = arith.constant 0 : i32
      %dma_wait3A_51 = tpu.memref_slice %arg6[%add3A_12, %dma_wait3A_50] : memref<10240x128xf32, #tpu.memory_space<vmem_shared>> -> memref<128x128xf32, #tpu.memory_space<vmem_shared>>
      tpu.wait_dma2 semaphore(%run_scoped3A : memref<!tpu.dma_semaphore, #tpu.memory_space<semaphore_mem>>) src(%arg8 : memref<128x128xf32, #tpu.memory_space<vmem>>) dst(%dma_wait3A_51 : memref<128x128xf32, #tpu.memory_space<vmem_shared>>)
      tpu.yield
    }) : () -> ()
    %mul3A_13 = arith.constant 640 : i32
    %mul3A_14 = arith.muli %arg1, %mul3A_13 : i32
    %add3A_15 = arith.constant 384 : i32
    %add3A_16 = arith.addi %mul3A_14, %add3A_15 : i32
    "tpu.region"() ({
      %run_scoped3A = tpu.sem_alloc : memref<!tpu.dma_semaphore, #tpu.memory_space<semaphore_mem>>
      %dma_start3A = arith.constant 0 : i32
      %dma_start3A_46 = tpu.memref_slice %arg6[%add3A_16, %dma_start3A] : memref<10240x128xf32, #tpu.memory_space<vmem_shared>> -> memref<128x128xf32, #tpu.memory_space<vmem_shared>>
      %dma_start3A_47 = arith.constant 0 : i32
      %dma_start3A_48 = tpu.memref_slice %arg6[%add3A_16, %dma_start3A_47] : memref<10240x128xf32, #tpu.memory_space<vmem_shared>> -> memref<128x128xf32, #tpu.memory_space<vmem_shared>>
      tpu.enqueue_dma source(%arg8 : memref<128x128xf32, #tpu.memory_space<vmem>>) target(%dma_start3A_48 : memref<128x128xf32, #tpu.memory_space<vmem_shared>>) target_semaphore(%run_scoped3A : memref<!tpu.dma_semaphore, #tpu.memory_space<semaphore_mem>>)
      %dma_wait3A = arith.constant 0 : i32
      %dma_wait3A_49 = tpu.memref_slice %arg6[%add3A_16, %dma_wait3A] : memref<10240x128xf32, #tpu.memory_space<vmem_shared>> -> memref<128x128xf32, #tpu.memory_space<vmem_shared>>
      %dma_wait3A_50 = arith.constant 0 : i32
      %dma_wait3A_51 = tpu.memref_slice %arg6[%add3A_16, %dma_wait3A_50] : memref<10240x128xf32, #tpu.memory_space<vmem_shared>> -> memref<128x128xf32, #tpu.memory_space<vmem_shared>>
      tpu.wait_dma2 semaphore(%run_scoped3A : memref<!tpu.dma_semaphore, #tpu.memory_space<semaphore_mem>>) src(%arg8 : memref<128x128xf32, #tpu.memory_space<vmem>>) dst(%dma_wait3A_51 : memref<128x128xf32, #tpu.memory_space<vmem_shared>>)
      tpu.yield
    }) : () -> ()
    %mul3A_17 = arith.constant 640 : i32
    %mul3A_18 = arith.muli %arg1, %mul3A_17 : i32
    %add3A_19 = arith.constant 512 : i32
    %add3A_20 = arith.addi %mul3A_18, %add3A_19 : i32
    "tpu.region"() ({
      %run_scoped3A = tpu.sem_alloc : memref<!tpu.dma_semaphore, #tpu.memory_space<semaphore_mem>>
      %dma_start3A = arith.constant 0 : i32
      %dma_start3A_46 = tpu.memref_slice %arg6[%add3A_20, %dma_start3A] : memref<10240x128xf32, #tpu.memory_space<vmem_shared>> -> memref<128x128xf32, #tpu.memory_space<vmem_shared>>
      %dma_start3A_47 = arith.constant 0 : i32
      %dma_start3A_48 = tpu.memref_slice %arg6[%add3A_20, %dma_start3A_47] : memref<10240x128xf32, #tpu.memory_space<vmem_shared>> -> memref<128x128xf32, #tpu.memory_space<vmem_shared>>
      tpu.enqueue_dma source(%arg8 : memref<128x128xf32, #tpu.memory_space<vmem>>) target(%dma_start3A_48 : memref<128x128xf32, #tpu.memory_space<vmem_shared>>) target_semaphore(%run_scoped3A : memref<!tpu.dma_semaphore, #tpu.memory_space<semaphore_mem>>)
      %dma_wait3A = arith.constant 0 : i32
      %dma_wait3A_49 = tpu.memref_slice %arg6[%add3A_20, %dma_wait3A] : memref<10240x128xf32, #tpu.memory_space<vmem_shared>> -> memref<128x128xf32, #tpu.memory_space<vmem_shared>>
      %dma_wait3A_50 = arith.constant 0 : i32
      %dma_wait3A_51 = tpu.memref_slice %arg6[%add3A_20, %dma_wait3A_50] : memref<10240x128xf32, #tpu.memory_space<vmem_shared>> -> memref<128x128xf32, #tpu.memory_space<vmem_shared>>
      tpu.wait_dma2 semaphore(%run_scoped3A : memref<!tpu.dma_semaphore, #tpu.memory_space<semaphore_mem>>) src(%arg8 : memref<128x128xf32, #tpu.memory_space<vmem>>) dst(%dma_wait3A_51 : memref<128x128xf32, #tpu.memory_space<vmem_shared>>)
      tpu.yield
    }) : () -> ()
    %barrier3A = arith.constant 0 : index
    tpu.barrier barrier_id(%barrier3A)
    %scan3A = arith.constant 0 : i32
    %scan3A_21 = arith.constant 10 : i32
    %scan3A_22 = arith.addi %scan3A, %scan3A_21 : i32
    %scan3A_23 = arith.constant 1 : i32
    scf.for %scan3A_46 = %scan3A to %scan3A_22 step %scan3A_23  : i32 {
      %mul3A_47 = arith.constant 1 : i32
      %mul3A_48 = arith.muli %scan3A_46, %mul3A_47 : i32
      %add3A_49 = arith.constant 0 : i32
      %add3A_50 = arith.addi %add3A_49, %mul3A_48 : i32
      %mul3A_51 = arith.constant 8 : i32
      %mul3A_52 = arith.muli %add3A_50, %mul3A_51 : i32
      "tpu.region"() ({
        %run_scoped3A = tpu.sem_alloc : memref<!tpu.dma_semaphore, #tpu.memory_space<semaphore_mem>>
        %dma_start3A_299 = arith.constant 0 : i32
        %dma_start3A_300 = tpu.memref_slice %arg3[%add3A, %mul3A_52, %dma_start3A_299] : memref<32x80x128xi32, #tpu.memory_space<hbm>> -> memref<1x8x128xi32, #tpu.memory_space<hbm>>
        %dma_start3A_301 = tpu.memref_squeeze %dma_start3A_300 : memref<1x8x128xi32, #tpu.memory_space<hbm>> -> memref<8x128xi32, #tpu.memory_space<hbm>>
        %dma_start3A_302 = arith.constant 0 : i32
        %dma_start3A_303 = tpu.memref_slice %arg3[%add3A, %mul3A_52, %dma_start3A_302] : memref<32x80x128xi32, #tpu.memory_space<hbm>> -> memref<1x8x128xi32, #tpu.memory_space<hbm>>
        %dma_start3A_304 = tpu.memref_squeeze %dma_start3A_303 : memref<1x8x128xi32, #tpu.memory_space<hbm>> -> memref<8x128xi32, #tpu.memory_space<hbm>>
        tpu.enqueue_dma source(%dma_start3A_304 : memref<8x128xi32, #tpu.memory_space<hbm>>) target(%arg7 : memref<8x128xi32, #tpu.memory_space<vmem>>) target_semaphore(%run_scoped3A : memref<!tpu.dma_semaphore, #tpu.memory_space<semaphore_mem>>)
        %dma_wait3A_305 = arith.constant 0 : i32
        %dma_wait3A_306 = tpu.memref_slice %arg3[%add3A, %mul3A_52, %dma_wait3A_305] : memref<32x80x128xi32, #tpu.memory_space<hbm>> -> memref<1x8x128xi32, #tpu.memory_space<hbm>>
        %dma_wait3A_307 = tpu.memref_squeeze %dma_wait3A_306 : memref<1x8x128xi32, #tpu.memory_space<hbm>> -> memref<8x128xi32, #tpu.memory_space<hbm>>
        %dma_wait3A_308 = arith.constant 0 : i32
        %dma_wait3A_309 = tpu.memref_slice %arg3[%add3A, %mul3A_52, %dma_wait3A_308] : memref<32x80x128xi32, #tpu.memory_space<hbm>> -> memref<1x8x128xi32, #tpu.memory_space<hbm>>
        %dma_wait3A_310 = tpu.memref_squeeze %dma_wait3A_309 : memref<1x8x128xi32, #tpu.memory_space<hbm>> -> memref<8x128xi32, #tpu.memory_space<hbm>>
        tpu.wait_dma2 semaphore(%run_scoped3A : memref<!tpu.dma_semaphore, #tpu.memory_space<semaphore_mem>>) src(%dma_wait3A_310 : memref<8x128xi32, #tpu.memory_space<hbm>>) dst(%arg7 : memref<8x128xi32, #tpu.memory_space<vmem>>)
        tpu.yield
      }) : () -> ()
      %mul3A_53 = arith.constant 80 : i32
      %mul3A_54 = arith.muli %add3A, %mul3A_53 : i32
      %mul3A_55 = arith.constant 8 : i32
      %mul3A_56 = arith.muli %add3A_50, %mul3A_55 : i32
      %add3A_57 = arith.addi %mul3A_54, %mul3A_56 : i32
      %add3A_58 = arith.constant 0 : i32
      %add3A_59 = arith.addi %add3A_57, %add3A_58 : i32
      %mul3A_60 = arith.constant 128 : i32
      %mul3A_61 = arith.muli %add3A_59, %mul3A_60 : i32
      %dma_start3A = arith.constant 0 : i32
      %dma_start3A_62 = tpu.memref_slice %arg2[%mul3A_61, %dma_start3A] : memref<327680x128xf32, #tpu.memory_space<hbm>> -> memref<128x128xf32, #tpu.memory_space<hbm>>
      %dma_start3A_63 = arith.constant 0 : i32
      %dma_start3A_64 = tpu.memref_slice %arg2[%mul3A_61, %dma_start3A_63] : memref<327680x128xf32, #tpu.memory_space<hbm>> -> memref<128x128xf32, #tpu.memory_space<hbm>>
      tpu.enqueue_dma source(%dma_start3A_64 : memref<128x128xf32, #tpu.memory_space<hbm>>) target(%arg8 : memref<128x128xf32, #tpu.memory_space<vmem>>) target_semaphore(%arg10 : memref<!tpu.dma_semaphore, #tpu.memory_space<semaphore_mem>>)
      %mul3A_65 = arith.constant 80 : i32
      %mul3A_66 = arith.muli %add3A, %mul3A_65 : i32
      %mul3A_67 = arith.constant 8 : i32
      %mul3A_68 = arith.muli %add3A_50, %mul3A_67 : i32
      %add3A_69 = arith.addi %mul3A_66, %mul3A_68 : i32
      %add3A_70 = arith.constant 1 : i32
      %add3A_71 = arith.addi %add3A_69, %add3A_70 : i32
      %mul3A_72 = arith.constant 128 : i32
      %mul3A_73 = arith.muli %add3A_71, %mul3A_72 : i32
      %dma_start3A_74 = arith.constant 0 : i32
      %dma_start3A_75 = tpu.memref_slice %arg2[%mul3A_73, %dma_start3A_74] : memref<327680x128xf32, #tpu.memory_space<hbm>> -> memref<128x128xf32, #tpu.memory_space<hbm>>
      %dma_start3A_76 = arith.constant 0 : i32
      %dma_start3A_77 = tpu.memref_slice %arg2[%mul3A_73, %dma_start3A_76] : memref<327680x128xf32, #tpu.memory_space<hbm>> -> memref<128x128xf32, #tpu.memory_space<hbm>>
      tpu.enqueue_dma source(%dma_start3A_77 : memref<128x128xf32, #tpu.memory_space<hbm>>) target(%arg9 : memref<128x128xf32, #tpu.memory_space<vmem>>) target_semaphore(%arg11 : memref<!tpu.dma_semaphore, #tpu.memory_space<semaphore_mem>>)
      %dma_wait3A = arith.constant 0 : i32
      %dma_wait3A_78 = tpu.memref_slice %arg2[%mul3A_61, %dma_wait3A] : memref<327680x128xf32, #tpu.memory_space<hbm>> -> memref<128x128xf32, #tpu.memory_space<hbm>>
      %dma_wait3A_79 = arith.constant 0 : i32
      %dma_wait3A_80 = tpu.memref_slice %arg2[%mul3A_61, %dma_wait3A_79] : memref<327680x128xf32, #tpu.memory_space<hbm>> -> memref<128x128xf32, #tpu.memory_space<hbm>>
      tpu.wait_dma2 semaphore(%arg10 : memref<!tpu.dma_semaphore, #tpu.memory_space<semaphore_mem>>) src(%dma_wait3A_80 : memref<128x128xf32, #tpu.memory_space<hbm>>) dst(%arg8 : memref<128x128xf32, #tpu.memory_space<vmem>>)
      %dma_start3A_81 = arith.constant 0 : i32
      %dma_start3A_82 = arith.constant 0 : i32
      %dma_start3A_83 = tpu.memref_slice %arg7[%dma_start3A_81, %dma_start3A_82] : memref<8x128xi32, #tpu.memory_space<vmem>> -> memref<1x128xi32, #tpu.memory_space<vmem>>
      %dma_start3A_84 = tpu.memref_squeeze %dma_start3A_83 : memref<1x128xi32, #tpu.memory_space<vmem>> -> memref<128xi32, #tpu.memory_space<vmem>>
      %dma_start3A_85 = arith.constant 0 : i32
      %dma_start3A_86 = arith.constant 0 : i32
      %dma_start3A_87 = tpu.memref_slice %arg6[%dma_start3A_85, %dma_start3A_86] : memref<10240x128xf32, #tpu.memory_space<vmem_shared>> -> memref<10240x128xf32, #tpu.memory_space<vmem_shared>>
      tpu.enqueue_indirect_dma source(%arg8 : memref<128x128xf32, #tpu.memory_space<vmem>>) target(%dma_start3A_87 : memref<10240x128xf32, #tpu.memory_space<vmem_shared>>) offsets(%dma_start3A_84 : memref<128xi32, #tpu.memory_space<vmem>>) semaphore(%arg12 : memref<!tpu.dma_semaphore, #tpu.memory_space<semaphore_mem>>) {add = true}
      %dma_wait3A_88 = arith.constant 0 : i32
      %dma_wait3A_89 = arith.constant 0 : i32
      %dma_wait3A_90 = tpu.memref_slice %arg7[%dma_wait3A_88, %dma_wait3A_89] : memref<8x128xi32, #tpu.memory_space<vmem>> -> memref<1x128xi32, #tpu.memory_space<vmem>>
      %dma_wait3A_91 = tpu.memref_squeeze %dma_wait3A_90 : memref<1x128xi32, #tpu.memory_space<vmem>> -> memref<128xi32, #tpu.memory_space<vmem>>
      %dma_wait3A_92 = arith.constant 0 : i32
      %dma_wait3A_93 = arith.constant 0 : i32
      %dma_wait3A_94 = tpu.memref_slice %arg6[%dma_wait3A_92, %dma_wait3A_93] : memref<10240x128xf32, #tpu.memory_space<vmem_shared>> -> memref<10240x128xf32, #tpu.memory_space<vmem_shared>>
      tpu.wait_indirect_dma semaphore(%arg12 : memref<!tpu.dma_semaphore, #tpu.memory_space<semaphore_mem>>) src(%arg8 : memref<128x128xf32, #tpu.memory_space<vmem>>) dst(%dma_wait3A_94 : memref<10240x128xf32, #tpu.memory_space<vmem_shared>>)
      %mul3A_95 = arith.constant 80 : i32
      %mul3A_96 = arith.muli %add3A, %mul3A_95 : i32
      %mul3A_97 = arith.constant 8 : i32
      %mul3A_98 = arith.muli %add3A_50, %mul3A_97 : i32
      %add3A_99 = arith.addi %mul3A_96, %mul3A_98 : i32
      %add3A_100 = arith.constant 2 : i32
      %add3A_101 = arith.addi %add3A_99, %add3A_100 : i32
      %mul3A_102 = arith.constant 128 : i32
      %mul3A_103 = arith.muli %add3A_101, %mul3A_102 : i32
      %dma_start3A_104 = arith.constant 0 : i32
      %dma_start3A_105 = tpu.memref_slice %arg2[%mul3A_103, %dma_start3A_104] : memref<327680x128xf32, #tpu.memory_space<hbm>> -> memref<128x128xf32, #tpu.memory_space<hbm>>
      %dma_start3A_106 = arith.constant 0 : i32
      %dma_start3A_107 = tpu.memref_slice %arg2[%mul3A_103, %dma_start3A_106] : memref<327680x128xf32, #tpu.memory_space<hbm>> -> memref<128x128xf32, #tpu.memory_space<hbm>>
      tpu.enqueue_dma source(%dma_start3A_107 : memref<128x128xf32, #tpu.memory_space<hbm>>) target(%arg8 : memref<128x128xf32, #tpu.memory_space<vmem>>) target_semaphore(%arg10 : memref<!tpu.dma_semaphore, #tpu.memory_space<semaphore_mem>>)
      %dma_wait3A_108 = arith.constant 0 : i32
      %dma_wait3A_109 = tpu.memref_slice %arg2[%mul3A_73, %dma_wait3A_108] : memref<327680x128xf32, #tpu.memory_space<hbm>> -> memref<128x128xf32, #tpu.memory_space<hbm>>
      %dma_wait3A_110 = arith.constant 0 : i32
      %dma_wait3A_111 = tpu.memref_slice %arg2[%mul3A_73, %dma_wait3A_110] : memref<327680x128xf32, #tpu.memory_space<hbm>> -> memref<128x128xf32, #tpu.memory_space<hbm>>
      tpu.wait_dma2 semaphore(%arg11 : memref<!tpu.dma_semaphore, #tpu.memory_space<semaphore_mem>>) src(%dma_wait3A_111 : memref<128x128xf32, #tpu.memory_space<hbm>>) dst(%arg9 : memref<128x128xf32, #tpu.memory_space<vmem>>)
      %dma_start3A_112 = arith.constant 1 : i32
      %dma_start3A_113 = arith.constant 0 : i32
      %dma_start3A_114 = tpu.memref_slice %arg7[%dma_start3A_112, %dma_start3A_113] : memref<8x128xi32, #tpu.memory_space<vmem>> -> memref<1x128xi32, #tpu.memory_space<vmem>>
      %dma_start3A_115 = tpu.memref_squeeze %dma_start3A_114 : memref<1x128xi32, #tpu.memory_space<vmem>> -> memref<128xi32, #tpu.memory_space<vmem>>
      %dma_start3A_116 = arith.constant 0 : i32
      %dma_start3A_117 = arith.constant 0 : i32
      %dma_start3A_118 = tpu.memref_slice %arg6[%dma_start3A_116, %dma_start3A_117] : memref<10240x128xf32, #tpu.memory_space<vmem_shared>> -> memref<10240x128xf32, #tpu.memory_space<vmem_shared>>
      tpu.enqueue_indirect_dma source(%arg9 : memref<128x128xf32, #tpu.memory_space<vmem>>) target(%dma_start3A_118 : memref<10240x128xf32, #tpu.memory_space<vmem_shared>>) offsets(%dma_start3A_115 : memref<128xi32, #tpu.memory_space<vmem>>) semaphore(%arg13 : memref<!tpu.dma_semaphore, #tpu.memory_space<semaphore_mem>>) {add = true}
      %dma_wait3A_119 = arith.constant 1 : i32
      %dma_wait3A_120 = arith.constant 0 : i32
      %dma_wait3A_121 = tpu.memref_slice %arg7[%dma_wait3A_119, %dma_wait3A_120] : memref<8x128xi32, #tpu.memory_space<vmem>> -> memref<1x128xi32, #tpu.memory_space<vmem>>
      %dma_wait3A_122 = tpu.memref_squeeze %dma_wait3A_121 : memref<1x128xi32, #tpu.memory_space<vmem>> -> memref<128xi32, #tpu.memory_space<vmem>>
      %dma_wait3A_123 = arith.constant 0 : i32
      %dma_wait3A_124 = arith.constant 0 : i32
      %dma_wait3A_125 = tpu.memref_slice %arg6[%dma_wait3A_123, %dma_wait3A_124] : memref<10240x128xf32, #tpu.memory_space<vmem_shared>> -> memref<10240x128xf32, #tpu.memory_space<vmem_shared>>
      tpu.wait_indirect_dma semaphore(%arg13 : memref<!tpu.dma_semaphore, #tpu.memory_space<semaphore_mem>>) src(%arg9 : memref<128x128xf32, #tpu.memory_space<vmem>>) dst(%dma_wait3A_125 : memref<10240x128xf32, #tpu.memory_space<vmem_shared>>)
      %mul3A_126 = arith.constant 80 : i32
      %mul3A_127 = arith.muli %add3A, %mul3A_126 : i32
      %mul3A_128 = arith.constant 8 : i32
      %mul3A_129 = arith.muli %add3A_50, %mul3A_128 : i32
      %add3A_130 = arith.addi %mul3A_127, %mul3A_129 : i32
      %add3A_131 = arith.constant 3 : i32
      %add3A_132 = arith.addi %add3A_130, %add3A_131 : i32
      %mul3A_133 = arith.constant 128 : i32
      %mul3A_134 = arith.muli %add3A_132, %mul3A_133 : i32
      %dma_start3A_135 = arith.constant 0 : i32
      %dma_start3A_136 = tpu.memref_slice %arg2[%mul3A_134, %dma_start3A_135] : memref<327680x128xf32, #tpu.memory_space<hbm>> -> memref<128x128xf32, #tpu.memory_space<hbm>>
      %dma_start3A_137 = arith.constant 0 : i32
      %dma_start3A_138 = tpu.memref_slice %arg2[%mul3A_134, %dma_start3A_137] : memref<327680x128xf32, #tpu.memory_space<hbm>> -> memref<128x128xf32, #tpu.memory_space<hbm>>
      tpu.enqueue_dma source(%dma_start3A_138 : memref<128x128xf32, #tpu.memory_space<hbm>>) target(%arg9 : memref<128x128xf32, #tpu.memory_space<vmem>>) target_semaphore(%arg11 : memref<!tpu.dma_semaphore, #tpu.memory_space<semaphore_mem>>)
      %dma_wait3A_139 = arith.constant 0 : i32
      %dma_wait3A_140 = tpu.memref_slice %arg2[%mul3A_103, %dma_wait3A_139] : memref<327680x128xf32, #tpu.memory_space<hbm>> -> memref<128x128xf32, #tpu.memory_space<hbm>>
      %dma_wait3A_141 = arith.constant 0 : i32
      %dma_wait3A_142 = tpu.memref_slice %arg2[%mul3A_103, %dma_wait3A_141] : memref<327680x128xf32, #tpu.memory_space<hbm>> -> memref<128x128xf32, #tpu.memory_space<hbm>>
      tpu.wait_dma2 semaphore(%arg10 : memref<!tpu.dma_semaphore, #tpu.memory_space<semaphore_mem>>) src(%dma_wait3A_142 : memref<128x128xf32, #tpu.memory_space<hbm>>) dst(%arg8 : memref<128x128xf32, #tpu.memory_space<vmem>>)
      %dma_start3A_143 = arith.constant 2 : i32
      %dma_start3A_144 = arith.constant 0 : i32
      %dma_start3A_145 = tpu.memref_slice %arg7[%dma_start3A_143, %dma_start3A_144] : memref<8x128xi32, #tpu.memory_space<vmem>> -> memref<1x128xi32, #tpu.memory_space<vmem>>
      %dma_start3A_146 = tpu.memref_squeeze %dma_start3A_145 : memref<1x128xi32, #tpu.memory_space<vmem>> -> memref<128xi32, #tpu.memory_space<vmem>>
      %dma_start3A_147 = arith.constant 0 : i32
      %dma_start3A_148 = arith.constant 0 : i32
      %dma_start3A_149 = tpu.memref_slice %arg6[%dma_start3A_147, %dma_start3A_148] : memref<10240x128xf32, #tpu.memory_space<vmem_shared>> -> memref<10240x128xf32, #tpu.memory_space<vmem_shared>>
      tpu.enqueue_indirect_dma source(%arg8 : memref<128x128xf32, #tpu.memory_space<vmem>>) target(%dma_start3A_149 : memref<10240x128xf32, #tpu.memory_space<vmem_shared>>) offsets(%dma_start3A_146 : memref<128xi32, #tpu.memory_space<vmem>>) semaphore(%arg12 : memref<!tpu.dma_semaphore, #tpu.memory_space<semaphore_mem>>) {add = true}
      %dma_wait3A_150 = arith.constant 2 : i32
      %dma_wait3A_151 = arith.constant 0 : i32
      %dma_wait3A_152 = tpu.memref_slice %arg7[%dma_wait3A_150, %dma_wait3A_151] : memref<8x128xi32, #tpu.memory_space<vmem>> -> memref<1x128xi32, #tpu.memory_space<vmem>>
      %dma_wait3A_153 = tpu.memref_squeeze %dma_wait3A_152 : memref<1x128xi32, #tpu.memory_space<vmem>> -> memref<128xi32, #tpu.memory_space<vmem>>
      %dma_wait3A_154 = arith.constant 0 : i32
      %dma_wait3A_155 = arith.constant 0 : i32
      %dma_wait3A_156 = tpu.memref_slice %arg6[%dma_wait3A_154, %dma_wait3A_155] : memref<10240x128xf32, #tpu.memory_space<vmem_shared>> -> memref<10240x128xf32, #tpu.memory_space<vmem_shared>>
      tpu.wait_indirect_dma semaphore(%arg12 : memref<!tpu.dma_semaphore, #tpu.memory_space<semaphore_mem>>) src(%arg8 : memref<128x128xf32, #tpu.memory_space<vmem>>) dst(%dma_wait3A_156 : memref<10240x128xf32, #tpu.memory_space<vmem_shared>>)
      %mul3A_157 = arith.constant 80 : i32
      %mul3A_158 = arith.muli %add3A, %mul3A_157 : i32
      %mul3A_159 = arith.constant 8 : i32
      %mul3A_160 = arith.muli %add3A_50, %mul3A_159 : i32
      %add3A_161 = arith.addi %mul3A_158, %mul3A_160 : i32
      %add3A_162 = arith.constant 4 : i32
      %add3A_163 = arith.addi %add3A_161, %add3A_162 : i32
      %mul3A_164 = arith.constant 128 : i32
      %mul3A_165 = arith.muli %add3A_163, %mul3A_164 : i32
      %dma_start3A_166 = arith.constant 0 : i32
      %dma_start3A_167 = tpu.memref_slice %arg2[%mul3A_165, %dma_start3A_166] : memref<327680x128xf32, #tpu.memory_space<hbm>> -> memref<128x128xf32, #tpu.memory_space<hbm>>
      %dma_start3A_168 = arith.constant 0 : i32
      %dma_start3A_169 = tpu.memref_slice %arg2[%mul3A_165, %dma_start3A_168] : memref<327680x128xf32, #tpu.memory_space<hbm>> -> memref<128x128xf32, #tpu.memory_space<hbm>>
      tpu.enqueue_dma source(%dma_start3A_169 : memref<128x128xf32, #tpu.memory_space<hbm>>) target(%arg8 : memref<128x128xf32, #tpu.memory_space<vmem>>) target_semaphore(%arg10 : memref<!tpu.dma_semaphore, #tpu.memory_space<semaphore_mem>>)
      %dma_wait3A_170 = arith.constant 0 : i32
      %dma_wait3A_171 = tpu.memref_slice %arg2[%mul3A_134, %dma_wait3A_170] : memref<327680x128xf32, #tpu.memory_space<hbm>> -> memref<128x128xf32, #tpu.memory_space<hbm>>
      %dma_wait3A_172 = arith.constant 0 : i32
      %dma_wait3A_173 = tpu.memref_slice %arg2[%mul3A_134, %dma_wait3A_172] : memref<327680x128xf32, #tpu.memory_space<hbm>> -> memref<128x128xf32, #tpu.memory_space<hbm>>
      tpu.wait_dma2 semaphore(%arg11 : memref<!tpu.dma_semaphore, #tpu.memory_space<semaphore_mem>>) src(%dma_wait3A_173 : memref<128x128xf32, #tpu.memory_space<hbm>>) dst(%arg9 : memref<128x128xf32, #tpu.memory_space<vmem>>)
      %dma_start3A_174 = arith.constant 3 : i32
      %dma_start3A_175 = arith.constant 0 : i32
      %dma_start3A_176 = tpu.memref_slice %arg7[%dma_start3A_174, %dma_start3A_175] : memref<8x128xi32, #tpu.memory_space<vmem>> -> memref<1x128xi32, #tpu.memory_space<vmem>>
      %dma_start3A_177 = tpu.memref_squeeze %dma_start3A_176 : memref<1x128xi32, #tpu.memory_space<vmem>> -> memref<128xi32, #tpu.memory_space<vmem>>
      %dma_start3A_178 = arith.constant 0 : i32
      %dma_start3A_179 = arith.constant 0 : i32
      %dma_start3A_180 = tpu.memref_slice %arg6[%dma_start3A_178, %dma_start3A_179] : memref<10240x128xf32, #tpu.memory_space<vmem_shared>> -> memref<10240x128xf32, #tpu.memory_space<vmem_shared>>
      tpu.enqueue_indirect_dma source(%arg9 : memref<128x128xf32, #tpu.memory_space<vmem>>) target(%dma_start3A_180 : memref<10240x128xf32, #tpu.memory_space<vmem_shared>>) offsets(%dma_start3A_177 : memref<128xi32, #tpu.memory_space<vmem>>) semaphore(%arg13 : memref<!tpu.dma_semaphore, #tpu.memory_space<semaphore_mem>>) {add = true}
      %dma_wait3A_181 = arith.constant 3 : i32
      %dma_wait3A_182 = arith.constant 0 : i32
      %dma_wait3A_183 = tpu.memref_slice %arg7[%dma_wait3A_181, %dma_wait3A_182] : memref<8x128xi32, #tpu.memory_space<vmem>> -> memref<1x128xi32, #tpu.memory_space<vmem>>
      %dma_wait3A_184 = tpu.memref_squeeze %dma_wait3A_183 : memref<1x128xi32, #tpu.memory_space<vmem>> -> memref<128xi32, #tpu.memory_space<vmem>>
      %dma_wait3A_185 = arith.constant 0 : i32
      %dma_wait3A_186 = arith.constant 0 : i32
      %dma_wait3A_187 = tpu.memref_slice %arg6[%dma_wait3A_185, %dma_wait3A_186] : memref<10240x128xf32, #tpu.memory_space<vmem_shared>> -> memref<10240x128xf32, #tpu.memory_space<vmem_shared>>
      tpu.wait_indirect_dma semaphore(%arg13 : memref<!tpu.dma_semaphore, #tpu.memory_space<semaphore_mem>>) src(%arg9 : memref<128x128xf32, #tpu.memory_space<vmem>>) dst(%dma_wait3A_187 : memref<10240x128xf32, #tpu.memory_space<vmem_shared>>)
      %mul3A_188 = arith.constant 80 : i32
      %mul3A_189 = arith.muli %add3A, %mul3A_188 : i32
      %mul3A_190 = arith.constant 8 : i32
      %mul3A_191 = arith.muli %add3A_50, %mul3A_190 : i32
      %add3A_192 = arith.addi %mul3A_189, %mul3A_191 : i32
      %add3A_193 = arith.constant 5 : i32
      %add3A_194 = arith.addi %add3A_192, %add3A_193 : i32
      %mul3A_195 = arith.constant 128 : i32
      %mul3A_196 = arith.muli %add3A_194, %mul3A_195 : i32
      %dma_start3A_197 = arith.constant 0 : i32
      %dma_start3A_198 = tpu.memref_slice %arg2[%mul3A_196, %dma_start3A_197] : memref<327680x128xf32, #tpu.memory_space<hbm>> -> memref<128x128xf32, #tpu.memory_space<hbm>>
      %dma_start3A_199 = arith.constant 0 : i32
      %dma_start3A_200 = tpu.memref_slice %arg2[%mul3A_196, %dma_start3A_199] : memref<327680x128xf32, #tpu.memory_space<hbm>> -> memref<128x128xf32, #tpu.memory_space<hbm>>
      tpu.enqueue_dma source(%dma_start3A_200 : memref<128x128xf32, #tpu.memory_space<hbm>>) target(%arg9 : memref<128x128xf32, #tpu.memory_space<vmem>>) target_semaphore(%arg11 : memref<!tpu.dma_semaphore, #tpu.memory_space<semaphore_mem>>)
      %dma_wait3A_201 = arith.constant 0 : i32
      %dma_wait3A_202 = tpu.memref_slice %arg2[%mul3A_165, %dma_wait3A_201] : memref<327680x128xf32, #tpu.memory_space<hbm>> -> memref<128x128xf32, #tpu.memory_space<hbm>>
      %dma_wait3A_203 = arith.constant 0 : i32
      %dma_wait3A_204 = tpu.memref_slice %arg2[%mul3A_165, %dma_wait3A_203] : memref<327680x128xf32, #tpu.memory_space<hbm>> -> memref<128x128xf32, #tpu.memory_space<hbm>>
      tpu.wait_dma2 semaphore(%arg10 : memref<!tpu.dma_semaphore, #tpu.memory_space<semaphore_mem>>) src(%dma_wait3A_204 : memref<128x128xf32, #tpu.memory_space<hbm>>) dst(%arg8 : memref<128x128xf32, #tpu.memory_space<vmem>>)
      %dma_start3A_205 = arith.constant 4 : i32
      %dma_start3A_206 = arith.constant 0 : i32
      %dma_start3A_207 = tpu.memref_slice %arg7[%dma_start3A_205, %dma_start3A_206] : memref<8x128xi32, #tpu.memory_space<vmem>> -> memref<1x128xi32, #tpu.memory_space<vmem>>
      %dma_start3A_208 = tpu.memref_squeeze %dma_start3A_207 : memref<1x128xi32, #tpu.memory_space<vmem>> -> memref<128xi32, #tpu.memory_space<vmem>>
      %dma_start3A_209 = arith.constant 0 : i32
      %dma_start3A_210 = arith.constant 0 : i32
      %dma_start3A_211 = tpu.memref_slice %arg6[%dma_start3A_209, %dma_start3A_210] : memref<10240x128xf32, #tpu.memory_space<vmem_shared>> -> memref<10240x128xf32, #tpu.memory_space<vmem_shared>>
      tpu.enqueue_indirect_dma source(%arg8 : memref<128x128xf32, #tpu.memory_space<vmem>>) target(%dma_start3A_211 : memref<10240x128xf32, #tpu.memory_space<vmem_shared>>) offsets(%dma_start3A_208 : memref<128xi32, #tpu.memory_space<vmem>>) semaphore(%arg12 : memref<!tpu.dma_semaphore, #tpu.memory_space<semaphore_mem>>) {add = true}
      %dma_wait3A_212 = arith.constant 4 : i32
      %dma_wait3A_213 = arith.constant 0 : i32
      %dma_wait3A_214 = tpu.memref_slice %arg7[%dma_wait3A_212, %dma_wait3A_213] : memref<8x128xi32, #tpu.memory_space<vmem>> -> memref<1x128xi32, #tpu.memory_space<vmem>>
      %dma_wait3A_215 = tpu.memref_squeeze %dma_wait3A_214 : memref<1x128xi32, #tpu.memory_space<vmem>> -> memref<128xi32, #tpu.memory_space<vmem>>
      %dma_wait3A_216 = arith.constant 0 : i32
      %dma_wait3A_217 = arith.constant 0 : i32
      %dma_wait3A_218 = tpu.memref_slice %arg6[%dma_wait3A_216, %dma_wait3A_217] : memref<10240x128xf32, #tpu.memory_space<vmem_shared>> -> memref<10240x128xf32, #tpu.memory_space<vmem_shared>>
      tpu.wait_indirect_dma semaphore(%arg12 : memref<!tpu.dma_semaphore, #tpu.memory_space<semaphore_mem>>) src(%arg8 : memref<128x128xf32, #tpu.memory_space<vmem>>) dst(%dma_wait3A_218 : memref<10240x128xf32, #tpu.memory_space<vmem_shared>>)
      %mul3A_219 = arith.constant 80 : i32
      %mul3A_220 = arith.muli %add3A, %mul3A_219 : i32
      %mul3A_221 = arith.constant 8 : i32
      %mul3A_222 = arith.muli %add3A_50, %mul3A_221 : i32
      %add3A_223 = arith.addi %mul3A_220, %mul3A_222 : i32
      %add3A_224 = arith.constant 6 : i32
      %add3A_225 = arith.addi %add3A_223, %add3A_224 : i32
      %mul3A_226 = arith.constant 128 : i32
      %mul3A_227 = arith.muli %add3A_225, %mul3A_226 : i32
      %dma_start3A_228 = arith.constant 0 : i32
      %dma_start3A_229 = tpu.memref_slice %arg2[%mul3A_227, %dma_start3A_228] : memref<327680x128xf32, #tpu.memory_space<hbm>> -> memref<128x128xf32, #tpu.memory_space<hbm>>
      %dma_start3A_230 = arith.constant 0 : i32
      %dma_start3A_231 = tpu.memref_slice %arg2[%mul3A_227, %dma_start3A_230] : memref<327680x128xf32, #tpu.memory_space<hbm>> -> memref<128x128xf32, #tpu.memory_space<hbm>>
      tpu.enqueue_dma source(%dma_start3A_231 : memref<128x128xf32, #tpu.memory_space<hbm>>) target(%arg8 : memref<128x128xf32, #tpu.memory_space<vmem>>) target_semaphore(%arg10 : memref<!tpu.dma_semaphore, #tpu.memory_space<semaphore_mem>>)
      %dma_wait3A_232 = arith.constant 0 : i32
      %dma_wait3A_233 = tpu.memref_slice %arg2[%mul3A_196, %dma_wait3A_232] : memref<327680x128xf32, #tpu.memory_space<hbm>> -> memref<128x128xf32, #tpu.memory_space<hbm>>
      %dma_wait3A_234 = arith.constant 0 : i32
      %dma_wait3A_235 = tpu.memref_slice %arg2[%mul3A_196, %dma_wait3A_234] : memref<327680x128xf32, #tpu.memory_space<hbm>> -> memref<128x128xf32, #tpu.memory_space<hbm>>
      tpu.wait_dma2 semaphore(%arg11 : memref<!tpu.dma_semaphore, #tpu.memory_space<semaphore_mem>>) src(%dma_wait3A_235 : memref<128x128xf32, #tpu.memory_space<hbm>>) dst(%arg9 : memref<128x128xf32, #tpu.memory_space<vmem>>)
      %dma_start3A_236 = arith.constant 5 : i32
      %dma_start3A_237 = arith.constant 0 : i32
      %dma_start3A_238 = tpu.memref_slice %arg7[%dma_start3A_236, %dma_start3A_237] : memref<8x128xi32, #tpu.memory_space<vmem>> -> memref<1x128xi32, #tpu.memory_space<vmem>>
      %dma_start3A_239 = tpu.memref_squeeze %dma_start3A_238 : memref<1x128xi32, #tpu.memory_space<vmem>> -> memref<128xi32, #tpu.memory_space<vmem>>
      %dma_start3A_240 = arith.constant 0 : i32
      %dma_start3A_241 = arith.constant 0 : i32
      %dma_start3A_242 = tpu.memref_slice %arg6[%dma_start3A_240, %dma_start3A_241] : memref<10240x128xf32, #tpu.memory_space<vmem_shared>> -> memref<10240x128xf32, #tpu.memory_space<vmem_shared>>
      tpu.enqueue_indirect_dma source(%arg9 : memref<128x128xf32, #tpu.memory_space<vmem>>) target(%dma_start3A_242 : memref<10240x128xf32, #tpu.memory_space<vmem_shared>>) offsets(%dma_start3A_239 : memref<128xi32, #tpu.memory_space<vmem>>) semaphore(%arg13 : memref<!tpu.dma_semaphore, #tpu.memory_space<semaphore_mem>>) {add = true}
      %dma_wait3A_243 = arith.constant 5 : i32
      %dma_wait3A_244 = arith.constant 0 : i32
      %dma_wait3A_245 = tpu.memref_slice %arg7[%dma_wait3A_243, %dma_wait3A_244] : memref<8x128xi32, #tpu.memory_space<vmem>> -> memref<1x128xi32, #tpu.memory_space<vmem>>
      %dma_wait3A_246 = tpu.memref_squeeze %dma_wait3A_245 : memref<1x128xi32, #tpu.memory_space<vmem>> -> memref<128xi32, #tpu.memory_space<vmem>>
      %dma_wait3A_247 = arith.constant 0 : i32
      %dma_wait3A_248 = arith.constant 0 : i32
      %dma_wait3A_249 = tpu.memref_slice %arg6[%dma_wait3A_247, %dma_wait3A_248] : memref<10240x128xf32, #tpu.memory_space<vmem_shared>> -> memref<10240x128xf32, #tpu.memory_space<vmem_shared>>
      tpu.wait_indirect_dma semaphore(%arg13 : memref<!tpu.dma_semaphore, #tpu.memory_space<semaphore_mem>>) src(%arg9 : memref<128x128xf32, #tpu.memory_space<vmem>>) dst(%dma_wait3A_249 : memref<10240x128xf32, #tpu.memory_space<vmem_shared>>)
      %mul3A_250 = arith.constant 80 : i32
      %mul3A_251 = arith.muli %add3A, %mul3A_250 : i32
      %mul3A_252 = arith.constant 8 : i32
      %mul3A_253 = arith.muli %add3A_50, %mul3A_252 : i32
      %add3A_254 = arith.addi %mul3A_251, %mul3A_253 : i32
      %add3A_255 = arith.constant 7 : i32
      %add3A_256 = arith.addi %add3A_254, %add3A_255 : i32
      %mul3A_257 = arith.constant 128 : i32
      %mul3A_258 = arith.muli %add3A_256, %mul3A_257 : i32
      %dma_start3A_259 = arith.constant 0 : i32
      %dma_start3A_260 = tpu.memref_slice %arg2[%mul3A_258, %dma_start3A_259] : memref<327680x128xf32, #tpu.memory_space<hbm>> -> memref<128x128xf32, #tpu.memory_space<hbm>>
      %dma_start3A_261 = arith.constant 0 : i32
      %dma_start3A_262 = tpu.memref_slice %arg2[%mul3A_258, %dma_start3A_261] : memref<327680x128xf32, #tpu.memory_space<hbm>> -> memref<128x128xf32, #tpu.memory_space<hbm>>
      tpu.enqueue_dma source(%dma_start3A_262 : memref<128x128xf32, #tpu.memory_space<hbm>>) target(%arg9 : memref<128x128xf32, #tpu.memory_space<vmem>>) target_semaphore(%arg11 : memref<!tpu.dma_semaphore, #tpu.memory_space<semaphore_mem>>)
      %dma_wait3A_263 = arith.constant 0 : i32
      %dma_wait3A_264 = tpu.memref_slice %arg2[%mul3A_227, %dma_wait3A_263] : memref<327680x128xf32, #tpu.memory_space<hbm>> -> memref<128x128xf32, #tpu.memory_space<hbm>>
      %dma_wait3A_265 = arith.constant 0 : i32
      %dma_wait3A_266 = tpu.memref_slice %arg2[%mul3A_227, %dma_wait3A_265] : memref<327680x128xf32, #tpu.memory_space<hbm>> -> memref<128x128xf32, #tpu.memory_space<hbm>>
      tpu.wait_dma2 semaphore(%arg10 : memref<!tpu.dma_semaphore, #tpu.memory_space<semaphore_mem>>) src(%dma_wait3A_266 : memref<128x128xf32, #tpu.memory_space<hbm>>) dst(%arg8 : memref<128x128xf32, #tpu.memory_space<vmem>>)
      %dma_start3A_267 = arith.constant 6 : i32
      %dma_start3A_268 = arith.constant 0 : i32
      %dma_start3A_269 = tpu.memref_slice %arg7[%dma_start3A_267, %dma_start3A_268] : memref<8x128xi32, #tpu.memory_space<vmem>> -> memref<1x128xi32, #tpu.memory_space<vmem>>
      %dma_start3A_270 = tpu.memref_squeeze %dma_start3A_269 : memref<1x128xi32, #tpu.memory_space<vmem>> -> memref<128xi32, #tpu.memory_space<vmem>>
      %dma_start3A_271 = arith.constant 0 : i32
      %dma_start3A_272 = arith.constant 0 : i32
      %dma_start3A_273 = tpu.memref_slice %arg6[%dma_start3A_271, %dma_start3A_272] : memref<10240x128xf32, #tpu.memory_space<vmem_shared>> -> memref<10240x128xf32, #tpu.memory_space<vmem_shared>>
      tpu.enqueue_indirect_dma source(%arg8 : memref<128x128xf32, #tpu.memory_space<vmem>>) target(%dma_start3A_273 : memref<10240x128xf32, #tpu.memory_space<vmem_shared>>) offsets(%dma_start3A_270 : memref<128xi32, #tpu.memory_space<vmem>>) semaphore(%arg12 : memref<!tpu.dma_semaphore, #tpu.memory_space<semaphore_mem>>) {add = true}
      %dma_wait3A_274 = arith.constant 0 : i32
      %dma_wait3A_275 = tpu.memref_slice %arg2[%mul3A_258, %dma_wait3A_274] : memref<327680x128xf32, #tpu.memory_space<hbm>> -> memref<128x128xf32, #tpu.memory_space<hbm>>
      %dma_wait3A_276 = arith.constant 0 : i32
      %dma_wait3A_277 = tpu.memref_slice %arg2[%mul3A_258, %dma_wait3A_276] : memref<327680x128xf32, #tpu.memory_space<hbm>> -> memref<128x128xf32, #tpu.memory_space<hbm>>
      tpu.wait_dma2 semaphore(%arg11 : memref<!tpu.dma_semaphore, #tpu.memory_space<semaphore_mem>>) src(%dma_wait3A_277 : memref<128x128xf32, #tpu.memory_space<hbm>>) dst(%arg9 : memref<128x128xf32, #tpu.memory_space<vmem>>)
      %dma_start3A_278 = arith.constant 7 : i32
      %dma_start3A_279 = arith.constant 0 : i32
      %dma_start3A_280 = tpu.memref_slice %arg7[%dma_start3A_278, %dma_start3A_279] : memref<8x128xi32, #tpu.memory_space<vmem>> -> memref<1x128xi32, #tpu.memory_space<vmem>>
      %dma_start3A_281 = tpu.memref_squeeze %dma_start3A_280 : memref<1x128xi32, #tpu.memory_space<vmem>> -> memref<128xi32, #tpu.memory_space<vmem>>
      %dma_start3A_282 = arith.constant 0 : i32
      %dma_start3A_283 = arith.constant 0 : i32
      %dma_start3A_284 = tpu.memref_slice %arg6[%dma_start3A_282, %dma_start3A_283] : memref<10240x128xf32, #tpu.memory_space<vmem_shared>> -> memref<10240x128xf32, #tpu.memory_space<vmem_shared>>
      tpu.enqueue_indirect_dma source(%arg9 : memref<128x128xf32, #tpu.memory_space<vmem>>) target(%dma_start3A_284 : memref<10240x128xf32, #tpu.memory_space<vmem_shared>>) offsets(%dma_start3A_281 : memref<128xi32, #tpu.memory_space<vmem>>) semaphore(%arg13 : memref<!tpu.dma_semaphore, #tpu.memory_space<semaphore_mem>>) {add = true}
      %dma_wait3A_285 = arith.constant 6 : i32
      %dma_wait3A_286 = arith.constant 0 : i32
      %dma_wait3A_287 = tpu.memref_slice %arg7[%dma_wait3A_285, %dma_wait3A_286] : memref<8x128xi32, #tpu.memory_space<vmem>> -> memref<1x128xi32, #tpu.memory_space<vmem>>
      %dma_wait3A_288 = tpu.memref_squeeze %dma_wait3A_287 : memref<1x128xi32, #tpu.memory_space<vmem>> -> memref<128xi32, #tpu.memory_space<vmem>>
      %dma_wait3A_289 = arith.constant 0 : i32
      %dma_wait3A_290 = arith.constant 0 : i32
      %dma_wait3A_291 = tpu.memref_slice %arg6[%dma_wait3A_289, %dma_wait3A_290] : memref<10240x128xf32, #tpu.memory_space<vmem_shared>> -> memref<10240x128xf32, #tpu.memory_space<vmem_shared>>
      tpu.wait_indirect_dma semaphore(%arg12 : memref<!tpu.dma_semaphore, #tpu.memory_space<semaphore_mem>>) src(%arg8 : memref<128x128xf32, #tpu.memory_space<vmem>>) dst(%dma_wait3A_291 : memref<10240x128xf32, #tpu.memory_space<vmem_shared>>)
      %dma_wait3A_292 = arith.constant 7 : i32
      %dma_wait3A_293 = arith.constant 0 : i32
      %dma_wait3A_294 = tpu.memref_slice %arg7[%dma_wait3A_292, %dma_wait3A_293] : memref<8x128xi32, #tpu.memory_space<vmem>> -> memref<1x128xi32, #tpu.memory_space<vmem>>
      %dma_wait3A_295 = tpu.memref_squeeze %dma_wait3A_294 : memref<1x128xi32, #tpu.memory_space<vmem>> -> memref<128xi32, #tpu.memory_space<vmem>>
      %dma_wait3A_296 = arith.constant 0 : i32
      %dma_wait3A_297 = arith.constant 0 : i32
      %dma_wait3A_298 = tpu.memref_slice %arg6[%dma_wait3A_296, %dma_wait3A_297] : memref<10240x128xf32, #tpu.memory_space<vmem_shared>> -> memref<10240x128xf32, #tpu.memory_space<vmem_shared>>
      tpu.wait_indirect_dma semaphore(%arg13 : memref<!tpu.dma_semaphore, #tpu.memory_space<semaphore_mem>>) src(%arg9 : memref<128x128xf32, #tpu.memory_space<vmem>>) dst(%dma_wait3A_298 : memref<10240x128xf32, #tpu.memory_space<vmem_shared>>)
    }
    %scan3A_24 = arith.constant 10 : i32
    %barrier3A_25 = arith.constant 0 : index
    tpu.barrier barrier_id(%barrier3A_25)
    %mul3A_26 = arith.constant 640 : i32
    %mul3A_27 = arith.muli %arg1, %mul3A_26 : i32
    %add3A_28 = arith.constant 0 : i32
    %add3A_29 = arith.addi %mul3A_27, %add3A_28 : i32
    "tpu.region"() ({
      %run_scoped3A = tpu.sem_alloc : memref<!tpu.dma_semaphore, #tpu.memory_space<semaphore_mem>>
      %dma_start3A = arith.constant 0 : i32
      %dma_start3A_46 = tpu.memref_slice %arg6[%add3A_29, %dma_start3A] : memref<10240x128xf32, #tpu.memory_space<vmem_shared>> -> memref<128x128xf32, #tpu.memory_space<vmem_shared>>
      %dma_start3A_47 = arith.constant 0 : i32
      %dma_start3A_48 = tpu.memref_slice %arg6[%add3A_29, %dma_start3A_47] : memref<10240x128xf32, #tpu.memory_space<vmem_shared>> -> memref<128x128xf32, #tpu.memory_space<vmem_shared>>
      tpu.enqueue_dma source(%dma_start3A_48 : memref<128x128xf32, #tpu.memory_space<vmem_shared>>) target(%arg8 : memref<128x128xf32, #tpu.memory_space<vmem>>) target_semaphore(%run_scoped3A : memref<!tpu.dma_semaphore, #tpu.memory_space<semaphore_mem>>)
      %dma_wait3A = arith.constant 0 : i32
      %dma_wait3A_49 = tpu.memref_slice %arg6[%add3A_29, %dma_wait3A] : memref<10240x128xf32, #tpu.memory_space<vmem_shared>> -> memref<128x128xf32, #tpu.memory_space<vmem_shared>>
      %dma_wait3A_50 = arith.constant 0 : i32
      %dma_wait3A_51 = tpu.memref_slice %arg6[%add3A_29, %dma_wait3A_50] : memref<10240x128xf32, #tpu.memory_space<vmem_shared>> -> memref<128x128xf32, #tpu.memory_space<vmem_shared>>
      tpu.wait_dma2 semaphore(%run_scoped3A : memref<!tpu.dma_semaphore, #tpu.memory_space<semaphore_mem>>) src(%dma_wait3A_51 : memref<128x128xf32, #tpu.memory_space<vmem_shared>>) dst(%arg8 : memref<128x128xf32, #tpu.memory_space<vmem>>)
      tpu.yield
    }) : () -> ()
    "tpu.region"() ({
      %run_scoped3A = tpu.sem_alloc : memref<!tpu.dma_semaphore, #tpu.memory_space<semaphore_mem>>
      %dma_start3A = arith.constant 0 : i32
      %dma_start3A_46 = tpu.memref_slice %arg5[%arg0, %add3A_29, %dma_start3A] : memref<2x10240x128xf32, #tpu.memory_space<hbm>> -> memref<1x128x128xf32, #tpu.memory_space<hbm>>
      %dma_start3A_47 = tpu.memref_squeeze %dma_start3A_46 : memref<1x128x128xf32, #tpu.memory_space<hbm>> -> memref<128x128xf32, #tpu.memory_space<hbm>>
      %dma_start3A_48 = arith.constant 0 : i32
      %dma_start3A_49 = tpu.memref_slice %arg5[%arg0, %add3A_29, %dma_start3A_48] : memref<2x10240x128xf32, #tpu.memory_space<hbm>> -> memref<1x128x128xf32, #tpu.memory_space<hbm>>
      %dma_start3A_50 = tpu.memref_squeeze %dma_start3A_49 : memref<1x128x128xf32, #tpu.memory_space<hbm>> -> memref<128x128xf32, #tpu.memory_space<hbm>>
      tpu.enqueue_dma source(%arg8 : memref<128x128xf32, #tpu.memory_space<vmem>>) target(%dma_start3A_50 : memref<128x128xf32, #tpu.memory_space<hbm>>) target_semaphore(%run_scoped3A : memref<!tpu.dma_semaphore, #tpu.memory_space<semaphore_mem>>)
      %dma_wait3A = arith.constant 0 : i32
      %dma_wait3A_51 = tpu.memref_slice %arg5[%arg0, %add3A_29, %dma_wait3A] : memref<2x10240x128xf32, #tpu.memory_space<hbm>> -> memref<1x128x128xf32, #tpu.memory_space<hbm>>
      %dma_wait3A_52 = tpu.memref_squeeze %dma_wait3A_51 : memref<1x128x128xf32, #tpu.memory_space<hbm>> -> memref<128x128xf32, #tpu.memory_space<hbm>>
      %dma_wait3A_53 = arith.constant 0 : i32
      %dma_wait3A_54 = tpu.memref_slice %arg5[%arg0, %add3A_29, %dma_wait3A_53] : memref<2x10240x128xf32, #tpu.memory_space<hbm>> -> memref<1x128x128xf32, #tpu.memory_space<hbm>>
      %dma_wait3A_55 = tpu.memref_squeeze %dma_wait3A_54 : memref<1x128x128xf32, #tpu.memory_space<hbm>> -> memref<128x128xf32, #tpu.memory_space<hbm>>
      tpu.wait_dma2 semaphore(%run_scoped3A : memref<!tpu.dma_semaphore, #tpu.memory_space<semaphore_mem>>) src(%arg8 : memref<128x128xf32, #tpu.memory_space<vmem>>) dst(%dma_wait3A_55 : memref<128x128xf32, #tpu.memory_space<hbm>>)
      tpu.yield
    }) : () -> ()
    %mul3A_30 = arith.constant 640 : i32
    %mul3A_31 = arith.muli %arg1, %mul3A_30 : i32
    %add3A_32 = arith.constant 128 : i32
    %add3A_33 = arith.addi %mul3A_31, %add3A_32 : i32
    "tpu.region"() ({
      %run_scoped3A = tpu.sem_alloc : memref<!tpu.dma_semaphore, #tpu.memory_space<semaphore_mem>>
      %dma_start3A = arith.constant 0 : i32
      %dma_start3A_46 = tpu.memref_slice %arg6[%add3A_33, %dma_start3A] : memref<10240x128xf32, #tpu.memory_space<vmem_shared>> -> memref<128x128xf32, #tpu.memory_space<vmem_shared>>
      %dma_start3A_47 = arith.constant 0 : i32
      %dma_start3A_48 = tpu.memref_slice %arg6[%add3A_33, %dma_start3A_47] : memref<10240x128xf32, #tpu.memory_space<vmem_shared>> -> memref<128x128xf32, #tpu.memory_space<vmem_shared>>
      tpu.enqueue_dma source(%dma_start3A_48 : memref<128x128xf32, #tpu.memory_space<vmem_shared>>) target(%arg8 : memref<128x128xf32, #tpu.memory_space<vmem>>) target_semaphore(%run_scoped3A : memref<!tpu.dma_semaphore, #tpu.memory_space<semaphore_mem>>)
      %dma_wait3A = arith.constant 0 : i32
      %dma_wait3A_49 = tpu.memref_slice %arg6[%add3A_33, %dma_wait3A] : memref<10240x128xf32, #tpu.memory_space<vmem_shared>> -> memref<128x128xf32, #tpu.memory_space<vmem_shared>>
      %dma_wait3A_50 = arith.constant 0 : i32
      %dma_wait3A_51 = tpu.memref_slice %arg6[%add3A_33, %dma_wait3A_50] : memref<10240x128xf32, #tpu.memory_space<vmem_shared>> -> memref<128x128xf32, #tpu.memory_space<vmem_shared>>
      tpu.wait_dma2 semaphore(%run_scoped3A : memref<!tpu.dma_semaphore, #tpu.memory_space<semaphore_mem>>) src(%dma_wait3A_51 : memref<128x128xf32, #tpu.memory_space<vmem_shared>>) dst(%arg8 : memref<128x128xf32, #tpu.memory_space<vmem>>)
      tpu.yield
    }) : () -> ()
    "tpu.region"() ({
      %run_scoped3A = tpu.sem_alloc : memref<!tpu.dma_semaphore, #tpu.memory_space<semaphore_mem>>
      %dma_start3A = arith.constant 0 : i32
      %dma_start3A_46 = tpu.memref_slice %arg5[%arg0, %add3A_33, %dma_start3A] : memref<2x10240x128xf32, #tpu.memory_space<hbm>> -> memref<1x128x128xf32, #tpu.memory_space<hbm>>
      %dma_start3A_47 = tpu.memref_squeeze %dma_start3A_46 : memref<1x128x128xf32, #tpu.memory_space<hbm>> -> memref<128x128xf32, #tpu.memory_space<hbm>>
      %dma_start3A_48 = arith.constant 0 : i32
      %dma_start3A_49 = tpu.memref_slice %arg5[%arg0, %add3A_33, %dma_start3A_48] : memref<2x10240x128xf32, #tpu.memory_space<hbm>> -> memref<1x128x128xf32, #tpu.memory_space<hbm>>
      %dma_start3A_50 = tpu.memref_squeeze %dma_start3A_49 : memref<1x128x128xf32, #tpu.memory_space<hbm>> -> memref<128x128xf32, #tpu.memory_space<hbm>>
      tpu.enqueue_dma source(%arg8 : memref<128x128xf32, #tpu.memory_space<vmem>>) target(%dma_start3A_50 : memref<128x128xf32, #tpu.memory_space<hbm>>) target_semaphore(%run_scoped3A : memref<!tpu.dma_semaphore, #tpu.memory_space<semaphore_mem>>)
      %dma_wait3A = arith.constant 0 : i32
      %dma_wait3A_51 = tpu.memref_slice %arg5[%arg0, %add3A_33, %dma_wait3A] : memref<2x10240x128xf32, #tpu.memory_space<hbm>> -> memref<1x128x128xf32, #tpu.memory_space<hbm>>
      %dma_wait3A_52 = tpu.memref_squeeze %dma_wait3A_51 : memref<1x128x128xf32, #tpu.memory_space<hbm>> -> memref<128x128xf32, #tpu.memory_space<hbm>>
      %dma_wait3A_53 = arith.constant 0 : i32
      %dma_wait3A_54 = tpu.memref_slice %arg5[%arg0, %add3A_33, %dma_wait3A_53] : memref<2x10240x128xf32, #tpu.memory_space<hbm>> -> memref<1x128x128xf32, #tpu.memory_space<hbm>>
      %dma_wait3A_55 = tpu.memref_squeeze %dma_wait3A_54 : memref<1x128x128xf32, #tpu.memory_space<hbm>> -> memref<128x128xf32, #tpu.memory_space<hbm>>
      tpu.wait_dma2 semaphore(%run_scoped3A : memref<!tpu.dma_semaphore, #tpu.memory_space<semaphore_mem>>) src(%arg8 : memref<128x128xf32, #tpu.memory_space<vmem>>) dst(%dma_wait3A_55 : memref<128x128xf32, #tpu.memory_space<hbm>>)
      tpu.yield
    }) : () -> ()
    %mul3A_34 = arith.constant 640 : i32
    %mul3A_35 = arith.muli %arg1, %mul3A_34 : i32
    %add3A_36 = arith.constant 256 : i32
    %add3A_37 = arith.addi %mul3A_35, %add3A_36 : i32
    "tpu.region"() ({
      %run_scoped3A = tpu.sem_alloc : memref<!tpu.dma_semaphore, #tpu.memory_space<semaphore_mem>>
      %dma_start3A = arith.constant 0 : i32
      %dma_start3A_46 = tpu.memref_slice %arg6[%add3A_37, %dma_start3A] : memref<10240x128xf32, #tpu.memory_space<vmem_shared>> -> memref<128x128xf32, #tpu.memory_space<vmem_shared>>
      %dma_start3A_47 = arith.constant 0 : i32
      %dma_start3A_48 = tpu.memref_slice %arg6[%add3A_37, %dma_start3A_47] : memref<10240x128xf32, #tpu.memory_space<vmem_shared>> -> memref<128x128xf32, #tpu.memory_space<vmem_shared>>
      tpu.enqueue_dma source(%dma_start3A_48 : memref<128x128xf32, #tpu.memory_space<vmem_shared>>) target(%arg8 : memref<128x128xf32, #tpu.memory_space<vmem>>) target_semaphore(%run_scoped3A : memref<!tpu.dma_semaphore, #tpu.memory_space<semaphore_mem>>)
      %dma_wait3A = arith.constant 0 : i32
      %dma_wait3A_49 = tpu.memref_slice %arg6[%add3A_37, %dma_wait3A] : memref<10240x128xf32, #tpu.memory_space<vmem_shared>> -> memref<128x128xf32, #tpu.memory_space<vmem_shared>>
      %dma_wait3A_50 = arith.constant 0 : i32
      %dma_wait3A_51 = tpu.memref_slice %arg6[%add3A_37, %dma_wait3A_50] : memref<10240x128xf32, #tpu.memory_space<vmem_shared>> -> memref<128x128xf32, #tpu.memory_space<vmem_shared>>
      tpu.wait_dma2 semaphore(%run_scoped3A : memref<!tpu.dma_semaphore, #tpu.memory_space<semaphore_mem>>) src(%dma_wait3A_51 : memref<128x128xf32, #tpu.memory_space<vmem_shared>>) dst(%arg8 : memref<128x128xf32, #tpu.memory_space<vmem>>)
      tpu.yield
    }) : () -> ()
    "tpu.region"() ({
      %run_scoped3A = tpu.sem_alloc : memref<!tpu.dma_semaphore, #tpu.memory_space<semaphore_mem>>
      %dma_start3A = arith.constant 0 : i32
      %dma_start3A_46 = tpu.memref_slice %arg5[%arg0, %add3A_37, %dma_start3A] : memref<2x10240x128xf32, #tpu.memory_space<hbm>> -> memref<1x128x128xf32, #tpu.memory_space<hbm>>
      %dma_start3A_47 = tpu.memref_squeeze %dma_start3A_46 : memref<1x128x128xf32, #tpu.memory_space<hbm>> -> memref<128x128xf32, #tpu.memory_space<hbm>>
      %dma_start3A_48 = arith.constant 0 : i32
      %dma_start3A_49 = tpu.memref_slice %arg5[%arg0, %add3A_37, %dma_start3A_48] : memref<2x10240x128xf32, #tpu.memory_space<hbm>> -> memref<1x128x128xf32, #tpu.memory_space<hbm>>
      %dma_start3A_50 = tpu.memref_squeeze %dma_start3A_49 : memref<1x128x128xf32, #tpu.memory_space<hbm>> -> memref<128x128xf32, #tpu.memory_space<hbm>>
      tpu.enqueue_dma source(%arg8 : memref<128x128xf32, #tpu.memory_space<vmem>>) target(%dma_start3A_50 : memref<128x128xf32, #tpu.memory_space<hbm>>) target_semaphore(%run_scoped3A : memref<!tpu.dma_semaphore, #tpu.memory_space<semaphore_mem>>)
      %dma_wait3A = arith.constant 0 : i32
      %dma_wait3A_51 = tpu.memref_slice %arg5[%arg0, %add3A_37, %dma_wait3A] : memref<2x10240x128xf32, #tpu.memory_space<hbm>> -> memref<1x128x128xf32, #tpu.memory_space<hbm>>
      %dma_wait3A_52 = tpu.memref_squeeze %dma_wait3A_51 : memref<1x128x128xf32, #tpu.memory_space<hbm>> -> memref<128x128xf32, #tpu.memory_space<hbm>>
      %dma_wait3A_53 = arith.constant 0 : i32
      %dma_wait3A_54 = tpu.memref_slice %arg5[%arg0, %add3A_37, %dma_wait3A_53] : memref<2x10240x128xf32, #tpu.memory_space<hbm>> -> memref<1x128x128xf32, #tpu.memory_space<hbm>>
      %dma_wait3A_55 = tpu.memref_squeeze %dma_wait3A_54 : memref<1x128x128xf32, #tpu.memory_space<hbm>> -> memref<128x128xf32, #tpu.memory_space<hbm>>
      tpu.wait_dma2 semaphore(%run_scoped3A : memref<!tpu.dma_semaphore, #tpu.memory_space<semaphore_mem>>) src(%arg8 : memref<128x128xf32, #tpu.memory_space<vmem>>) dst(%dma_wait3A_55 : memref<128x128xf32, #tpu.memory_space<hbm>>)
      tpu.yield
    }) : () -> ()
    %mul3A_38 = arith.constant 640 : i32
    %mul3A_39 = arith.muli %arg1, %mul3A_38 : i32
    %add3A_40 = arith.constant 384 : i32
    %add3A_41 = arith.addi %mul3A_39, %add3A_40 : i32
    "tpu.region"() ({
      %run_scoped3A = tpu.sem_alloc : memref<!tpu.dma_semaphore, #tpu.memory_space<semaphore_mem>>
      %dma_start3A = arith.constant 0 : i32
      %dma_start3A_46 = tpu.memref_slice %arg6[%add3A_41, %dma_start3A] : memref<10240x128xf32, #tpu.memory_space<vmem_shared>> -> memref<128x128xf32, #tpu.memory_space<vmem_shared>>
      %dma_start3A_47 = arith.constant 0 : i32
      %dma_start3A_48 = tpu.memref_slice %arg6[%add3A_41, %dma_start3A_47] : memref<10240x128xf32, #tpu.memory_space<vmem_shared>> -> memref<128x128xf32, #tpu.memory_space<vmem_shared>>
      tpu.enqueue_dma source(%dma_start3A_48 : memref<128x128xf32, #tpu.memory_space<vmem_shared>>) target(%arg8 : memref<128x128xf32, #tpu.memory_space<vmem>>) target_semaphore(%run_scoped3A : memref<!tpu.dma_semaphore, #tpu.memory_space<semaphore_mem>>)
      %dma_wait3A = arith.constant 0 : i32
      %dma_wait3A_49 = tpu.memref_slice %arg6[%add3A_41, %dma_wait3A] : memref<10240x128xf32, #tpu.memory_space<vmem_shared>> -> memref<128x128xf32, #tpu.memory_space<vmem_shared>>
      %dma_wait3A_50 = arith.constant 0 : i32
      %dma_wait3A_51 = tpu.memref_slice %arg6[%add3A_41, %dma_wait3A_50] : memref<10240x128xf32, #tpu.memory_space<vmem_shared>> -> memref<128x128xf32, #tpu.memory_space<vmem_shared>>
      tpu.wait_dma2 semaphore(%run_scoped3A : memref<!tpu.dma_semaphore, #tpu.memory_space<semaphore_mem>>) src(%dma_wait3A_51 : memref<128x128xf32, #tpu.memory_space<vmem_shared>>) dst(%arg8 : memref<128x128xf32, #tpu.memory_space<vmem>>)
      tpu.yield
    }) : () -> ()
    "tpu.region"() ({
      %run_scoped3A = tpu.sem_alloc : memref<!tpu.dma_semaphore, #tpu.memory_space<semaphore_mem>>
      %dma_start3A = arith.constant 0 : i32
      %dma_start3A_46 = tpu.memref_slice %arg5[%arg0, %add3A_41, %dma_start3A] : memref<2x10240x128xf32, #tpu.memory_space<hbm>> -> memref<1x128x128xf32, #tpu.memory_space<hbm>>
      %dma_start3A_47 = tpu.memref_squeeze %dma_start3A_46 : memref<1x128x128xf32, #tpu.memory_space<hbm>> -> memref<128x128xf32, #tpu.memory_space<hbm>>
      %dma_start3A_48 = arith.constant 0 : i32
      %dma_start3A_49 = tpu.memref_slice %arg5[%arg0, %add3A_41, %dma_start3A_48] : memref<2x10240x128xf32, #tpu.memory_space<hbm>> -> memref<1x128x128xf32, #tpu.memory_space<hbm>>
      %dma_start3A_50 = tpu.memref_squeeze %dma_start3A_49 : memref<1x128x128xf32, #tpu.memory_space<hbm>> -> memref<128x128xf32, #tpu.memory_space<hbm>>
      tpu.enqueue_dma source(%arg8 : memref<128x128xf32, #tpu.memory_space<vmem>>) target(%dma_start3A_50 : memref<128x128xf32, #tpu.memory_space<hbm>>) target_semaphore(%run_scoped3A : memref<!tpu.dma_semaphore, #tpu.memory_space<semaphore_mem>>)
      %dma_wait3A = arith.constant 0 : i32
      %dma_wait3A_51 = tpu.memref_slice %arg5[%arg0, %add3A_41, %dma_wait3A] : memref<2x10240x128xf32, #tpu.memory_space<hbm>> -> memref<1x128x128xf32, #tpu.memory_space<hbm>>
      %dma_wait3A_52 = tpu.memref_squeeze %dma_wait3A_51 : memref<1x128x128xf32, #tpu.memory_space<hbm>> -> memref<128x128xf32, #tpu.memory_space<hbm>>
      %dma_wait3A_53 = arith.constant 0 : i32
      %dma_wait3A_54 = tpu.memref_slice %arg5[%arg0, %add3A_41, %dma_wait3A_53] : memref<2x10240x128xf32, #tpu.memory_space<hbm>> -> memref<1x128x128xf32, #tpu.memory_space<hbm>>
      %dma_wait3A_55 = tpu.memref_squeeze %dma_wait3A_54 : memref<1x128x128xf32, #tpu.memory_space<hbm>> -> memref<128x128xf32, #tpu.memory_space<hbm>>
      tpu.wait_dma2 semaphore(%run_scoped3A : memref<!tpu.dma_semaphore, #tpu.memory_space<semaphore_mem>>) src(%arg8 : memref<128x128xf32, #tpu.memory_space<vmem>>) dst(%dma_wait3A_55 : memref<128x128xf32, #tpu.memory_space<hbm>>)
      tpu.yield
    }) : () -> ()
    %mul3A_42 = arith.constant 640 : i32
    %mul3A_43 = arith.muli %arg1, %mul3A_42 : i32
    %add3A_44 = arith.constant 512 : i32
    %add3A_45 = arith.addi %mul3A_43, %add3A_44 : i32
    "tpu.region"() ({
      %run_scoped3A = tpu.sem_alloc : memref<!tpu.dma_semaphore, #tpu.memory_space<semaphore_mem>>
      %dma_start3A = arith.constant 0 : i32
      %dma_start3A_46 = tpu.memref_slice %arg6[%add3A_45, %dma_start3A] : memref<10240x128xf32, #tpu.memory_space<vmem_shared>> -> memref<128x128xf32, #tpu.memory_space<vmem_shared>>
      %dma_start3A_47 = arith.constant 0 : i32
      %dma_start3A_48 = tpu.memref_slice %arg6[%add3A_45, %dma_start3A_47] : memref<10240x128xf32, #tpu.memory_space<vmem_shared>> -> memref<128x128xf32, #tpu.memory_space<vmem_shared>>
      tpu.enqueue_dma source(%dma_start3A_48 : memref<128x128xf32, #tpu.memory_space<vmem_shared>>) target(%arg8 : memref<128x128xf32, #tpu.memory_space<vmem>>) target_semaphore(%run_scoped3A : memref<!tpu.dma_semaphore, #tpu.memory_space<semaphore_mem>>)
      %dma_wait3A = arith.constant 0 : i32
      %dma_wait3A_49 = tpu.memref_slice %arg6[%add3A_45, %dma_wait3A] : memref<10240x128xf32, #tpu.memory_space<vmem_shared>> -> memref<128x128xf32, #tpu.memory_space<vmem_shared>>
      %dma_wait3A_50 = arith.constant 0 : i32
      %dma_wait3A_51 = tpu.memref_slice %arg6[%add3A_45, %dma_wait3A_50] : memref<10240x128xf32, #tpu.memory_space<vmem_shared>> -> memref<128x128xf32, #tpu.memory_space<vmem_shared>>
      tpu.wait_dma2 semaphore(%run_scoped3A : memref<!tpu.dma_semaphore, #tpu.memory_space<semaphore_mem>>) src(%dma_wait3A_51 : memref<128x128xf32, #tpu.memory_space<vmem_shared>>) dst(%arg8 : memref<128x128xf32, #tpu.memory_space<vmem>>)
      tpu.yield
    }) : () -> ()
    "tpu.region"() ({
      %run_scoped3A = tpu.sem_alloc : memref<!tpu.dma_semaphore, #tpu.memory_space<semaphore_mem>>
      %dma_start3A = arith.constant 0 : i32
      %dma_start3A_46 = tpu.memref_slice %arg5[%arg0, %add3A_45, %dma_start3A] : memref<2x10240x128xf32, #tpu.memory_space<hbm>> -> memref<1x128x128xf32, #tpu.memory_space<hbm>>
      %dma_start3A_47 = tpu.memref_squeeze %dma_start3A_46 : memref<1x128x128xf32, #tpu.memory_space<hbm>> -> memref<128x128xf32, #tpu.memory_space<hbm>>
      %dma_start3A_48 = arith.constant 0 : i32
      %dma_start3A_49 = tpu.memref_slice %arg5[%arg0, %add3A_45, %dma_start3A_48] : memref<2x10240x128xf32, #tpu.memory_space<hbm>> -> memref<1x128x128xf32, #tpu.memory_space<hbm>>
      %dma_start3A_50 = tpu.memref_squeeze %dma_start3A_49 : memref<1x128x128xf32, #tpu.memory_space<hbm>> -> memref<128x128xf32, #tpu.memory_space<hbm>>
      tpu.enqueue_dma source(%arg8 : memref<128x128xf32, #tpu.memory_space<vmem>>) target(%dma_start3A_50 : memref<128x128xf32, #tpu.memory_space<hbm>>) target_semaphore(%run_scoped3A : memref<!tpu.dma_semaphore, #tpu.memory_space<semaphore_mem>>)
      %dma_wait3A = arith.constant 0 : i32
      %dma_wait3A_51 = tpu.memref_slice %arg5[%arg0, %add3A_45, %dma_wait3A] : memref<2x10240x128xf32, #tpu.memory_space<hbm>> -> memref<1x128x128xf32, #tpu.memory_space<hbm>>
      %dma_wait3A_52 = tpu.memref_squeeze %dma_wait3A_51 : memref<1x128x128xf32, #tpu.memory_space<hbm>> -> memref<128x128xf32, #tpu.memory_space<hbm>>
      %dma_wait3A_53 = arith.constant 0 : i32
      %dma_wait3A_54 = tpu.memref_slice %arg5[%arg0, %add3A_45, %dma_wait3A_53] : memref<2x10240x128xf32, #tpu.memory_space<hbm>> -> memref<1x128x128xf32, #tpu.memory_space<hbm>>
      %dma_wait3A_55 = tpu.memref_squeeze %dma_wait3A_54 : memref<1x128x128xf32, #tpu.memory_space<hbm>> -> memref<128x128xf32, #tpu.memory_space<hbm>>
      tpu.wait_dma2 semaphore(%run_scoped3A : memref<!tpu.dma_semaphore, #tpu.memory_space<semaphore_mem>>) src(%arg8 : memref<128x128xf32, #tpu.memory_space<vmem>>) dst(%dma_wait3A_55 : memref<128x128xf32, #tpu.memory_space<hbm>>)
      tpu.yield
    }) : () -> ()
    return
  }
}

#map = affine_map<(d0, d1) -> (0, 0)>
#map1 = affine_map<(d0, d1) -> (0, 0, 0)>
module attributes {stable_mosaic.version = 14 : i64} {
  func.func @_sc_gather_body(%arg0: i32, %arg1: i32, %arg2: memref<10240x128xf32, #tpu.memory_space<hbm>>, %arg3: memref<32x80x128xi32, #tpu.memory_space<hbm>>, %arg4: memref<32x80x128xi32, #tpu.memory_space<hbm>>, %arg5: memref<128x128xf32, #tpu.memory_space<hbm>>, %arg6: memref<2x10240x128xf32, #tpu.memory_space<hbm>>, %arg7: memref<10240x128xf32, #tpu.memory_space<vmem_shared>>, %arg8: memref<8x128xi32, #tpu.memory_space<vmem>>, %arg9: memref<8x128xi32, #tpu.memory_space<vmem>>, %arg10: memref<128x128xf32, #tpu.memory_space<vmem>>, %arg11: memref<128x128xf32, #tpu.memory_space<vmem>>, %arg12: memref<!tpu.dma_semaphore, #tpu.memory_space<semaphore_mem>>, %arg13: memref<!tpu.dma_semaphore, #tpu.memory_space<semaphore_mem>>, %arg14: memref<!tpu.dma_semaphore, #tpu.memory_space<semaphore_mem>>, %arg15: memref<!tpu.dma_semaphore, #tpu.memory_space<semaphore_mem>>) attributes {dimension_semantics = [#tpu.dimension_semantics<core_parallel>, #tpu.dimension_semantics<subcore_parallel>], iteration_bounds = array<i64: 2, 16>, scalar_prefetch = 0 : i64, scratch_operands = 9 : i64, tpu.core_type = #tpu.core_type<sc_vector_subcore>, window_params = [{transform_indices = #map}, {transform_indices = #map1}, {transform_indices = #map1}, {transform_indices = #map}, {transform_indices = #map1}]} {
    %mul3A = arith.constant 2 : i32
    %mul3A_0 = arith.muli %arg1, %mul3A : i32
    %add3A = arith.addi %mul3A_0, %arg0 : i32
    "tpu.region"() ({
      %run_scoped3A = tpu.sem_alloc : memref<!tpu.dma_semaphore, #tpu.memory_space<semaphore_mem>>
      tpu.enqueue_dma source(%arg5 : memref<128x128xf32, #tpu.memory_space<hbm>>) target(%arg10 : memref<128x128xf32, #tpu.memory_space<vmem>>) target_semaphore(%run_scoped3A : memref<!tpu.dma_semaphore, #tpu.memory_space<semaphore_mem>>)
      tpu.wait_dma2 semaphore(%run_scoped3A : memref<!tpu.dma_semaphore, #tpu.memory_space<semaphore_mem>>) src(%arg5 : memref<128x128xf32, #tpu.memory_space<hbm>>) dst(%arg10 : memref<128x128xf32, #tpu.memory_space<vmem>>)
      tpu.yield
    }) : () -> ()
    %mul3A_1 = arith.constant 640 : i32
    %mul3A_2 = arith.muli %arg1, %mul3A_1 : i32
    %add3A_3 = arith.constant 0 : i32
    %add3A_4 = arith.addi %mul3A_2, %add3A_3 : i32
    "tpu.region"() ({
      %run_scoped3A = tpu.sem_alloc : memref<!tpu.dma_semaphore, #tpu.memory_space<semaphore_mem>>
      %dma_start3A = arith.constant 0 : i32
      %dma_start3A_46 = tpu.memref_slice %arg7[%add3A_4, %dma_start3A] : memref<10240x128xf32, #tpu.memory_space<vmem_shared>> -> memref<128x128xf32, #tpu.memory_space<vmem_shared>>
      %dma_start3A_47 = arith.constant 0 : i32
      %dma_start3A_48 = tpu.memref_slice %arg7[%add3A_4, %dma_start3A_47] : memref<10240x128xf32, #tpu.memory_space<vmem_shared>> -> memref<128x128xf32, #tpu.memory_space<vmem_shared>>
      tpu.enqueue_dma source(%arg10 : memref<128x128xf32, #tpu.memory_space<vmem>>) target(%dma_start3A_48 : memref<128x128xf32, #tpu.memory_space<vmem_shared>>) target_semaphore(%run_scoped3A : memref<!tpu.dma_semaphore, #tpu.memory_space<semaphore_mem>>)
      %dma_wait3A = arith.constant 0 : i32
      %dma_wait3A_49 = tpu.memref_slice %arg7[%add3A_4, %dma_wait3A] : memref<10240x128xf32, #tpu.memory_space<vmem_shared>> -> memref<128x128xf32, #tpu.memory_space<vmem_shared>>
      %dma_wait3A_50 = arith.constant 0 : i32
      %dma_wait3A_51 = tpu.memref_slice %arg7[%add3A_4, %dma_wait3A_50] : memref<10240x128xf32, #tpu.memory_space<vmem_shared>> -> memref<128x128xf32, #tpu.memory_space<vmem_shared>>
      tpu.wait_dma2 semaphore(%run_scoped3A : memref<!tpu.dma_semaphore, #tpu.memory_space<semaphore_mem>>) src(%arg10 : memref<128x128xf32, #tpu.memory_space<vmem>>) dst(%dma_wait3A_51 : memref<128x128xf32, #tpu.memory_space<vmem_shared>>)
      tpu.yield
    }) : () -> ()
    %mul3A_5 = arith.constant 640 : i32
    %mul3A_6 = arith.muli %arg1, %mul3A_5 : i32
    %add3A_7 = arith.constant 128 : i32
    %add3A_8 = arith.addi %mul3A_6, %add3A_7 : i32
    "tpu.region"() ({
      %run_scoped3A = tpu.sem_alloc : memref<!tpu.dma_semaphore, #tpu.memory_space<semaphore_mem>>
      %dma_start3A = arith.constant 0 : i32
      %dma_start3A_46 = tpu.memref_slice %arg7[%add3A_8, %dma_start3A] : memref<10240x128xf32, #tpu.memory_space<vmem_shared>> -> memref<128x128xf32, #tpu.memory_space<vmem_shared>>
      %dma_start3A_47 = arith.constant 0 : i32
      %dma_start3A_48 = tpu.memref_slice %arg7[%add3A_8, %dma_start3A_47] : memref<10240x128xf32, #tpu.memory_space<vmem_shared>> -> memref<128x128xf32, #tpu.memory_space<vmem_shared>>
      tpu.enqueue_dma source(%arg10 : memref<128x128xf32, #tpu.memory_space<vmem>>) target(%dma_start3A_48 : memref<128x128xf32, #tpu.memory_space<vmem_shared>>) target_semaphore(%run_scoped3A : memref<!tpu.dma_semaphore, #tpu.memory_space<semaphore_mem>>)
      %dma_wait3A = arith.constant 0 : i32
      %dma_wait3A_49 = tpu.memref_slice %arg7[%add3A_8, %dma_wait3A] : memref<10240x128xf32, #tpu.memory_space<vmem_shared>> -> memref<128x128xf32, #tpu.memory_space<vmem_shared>>
      %dma_wait3A_50 = arith.constant 0 : i32
      %dma_wait3A_51 = tpu.memref_slice %arg7[%add3A_8, %dma_wait3A_50] : memref<10240x128xf32, #tpu.memory_space<vmem_shared>> -> memref<128x128xf32, #tpu.memory_space<vmem_shared>>
      tpu.wait_dma2 semaphore(%run_scoped3A : memref<!tpu.dma_semaphore, #tpu.memory_space<semaphore_mem>>) src(%arg10 : memref<128x128xf32, #tpu.memory_space<vmem>>) dst(%dma_wait3A_51 : memref<128x128xf32, #tpu.memory_space<vmem_shared>>)
      tpu.yield
    }) : () -> ()
    %mul3A_9 = arith.constant 640 : i32
    %mul3A_10 = arith.muli %arg1, %mul3A_9 : i32
    %add3A_11 = arith.constant 256 : i32
    %add3A_12 = arith.addi %mul3A_10, %add3A_11 : i32
    "tpu.region"() ({
      %run_scoped3A = tpu.sem_alloc : memref<!tpu.dma_semaphore, #tpu.memory_space<semaphore_mem>>
      %dma_start3A = arith.constant 0 : i32
      %dma_start3A_46 = tpu.memref_slice %arg7[%add3A_12, %dma_start3A] : memref<10240x128xf32, #tpu.memory_space<vmem_shared>> -> memref<128x128xf32, #tpu.memory_space<vmem_shared>>
      %dma_start3A_47 = arith.constant 0 : i32
      %dma_start3A_48 = tpu.memref_slice %arg7[%add3A_12, %dma_start3A_47] : memref<10240x128xf32, #tpu.memory_space<vmem_shared>> -> memref<128x128xf32, #tpu.memory_space<vmem_shared>>
      tpu.enqueue_dma source(%arg10 : memref<128x128xf32, #tpu.memory_space<vmem>>) target(%dma_start3A_48 : memref<128x128xf32, #tpu.memory_space<vmem_shared>>) target_semaphore(%run_scoped3A : memref<!tpu.dma_semaphore, #tpu.memory_space<semaphore_mem>>)
      %dma_wait3A = arith.constant 0 : i32
      %dma_wait3A_49 = tpu.memref_slice %arg7[%add3A_12, %dma_wait3A] : memref<10240x128xf32, #tpu.memory_space<vmem_shared>> -> memref<128x128xf32, #tpu.memory_space<vmem_shared>>
      %dma_wait3A_50 = arith.constant 0 : i32
      %dma_wait3A_51 = tpu.memref_slice %arg7[%add3A_12, %dma_wait3A_50] : memref<10240x128xf32, #tpu.memory_space<vmem_shared>> -> memref<128x128xf32, #tpu.memory_space<vmem_shared>>
      tpu.wait_dma2 semaphore(%run_scoped3A : memref<!tpu.dma_semaphore, #tpu.memory_space<semaphore_mem>>) src(%arg10 : memref<128x128xf32, #tpu.memory_space<vmem>>) dst(%dma_wait3A_51 : memref<128x128xf32, #tpu.memory_space<vmem_shared>>)
      tpu.yield
    }) : () -> ()
    %mul3A_13 = arith.constant 640 : i32
    %mul3A_14 = arith.muli %arg1, %mul3A_13 : i32
    %add3A_15 = arith.constant 384 : i32
    %add3A_16 = arith.addi %mul3A_14, %add3A_15 : i32
    "tpu.region"() ({
      %run_scoped3A = tpu.sem_alloc : memref<!tpu.dma_semaphore, #tpu.memory_space<semaphore_mem>>
      %dma_start3A = arith.constant 0 : i32
      %dma_start3A_46 = tpu.memref_slice %arg7[%add3A_16, %dma_start3A] : memref<10240x128xf32, #tpu.memory_space<vmem_shared>> -> memref<128x128xf32, #tpu.memory_space<vmem_shared>>
      %dma_start3A_47 = arith.constant 0 : i32
      %dma_start3A_48 = tpu.memref_slice %arg7[%add3A_16, %dma_start3A_47] : memref<10240x128xf32, #tpu.memory_space<vmem_shared>> -> memref<128x128xf32, #tpu.memory_space<vmem_shared>>
      tpu.enqueue_dma source(%arg10 : memref<128x128xf32, #tpu.memory_space<vmem>>) target(%dma_start3A_48 : memref<128x128xf32, #tpu.memory_space<vmem_shared>>) target_semaphore(%run_scoped3A : memref<!tpu.dma_semaphore, #tpu.memory_space<semaphore_mem>>)
      %dma_wait3A = arith.constant 0 : i32
      %dma_wait3A_49 = tpu.memref_slice %arg7[%add3A_16, %dma_wait3A] : memref<10240x128xf32, #tpu.memory_space<vmem_shared>> -> memref<128x128xf32, #tpu.memory_space<vmem_shared>>
      %dma_wait3A_50 = arith.constant 0 : i32
      %dma_wait3A_51 = tpu.memref_slice %arg7[%add3A_16, %dma_wait3A_50] : memref<10240x128xf32, #tpu.memory_space<vmem_shared>> -> memref<128x128xf32, #tpu.memory_space<vmem_shared>>
      tpu.wait_dma2 semaphore(%run_scoped3A : memref<!tpu.dma_semaphore, #tpu.memory_space<semaphore_mem>>) src(%arg10 : memref<128x128xf32, #tpu.memory_space<vmem>>) dst(%dma_wait3A_51 : memref<128x128xf32, #tpu.memory_space<vmem_shared>>)
      tpu.yield
    }) : () -> ()
    %mul3A_17 = arith.constant 640 : i32
    %mul3A_18 = arith.muli %arg1, %mul3A_17 : i32
    %add3A_19 = arith.constant 512 : i32
    %add3A_20 = arith.addi %mul3A_18, %add3A_19 : i32
    "tpu.region"() ({
      %run_scoped3A = tpu.sem_alloc : memref<!tpu.dma_semaphore, #tpu.memory_space<semaphore_mem>>
      %dma_start3A = arith.constant 0 : i32
      %dma_start3A_46 = tpu.memref_slice %arg7[%add3A_20, %dma_start3A] : memref<10240x128xf32, #tpu.memory_space<vmem_shared>> -> memref<128x128xf32, #tpu.memory_space<vmem_shared>>
      %dma_start3A_47 = arith.constant 0 : i32
      %dma_start3A_48 = tpu.memref_slice %arg7[%add3A_20, %dma_start3A_47] : memref<10240x128xf32, #tpu.memory_space<vmem_shared>> -> memref<128x128xf32, #tpu.memory_space<vmem_shared>>
      tpu.enqueue_dma source(%arg10 : memref<128x128xf32, #tpu.memory_space<vmem>>) target(%dma_start3A_48 : memref<128x128xf32, #tpu.memory_space<vmem_shared>>) target_semaphore(%run_scoped3A : memref<!tpu.dma_semaphore, #tpu.memory_space<semaphore_mem>>)
      %dma_wait3A = arith.constant 0 : i32
      %dma_wait3A_49 = tpu.memref_slice %arg7[%add3A_20, %dma_wait3A] : memref<10240x128xf32, #tpu.memory_space<vmem_shared>> -> memref<128x128xf32, #tpu.memory_space<vmem_shared>>
      %dma_wait3A_50 = arith.constant 0 : i32
      %dma_wait3A_51 = tpu.memref_slice %arg7[%add3A_20, %dma_wait3A_50] : memref<10240x128xf32, #tpu.memory_space<vmem_shared>> -> memref<128x128xf32, #tpu.memory_space<vmem_shared>>
      tpu.wait_dma2 semaphore(%run_scoped3A : memref<!tpu.dma_semaphore, #tpu.memory_space<semaphore_mem>>) src(%arg10 : memref<128x128xf32, #tpu.memory_space<vmem>>) dst(%dma_wait3A_51 : memref<128x128xf32, #tpu.memory_space<vmem_shared>>)
      tpu.yield
    }) : () -> ()
    %barrier3A = arith.constant 0 : index
    tpu.barrier barrier_id(%barrier3A)
    %scan3A = arith.constant 0 : i32
    %scan3A_21 = arith.constant 10 : i32
    %scan3A_22 = arith.addi %scan3A, %scan3A_21 : i32
    %scan3A_23 = arith.constant 1 : i32
    scf.for %scan3A_46 = %scan3A to %scan3A_22 step %scan3A_23  : i32 {
      %mul3A_47 = arith.constant 1 : i32
      %mul3A_48 = arith.muli %scan3A_46, %mul3A_47 : i32
      %add3A_49 = arith.constant 0 : i32
      %add3A_50 = arith.addi %add3A_49, %mul3A_48 : i32
      %mul3A_51 = arith.constant 8 : i32
      %mul3A_52 = arith.muli %add3A_50, %mul3A_51 : i32
      "tpu.region"() ({
        %run_scoped3A = tpu.sem_alloc : memref<!tpu.dma_semaphore, #tpu.memory_space<semaphore_mem>>
        %dma_start3A_277 = arith.constant 0 : i32
        %dma_start3A_278 = tpu.memref_slice %arg3[%add3A, %mul3A_52, %dma_start3A_277] : memref<32x80x128xi32, #tpu.memory_space<hbm>> -> memref<1x8x128xi32, #tpu.memory_space<hbm>>
        %dma_start3A_279 = tpu.memref_squeeze %dma_start3A_278 : memref<1x8x128xi32, #tpu.memory_space<hbm>> -> memref<8x128xi32, #tpu.memory_space<hbm>>
        %dma_start3A_280 = arith.constant 0 : i32
        %dma_start3A_281 = tpu.memref_slice %arg3[%add3A, %mul3A_52, %dma_start3A_280] : memref<32x80x128xi32, #tpu.memory_space<hbm>> -> memref<1x8x128xi32, #tpu.memory_space<hbm>>
        %dma_start3A_282 = tpu.memref_squeeze %dma_start3A_281 : memref<1x8x128xi32, #tpu.memory_space<hbm>> -> memref<8x128xi32, #tpu.memory_space<hbm>>
        tpu.enqueue_dma source(%dma_start3A_282 : memref<8x128xi32, #tpu.memory_space<hbm>>) target(%arg8 : memref<8x128xi32, #tpu.memory_space<vmem>>) target_semaphore(%run_scoped3A : memref<!tpu.dma_semaphore, #tpu.memory_space<semaphore_mem>>)
        %dma_wait3A_283 = arith.constant 0 : i32
        %dma_wait3A_284 = tpu.memref_slice %arg3[%add3A, %mul3A_52, %dma_wait3A_283] : memref<32x80x128xi32, #tpu.memory_space<hbm>> -> memref<1x8x128xi32, #tpu.memory_space<hbm>>
        %dma_wait3A_285 = tpu.memref_squeeze %dma_wait3A_284 : memref<1x8x128xi32, #tpu.memory_space<hbm>> -> memref<8x128xi32, #tpu.memory_space<hbm>>
        %dma_wait3A_286 = arith.constant 0 : i32
        %dma_wait3A_287 = tpu.memref_slice %arg3[%add3A, %mul3A_52, %dma_wait3A_286] : memref<32x80x128xi32, #tpu.memory_space<hbm>> -> memref<1x8x128xi32, #tpu.memory_space<hbm>>
        %dma_wait3A_288 = tpu.memref_squeeze %dma_wait3A_287 : memref<1x8x128xi32, #tpu.memory_space<hbm>> -> memref<8x128xi32, #tpu.memory_space<hbm>>
        tpu.wait_dma2 semaphore(%run_scoped3A : memref<!tpu.dma_semaphore, #tpu.memory_space<semaphore_mem>>) src(%dma_wait3A_288 : memref<8x128xi32, #tpu.memory_space<hbm>>) dst(%arg8 : memref<8x128xi32, #tpu.memory_space<vmem>>)
        tpu.yield
      }) : () -> ()
      %mul3A_53 = arith.constant 8 : i32
      %mul3A_54 = arith.muli %add3A_50, %mul3A_53 : i32
      "tpu.region"() ({
        %run_scoped3A = tpu.sem_alloc : memref<!tpu.dma_semaphore, #tpu.memory_space<semaphore_mem>>
        %dma_start3A_277 = arith.constant 0 : i32
        %dma_start3A_278 = tpu.memref_slice %arg4[%add3A, %mul3A_54, %dma_start3A_277] : memref<32x80x128xi32, #tpu.memory_space<hbm>> -> memref<1x8x128xi32, #tpu.memory_space<hbm>>
        %dma_start3A_279 = tpu.memref_squeeze %dma_start3A_278 : memref<1x8x128xi32, #tpu.memory_space<hbm>> -> memref<8x128xi32, #tpu.memory_space<hbm>>
        %dma_start3A_280 = arith.constant 0 : i32
        %dma_start3A_281 = tpu.memref_slice %arg4[%add3A, %mul3A_54, %dma_start3A_280] : memref<32x80x128xi32, #tpu.memory_space<hbm>> -> memref<1x8x128xi32, #tpu.memory_space<hbm>>
        %dma_start3A_282 = tpu.memref_squeeze %dma_start3A_281 : memref<1x8x128xi32, #tpu.memory_space<hbm>> -> memref<8x128xi32, #tpu.memory_space<hbm>>
        tpu.enqueue_dma source(%dma_start3A_282 : memref<8x128xi32, #tpu.memory_space<hbm>>) target(%arg9 : memref<8x128xi32, #tpu.memory_space<vmem>>) target_semaphore(%run_scoped3A : memref<!tpu.dma_semaphore, #tpu.memory_space<semaphore_mem>>)
        %dma_wait3A_283 = arith.constant 0 : i32
        %dma_wait3A_284 = tpu.memref_slice %arg4[%add3A, %mul3A_54, %dma_wait3A_283] : memref<32x80x128xi32, #tpu.memory_space<hbm>> -> memref<1x8x128xi32, #tpu.memory_space<hbm>>
        %dma_wait3A_285 = tpu.memref_squeeze %dma_wait3A_284 : memref<1x8x128xi32, #tpu.memory_space<hbm>> -> memref<8x128xi32, #tpu.memory_space<hbm>>
        %dma_wait3A_286 = arith.constant 0 : i32
        %dma_wait3A_287 = tpu.memref_slice %arg4[%add3A, %mul3A_54, %dma_wait3A_286] : memref<32x80x128xi32, #tpu.memory_space<hbm>> -> memref<1x8x128xi32, #tpu.memory_space<hbm>>
        %dma_wait3A_288 = tpu.memref_squeeze %dma_wait3A_287 : memref<1x8x128xi32, #tpu.memory_space<hbm>> -> memref<8x128xi32, #tpu.memory_space<hbm>>
        tpu.wait_dma2 semaphore(%run_scoped3A : memref<!tpu.dma_semaphore, #tpu.memory_space<semaphore_mem>>) src(%dma_wait3A_288 : memref<8x128xi32, #tpu.memory_space<hbm>>) dst(%arg9 : memref<8x128xi32, #tpu.memory_space<vmem>>)
        tpu.yield
      }) : () -> ()
      %dma_start3A = arith.constant 0 : i32
      %dma_start3A_55 = arith.constant 0 : i32
      %dma_start3A_56 = tpu.memref_slice %arg8[%dma_start3A, %dma_start3A_55] : memref<8x128xi32, #tpu.memory_space<vmem>> -> memref<1x128xi32, #tpu.memory_space<vmem>>
      %dma_start3A_57 = tpu.memref_squeeze %dma_start3A_56 : memref<1x128xi32, #tpu.memory_space<vmem>> -> memref<128xi32, #tpu.memory_space<vmem>>
      %dma_start3A_58 = arith.constant 0 : i32
      %dma_start3A_59 = arith.constant 0 : i32
      %dma_start3A_60 = tpu.memref_slice %arg2[%dma_start3A_58, %dma_start3A_59] : memref<10240x128xf32, #tpu.memory_space<hbm>> -> memref<10240x128xf32, #tpu.memory_space<hbm>>
      tpu.enqueue_indirect_dma source(%dma_start3A_60 : memref<10240x128xf32, #tpu.memory_space<hbm>>) target(%arg10 : memref<128x128xf32, #tpu.memory_space<vmem>>) offsets(%dma_start3A_57 : memref<128xi32, #tpu.memory_space<vmem>>) semaphore(%arg12 : memref<!tpu.dma_semaphore, #tpu.memory_space<semaphore_mem>>)
      %dma_start3A_61 = arith.constant 1 : i32
      %dma_start3A_62 = arith.constant 0 : i32
      %dma_start3A_63 = tpu.memref_slice %arg8[%dma_start3A_61, %dma_start3A_62] : memref<8x128xi32, #tpu.memory_space<vmem>> -> memref<1x128xi32, #tpu.memory_space<vmem>>
      %dma_start3A_64 = tpu.memref_squeeze %dma_start3A_63 : memref<1x128xi32, #tpu.memory_space<vmem>> -> memref<128xi32, #tpu.memory_space<vmem>>
      %dma_start3A_65 = arith.constant 0 : i32
      %dma_start3A_66 = arith.constant 0 : i32
      %dma_start3A_67 = tpu.memref_slice %arg2[%dma_start3A_65, %dma_start3A_66] : memref<10240x128xf32, #tpu.memory_space<hbm>> -> memref<10240x128xf32, #tpu.memory_space<hbm>>
      tpu.enqueue_indirect_dma source(%dma_start3A_67 : memref<10240x128xf32, #tpu.memory_space<hbm>>) target(%arg11 : memref<128x128xf32, #tpu.memory_space<vmem>>) offsets(%dma_start3A_64 : memref<128xi32, #tpu.memory_space<vmem>>) semaphore(%arg13 : memref<!tpu.dma_semaphore, #tpu.memory_space<semaphore_mem>>)
      %dma_wait3A = arith.constant 0 : i32
      %dma_wait3A_68 = arith.constant 0 : i32
      %dma_wait3A_69 = tpu.memref_slice %arg8[%dma_wait3A, %dma_wait3A_68] : memref<8x128xi32, #tpu.memory_space<vmem>> -> memref<1x128xi32, #tpu.memory_space<vmem>>
      %dma_wait3A_70 = tpu.memref_squeeze %dma_wait3A_69 : memref<1x128xi32, #tpu.memory_space<vmem>> -> memref<128xi32, #tpu.memory_space<vmem>>
      %dma_wait3A_71 = arith.constant 0 : i32
      %dma_wait3A_72 = arith.constant 0 : i32
      %dma_wait3A_73 = tpu.memref_slice %arg2[%dma_wait3A_71, %dma_wait3A_72] : memref<10240x128xf32, #tpu.memory_space<hbm>> -> memref<10240x128xf32, #tpu.memory_space<hbm>>
      tpu.wait_indirect_dma semaphore(%arg12 : memref<!tpu.dma_semaphore, #tpu.memory_space<semaphore_mem>>) src(%dma_wait3A_73 : memref<10240x128xf32, #tpu.memory_space<hbm>>) dst(%arg10 : memref<128x128xf32, #tpu.memory_space<vmem>>)
      %dma_start3A_74 = arith.constant 0 : i32
      %dma_start3A_75 = arith.constant 0 : i32
      %dma_start3A_76 = tpu.memref_slice %arg9[%dma_start3A_74, %dma_start3A_75] : memref<8x128xi32, #tpu.memory_space<vmem>> -> memref<1x128xi32, #tpu.memory_space<vmem>>
      %dma_start3A_77 = tpu.memref_squeeze %dma_start3A_76 : memref<1x128xi32, #tpu.memory_space<vmem>> -> memref<128xi32, #tpu.memory_space<vmem>>
      %dma_start3A_78 = arith.constant 0 : i32
      %dma_start3A_79 = arith.constant 0 : i32
      %dma_start3A_80 = tpu.memref_slice %arg7[%dma_start3A_78, %dma_start3A_79] : memref<10240x128xf32, #tpu.memory_space<vmem_shared>> -> memref<10240x128xf32, #tpu.memory_space<vmem_shared>>
      tpu.enqueue_indirect_dma source(%arg10 : memref<128x128xf32, #tpu.memory_space<vmem>>) target(%dma_start3A_80 : memref<10240x128xf32, #tpu.memory_space<vmem_shared>>) offsets(%dma_start3A_77 : memref<128xi32, #tpu.memory_space<vmem>>) semaphore(%arg14 : memref<!tpu.dma_semaphore, #tpu.memory_space<semaphore_mem>>) {add = true}
      %dma_wait3A_81 = arith.constant 0 : i32
      %dma_wait3A_82 = arith.constant 0 : i32
      %dma_wait3A_83 = tpu.memref_slice %arg9[%dma_wait3A_81, %dma_wait3A_82] : memref<8x128xi32, #tpu.memory_space<vmem>> -> memref<1x128xi32, #tpu.memory_space<vmem>>
      %dma_wait3A_84 = tpu.memref_squeeze %dma_wait3A_83 : memref<1x128xi32, #tpu.memory_space<vmem>> -> memref<128xi32, #tpu.memory_space<vmem>>
      %dma_wait3A_85 = arith.constant 0 : i32
      %dma_wait3A_86 = arith.constant 0 : i32
      %dma_wait3A_87 = tpu.memref_slice %arg7[%dma_wait3A_85, %dma_wait3A_86] : memref<10240x128xf32, #tpu.memory_space<vmem_shared>> -> memref<10240x128xf32, #tpu.memory_space<vmem_shared>>
      tpu.wait_indirect_dma semaphore(%arg14 : memref<!tpu.dma_semaphore, #tpu.memory_space<semaphore_mem>>) src(%arg10 : memref<128x128xf32, #tpu.memory_space<vmem>>) dst(%dma_wait3A_87 : memref<10240x128xf32, #tpu.memory_space<vmem_shared>>)
      %dma_start3A_88 = arith.constant 2 : i32
      %dma_start3A_89 = arith.constant 0 : i32
      %dma_start3A_90 = tpu.memref_slice %arg8[%dma_start3A_88, %dma_start3A_89] : memref<8x128xi32, #tpu.memory_space<vmem>> -> memref<1x128xi32, #tpu.memory_space<vmem>>
      %dma_start3A_91 = tpu.memref_squeeze %dma_start3A_90 : memref<1x128xi32, #tpu.memory_space<vmem>> -> memref<128xi32, #tpu.memory_space<vmem>>
      %dma_start3A_92 = arith.constant 0 : i32
      %dma_start3A_93 = arith.constant 0 : i32
      %dma_start3A_94 = tpu.memref_slice %arg2[%dma_start3A_92, %dma_start3A_93] : memref<10240x128xf32, #tpu.memory_space<hbm>> -> memref<10240x128xf32, #tpu.memory_space<hbm>>
      tpu.enqueue_indirect_dma source(%dma_start3A_94 : memref<10240x128xf32, #tpu.memory_space<hbm>>) target(%arg10 : memref<128x128xf32, #tpu.memory_space<vmem>>) offsets(%dma_start3A_91 : memref<128xi32, #tpu.memory_space<vmem>>) semaphore(%arg12 : memref<!tpu.dma_semaphore, #tpu.memory_space<semaphore_mem>>)
      %dma_wait3A_95 = arith.constant 1 : i32
      %dma_wait3A_96 = arith.constant 0 : i32
      %dma_wait3A_97 = tpu.memref_slice %arg8[%dma_wait3A_95, %dma_wait3A_96] : memref<8x128xi32, #tpu.memory_space<vmem>> -> memref<1x128xi32, #tpu.memory_space<vmem>>
      %dma_wait3A_98 = tpu.memref_squeeze %dma_wait3A_97 : memref<1x128xi32, #tpu.memory_space<vmem>> -> memref<128xi32, #tpu.memory_space<vmem>>
      %dma_wait3A_99 = arith.constant 0 : i32
      %dma_wait3A_100 = arith.constant 0 : i32
      %dma_wait3A_101 = tpu.memref_slice %arg2[%dma_wait3A_99, %dma_wait3A_100] : memref<10240x128xf32, #tpu.memory_space<hbm>> -> memref<10240x128xf32, #tpu.memory_space<hbm>>
      tpu.wait_indirect_dma semaphore(%arg13 : memref<!tpu.dma_semaphore, #tpu.memory_space<semaphore_mem>>) src(%dma_wait3A_101 : memref<10240x128xf32, #tpu.memory_space<hbm>>) dst(%arg11 : memref<128x128xf32, #tpu.memory_space<vmem>>)
      %dma_start3A_102 = arith.constant 1 : i32
      %dma_start3A_103 = arith.constant 0 : i32
      %dma_start3A_104 = tpu.memref_slice %arg9[%dma_start3A_102, %dma_start3A_103] : memref<8x128xi32, #tpu.memory_space<vmem>> -> memref<1x128xi32, #tpu.memory_space<vmem>>
      %dma_start3A_105 = tpu.memref_squeeze %dma_start3A_104 : memref<1x128xi32, #tpu.memory_space<vmem>> -> memref<128xi32, #tpu.memory_space<vmem>>
      %dma_start3A_106 = arith.constant 0 : i32
      %dma_start3A_107 = arith.constant 0 : i32
      %dma_start3A_108 = tpu.memref_slice %arg7[%dma_start3A_106, %dma_start3A_107] : memref<10240x128xf32, #tpu.memory_space<vmem_shared>> -> memref<10240x128xf32, #tpu.memory_space<vmem_shared>>
      tpu.enqueue_indirect_dma source(%arg11 : memref<128x128xf32, #tpu.memory_space<vmem>>) target(%dma_start3A_108 : memref<10240x128xf32, #tpu.memory_space<vmem_shared>>) offsets(%dma_start3A_105 : memref<128xi32, #tpu.memory_space<vmem>>) semaphore(%arg15 : memref<!tpu.dma_semaphore, #tpu.memory_space<semaphore_mem>>) {add = true}
      %dma_wait3A_109 = arith.constant 1 : i32
      %dma_wait3A_110 = arith.constant 0 : i32
      %dma_wait3A_111 = tpu.memref_slice %arg9[%dma_wait3A_109, %dma_wait3A_110] : memref<8x128xi32, #tpu.memory_space<vmem>> -> memref<1x128xi32, #tpu.memory_space<vmem>>
      %dma_wait3A_112 = tpu.memref_squeeze %dma_wait3A_111 : memref<1x128xi32, #tpu.memory_space<vmem>> -> memref<128xi32, #tpu.memory_space<vmem>>
      %dma_wait3A_113 = arith.constant 0 : i32
      %dma_wait3A_114 = arith.constant 0 : i32
      %dma_wait3A_115 = tpu.memref_slice %arg7[%dma_wait3A_113, %dma_wait3A_114] : memref<10240x128xf32, #tpu.memory_space<vmem_shared>> -> memref<10240x128xf32, #tpu.memory_space<vmem_shared>>
      tpu.wait_indirect_dma semaphore(%arg15 : memref<!tpu.dma_semaphore, #tpu.memory_space<semaphore_mem>>) src(%arg11 : memref<128x128xf32, #tpu.memory_space<vmem>>) dst(%dma_wait3A_115 : memref<10240x128xf32, #tpu.memory_space<vmem_shared>>)
      %dma_start3A_116 = arith.constant 3 : i32
      %dma_start3A_117 = arith.constant 0 : i32
      %dma_start3A_118 = tpu.memref_slice %arg8[%dma_start3A_116, %dma_start3A_117] : memref<8x128xi32, #tpu.memory_space<vmem>> -> memref<1x128xi32, #tpu.memory_space<vmem>>
      %dma_start3A_119 = tpu.memref_squeeze %dma_start3A_118 : memref<1x128xi32, #tpu.memory_space<vmem>> -> memref<128xi32, #tpu.memory_space<vmem>>
      %dma_start3A_120 = arith.constant 0 : i32
      %dma_start3A_121 = arith.constant 0 : i32
      %dma_start3A_122 = tpu.memref_slice %arg2[%dma_start3A_120, %dma_start3A_121] : memref<10240x128xf32, #tpu.memory_space<hbm>> -> memref<10240x128xf32, #tpu.memory_space<hbm>>
      tpu.enqueue_indirect_dma source(%dma_start3A_122 : memref<10240x128xf32, #tpu.memory_space<hbm>>) target(%arg11 : memref<128x128xf32, #tpu.memory_space<vmem>>) offsets(%dma_start3A_119 : memref<128xi32, #tpu.memory_space<vmem>>) semaphore(%arg13 : memref<!tpu.dma_semaphore, #tpu.memory_space<semaphore_mem>>)
      %dma_wait3A_123 = arith.constant 2 : i32
      %dma_wait3A_124 = arith.constant 0 : i32
      %dma_wait3A_125 = tpu.memref_slice %arg8[%dma_wait3A_123, %dma_wait3A_124] : memref<8x128xi32, #tpu.memory_space<vmem>> -> memref<1x128xi32, #tpu.memory_space<vmem>>
      %dma_wait3A_126 = tpu.memref_squeeze %dma_wait3A_125 : memref<1x128xi32, #tpu.memory_space<vmem>> -> memref<128xi32, #tpu.memory_space<vmem>>
      %dma_wait3A_127 = arith.constant 0 : i32
      %dma_wait3A_128 = arith.constant 0 : i32
      %dma_wait3A_129 = tpu.memref_slice %arg2[%dma_wait3A_127, %dma_wait3A_128] : memref<10240x128xf32, #tpu.memory_space<hbm>> -> memref<10240x128xf32, #tpu.memory_space<hbm>>
      tpu.wait_indirect_dma semaphore(%arg12 : memref<!tpu.dma_semaphore, #tpu.memory_space<semaphore_mem>>) src(%dma_wait3A_129 : memref<10240x128xf32, #tpu.memory_space<hbm>>) dst(%arg10 : memref<128x128xf32, #tpu.memory_space<vmem>>)
      %dma_start3A_130 = arith.constant 2 : i32
      %dma_start3A_131 = arith.constant 0 : i32
      %dma_start3A_132 = tpu.memref_slice %arg9[%dma_start3A_130, %dma_start3A_131] : memref<8x128xi32, #tpu.memory_space<vmem>> -> memref<1x128xi32, #tpu.memory_space<vmem>>
      %dma_start3A_133 = tpu.memref_squeeze %dma_start3A_132 : memref<1x128xi32, #tpu.memory_space<vmem>> -> memref<128xi32, #tpu.memory_space<vmem>>
      %dma_start3A_134 = arith.constant 0 : i32
      %dma_start3A_135 = arith.constant 0 : i32
      %dma_start3A_136 = tpu.memref_slice %arg7[%dma_start3A_134, %dma_start3A_135] : memref<10240x128xf32, #tpu.memory_space<vmem_shared>> -> memref<10240x128xf32, #tpu.memory_space<vmem_shared>>
      tpu.enqueue_indirect_dma source(%arg10 : memref<128x128xf32, #tpu.memory_space<vmem>>) target(%dma_start3A_136 : memref<10240x128xf32, #tpu.memory_space<vmem_shared>>) offsets(%dma_start3A_133 : memref<128xi32, #tpu.memory_space<vmem>>) semaphore(%arg14 : memref<!tpu.dma_semaphore, #tpu.memory_space<semaphore_mem>>) {add = true}
      %dma_wait3A_137 = arith.constant 2 : i32
      %dma_wait3A_138 = arith.constant 0 : i32
      %dma_wait3A_139 = tpu.memref_slice %arg9[%dma_wait3A_137, %dma_wait3A_138] : memref<8x128xi32, #tpu.memory_space<vmem>> -> memref<1x128xi32, #tpu.memory_space<vmem>>
      %dma_wait3A_140 = tpu.memref_squeeze %dma_wait3A_139 : memref<1x128xi32, #tpu.memory_space<vmem>> -> memref<128xi32, #tpu.memory_space<vmem>>
      %dma_wait3A_141 = arith.constant 0 : i32
      %dma_wait3A_142 = arith.constant 0 : i32
      %dma_wait3A_143 = tpu.memref_slice %arg7[%dma_wait3A_141, %dma_wait3A_142] : memref<10240x128xf32, #tpu.memory_space<vmem_shared>> -> memref<10240x128xf32, #tpu.memory_space<vmem_shared>>
      tpu.wait_indirect_dma semaphore(%arg14 : memref<!tpu.dma_semaphore, #tpu.memory_space<semaphore_mem>>) src(%arg10 : memref<128x128xf32, #tpu.memory_space<vmem>>) dst(%dma_wait3A_143 : memref<10240x128xf32, #tpu.memory_space<vmem_shared>>)
      %dma_start3A_144 = arith.constant 4 : i32
      %dma_start3A_145 = arith.constant 0 : i32
      %dma_start3A_146 = tpu.memref_slice %arg8[%dma_start3A_144, %dma_start3A_145] : memref<8x128xi32, #tpu.memory_space<vmem>> -> memref<1x128xi32, #tpu.memory_space<vmem>>
      %dma_start3A_147 = tpu.memref_squeeze %dma_start3A_146 : memref<1x128xi32, #tpu.memory_space<vmem>> -> memref<128xi32, #tpu.memory_space<vmem>>
      %dma_start3A_148 = arith.constant 0 : i32
      %dma_start3A_149 = arith.constant 0 : i32
      %dma_start3A_150 = tpu.memref_slice %arg2[%dma_start3A_148, %dma_start3A_149] : memref<10240x128xf32, #tpu.memory_space<hbm>> -> memref<10240x128xf32, #tpu.memory_space<hbm>>
      tpu.enqueue_indirect_dma source(%dma_start3A_150 : memref<10240x128xf32, #tpu.memory_space<hbm>>) target(%arg10 : memref<128x128xf32, #tpu.memory_space<vmem>>) offsets(%dma_start3A_147 : memref<128xi32, #tpu.memory_space<vmem>>) semaphore(%arg12 : memref<!tpu.dma_semaphore, #tpu.memory_space<semaphore_mem>>)
      %dma_wait3A_151 = arith.constant 3 : i32
      %dma_wait3A_152 = arith.constant 0 : i32
      %dma_wait3A_153 = tpu.memref_slice %arg8[%dma_wait3A_151, %dma_wait3A_152] : memref<8x128xi32, #tpu.memory_space<vmem>> -> memref<1x128xi32, #tpu.memory_space<vmem>>
      %dma_wait3A_154 = tpu.memref_squeeze %dma_wait3A_153 : memref<1x128xi32, #tpu.memory_space<vmem>> -> memref<128xi32, #tpu.memory_space<vmem>>
      %dma_wait3A_155 = arith.constant 0 : i32
      %dma_wait3A_156 = arith.constant 0 : i32
      %dma_wait3A_157 = tpu.memref_slice %arg2[%dma_wait3A_155, %dma_wait3A_156] : memref<10240x128xf32, #tpu.memory_space<hbm>> -> memref<10240x128xf32, #tpu.memory_space<hbm>>
      tpu.wait_indirect_dma semaphore(%arg13 : memref<!tpu.dma_semaphore, #tpu.memory_space<semaphore_mem>>) src(%dma_wait3A_157 : memref<10240x128xf32, #tpu.memory_space<hbm>>) dst(%arg11 : memref<128x128xf32, #tpu.memory_space<vmem>>)
      %dma_start3A_158 = arith.constant 3 : i32
      %dma_start3A_159 = arith.constant 0 : i32
      %dma_start3A_160 = tpu.memref_slice %arg9[%dma_start3A_158, %dma_start3A_159] : memref<8x128xi32, #tpu.memory_space<vmem>> -> memref<1x128xi32, #tpu.memory_space<vmem>>
      %dma_start3A_161 = tpu.memref_squeeze %dma_start3A_160 : memref<1x128xi32, #tpu.memory_space<vmem>> -> memref<128xi32, #tpu.memory_space<vmem>>
      %dma_start3A_162 = arith.constant 0 : i32
      %dma_start3A_163 = arith.constant 0 : i32
      %dma_start3A_164 = tpu.memref_slice %arg7[%dma_start3A_162, %dma_start3A_163] : memref<10240x128xf32, #tpu.memory_space<vmem_shared>> -> memref<10240x128xf32, #tpu.memory_space<vmem_shared>>
      tpu.enqueue_indirect_dma source(%arg11 : memref<128x128xf32, #tpu.memory_space<vmem>>) target(%dma_start3A_164 : memref<10240x128xf32, #tpu.memory_space<vmem_shared>>) offsets(%dma_start3A_161 : memref<128xi32, #tpu.memory_space<vmem>>) semaphore(%arg15 : memref<!tpu.dma_semaphore, #tpu.memory_space<semaphore_mem>>) {add = true}
      %dma_wait3A_165 = arith.constant 3 : i32
      %dma_wait3A_166 = arith.constant 0 : i32
      %dma_wait3A_167 = tpu.memref_slice %arg9[%dma_wait3A_165, %dma_wait3A_166] : memref<8x128xi32, #tpu.memory_space<vmem>> -> memref<1x128xi32, #tpu.memory_space<vmem>>
      %dma_wait3A_168 = tpu.memref_squeeze %dma_wait3A_167 : memref<1x128xi32, #tpu.memory_space<vmem>> -> memref<128xi32, #tpu.memory_space<vmem>>
      %dma_wait3A_169 = arith.constant 0 : i32
      %dma_wait3A_170 = arith.constant 0 : i32
      %dma_wait3A_171 = tpu.memref_slice %arg7[%dma_wait3A_169, %dma_wait3A_170] : memref<10240x128xf32, #tpu.memory_space<vmem_shared>> -> memref<10240x128xf32, #tpu.memory_space<vmem_shared>>
      tpu.wait_indirect_dma semaphore(%arg15 : memref<!tpu.dma_semaphore, #tpu.memory_space<semaphore_mem>>) src(%arg11 : memref<128x128xf32, #tpu.memory_space<vmem>>) dst(%dma_wait3A_171 : memref<10240x128xf32, #tpu.memory_space<vmem_shared>>)
      %dma_start3A_172 = arith.constant 5 : i32
      %dma_start3A_173 = arith.constant 0 : i32
      %dma_start3A_174 = tpu.memref_slice %arg8[%dma_start3A_172, %dma_start3A_173] : memref<8x128xi32, #tpu.memory_space<vmem>> -> memref<1x128xi32, #tpu.memory_space<vmem>>
      %dma_start3A_175 = tpu.memref_squeeze %dma_start3A_174 : memref<1x128xi32, #tpu.memory_space<vmem>> -> memref<128xi32, #tpu.memory_space<vmem>>
      %dma_start3A_176 = arith.constant 0 : i32
      %dma_start3A_177 = arith.constant 0 : i32
      %dma_start3A_178 = tpu.memref_slice %arg2[%dma_start3A_176, %dma_start3A_177] : memref<10240x128xf32, #tpu.memory_space<hbm>> -> memref<10240x128xf32, #tpu.memory_space<hbm>>
      tpu.enqueue_indirect_dma source(%dma_start3A_178 : memref<10240x128xf32, #tpu.memory_space<hbm>>) target(%arg11 : memref<128x128xf32, #tpu.memory_space<vmem>>) offsets(%dma_start3A_175 : memref<128xi32, #tpu.memory_space<vmem>>) semaphore(%arg13 : memref<!tpu.dma_semaphore, #tpu.memory_space<semaphore_mem>>)
      %dma_wait3A_179 = arith.constant 4 : i32
      %dma_wait3A_180 = arith.constant 0 : i32
      %dma_wait3A_181 = tpu.memref_slice %arg8[%dma_wait3A_179, %dma_wait3A_180] : memref<8x128xi32, #tpu.memory_space<vmem>> -> memref<1x128xi32, #tpu.memory_space<vmem>>
      %dma_wait3A_182 = tpu.memref_squeeze %dma_wait3A_181 : memref<1x128xi32, #tpu.memory_space<vmem>> -> memref<128xi32, #tpu.memory_space<vmem>>
      %dma_wait3A_183 = arith.constant 0 : i32
      %dma_wait3A_184 = arith.constant 0 : i32
      %dma_wait3A_185 = tpu.memref_slice %arg2[%dma_wait3A_183, %dma_wait3A_184] : memref<10240x128xf32, #tpu.memory_space<hbm>> -> memref<10240x128xf32, #tpu.memory_space<hbm>>
      tpu.wait_indirect_dma semaphore(%arg12 : memref<!tpu.dma_semaphore, #tpu.memory_space<semaphore_mem>>) src(%dma_wait3A_185 : memref<10240x128xf32, #tpu.memory_space<hbm>>) dst(%arg10 : memref<128x128xf32, #tpu.memory_space<vmem>>)
      %dma_start3A_186 = arith.constant 4 : i32
      %dma_start3A_187 = arith.constant 0 : i32
      %dma_start3A_188 = tpu.memref_slice %arg9[%dma_start3A_186, %dma_start3A_187] : memref<8x128xi32, #tpu.memory_space<vmem>> -> memref<1x128xi32, #tpu.memory_space<vmem>>
      %dma_start3A_189 = tpu.memref_squeeze %dma_start3A_188 : memref<1x128xi32, #tpu.memory_space<vmem>> -> memref<128xi32, #tpu.memory_space<vmem>>
      %dma_start3A_190 = arith.constant 0 : i32
      %dma_start3A_191 = arith.constant 0 : i32
      %dma_start3A_192 = tpu.memref_slice %arg7[%dma_start3A_190, %dma_start3A_191] : memref<10240x128xf32, #tpu.memory_space<vmem_shared>> -> memref<10240x128xf32, #tpu.memory_space<vmem_shared>>
      tpu.enqueue_indirect_dma source(%arg10 : memref<128x128xf32, #tpu.memory_space<vmem>>) target(%dma_start3A_192 : memref<10240x128xf32, #tpu.memory_space<vmem_shared>>) offsets(%dma_start3A_189 : memref<128xi32, #tpu.memory_space<vmem>>) semaphore(%arg14 : memref<!tpu.dma_semaphore, #tpu.memory_space<semaphore_mem>>) {add = true}
      %dma_wait3A_193 = arith.constant 4 : i32
      %dma_wait3A_194 = arith.constant 0 : i32
      %dma_wait3A_195 = tpu.memref_slice %arg9[%dma_wait3A_193, %dma_wait3A_194] : memref<8x128xi32, #tpu.memory_space<vmem>> -> memref<1x128xi32, #tpu.memory_space<vmem>>
      %dma_wait3A_196 = tpu.memref_squeeze %dma_wait3A_195 : memref<1x128xi32, #tpu.memory_space<vmem>> -> memref<128xi32, #tpu.memory_space<vmem>>
      %dma_wait3A_197 = arith.constant 0 : i32
      %dma_wait3A_198 = arith.constant 0 : i32
      %dma_wait3A_199 = tpu.memref_slice %arg7[%dma_wait3A_197, %dma_wait3A_198] : memref<10240x128xf32, #tpu.memory_space<vmem_shared>> -> memref<10240x128xf32, #tpu.memory_space<vmem_shared>>
      tpu.wait_indirect_dma semaphore(%arg14 : memref<!tpu.dma_semaphore, #tpu.memory_space<semaphore_mem>>) src(%arg10 : memref<128x128xf32, #tpu.memory_space<vmem>>) dst(%dma_wait3A_199 : memref<10240x128xf32, #tpu.memory_space<vmem_shared>>)
      %dma_start3A_200 = arith.constant 6 : i32
      %dma_start3A_201 = arith.constant 0 : i32
      %dma_start3A_202 = tpu.memref_slice %arg8[%dma_start3A_200, %dma_start3A_201] : memref<8x128xi32, #tpu.memory_space<vmem>> -> memref<1x128xi32, #tpu.memory_space<vmem>>
      %dma_start3A_203 = tpu.memref_squeeze %dma_start3A_202 : memref<1x128xi32, #tpu.memory_space<vmem>> -> memref<128xi32, #tpu.memory_space<vmem>>
      %dma_start3A_204 = arith.constant 0 : i32
      %dma_start3A_205 = arith.constant 0 : i32
      %dma_start3A_206 = tpu.memref_slice %arg2[%dma_start3A_204, %dma_start3A_205] : memref<10240x128xf32, #tpu.memory_space<hbm>> -> memref<10240x128xf32, #tpu.memory_space<hbm>>
      tpu.enqueue_indirect_dma source(%dma_start3A_206 : memref<10240x128xf32, #tpu.memory_space<hbm>>) target(%arg10 : memref<128x128xf32, #tpu.memory_space<vmem>>) offsets(%dma_start3A_203 : memref<128xi32, #tpu.memory_space<vmem>>) semaphore(%arg12 : memref<!tpu.dma_semaphore, #tpu.memory_space<semaphore_mem>>)
      %dma_wait3A_207 = arith.constant 5 : i32
      %dma_wait3A_208 = arith.constant 0 : i32
      %dma_wait3A_209 = tpu.memref_slice %arg8[%dma_wait3A_207, %dma_wait3A_208] : memref<8x128xi32, #tpu.memory_space<vmem>> -> memref<1x128xi32, #tpu.memory_space<vmem>>
      %dma_wait3A_210 = tpu.memref_squeeze %dma_wait3A_209 : memref<1x128xi32, #tpu.memory_space<vmem>> -> memref<128xi32, #tpu.memory_space<vmem>>
      %dma_wait3A_211 = arith.constant 0 : i32
      %dma_wait3A_212 = arith.constant 0 : i32
      %dma_wait3A_213 = tpu.memref_slice %arg2[%dma_wait3A_211, %dma_wait3A_212] : memref<10240x128xf32, #tpu.memory_space<hbm>> -> memref<10240x128xf32, #tpu.memory_space<hbm>>
      tpu.wait_indirect_dma semaphore(%arg13 : memref<!tpu.dma_semaphore, #tpu.memory_space<semaphore_mem>>) src(%dma_wait3A_213 : memref<10240x128xf32, #tpu.memory_space<hbm>>) dst(%arg11 : memref<128x128xf32, #tpu.memory_space<vmem>>)
      %dma_start3A_214 = arith.constant 5 : i32
      %dma_start3A_215 = arith.constant 0 : i32
      %dma_start3A_216 = tpu.memref_slice %arg9[%dma_start3A_214, %dma_start3A_215] : memref<8x128xi32, #tpu.memory_space<vmem>> -> memref<1x128xi32, #tpu.memory_space<vmem>>
      %dma_start3A_217 = tpu.memref_squeeze %dma_start3A_216 : memref<1x128xi32, #tpu.memory_space<vmem>> -> memref<128xi32, #tpu.memory_space<vmem>>
      %dma_start3A_218 = arith.constant 0 : i32
      %dma_start3A_219 = arith.constant 0 : i32
      %dma_start3A_220 = tpu.memref_slice %arg7[%dma_start3A_218, %dma_start3A_219] : memref<10240x128xf32, #tpu.memory_space<vmem_shared>> -> memref<10240x128xf32, #tpu.memory_space<vmem_shared>>
      tpu.enqueue_indirect_dma source(%arg11 : memref<128x128xf32, #tpu.memory_space<vmem>>) target(%dma_start3A_220 : memref<10240x128xf32, #tpu.memory_space<vmem_shared>>) offsets(%dma_start3A_217 : memref<128xi32, #tpu.memory_space<vmem>>) semaphore(%arg15 : memref<!tpu.dma_semaphore, #tpu.memory_space<semaphore_mem>>) {add = true}
      %dma_wait3A_221 = arith.constant 5 : i32
      %dma_wait3A_222 = arith.constant 0 : i32
      %dma_wait3A_223 = tpu.memref_slice %arg9[%dma_wait3A_221, %dma_wait3A_222] : memref<8x128xi32, #tpu.memory_space<vmem>> -> memref<1x128xi32, #tpu.memory_space<vmem>>
      %dma_wait3A_224 = tpu.memref_squeeze %dma_wait3A_223 : memref<1x128xi32, #tpu.memory_space<vmem>> -> memref<128xi32, #tpu.memory_space<vmem>>
      %dma_wait3A_225 = arith.constant 0 : i32
      %dma_wait3A_226 = arith.constant 0 : i32
      %dma_wait3A_227 = tpu.memref_slice %arg7[%dma_wait3A_225, %dma_wait3A_226] : memref<10240x128xf32, #tpu.memory_space<vmem_shared>> -> memref<10240x128xf32, #tpu.memory_space<vmem_shared>>
      tpu.wait_indirect_dma semaphore(%arg15 : memref<!tpu.dma_semaphore, #tpu.memory_space<semaphore_mem>>) src(%arg11 : memref<128x128xf32, #tpu.memory_space<vmem>>) dst(%dma_wait3A_227 : memref<10240x128xf32, #tpu.memory_space<vmem_shared>>)
      %dma_start3A_228 = arith.constant 7 : i32
      %dma_start3A_229 = arith.constant 0 : i32
      %dma_start3A_230 = tpu.memref_slice %arg8[%dma_start3A_228, %dma_start3A_229] : memref<8x128xi32, #tpu.memory_space<vmem>> -> memref<1x128xi32, #tpu.memory_space<vmem>>
      %dma_start3A_231 = tpu.memref_squeeze %dma_start3A_230 : memref<1x128xi32, #tpu.memory_space<vmem>> -> memref<128xi32, #tpu.memory_space<vmem>>
      %dma_start3A_232 = arith.constant 0 : i32
      %dma_start3A_233 = arith.constant 0 : i32
      %dma_start3A_234 = tpu.memref_slice %arg2[%dma_start3A_232, %dma_start3A_233] : memref<10240x128xf32, #tpu.memory_space<hbm>> -> memref<10240x128xf32, #tpu.memory_space<hbm>>
      tpu.enqueue_indirect_dma source(%dma_start3A_234 : memref<10240x128xf32, #tpu.memory_space<hbm>>) target(%arg11 : memref<128x128xf32, #tpu.memory_space<vmem>>) offsets(%dma_start3A_231 : memref<128xi32, #tpu.memory_space<vmem>>) semaphore(%arg13 : memref<!tpu.dma_semaphore, #tpu.memory_space<semaphore_mem>>)
      %dma_wait3A_235 = arith.constant 6 : i32
      %dma_wait3A_236 = arith.constant 0 : i32
      %dma_wait3A_237 = tpu.memref_slice %arg8[%dma_wait3A_235, %dma_wait3A_236] : memref<8x128xi32, #tpu.memory_space<vmem>> -> memref<1x128xi32, #tpu.memory_space<vmem>>
      %dma_wait3A_238 = tpu.memref_squeeze %dma_wait3A_237 : memref<1x128xi32, #tpu.memory_space<vmem>> -> memref<128xi32, #tpu.memory_space<vmem>>
      %dma_wait3A_239 = arith.constant 0 : i32
      %dma_wait3A_240 = arith.constant 0 : i32
      %dma_wait3A_241 = tpu.memref_slice %arg2[%dma_wait3A_239, %dma_wait3A_240] : memref<10240x128xf32, #tpu.memory_space<hbm>> -> memref<10240x128xf32, #tpu.memory_space<hbm>>
      tpu.wait_indirect_dma semaphore(%arg12 : memref<!tpu.dma_semaphore, #tpu.memory_space<semaphore_mem>>) src(%dma_wait3A_241 : memref<10240x128xf32, #tpu.memory_space<hbm>>) dst(%arg10 : memref<128x128xf32, #tpu.memory_space<vmem>>)
      %dma_start3A_242 = arith.constant 6 : i32
      %dma_start3A_243 = arith.constant 0 : i32
      %dma_start3A_244 = tpu.memref_slice %arg9[%dma_start3A_242, %dma_start3A_243] : memref<8x128xi32, #tpu.memory_space<vmem>> -> memref<1x128xi32, #tpu.memory_space<vmem>>
      %dma_start3A_245 = tpu.memref_squeeze %dma_start3A_244 : memref<1x128xi32, #tpu.memory_space<vmem>> -> memref<128xi32, #tpu.memory_space<vmem>>
      %dma_start3A_246 = arith.constant 0 : i32
      %dma_start3A_247 = arith.constant 0 : i32
      %dma_start3A_248 = tpu.memref_slice %arg7[%dma_start3A_246, %dma_start3A_247] : memref<10240x128xf32, #tpu.memory_space<vmem_shared>> -> memref<10240x128xf32, #tpu.memory_space<vmem_shared>>
      tpu.enqueue_indirect_dma source(%arg10 : memref<128x128xf32, #tpu.memory_space<vmem>>) target(%dma_start3A_248 : memref<10240x128xf32, #tpu.memory_space<vmem_shared>>) offsets(%dma_start3A_245 : memref<128xi32, #tpu.memory_space<vmem>>) semaphore(%arg14 : memref<!tpu.dma_semaphore, #tpu.memory_space<semaphore_mem>>) {add = true}
      %dma_wait3A_249 = arith.constant 7 : i32
      %dma_wait3A_250 = arith.constant 0 : i32
      %dma_wait3A_251 = tpu.memref_slice %arg8[%dma_wait3A_249, %dma_wait3A_250] : memref<8x128xi32, #tpu.memory_space<vmem>> -> memref<1x128xi32, #tpu.memory_space<vmem>>
      %dma_wait3A_252 = tpu.memref_squeeze %dma_wait3A_251 : memref<1x128xi32, #tpu.memory_space<vmem>> -> memref<128xi32, #tpu.memory_space<vmem>>
      %dma_wait3A_253 = arith.constant 0 : i32
      %dma_wait3A_254 = arith.constant 0 : i32
      %dma_wait3A_255 = tpu.memref_slice %arg2[%dma_wait3A_253, %dma_wait3A_254] : memref<10240x128xf32, #tpu.memory_space<hbm>> -> memref<10240x128xf32, #tpu.memory_space<hbm>>
      tpu.wait_indirect_dma semaphore(%arg13 : memref<!tpu.dma_semaphore, #tpu.memory_space<semaphore_mem>>) src(%dma_wait3A_255 : memref<10240x128xf32, #tpu.memory_space<hbm>>) dst(%arg11 : memref<128x128xf32, #tpu.memory_space<vmem>>)
      %dma_start3A_256 = arith.constant 7 : i32
      %dma_start3A_257 = arith.constant 0 : i32
      %dma_start3A_258 = tpu.memref_slice %arg9[%dma_start3A_256, %dma_start3A_257] : memref<8x128xi32, #tpu.memory_space<vmem>> -> memref<1x128xi32, #tpu.memory_space<vmem>>
      %dma_start3A_259 = tpu.memref_squeeze %dma_start3A_258 : memref<1x128xi32, #tpu.memory_space<vmem>> -> memref<128xi32, #tpu.memory_space<vmem>>
      %dma_start3A_260 = arith.constant 0 : i32
      %dma_start3A_261 = arith.constant 0 : i32
      %dma_start3A_262 = tpu.memref_slice %arg7[%dma_start3A_260, %dma_start3A_261] : memref<10240x128xf32, #tpu.memory_space<vmem_shared>> -> memref<10240x128xf32, #tpu.memory_space<vmem_shared>>
      tpu.enqueue_indirect_dma source(%arg11 : memref<128x128xf32, #tpu.memory_space<vmem>>) target(%dma_start3A_262 : memref<10240x128xf32, #tpu.memory_space<vmem_shared>>) offsets(%dma_start3A_259 : memref<128xi32, #tpu.memory_space<vmem>>) semaphore(%arg15 : memref<!tpu.dma_semaphore, #tpu.memory_space<semaphore_mem>>) {add = true}
      %dma_wait3A_263 = arith.constant 6 : i32
      %dma_wait3A_264 = arith.constant 0 : i32
      %dma_wait3A_265 = tpu.memref_slice %arg9[%dma_wait3A_263, %dma_wait3A_264] : memref<8x128xi32, #tpu.memory_space<vmem>> -> memref<1x128xi32, #tpu.memory_space<vmem>>
      %dma_wait3A_266 = tpu.memref_squeeze %dma_wait3A_265 : memref<1x128xi32, #tpu.memory_space<vmem>> -> memref<128xi32, #tpu.memory_space<vmem>>
      %dma_wait3A_267 = arith.constant 0 : i32
      %dma_wait3A_268 = arith.constant 0 : i32
      %dma_wait3A_269 = tpu.memref_slice %arg7[%dma_wait3A_267, %dma_wait3A_268] : memref<10240x128xf32, #tpu.memory_space<vmem_shared>> -> memref<10240x128xf32, #tpu.memory_space<vmem_shared>>
      tpu.wait_indirect_dma semaphore(%arg14 : memref<!tpu.dma_semaphore, #tpu.memory_space<semaphore_mem>>) src(%arg10 : memref<128x128xf32, #tpu.memory_space<vmem>>) dst(%dma_wait3A_269 : memref<10240x128xf32, #tpu.memory_space<vmem_shared>>)
      %dma_wait3A_270 = arith.constant 7 : i32
      %dma_wait3A_271 = arith.constant 0 : i32
      %dma_wait3A_272 = tpu.memref_slice %arg9[%dma_wait3A_270, %dma_wait3A_271] : memref<8x128xi32, #tpu.memory_space<vmem>> -> memref<1x128xi32, #tpu.memory_space<vmem>>
      %dma_wait3A_273 = tpu.memref_squeeze %dma_wait3A_272 : memref<1x128xi32, #tpu.memory_space<vmem>> -> memref<128xi32, #tpu.memory_space<vmem>>
      %dma_wait3A_274 = arith.constant 0 : i32
      %dma_wait3A_275 = arith.constant 0 : i32
      %dma_wait3A_276 = tpu.memref_slice %arg7[%dma_wait3A_274, %dma_wait3A_275] : memref<10240x128xf32, #tpu.memory_space<vmem_shared>> -> memref<10240x128xf32, #tpu.memory_space<vmem_shared>>
      tpu.wait_indirect_dma semaphore(%arg15 : memref<!tpu.dma_semaphore, #tpu.memory_space<semaphore_mem>>) src(%arg11 : memref<128x128xf32, #tpu.memory_space<vmem>>) dst(%dma_wait3A_276 : memref<10240x128xf32, #tpu.memory_space<vmem_shared>>)
    }
    %scan3A_24 = arith.constant 10 : i32
    %barrier3A_25 = arith.constant 0 : index
    tpu.barrier barrier_id(%barrier3A_25)
    %mul3A_26 = arith.constant 640 : i32
    %mul3A_27 = arith.muli %arg1, %mul3A_26 : i32
    %add3A_28 = arith.constant 0 : i32
    %add3A_29 = arith.addi %mul3A_27, %add3A_28 : i32
    "tpu.region"() ({
      %run_scoped3A = tpu.sem_alloc : memref<!tpu.dma_semaphore, #tpu.memory_space<semaphore_mem>>
      %dma_start3A = arith.constant 0 : i32
      %dma_start3A_46 = tpu.memref_slice %arg7[%add3A_29, %dma_start3A] : memref<10240x128xf32, #tpu.memory_space<vmem_shared>> -> memref<128x128xf32, #tpu.memory_space<vmem_shared>>
      %dma_start3A_47 = arith.constant 0 : i32
      %dma_start3A_48 = tpu.memref_slice %arg7[%add3A_29, %dma_start3A_47] : memref<10240x128xf32, #tpu.memory_space<vmem_shared>> -> memref<128x128xf32, #tpu.memory_space<vmem_shared>>
      tpu.enqueue_dma source(%dma_start3A_48 : memref<128x128xf32, #tpu.memory_space<vmem_shared>>) target(%arg10 : memref<128x128xf32, #tpu.memory_space<vmem>>) target_semaphore(%run_scoped3A : memref<!tpu.dma_semaphore, #tpu.memory_space<semaphore_mem>>)
      %dma_wait3A = arith.constant 0 : i32
      %dma_wait3A_49 = tpu.memref_slice %arg7[%add3A_29, %dma_wait3A] : memref<10240x128xf32, #tpu.memory_space<vmem_shared>> -> memref<128x128xf32, #tpu.memory_space<vmem_shared>>
      %dma_wait3A_50 = arith.constant 0 : i32
      %dma_wait3A_51 = tpu.memref_slice %arg7[%add3A_29, %dma_wait3A_50] : memref<10240x128xf32, #tpu.memory_space<vmem_shared>> -> memref<128x128xf32, #tpu.memory_space<vmem_shared>>
      tpu.wait_dma2 semaphore(%run_scoped3A : memref<!tpu.dma_semaphore, #tpu.memory_space<semaphore_mem>>) src(%dma_wait3A_51 : memref<128x128xf32, #tpu.memory_space<vmem_shared>>) dst(%arg10 : memref<128x128xf32, #tpu.memory_space<vmem>>)
      tpu.yield
    }) : () -> ()
    "tpu.region"() ({
      %run_scoped3A = tpu.sem_alloc : memref<!tpu.dma_semaphore, #tpu.memory_space<semaphore_mem>>
      %dma_start3A = arith.constant 0 : i32
      %dma_start3A_46 = tpu.memref_slice %arg6[%arg0, %add3A_29, %dma_start3A] : memref<2x10240x128xf32, #tpu.memory_space<hbm>> -> memref<1x128x128xf32, #tpu.memory_space<hbm>>
      %dma_start3A_47 = tpu.memref_squeeze %dma_start3A_46 : memref<1x128x128xf32, #tpu.memory_space<hbm>> -> memref<128x128xf32, #tpu.memory_space<hbm>>
      %dma_start3A_48 = arith.constant 0 : i32
      %dma_start3A_49 = tpu.memref_slice %arg6[%arg0, %add3A_29, %dma_start3A_48] : memref<2x10240x128xf32, #tpu.memory_space<hbm>> -> memref<1x128x128xf32, #tpu.memory_space<hbm>>
      %dma_start3A_50 = tpu.memref_squeeze %dma_start3A_49 : memref<1x128x128xf32, #tpu.memory_space<hbm>> -> memref<128x128xf32, #tpu.memory_space<hbm>>
      tpu.enqueue_dma source(%arg10 : memref<128x128xf32, #tpu.memory_space<vmem>>) target(%dma_start3A_50 : memref<128x128xf32, #tpu.memory_space<hbm>>) target_semaphore(%run_scoped3A : memref<!tpu.dma_semaphore, #tpu.memory_space<semaphore_mem>>)
      %dma_wait3A = arith.constant 0 : i32
      %dma_wait3A_51 = tpu.memref_slice %arg6[%arg0, %add3A_29, %dma_wait3A] : memref<2x10240x128xf32, #tpu.memory_space<hbm>> -> memref<1x128x128xf32, #tpu.memory_space<hbm>>
      %dma_wait3A_52 = tpu.memref_squeeze %dma_wait3A_51 : memref<1x128x128xf32, #tpu.memory_space<hbm>> -> memref<128x128xf32, #tpu.memory_space<hbm>>
      %dma_wait3A_53 = arith.constant 0 : i32
      %dma_wait3A_54 = tpu.memref_slice %arg6[%arg0, %add3A_29, %dma_wait3A_53] : memref<2x10240x128xf32, #tpu.memory_space<hbm>> -> memref<1x128x128xf32, #tpu.memory_space<hbm>>
      %dma_wait3A_55 = tpu.memref_squeeze %dma_wait3A_54 : memref<1x128x128xf32, #tpu.memory_space<hbm>> -> memref<128x128xf32, #tpu.memory_space<hbm>>
      tpu.wait_dma2 semaphore(%run_scoped3A : memref<!tpu.dma_semaphore, #tpu.memory_space<semaphore_mem>>) src(%arg10 : memref<128x128xf32, #tpu.memory_space<vmem>>) dst(%dma_wait3A_55 : memref<128x128xf32, #tpu.memory_space<hbm>>)
      tpu.yield
    }) : () -> ()
    %mul3A_30 = arith.constant 640 : i32
    %mul3A_31 = arith.muli %arg1, %mul3A_30 : i32
    %add3A_32 = arith.constant 128 : i32
    %add3A_33 = arith.addi %mul3A_31, %add3A_32 : i32
    "tpu.region"() ({
      %run_scoped3A = tpu.sem_alloc : memref<!tpu.dma_semaphore, #tpu.memory_space<semaphore_mem>>
      %dma_start3A = arith.constant 0 : i32
      %dma_start3A_46 = tpu.memref_slice %arg7[%add3A_33, %dma_start3A] : memref<10240x128xf32, #tpu.memory_space<vmem_shared>> -> memref<128x128xf32, #tpu.memory_space<vmem_shared>>
      %dma_start3A_47 = arith.constant 0 : i32
      %dma_start3A_48 = tpu.memref_slice %arg7[%add3A_33, %dma_start3A_47] : memref<10240x128xf32, #tpu.memory_space<vmem_shared>> -> memref<128x128xf32, #tpu.memory_space<vmem_shared>>
      tpu.enqueue_dma source(%dma_start3A_48 : memref<128x128xf32, #tpu.memory_space<vmem_shared>>) target(%arg10 : memref<128x128xf32, #tpu.memory_space<vmem>>) target_semaphore(%run_scoped3A : memref<!tpu.dma_semaphore, #tpu.memory_space<semaphore_mem>>)
      %dma_wait3A = arith.constant 0 : i32
      %dma_wait3A_49 = tpu.memref_slice %arg7[%add3A_33, %dma_wait3A] : memref<10240x128xf32, #tpu.memory_space<vmem_shared>> -> memref<128x128xf32, #tpu.memory_space<vmem_shared>>
      %dma_wait3A_50 = arith.constant 0 : i32
      %dma_wait3A_51 = tpu.memref_slice %arg7[%add3A_33, %dma_wait3A_50] : memref<10240x128xf32, #tpu.memory_space<vmem_shared>> -> memref<128x128xf32, #tpu.memory_space<vmem_shared>>
      tpu.wait_dma2 semaphore(%run_scoped3A : memref<!tpu.dma_semaphore, #tpu.memory_space<semaphore_mem>>) src(%dma_wait3A_51 : memref<128x128xf32, #tpu.memory_space<vmem_shared>>) dst(%arg10 : memref<128x128xf32, #tpu.memory_space<vmem>>)
      tpu.yield
    }) : () -> ()
    "tpu.region"() ({
      %run_scoped3A = tpu.sem_alloc : memref<!tpu.dma_semaphore, #tpu.memory_space<semaphore_mem>>
      %dma_start3A = arith.constant 0 : i32
      %dma_start3A_46 = tpu.memref_slice %arg6[%arg0, %add3A_33, %dma_start3A] : memref<2x10240x128xf32, #tpu.memory_space<hbm>> -> memref<1x128x128xf32, #tpu.memory_space<hbm>>
      %dma_start3A_47 = tpu.memref_squeeze %dma_start3A_46 : memref<1x128x128xf32, #tpu.memory_space<hbm>> -> memref<128x128xf32, #tpu.memory_space<hbm>>
      %dma_start3A_48 = arith.constant 0 : i32
      %dma_start3A_49 = tpu.memref_slice %arg6[%arg0, %add3A_33, %dma_start3A_48] : memref<2x10240x128xf32, #tpu.memory_space<hbm>> -> memref<1x128x128xf32, #tpu.memory_space<hbm>>
      %dma_start3A_50 = tpu.memref_squeeze %dma_start3A_49 : memref<1x128x128xf32, #tpu.memory_space<hbm>> -> memref<128x128xf32, #tpu.memory_space<hbm>>
      tpu.enqueue_dma source(%arg10 : memref<128x128xf32, #tpu.memory_space<vmem>>) target(%dma_start3A_50 : memref<128x128xf32, #tpu.memory_space<hbm>>) target_semaphore(%run_scoped3A : memref<!tpu.dma_semaphore, #tpu.memory_space<semaphore_mem>>)
      %dma_wait3A = arith.constant 0 : i32
      %dma_wait3A_51 = tpu.memref_slice %arg6[%arg0, %add3A_33, %dma_wait3A] : memref<2x10240x128xf32, #tpu.memory_space<hbm>> -> memref<1x128x128xf32, #tpu.memory_space<hbm>>
      %dma_wait3A_52 = tpu.memref_squeeze %dma_wait3A_51 : memref<1x128x128xf32, #tpu.memory_space<hbm>> -> memref<128x128xf32, #tpu.memory_space<hbm>>
      %dma_wait3A_53 = arith.constant 0 : i32
      %dma_wait3A_54 = tpu.memref_slice %arg6[%arg0, %add3A_33, %dma_wait3A_53] : memref<2x10240x128xf32, #tpu.memory_space<hbm>> -> memref<1x128x128xf32, #tpu.memory_space<hbm>>
      %dma_wait3A_55 = tpu.memref_squeeze %dma_wait3A_54 : memref<1x128x128xf32, #tpu.memory_space<hbm>> -> memref<128x128xf32, #tpu.memory_space<hbm>>
      tpu.wait_dma2 semaphore(%run_scoped3A : memref<!tpu.dma_semaphore, #tpu.memory_space<semaphore_mem>>) src(%arg10 : memref<128x128xf32, #tpu.memory_space<vmem>>) dst(%dma_wait3A_55 : memref<128x128xf32, #tpu.memory_space<hbm>>)
      tpu.yield
    }) : () -> ()
    %mul3A_34 = arith.constant 640 : i32
    %mul3A_35 = arith.muli %arg1, %mul3A_34 : i32
    %add3A_36 = arith.constant 256 : i32
    %add3A_37 = arith.addi %mul3A_35, %add3A_36 : i32
    "tpu.region"() ({
      %run_scoped3A = tpu.sem_alloc : memref<!tpu.dma_semaphore, #tpu.memory_space<semaphore_mem>>
      %dma_start3A = arith.constant 0 : i32
      %dma_start3A_46 = tpu.memref_slice %arg7[%add3A_37, %dma_start3A] : memref<10240x128xf32, #tpu.memory_space<vmem_shared>> -> memref<128x128xf32, #tpu.memory_space<vmem_shared>>
      %dma_start3A_47 = arith.constant 0 : i32
      %dma_start3A_48 = tpu.memref_slice %arg7[%add3A_37, %dma_start3A_47] : memref<10240x128xf32, #tpu.memory_space<vmem_shared>> -> memref<128x128xf32, #tpu.memory_space<vmem_shared>>
      tpu.enqueue_dma source(%dma_start3A_48 : memref<128x128xf32, #tpu.memory_space<vmem_shared>>) target(%arg10 : memref<128x128xf32, #tpu.memory_space<vmem>>) target_semaphore(%run_scoped3A : memref<!tpu.dma_semaphore, #tpu.memory_space<semaphore_mem>>)
      %dma_wait3A = arith.constant 0 : i32
      %dma_wait3A_49 = tpu.memref_slice %arg7[%add3A_37, %dma_wait3A] : memref<10240x128xf32, #tpu.memory_space<vmem_shared>> -> memref<128x128xf32, #tpu.memory_space<vmem_shared>>
      %dma_wait3A_50 = arith.constant 0 : i32
      %dma_wait3A_51 = tpu.memref_slice %arg7[%add3A_37, %dma_wait3A_50] : memref<10240x128xf32, #tpu.memory_space<vmem_shared>> -> memref<128x128xf32, #tpu.memory_space<vmem_shared>>
      tpu.wait_dma2 semaphore(%run_scoped3A : memref<!tpu.dma_semaphore, #tpu.memory_space<semaphore_mem>>) src(%dma_wait3A_51 : memref<128x128xf32, #tpu.memory_space<vmem_shared>>) dst(%arg10 : memref<128x128xf32, #tpu.memory_space<vmem>>)
      tpu.yield
    }) : () -> ()
    "tpu.region"() ({
      %run_scoped3A = tpu.sem_alloc : memref<!tpu.dma_semaphore, #tpu.memory_space<semaphore_mem>>
      %dma_start3A = arith.constant 0 : i32
      %dma_start3A_46 = tpu.memref_slice %arg6[%arg0, %add3A_37, %dma_start3A] : memref<2x10240x128xf32, #tpu.memory_space<hbm>> -> memref<1x128x128xf32, #tpu.memory_space<hbm>>
      %dma_start3A_47 = tpu.memref_squeeze %dma_start3A_46 : memref<1x128x128xf32, #tpu.memory_space<hbm>> -> memref<128x128xf32, #tpu.memory_space<hbm>>
      %dma_start3A_48 = arith.constant 0 : i32
      %dma_start3A_49 = tpu.memref_slice %arg6[%arg0, %add3A_37, %dma_start3A_48] : memref<2x10240x128xf32, #tpu.memory_space<hbm>> -> memref<1x128x128xf32, #tpu.memory_space<hbm>>
      %dma_start3A_50 = tpu.memref_squeeze %dma_start3A_49 : memref<1x128x128xf32, #tpu.memory_space<hbm>> -> memref<128x128xf32, #tpu.memory_space<hbm>>
      tpu.enqueue_dma source(%arg10 : memref<128x128xf32, #tpu.memory_space<vmem>>) target(%dma_start3A_50 : memref<128x128xf32, #tpu.memory_space<hbm>>) target_semaphore(%run_scoped3A : memref<!tpu.dma_semaphore, #tpu.memory_space<semaphore_mem>>)
      %dma_wait3A = arith.constant 0 : i32
      %dma_wait3A_51 = tpu.memref_slice %arg6[%arg0, %add3A_37, %dma_wait3A] : memref<2x10240x128xf32, #tpu.memory_space<hbm>> -> memref<1x128x128xf32, #tpu.memory_space<hbm>>
      %dma_wait3A_52 = tpu.memref_squeeze %dma_wait3A_51 : memref<1x128x128xf32, #tpu.memory_space<hbm>> -> memref<128x128xf32, #tpu.memory_space<hbm>>
      %dma_wait3A_53 = arith.constant 0 : i32
      %dma_wait3A_54 = tpu.memref_slice %arg6[%arg0, %add3A_37, %dma_wait3A_53] : memref<2x10240x128xf32, #tpu.memory_space<hbm>> -> memref<1x128x128xf32, #tpu.memory_space<hbm>>
      %dma_wait3A_55 = tpu.memref_squeeze %dma_wait3A_54 : memref<1x128x128xf32, #tpu.memory_space<hbm>> -> memref<128x128xf32, #tpu.memory_space<hbm>>
      tpu.wait_dma2 semaphore(%run_scoped3A : memref<!tpu.dma_semaphore, #tpu.memory_space<semaphore_mem>>) src(%arg10 : memref<128x128xf32, #tpu.memory_space<vmem>>) dst(%dma_wait3A_55 : memref<128x128xf32, #tpu.memory_space<hbm>>)
      tpu.yield
    }) : () -> ()
    %mul3A_38 = arith.constant 640 : i32
    %mul3A_39 = arith.muli %arg1, %mul3A_38 : i32
    %add3A_40 = arith.constant 384 : i32
    %add3A_41 = arith.addi %mul3A_39, %add3A_40 : i32
    "tpu.region"() ({
      %run_scoped3A = tpu.sem_alloc : memref<!tpu.dma_semaphore, #tpu.memory_space<semaphore_mem>>
      %dma_start3A = arith.constant 0 : i32
      %dma_start3A_46 = tpu.memref_slice %arg7[%add3A_41, %dma_start3A] : memref<10240x128xf32, #tpu.memory_space<vmem_shared>> -> memref<128x128xf32, #tpu.memory_space<vmem_shared>>
      %dma_start3A_47 = arith.constant 0 : i32
      %dma_start3A_48 = tpu.memref_slice %arg7[%add3A_41, %dma_start3A_47] : memref<10240x128xf32, #tpu.memory_space<vmem_shared>> -> memref<128x128xf32, #tpu.memory_space<vmem_shared>>
      tpu.enqueue_dma source(%dma_start3A_48 : memref<128x128xf32, #tpu.memory_space<vmem_shared>>) target(%arg10 : memref<128x128xf32, #tpu.memory_space<vmem>>) target_semaphore(%run_scoped3A : memref<!tpu.dma_semaphore, #tpu.memory_space<semaphore_mem>>)
      %dma_wait3A = arith.constant 0 : i32
      %dma_wait3A_49 = tpu.memref_slice %arg7[%add3A_41, %dma_wait3A] : memref<10240x128xf32, #tpu.memory_space<vmem_shared>> -> memref<128x128xf32, #tpu.memory_space<vmem_shared>>
      %dma_wait3A_50 = arith.constant 0 : i32
      %dma_wait3A_51 = tpu.memref_slice %arg7[%add3A_41, %dma_wait3A_50] : memref<10240x128xf32, #tpu.memory_space<vmem_shared>> -> memref<128x128xf32, #tpu.memory_space<vmem_shared>>
      tpu.wait_dma2 semaphore(%run_scoped3A : memref<!tpu.dma_semaphore, #tpu.memory_space<semaphore_mem>>) src(%dma_wait3A_51 : memref<128x128xf32, #tpu.memory_space<vmem_shared>>) dst(%arg10 : memref<128x128xf32, #tpu.memory_space<vmem>>)
      tpu.yield
    }) : () -> ()
    "tpu.region"() ({
      %run_scoped3A = tpu.sem_alloc : memref<!tpu.dma_semaphore, #tpu.memory_space<semaphore_mem>>
      %dma_start3A = arith.constant 0 : i32
      %dma_start3A_46 = tpu.memref_slice %arg6[%arg0, %add3A_41, %dma_start3A] : memref<2x10240x128xf32, #tpu.memory_space<hbm>> -> memref<1x128x128xf32, #tpu.memory_space<hbm>>
      %dma_start3A_47 = tpu.memref_squeeze %dma_start3A_46 : memref<1x128x128xf32, #tpu.memory_space<hbm>> -> memref<128x128xf32, #tpu.memory_space<hbm>>
      %dma_start3A_48 = arith.constant 0 : i32
      %dma_start3A_49 = tpu.memref_slice %arg6[%arg0, %add3A_41, %dma_start3A_48] : memref<2x10240x128xf32, #tpu.memory_space<hbm>> -> memref<1x128x128xf32, #tpu.memory_space<hbm>>
      %dma_start3A_50 = tpu.memref_squeeze %dma_start3A_49 : memref<1x128x128xf32, #tpu.memory_space<hbm>> -> memref<128x128xf32, #tpu.memory_space<hbm>>
      tpu.enqueue_dma source(%arg10 : memref<128x128xf32, #tpu.memory_space<vmem>>) target(%dma_start3A_50 : memref<128x128xf32, #tpu.memory_space<hbm>>) target_semaphore(%run_scoped3A : memref<!tpu.dma_semaphore, #tpu.memory_space<semaphore_mem>>)
      %dma_wait3A = arith.constant 0 : i32
      %dma_wait3A_51 = tpu.memref_slice %arg6[%arg0, %add3A_41, %dma_wait3A] : memref<2x10240x128xf32, #tpu.memory_space<hbm>> -> memref<1x128x128xf32, #tpu.memory_space<hbm>>
      %dma_wait3A_52 = tpu.memref_squeeze %dma_wait3A_51 : memref<1x128x128xf32, #tpu.memory_space<hbm>> -> memref<128x128xf32, #tpu.memory_space<hbm>>
      %dma_wait3A_53 = arith.constant 0 : i32
      %dma_wait3A_54 = tpu.memref_slice %arg6[%arg0, %add3A_41, %dma_wait3A_53] : memref<2x10240x128xf32, #tpu.memory_space<hbm>> -> memref<1x128x128xf32, #tpu.memory_space<hbm>>
      %dma_wait3A_55 = tpu.memref_squeeze %dma_wait3A_54 : memref<1x128x128xf32, #tpu.memory_space<hbm>> -> memref<128x128xf32, #tpu.memory_space<hbm>>
      tpu.wait_dma2 semaphore(%run_scoped3A : memref<!tpu.dma_semaphore, #tpu.memory_space<semaphore_mem>>) src(%arg10 : memref<128x128xf32, #tpu.memory_space<vmem>>) dst(%dma_wait3A_55 : memref<128x128xf32, #tpu.memory_space<hbm>>)
      tpu.yield
    }) : () -> ()
    %mul3A_42 = arith.constant 640 : i32
    %mul3A_43 = arith.muli %arg1, %mul3A_42 : i32
    %add3A_44 = arith.constant 512 : i32
    %add3A_45 = arith.addi %mul3A_43, %add3A_44 : i32
    "tpu.region"() ({
      %run_scoped3A = tpu.sem_alloc : memref<!tpu.dma_semaphore, #tpu.memory_space<semaphore_mem>>
      %dma_start3A = arith.constant 0 : i32
      %dma_start3A_46 = tpu.memref_slice %arg7[%add3A_45, %dma_start3A] : memref<10240x128xf32, #tpu.memory_space<vmem_shared>> -> memref<128x128xf32, #tpu.memory_space<vmem_shared>>
      %dma_start3A_47 = arith.constant 0 : i32
      %dma_start3A_48 = tpu.memref_slice %arg7[%add3A_45, %dma_start3A_47] : memref<10240x128xf32, #tpu.memory_space<vmem_shared>> -> memref<128x128xf32, #tpu.memory_space<vmem_shared>>
      tpu.enqueue_dma source(%dma_start3A_48 : memref<128x128xf32, #tpu.memory_space<vmem_shared>>) target(%arg10 : memref<128x128xf32, #tpu.memory_space<vmem>>) target_semaphore(%run_scoped3A : memref<!tpu.dma_semaphore, #tpu.memory_space<semaphore_mem>>)
      %dma_wait3A = arith.constant 0 : i32
      %dma_wait3A_49 = tpu.memref_slice %arg7[%add3A_45, %dma_wait3A] : memref<10240x128xf32, #tpu.memory_space<vmem_shared>> -> memref<128x128xf32, #tpu.memory_space<vmem_shared>>
      %dma_wait3A_50 = arith.constant 0 : i32
      %dma_wait3A_51 = tpu.memref_slice %arg7[%add3A_45, %dma_wait3A_50] : memref<10240x128xf32, #tpu.memory_space<vmem_shared>> -> memref<128x128xf32, #tpu.memory_space<vmem_shared>>
      tpu.wait_dma2 semaphore(%run_scoped3A : memref<!tpu.dma_semaphore, #tpu.memory_space<semaphore_mem>>) src(%dma_wait3A_51 : memref<128x128xf32, #tpu.memory_space<vmem_shared>>) dst(%arg10 : memref<128x128xf32, #tpu.memory_space<vmem>>)
      tpu.yield
    }) : () -> ()
    "tpu.region"() ({
      %run_scoped3A = tpu.sem_alloc : memref<!tpu.dma_semaphore, #tpu.memory_space<semaphore_mem>>
      %dma_start3A = arith.constant 0 : i32
      %dma_start3A_46 = tpu.memref_slice %arg6[%arg0, %add3A_45, %dma_start3A] : memref<2x10240x128xf32, #tpu.memory_space<hbm>> -> memref<1x128x128xf32, #tpu.memory_space<hbm>>
      %dma_start3A_47 = tpu.memref_squeeze %dma_start3A_46 : memref<1x128x128xf32, #tpu.memory_space<hbm>> -> memref<128x128xf32, #tpu.memory_space<hbm>>
      %dma_start3A_48 = arith.constant 0 : i32
      %dma_start3A_49 = tpu.memref_slice %arg6[%arg0, %add3A_45, %dma_start3A_48] : memref<2x10240x128xf32, #tpu.memory_space<hbm>> -> memref<1x128x128xf32, #tpu.memory_space<hbm>>
      %dma_start3A_50 = tpu.memref_squeeze %dma_start3A_49 : memref<1x128x128xf32, #tpu.memory_space<hbm>> -> memref<128x128xf32, #tpu.memory_space<hbm>>
      tpu.enqueue_dma source(%arg10 : memref<128x128xf32, #tpu.memory_space<vmem>>) target(%dma_start3A_50 : memref<128x128xf32, #tpu.memory_space<hbm>>) target_semaphore(%run_scoped3A : memref<!tpu.dma_semaphore, #tpu.memory_space<semaphore_mem>>)
      %dma_wait3A = arith.constant 0 : i32
      %dma_wait3A_51 = tpu.memref_slice %arg6[%arg0, %add3A_45, %dma_wait3A] : memref<2x10240x128xf32, #tpu.memory_space<hbm>> -> memref<1x128x128xf32, #tpu.memory_space<hbm>>
      %dma_wait3A_52 = tpu.memref_squeeze %dma_wait3A_51 : memref<1x128x128xf32, #tpu.memory_space<hbm>> -> memref<128x128xf32, #tpu.memory_space<hbm>>
      %dma_wait3A_53 = arith.constant 0 : i32
      %dma_wait3A_54 = tpu.memref_slice %arg6[%arg0, %add3A_45, %dma_wait3A_53] : memref<2x10240x128xf32, #tpu.memory_space<hbm>> -> memref<1x128x128xf32, #tpu.memory_space<hbm>>
      %dma_wait3A_55 = tpu.memref_squeeze %dma_wait3A_54 : memref<1x128x128xf32, #tpu.memory_space<hbm>> -> memref<128x128xf32, #tpu.memory_space<hbm>>
      tpu.wait_dma2 semaphore(%run_scoped3A : memref<!tpu.dma_semaphore, #tpu.memory_space<semaphore_mem>>) src(%arg10 : memref<128x128xf32, #tpu.memory_space<vmem>>) dst(%dma_wait3A_55 : memref<128x128xf32, #tpu.memory_space<hbm>>)
      tpu.yield
    }) : () -> ()
    return
  }
}

module attributes {stable_mosaic.version = 14 : i64} {
  func.func @_tc_bn1_body(%arg0: i32, %arg1: memref<1024x128xf32, #tpu.memory_space<vmem>>, %arg2: memref<2x128xf32, #tpu.memory_space<vmem>>, %arg3: memref<1x128xf32, #tpu.memory_space<vmem>>, %arg4: memref<1x128xf32, #tpu.memory_space<vmem>>, %arg5: memref<1024x128xf32, #tpu.memory_space<vmem>>) attributes {dimension_semantics = [#tpu.dimension_semantics<arbitrary>], iteration_bounds = array<i64: 10>, scalar_prefetch = 0 : i64, scratch_operands = 0 : i64, tpu.core_type = #tpu.core_type<tc>, window_params = [{transform_indices = @transform_0, window_bounds = array<i64: 1024, 128>}, {pipeline_mode = #tpu.pipeline_mode<synchronous>, transform_indices = @transform_1, window_bounds = array<i64: 2, 128>}, {pipeline_mode = #tpu.pipeline_mode<synchronous>, transform_indices = @transform_2, window_bounds = array<i64: 1, 128>}, {pipeline_mode = #tpu.pipeline_mode<synchronous>, transform_indices = @transform_3, window_bounds = array<i64: 1, 128>}, {transform_indices = @transform_4, window_bounds = array<i64: 1024, 128>}]} {
    %get3A = arith.constant 0 : index
    %get3A_0 = arith.constant 0 : index
    %get3A_1 = vector.load %arg1[%get3A, %get3A_0] : memref<1024x128xf32, #tpu.memory_space<vmem>>, vector<1024x128xf32>
    %get3A_2 = arith.constant 0 : index
    %get3A_3 = arith.constant 0 : index
    %get3A_4 = vector.load %arg2[%get3A_2, %get3A_3] : memref<2x128xf32, #tpu.memory_space<vmem>>, vector<2x128xf32>
    %get3A_5 = arith.constant 0 : index
    %get3A_6 = arith.constant 0 : index
    %get3A_7 = vector.load %arg3[%get3A_5, %get3A_6] : memref<1x128xf32, #tpu.memory_space<vmem>>, vector<1x128xf32>
    %get3A_8 = arith.constant 0 : index
    %get3A_9 = arith.constant 0 : index
    %get3A_10 = vector.load %arg4[%get3A_8, %get3A_9] : memref<1x128xf32, #tpu.memory_space<vmem>>, vector<1x128xf32>
    %slice3A = vector.extract_strided_slice %get3A_4 {offsets = [0, 0], sizes = [1, 128], strides = [1, 1]} : vector<2x128xf32> to vector<1x128xf32>
    %mul3A = arith.constant 9.99999974E-5 : f32
    %mul3A_11 = vector.broadcast %mul3A : f32 to vector<1x128xf32>
    %mul3A_12 = arith.mulf %slice3A, %mul3A_11 : vector<1x128xf32>
    %slice3A_13 = vector.extract_strided_slice %get3A_4 {offsets = [1, 0], sizes = [1, 128], strides = [1, 1]} : vector<2x128xf32> to vector<1x128xf32>
    %mul3A_14 = arith.constant 9.99999974E-5 : f32
    %mul3A_15 = vector.broadcast %mul3A_14 : f32 to vector<1x128xf32>
    %mul3A_16 = arith.mulf %slice3A_13, %mul3A_15 : vector<1x128xf32>
    %mul3A_17 = arith.mulf %mul3A_12, %mul3A_12 : vector<1x128xf32>
    %sub3A = arith.subf %mul3A_16, %mul3A_17 : vector<1x128xf32>
    %sub3A_18 = vector.broadcast %mul3A_12 : vector<1x128xf32> to vector<1024x128xf32>
    %sub3A_19 = arith.subf %get3A_1, %sub3A_18 : vector<1024x128xf32>
    %add3A = arith.constant 9.99999974E-6 : f32
    %add3A_20 = vector.broadcast %add3A : f32 to vector<1x128xf32>
    %add3A_21 = arith.addf %sub3A, %add3A_20 : vector<1x128xf32>
    %sqrt3A = math.sqrt %add3A_21 : vector<1x128xf32>
    %div3A = vector.broadcast %sqrt3A : vector<1x128xf32> to vector<1024x128xf32>
    %div3A_22 = arith.divf %sub3A_19, %div3A : vector<1024x128xf32>
    %mul3A_23 = vector.broadcast %get3A_7 : vector<1x128xf32> to vector<1024x128xf32>
    %mul3A_24 = arith.mulf %div3A_22, %mul3A_23 : vector<1024x128xf32>
    %add3A_25 = vector.broadcast %get3A_10 : vector<1x128xf32> to vector<1024x128xf32>
    %add3A_26 = arith.addf %mul3A_24, %add3A_25 : vector<1024x128xf32>
    %max3A = arith.constant 0.000000e+00 : f32
    %max3A_27 = vector.broadcast %max3A : f32 to vector<1024x128xf32>
    %max3A_28 = arith.maximumf %add3A_26, %max3A_27 : vector<1024x128xf32>
    %mul3A_29 = arith.constant 1024 : i32
    %mul3A_30 = arith.muli %arg0, %mul3A_29 : i32
    %iota3A = tpu.iota {dimensions = array<i32: 0>} : vector<1024x1xi32>
    %add3A_31 = vector.broadcast %mul3A_30 : i32 to vector<1024x1xi32>
    %add3A_32 = arith.addi %add3A_31, %iota3A : vector<1024x1xi32>
    %lt3A = arith.constant 10000 : i32
    %lt3A_33 = vector.broadcast %lt3A : i32 to vector<1024x1xi32>
    %lt3A_34 = arith.cmpi slt, %add3A_32, %lt3A_33 : vector<1024x1xi32>
    %convert_element_type3A = arith.extui %lt3A_34 : vector<1024x1xi1> to vector<1024x1xi32>
    %convert_element_type3A_35 = arith.sitofp %convert_element_type3A : vector<1024x1xi32> to vector<1024x1xf32>
    %mul3A_36 = vector.broadcast %convert_element_type3A_35 : vector<1024x1xf32> to vector<1024x128xf32>
    %mul3A_37 = arith.mulf %max3A_28, %mul3A_36 : vector<1024x128xf32>
    %swap3A = arith.constant 0 : index
    %swap3A_38 = arith.constant 0 : index
    %swap3A_39 = vector.load %arg5[%swap3A, %swap3A_38] : memref<1024x128xf32, #tpu.memory_space<vmem>>, vector<1024x128xf32>
    tpu.vector_store %arg5[%swap3A, %swap3A_38], %mul3A_37 {strides = array<i32>} : memref<1024x128xf32, #tpu.memory_space<vmem>>, vector<1024x128xf32>,
    return
  }
  func.func @transform_0(%arg0: i32) -> (i32, i32) {
    %c0_i32 = arith.constant 0 : i32
    %c0_i32_0 = arith.constant 0 : i32
    return %arg0, %c0_i32 : i32, i32
  }
  func.func @transform_1(%arg0: i32) -> (i32, i32) {
    %c0_i32 = arith.constant 0 : i32
    %c0_i32_0 = arith.constant 0 : i32
    %c0_i32_1 = arith.constant 0 : i32
    return %c0_i32, %c0_i32_0 : i32, i32
  }
  func.func @transform_2(%arg0: i32) -> (i32, i32) {
    %c0_i32 = arith.constant 0 : i32
    %c0_i32_0 = arith.constant 0 : i32
    %c0_i32_1 = arith.constant 0 : i32
    return %c0_i32, %c0_i32_0 : i32, i32
  }
  func.func @transform_3(%arg0: i32) -> (i32, i32) {
    %c0_i32 = arith.constant 0 : i32
    %c0_i32_0 = arith.constant 0 : i32
    %c0_i32_1 = arith.constant 0 : i32
    return %c0_i32, %c0_i32_0 : i32, i32
  }
  func.func @transform_4(%arg0: i32) -> (i32, i32) {
    %c0_i32 = arith.constant 0 : i32
    %c0_i32_0 = arith.constant 0 : i32
    return %arg0, %c0_i32 : i32, i32
  }
}

module attributes {stable_mosaic.version = 14 : i64} {
  func.func @_tc_mp_body(%arg0: i32, %arg1: memref<1024x128xf32, #tpu.memory_space<vmem>>, %arg2: memref<2x1024x128xf32, #tpu.memory_space<vmem>>, %arg3: memref<2x1024x128xf32, #tpu.memory_space<vmem>>, %arg4: memref<128x128xf32, #tpu.memory_space<vmem>>, %arg5: memref<128x128xf32, #tpu.memory_space<vmem>>, %arg6: memref<16x128xf32, #tpu.memory_space<vmem>>, %arg7: memref<1x128xf32, #tpu.memory_space<vmem>>, %arg8: memref<1024x128xf32, #tpu.memory_space<vmem>>, %arg9: memref<2x128xf32, #tpu.memory_space<vmem>>) attributes {dimension_semantics = [#tpu.dimension_semantics<arbitrary>], iteration_bounds = array<i64: 10>, scalar_prefetch = 0 : i64, scratch_operands = 0 : i64, tpu.core_type = #tpu.core_type<tc>, window_params = [{transform_indices = @transform_0, window_bounds = array<i64: 1024, 128>}, {transform_indices = @transform_1, window_bounds = array<i64: 2, 1024, 128>}, {transform_indices = @transform_2, window_bounds = array<i64: 2, 1024, 128>}, {pipeline_mode = #tpu.pipeline_mode<synchronous>, transform_indices = @transform_3, window_bounds = array<i64: 128, 128>}, {pipeline_mode = #tpu.pipeline_mode<synchronous>, transform_indices = @transform_4, window_bounds = array<i64: 128, 128>}, {pipeline_mode = #tpu.pipeline_mode<synchronous>, transform_indices = @transform_5, window_bounds = array<i64: 16, 128>}, {pipeline_mode = #tpu.pipeline_mode<synchronous>, transform_indices = @transform_6, window_bounds = array<i64: 1, 128>}, {transform_indices = @transform_7, window_bounds = array<i64: 1024, 128>}, {pipeline_mode = #tpu.pipeline_mode<synchronous>, transform_indices = @transform_8, window_bounds = array<i64: 2, 128>}]} {
    %get3A = arith.constant 0 : index
    %get3A_0 = arith.constant 0 : index
    %get3A_1 = vector.load %arg1[%get3A, %get3A_0] : memref<1024x128xf32, #tpu.memory_space<vmem>>, vector<1024x128xf32>
    %get3A_2 = arith.constant 0 : index
    %get3A_3 = arith.constant 0 : index
    %get3A_4 = arith.constant 0 : index
    %get3A_5 = vector.load %arg3[%get3A_2, %get3A_3, %get3A_4] : memref<2x1024x128xf32, #tpu.memory_space<vmem>>, vector<1x1024x128xf32>
    %get3A_6 = vector.shape_cast %get3A_5 : vector<1x1024x128xf32> to vector<1024x128xf32>
    %get3A_7 = arith.constant 1 : index
    %get3A_8 = arith.constant 0 : index
    %get3A_9 = arith.constant 0 : index
    %get3A_10 = vector.load %arg3[%get3A_7, %get3A_8, %get3A_9] : memref<2x1024x128xf32, #tpu.memory_space<vmem>>, vector<1x1024x128xf32>
    %get3A_11 = vector.shape_cast %get3A_10 : vector<1x1024x128xf32> to vector<1024x128xf32>
    %add3A = arith.addf %get3A_6, %get3A_11 : vector<1024x128xf32>
    %slice3A = vector.extract_strided_slice %add3A {offsets = [0, 16], sizes = [1024, 1], strides = [1, 1]} : vector<1024x128xf32> to vector<1024x1xf32>
    %add3A_12 = arith.constant 1.000000e+00 : f32
    %add3A_13 = vector.broadcast %add3A_12 : f32 to vector<1024x1xf32>
    %add3A_14 = arith.addf %slice3A, %add3A_13 : vector<1024x1xf32>
    %slice3A_15 = vector.extract_strided_slice %add3A {offsets = [0, 0], sizes = [1024, 16], strides = [1, 1]} : vector<1024x128xf32> to vector<1024x16xf32>
    %add3A_16 = arith.constant 1.000000e+00 : f32
    %add3A_17 = vector.broadcast %add3A_16 : f32 to vector<1024x16xf32>
    %add3A_18 = arith.addf %slice3A_15, %add3A_17 : vector<1024x16xf32>
    %get3A_19 = arith.constant 0 : index
    %get3A_20 = arith.constant 0 : index
    %get3A_21 = arith.constant 0 : index
    %get3A_22 = vector.load %arg2[%get3A_19, %get3A_20, %get3A_21] : memref<2x1024x128xf32, #tpu.memory_space<vmem>>, vector<1x1024x128xf32>
    %get3A_23 = vector.shape_cast %get3A_22 : vector<1x1024x128xf32> to vector<1024x128xf32>
    %get3A_24 = arith.constant 1 : index
    %get3A_25 = arith.constant 0 : index
    %get3A_26 = arith.constant 0 : index
    %get3A_27 = vector.load %arg2[%get3A_24, %get3A_25, %get3A_26] : memref<2x1024x128xf32, #tpu.memory_space<vmem>>, vector<1x1024x128xf32>
    %get3A_28 = vector.shape_cast %get3A_27 : vector<1x1024x128xf32> to vector<1024x128xf32>
    %add3A_29 = arith.addf %get3A_23, %get3A_28 : vector<1024x128xf32>
    %add3A_30 = arith.addf %add3A_29, %get3A_1 : vector<1024x128xf32>
    %get3A_31 = arith.constant 0 : index
    %get3A_32 = arith.constant 0 : index
    %get3A_33 = vector.load %arg4[%get3A_31, %get3A_32] : memref<128x128xf32, #tpu.memory_space<vmem>>, vector<128x128xf32>
    %dot_general3A = arith.constant dense<0.000000e+00> : vector<1024x128xf32>
    %dot_general3A_34 = tpu.matmul %get3A_1, %get3A_33, %dot_general3A {dimension_numbers = #tpu.dot_dimension_numbers<[1], [0], [0], [1], [0, 0, 1, 1], [], []>, transpose_lhs_hint = false} : vector<1024x128xf32>, vector<128x128xf32>, vector<1024x128xf32> -> vector<1024x128xf32>
    %mul3A = vector.broadcast %add3A_14 : vector<1024x1xf32> to vector<1024x128xf32>
    %mul3A_35 = arith.mulf %mul3A, %dot_general3A_34 : vector<1024x128xf32>
    %get3A_36 = arith.constant 0 : index
    %get3A_37 = arith.constant 0 : index
    %get3A_38 = vector.load %arg5[%get3A_36, %get3A_37] : memref<128x128xf32, #tpu.memory_space<vmem>>, vector<128x128xf32>
    %dot_general3A_39 = arith.constant dense<0.000000e+00> : vector<1024x128xf32>
    %dot_general3A_40 = tpu.matmul %add3A_30, %get3A_38, %dot_general3A_39 {dimension_numbers = #tpu.dot_dimension_numbers<[1], [0], [0], [1], [0, 0, 1, 1], [], []>, transpose_lhs_hint = false} : vector<1024x128xf32>, vector<128x128xf32>, vector<1024x128xf32> -> vector<1024x128xf32>
    %add3A_41 = arith.addf %mul3A_35, %dot_general3A_40 : vector<1024x128xf32>
    %get3A_42 = arith.constant 0 : index
    %get3A_43 = arith.constant 0 : index
    %get3A_44 = vector.load %arg6[%get3A_42, %get3A_43] : memref<16x128xf32, #tpu.memory_space<vmem>>, vector<16x128xf32>
    %dot_general3A_45 = arith.constant dense<0.000000e+00> : vector<1024x128xf32>
    %dot_general3A_46 = tpu.matmul %add3A_18, %get3A_44, %dot_general3A_45 {dimension_numbers = #tpu.dot_dimension_numbers<[1], [0], [0], [1], [0, 0, 1, 1], [], []>, transpose_lhs_hint = false} : vector<1024x16xf32>, vector<16x128xf32>, vector<1024x128xf32> -> vector<1024x128xf32>
    %add3A_47 = arith.addf %add3A_41, %dot_general3A_46 : vector<1024x128xf32>
    %get3A_48 = arith.constant 0 : index
    %get3A_49 = arith.constant 0 : index
    %get3A_50 = vector.load %arg7[%get3A_48, %get3A_49] : memref<1x128xf32, #tpu.memory_space<vmem>>, vector<1x128xf32>
    %mul3A_51 = vector.broadcast %add3A_14 : vector<1024x1xf32> to vector<1024x128xf32>
    %mul3A_52 = vector.broadcast %get3A_50 : vector<1x128xf32> to vector<1024x128xf32>
    %mul3A_53 = arith.mulf %mul3A_51, %mul3A_52 : vector<1024x128xf32>
    %add3A_54 = arith.addf %add3A_47, %mul3A_53 : vector<1024x128xf32>
    %max3A = arith.constant 0.000000e+00 : f32
    %max3A_55 = vector.broadcast %max3A : f32 to vector<1024x128xf32>
    %max3A_56 = arith.maximumf %add3A_54, %max3A_55 : vector<1024x128xf32>
    %mul3A_57 = arith.constant 1024 : i32
    %mul3A_58 = arith.muli %arg0, %mul3A_57 : i32
    %iota3A = tpu.iota {dimensions = array<i32: 0>} : vector<1024x1xi32>
    %add3A_59 = vector.broadcast %mul3A_58 : i32 to vector<1024x1xi32>
    %add3A_60 = arith.addi %add3A_59, %iota3A : vector<1024x1xi32>
    %lt3A = arith.constant 10000 : i32
    %lt3A_61 = vector.broadcast %lt3A : i32 to vector<1024x1xi32>
    %lt3A_62 = arith.cmpi slt, %add3A_60, %lt3A_61 : vector<1024x1xi32>
    %convert_element_type3A = arith.extui %lt3A_62 : vector<1024x1xi1> to vector<1024x1xi32>
    %convert_element_type3A_63 = arith.sitofp %convert_element_type3A : vector<1024x1xi32> to vector<1024x1xf32>
    %mul3A_64 = vector.broadcast %convert_element_type3A_63 : vector<1024x1xf32> to vector<1024x128xf32>
    %mul3A_65 = arith.mulf %max3A_56, %mul3A_64 : vector<1024x128xf32>
    %swap3A = arith.constant 0 : index
    %swap3A_66 = arith.constant 0 : index
    %swap3A_67 = vector.load %arg8[%swap3A, %swap3A_66] : memref<1024x128xf32, #tpu.memory_space<vmem>>, vector<1024x128xf32>
    tpu.vector_store %arg8[%swap3A, %swap3A_66], %mul3A_65 {strides = array<i32>} : memref<1024x128xf32, #tpu.memory_space<vmem>>, vector<1024x128xf32>,
    %reduce_sum3A = arith.constant dense<0.000000e+00> : vector<128xf32>
    %reduce_sum3A_68 = vector.multi_reduction <add>, %mul3A_65, %reduce_sum3A [0] : vector<1024x128xf32> to vector<128xf32>
    %broadcast_in_dim3A = vector.shape_cast %reduce_sum3A_68 : vector<128xf32> to vector<1x128xf32>
    %mul3A_69 = arith.mulf %mul3A_65, %mul3A_65 : vector<1024x128xf32>
    %reduce_sum3A_70 = arith.constant dense<0.000000e+00> : vector<128xf32>
    %reduce_sum3A_71 = vector.multi_reduction <add>, %mul3A_69, %reduce_sum3A_70 [0] : vector<1024x128xf32> to vector<128xf32>
    %broadcast_in_dim3A_72 = vector.shape_cast %reduce_sum3A_71 : vector<128xf32> to vector<1x128xf32>
    %concatenate3A = tpu.concatenate %broadcast_in_dim3A, %broadcast_in_dim3A_72 in 0 : vector<1x128xf32>, vector<1x128xf32> -> vector<2x128xf32>
    %eq3A = arith.constant 0 : i32
    %eq3A_73 = arith.cmpi eq, %arg0, %eq3A : i32
    %convert_element_type3A_74 = arith.extui %eq3A_73 : i1 to i32
    %cond3A = arith.constant 0 : i32
    %cond3A_75 = arith.cmpi ne, %convert_element_type3A_74, %cond3A : i32
    scf.if %cond3A_75 {
      %broadcast_in_dim3A_83 = arith.constant 0.000000e+00 : f32
      %broadcast_in_dim3A_84 = vector.broadcast %broadcast_in_dim3A_83 : f32 to vector<2x128xf32>
      %swap3A_85 = arith.constant 0 : index
      %swap3A_86 = arith.constant 0 : index
      %swap3A_87 = vector.load %arg9[%swap3A_85, %swap3A_86] : memref<2x128xf32, #tpu.memory_space<vmem>>, vector<2x128xf32>
      tpu.vector_store %arg9[%swap3A_85, %swap3A_86], %broadcast_in_dim3A_84 {strides = array<i32>} : memref<2x128xf32, #tpu.memory_space<vmem>>, vector<2x128xf32>,
    } else {
    }
    %get3A_76 = arith.constant 0 : index
    %get3A_77 = arith.constant 0 : index
    %get3A_78 = vector.load %arg9[%get3A_76, %get3A_77] : memref<2x128xf32, #tpu.memory_space<vmem>>, vector<2x128xf32>
    %add3A_79 = arith.addf %get3A_78, %concatenate3A : vector<2x128xf32>
    %swap3A_80 = arith.constant 0 : index
    %swap3A_81 = arith.constant 0 : index
    %swap3A_82 = vector.load %arg9[%swap3A_80, %swap3A_81] : memref<2x128xf32, #tpu.memory_space<vmem>>, vector<2x128xf32>
    tpu.vector_store %arg9[%swap3A_80, %swap3A_81], %add3A_79 {strides = array<i32>} : memref<2x128xf32, #tpu.memory_space<vmem>>, vector<2x128xf32>,
    return
  }
  func.func @transform_0(%arg0: i32) -> (i32, i32) {
    %c0_i32 = arith.constant 0 : i32
    %c0_i32_0 = arith.constant 0 : i32
    return %arg0, %c0_i32 : i32, i32
  }
  func.func @transform_1(%arg0: i32) -> (i32, i32, i32) {
    %c0_i32 = arith.constant 0 : i32
    %c0_i32_0 = arith.constant 0 : i32
    %c0_i32_1 = arith.constant 0 : i32
    return %c0_i32, %arg0, %c0_i32_0 : i32, i32, i32
  }
  func.func @transform_2(%arg0: i32) -> (i32, i32, i32) {
    %c0_i32 = arith.constant 0 : i32
    %c0_i32_0 = arith.constant 0 : i32
    %c0_i32_1 = arith.constant 0 : i32
    return %c0_i32, %arg0, %c0_i32_0 : i32, i32, i32
  }
  func.func @transform_3(%arg0: i32) -> (i32, i32) {
    %c0_i32 = arith.constant 0 : i32
    %c0_i32_0 = arith.constant 0 : i32
    %c0_i32_1 = arith.constant 0 : i32
    return %c0_i32, %c0_i32_0 : i32, i32
  }
  func.func @transform_4(%arg0: i32) -> (i32, i32) {
    %c0_i32 = arith.constant 0 : i32
    %c0_i32_0 = arith.constant 0 : i32
    %c0_i32_1 = arith.constant 0 : i32
    return %c0_i32, %c0_i32_0 : i32, i32
  }
  func.func @transform_5(%arg0: i32) -> (i32, i32) {
    %c0_i32 = arith.constant 0 : i32
    %c0_i32_0 = arith.constant 0 : i32
    %c0_i32_1 = arith.constant 0 : i32
    return %c0_i32, %c0_i32_0 : i32, i32
  }
  func.func @transform_6(%arg0: i32) -> (i32, i32) {
    %c0_i32 = arith.constant 0 : i32
    %c0_i32_0 = arith.constant 0 : i32
    %c0_i32_1 = arith.constant 0 : i32
    return %c0_i32, %c0_i32_0 : i32, i32
  }
  func.func @transform_7(%arg0: i32) -> (i32, i32) {
    %c0_i32 = arith.constant 0 : i32
    %c0_i32_0 = arith.constant 0 : i32
    return %arg0, %c0_i32 : i32, i32
  }
  func.func @transform_8(%arg0: i32) -> (i32, i32) {
    %c0_i32 = arith.constant 0 : i32
    %c0_i32_0 = arith.constant 0 : i32
    %c0_i32_1 = arith.constant 0 : i32
    return %c0_i32, %c0_i32_0 : i32, i32
  }
}

module attributes {stable_mosaic.version = 14 : i64} {
  func.func @_tc_bn2_body(%arg0: i32, %arg1: memref<1024x128xf32, #tpu.memory_space<vmem>>, %arg2: memref<2x128xf32, #tpu.memory_space<vmem>>, %arg3: memref<1x128xf32, #tpu.memory_space<vmem>>, %arg4: memref<1x128xf32, #tpu.memory_space<vmem>>, %arg5: memref<1024x1xi32, #tpu.memory_space<vmem>>, %arg6: memref<1024x128xf32, #tpu.memory_space<vmem>>, %arg7: memref<64x128xf32, #tpu.memory_space<vmem>>) attributes {dimension_semantics = [#tpu.dimension_semantics<arbitrary>], iteration_bounds = array<i64: 10>, scalar_prefetch = 0 : i64, scratch_operands = 0 : i64, tpu.core_type = #tpu.core_type<tc>, window_params = [{transform_indices = @transform_0, window_bounds = array<i64: 1024, 128>}, {pipeline_mode = #tpu.pipeline_mode<synchronous>, transform_indices = @transform_1, window_bounds = array<i64: 2, 128>}, {pipeline_mode = #tpu.pipeline_mode<synchronous>, transform_indices = @transform_2, window_bounds = array<i64: 1, 128>}, {pipeline_mode = #tpu.pipeline_mode<synchronous>, transform_indices = @transform_3, window_bounds = array<i64: 1, 128>}, {transform_indices = @transform_4, window_bounds = array<i64: 1024, 1>}, {transform_indices = @transform_5, window_bounds = array<i64: 1024, 128>}, {pipeline_mode = #tpu.pipeline_mode<synchronous>, transform_indices = @transform_6, window_bounds = array<i64: 64, 128>}]} {
    %get3A = arith.constant 0 : index
    %get3A_0 = arith.constant 0 : index
    %get3A_1 = vector.load %arg1[%get3A, %get3A_0] : memref<1024x128xf32, #tpu.memory_space<vmem>>, vector<1024x128xf32>
    %get3A_2 = arith.constant 0 : index
    %get3A_3 = arith.constant 0 : index
    %get3A_4 = vector.load %arg2[%get3A_2, %get3A_3] : memref<2x128xf32, #tpu.memory_space<vmem>>, vector<2x128xf32>
    %get3A_5 = arith.constant 0 : index
    %get3A_6 = arith.constant 0 : index
    %get3A_7 = vector.load %arg3[%get3A_5, %get3A_6] : memref<1x128xf32, #tpu.memory_space<vmem>>, vector<1x128xf32>
    %get3A_8 = arith.constant 0 : index
    %get3A_9 = arith.constant 0 : index
    %get3A_10 = vector.load %arg4[%get3A_8, %get3A_9] : memref<1x128xf32, #tpu.memory_space<vmem>>, vector<1x128xf32>
    %slice3A = vector.extract_strided_slice %get3A_4 {offsets = [0, 0], sizes = [1, 128], strides = [1, 1]} : vector<2x128xf32> to vector<1x128xf32>
    %mul3A = arith.constant 9.99999974E-5 : f32
    %mul3A_11 = vector.broadcast %mul3A : f32 to vector<1x128xf32>
    %mul3A_12 = arith.mulf %slice3A, %mul3A_11 : vector<1x128xf32>
    %slice3A_13 = vector.extract_strided_slice %get3A_4 {offsets = [1, 0], sizes = [1, 128], strides = [1, 1]} : vector<2x128xf32> to vector<1x128xf32>
    %mul3A_14 = arith.constant 9.99999974E-5 : f32
    %mul3A_15 = vector.broadcast %mul3A_14 : f32 to vector<1x128xf32>
    %mul3A_16 = arith.mulf %slice3A_13, %mul3A_15 : vector<1x128xf32>
    %mul3A_17 = arith.mulf %mul3A_12, %mul3A_12 : vector<1x128xf32>
    %sub3A = arith.subf %mul3A_16, %mul3A_17 : vector<1x128xf32>
    %sub3A_18 = vector.broadcast %mul3A_12 : vector<1x128xf32> to vector<1024x128xf32>
    %sub3A_19 = arith.subf %get3A_1, %sub3A_18 : vector<1024x128xf32>
    %add3A = arith.constant 9.99999974E-6 : f32
    %add3A_20 = vector.broadcast %add3A : f32 to vector<1x128xf32>
    %add3A_21 = arith.addf %sub3A, %add3A_20 : vector<1x128xf32>
    %sqrt3A = math.sqrt %add3A_21 : vector<1x128xf32>
    %div3A = vector.broadcast %sqrt3A : vector<1x128xf32> to vector<1024x128xf32>
    %div3A_22 = arith.divf %sub3A_19, %div3A : vector<1024x128xf32>
    %mul3A_23 = vector.broadcast %get3A_7 : vector<1x128xf32> to vector<1024x128xf32>
    %mul3A_24 = arith.mulf %div3A_22, %mul3A_23 : vector<1024x128xf32>
    %add3A_25 = vector.broadcast %get3A_10 : vector<1x128xf32> to vector<1024x128xf32>
    %add3A_26 = arith.addf %mul3A_24, %add3A_25 : vector<1024x128xf32>
    %max3A = arith.constant 0.000000e+00 : f32
    %max3A_27 = vector.broadcast %max3A : f32 to vector<1024x128xf32>
    %max3A_28 = arith.maximumf %add3A_26, %max3A_27 : vector<1024x128xf32>
    %mul3A_29 = arith.constant 1024 : i32
    %mul3A_30 = arith.muli %arg0, %mul3A_29 : i32
    %iota3A = tpu.iota {dimensions = array<i32: 0>} : vector<1024x1xi32>
    %add3A_31 = vector.broadcast %mul3A_30 : i32 to vector<1024x1xi32>
    %add3A_32 = arith.addi %add3A_31, %iota3A : vector<1024x1xi32>
    %lt3A = arith.constant 10000 : i32
    %lt3A_33 = vector.broadcast %lt3A : i32 to vector<1024x1xi32>
    %lt3A_34 = arith.cmpi slt, %add3A_32, %lt3A_33 : vector<1024x1xi32>
    %convert_element_type3A = arith.extui %lt3A_34 : vector<1024x1xi1> to vector<1024x1xi32>
    %convert_element_type3A_35 = arith.sitofp %convert_element_type3A : vector<1024x1xi32> to vector<1024x1xf32>
    %mul3A_36 = vector.broadcast %convert_element_type3A_35 : vector<1024x1xf32> to vector<1024x128xf32>
    %mul3A_37 = arith.mulf %max3A_28, %mul3A_36 : vector<1024x128xf32>
    %swap3A = arith.constant 0 : index
    %swap3A_38 = arith.constant 0 : index
    %swap3A_39 = vector.load %arg6[%swap3A, %swap3A_38] : memref<1024x128xf32, #tpu.memory_space<vmem>>, vector<1024x128xf32>
    tpu.vector_store %arg6[%swap3A, %swap3A_38], %mul3A_37 {strides = array<i32>} : memref<1024x128xf32, #tpu.memory_space<vmem>>, vector<1024x128xf32>,
    %get3A_40 = arith.constant 0 : index
    %get3A_41 = arith.constant 0 : index
    %get3A_42 = vector.load %arg5[%get3A_40, %get3A_41] : memref<1024x1xi32, #tpu.memory_space<vmem>>, vector<1024x1xi32>
    %iota3A_43 = tpu.iota {dimensions = array<i32: 1>} : vector<1024x64xi32>
    %eq3A = vector.broadcast %get3A_42 : vector<1024x1xi32> to vector<1024x64xi32>
    %eq3A_44 = arith.cmpi eq, %eq3A, %iota3A_43 : vector<1024x64xi32>
    %convert_element_type3A_45 = arith.extui %eq3A_44 : vector<1024x64xi1> to vector<1024x64xi32>
    %convert_element_type3A_46 = arith.sitofp %convert_element_type3A_45 : vector<1024x64xi32> to vector<1024x64xf32>
    %dot_general3A = arith.constant dense<0.000000e+00> : vector<64x128xf32>
    %dot_general3A_47 = tpu.matmul %convert_element_type3A_46, %mul3A_37, %dot_general3A {dimension_numbers = #tpu.dot_dimension_numbers<[0], [0], [1], [1], [0, 1, 1, 1], [], []>, transpose_lhs_hint = false} : vector<1024x64xf32>, vector<1024x128xf32>, vector<64x128xf32> -> vector<64x128xf32>
    %eq3A_48 = arith.constant 0 : i32
    %eq3A_49 = arith.cmpi eq, %arg0, %eq3A_48 : i32
    %convert_element_type3A_50 = arith.extui %eq3A_49 : i1 to i32
    %cond3A = arith.constant 0 : i32
    %cond3A_51 = arith.cmpi ne, %convert_element_type3A_50, %cond3A : i32
    scf.if %cond3A_51 {
      %broadcast_in_dim3A = arith.constant 0.000000e+00 : f32
      %broadcast_in_dim3A_59 = vector.broadcast %broadcast_in_dim3A : f32 to vector<64x128xf32>
      %swap3A_60 = arith.constant 0 : index
      %swap3A_61 = arith.constant 0 : index
      %swap3A_62 = vector.load %arg7[%swap3A_60, %swap3A_61] : memref<64x128xf32, #tpu.memory_space<vmem>>, vector<64x128xf32>
      tpu.vector_store %arg7[%swap3A_60, %swap3A_61], %broadcast_in_dim3A_59 {strides = array<i32>} : memref<64x128xf32, #tpu.memory_space<vmem>>, vector<64x128xf32>,
    } else {
    }
    %get3A_52 = arith.constant 0 : index
    %get3A_53 = arith.constant 0 : index
    %get3A_54 = vector.load %arg7[%get3A_52, %get3A_53] : memref<64x128xf32, #tpu.memory_space<vmem>>, vector<64x128xf32>
    %add3A_55 = arith.addf %get3A_54, %dot_general3A_47 : vector<64x128xf32>
    %swap3A_56 = arith.constant 0 : index
    %swap3A_57 = arith.constant 0 : index
    %swap3A_58 = vector.load %arg7[%swap3A_56, %swap3A_57] : memref<64x128xf32, #tpu.memory_space<vmem>>, vector<64x128xf32>
    tpu.vector_store %arg7[%swap3A_56, %swap3A_57], %add3A_55 {strides = array<i32>} : memref<64x128xf32, #tpu.memory_space<vmem>>, vector<64x128xf32>,
    return
  }
  func.func @transform_0(%arg0: i32) -> (i32, i32) {
    %c0_i32 = arith.constant 0 : i32
    %c0_i32_0 = arith.constant 0 : i32
    return %arg0, %c0_i32 : i32, i32
  }
  func.func @transform_1(%arg0: i32) -> (i32, i32) {
    %c0_i32 = arith.constant 0 : i32
    %c0_i32_0 = arith.constant 0 : i32
    %c0_i32_1 = arith.constant 0 : i32
    return %c0_i32, %c0_i32_0 : i32, i32
  }
  func.func @transform_2(%arg0: i32) -> (i32, i32) {
    %c0_i32 = arith.constant 0 : i32
    %c0_i32_0 = arith.constant 0 : i32
    %c0_i32_1 = arith.constant 0 : i32
    return %c0_i32, %c0_i32_0 : i32, i32
  }
  func.func @transform_3(%arg0: i32) -> (i32, i32) {
    %c0_i32 = arith.constant 0 : i32
    %c0_i32_0 = arith.constant 0 : i32
    %c0_i32_1 = arith.constant 0 : i32
    return %c0_i32, %c0_i32_0 : i32, i32
  }
  func.func @transform_4(%arg0: i32) -> (i32, i32) {
    %c0_i32 = arith.constant 0 : i32
    %c0_i32_0 = arith.constant 0 : i32
    return %arg0, %c0_i32 : i32, i32
  }
  func.func @transform_5(%arg0: i32) -> (i32, i32) {
    %c0_i32 = arith.constant 0 : i32
    %c0_i32_0 = arith.constant 0 : i32
    return %arg0, %c0_i32 : i32, i32
  }
  func.func @transform_6(%arg0: i32) -> (i32, i32) {
    %c0_i32 = arith.constant 0 : i32
    %c0_i32_0 = arith.constant 0 : i32
    %c0_i32_1 = arith.constant 0 : i32
    return %c0_i32, %c0_i32_0 : i32, i32
  }
}

module attributes {stable_mosaic.version = 14 : i64} {
  func.func @_tc_mlp_body(%arg0: i32, %arg1: memref<1024x128xf32, #tpu.memory_space<vmem>>, %arg2: memref<64x128xf32, #tpu.memory_space<vmem>>, %arg3: memref<1024x1xi32, #tpu.memory_space<vmem>>, %arg4: memref<128x256xf32, #tpu.memory_space<vmem>>, %arg5: memref<128x256xf32, #tpu.memory_space<vmem>>, %arg6: memref<1x256xf32, #tpu.memory_space<vmem>>, %arg7: memref<256x10xf32, #tpu.memory_space<vmem>>, %arg8: memref<1x10xf32, #tpu.memory_space<vmem>>, %arg9: memref<1024x10xf32, #tpu.memory_space<vmem>>) attributes {dimension_semantics = [#tpu.dimension_semantics<arbitrary>], iteration_bounds = array<i64: 10>, scalar_prefetch = 0 : i64, scratch_operands = 0 : i64, tpu.core_type = #tpu.core_type<tc>, window_params = [{transform_indices = @transform_0, window_bounds = array<i64: 1024, 128>}, {pipeline_mode = #tpu.pipeline_mode<synchronous>, transform_indices = @transform_1, window_bounds = array<i64: 64, 128>}, {transform_indices = @transform_2, window_bounds = array<i64: 1024, 1>}, {pipeline_mode = #tpu.pipeline_mode<synchronous>, transform_indices = @transform_3, window_bounds = array<i64: 128, 256>}, {pipeline_mode = #tpu.pipeline_mode<synchronous>, transform_indices = @transform_4, window_bounds = array<i64: 128, 256>}, {pipeline_mode = #tpu.pipeline_mode<synchronous>, transform_indices = @transform_5, window_bounds = array<i64: 1, 256>}, {pipeline_mode = #tpu.pipeline_mode<synchronous>, transform_indices = @transform_6, window_bounds = array<i64: 256, 10>}, {pipeline_mode = #tpu.pipeline_mode<synchronous>, transform_indices = @transform_7, window_bounds = array<i64: 1, 10>}, {transform_indices = @transform_8, window_bounds = array<i64: 1024, 10>}]} {
    %get3A = arith.constant 0 : index
    %get3A_0 = arith.constant 0 : index
    %get3A_1 = vector.load %arg3[%get3A, %get3A_0] : memref<1024x1xi32, #tpu.memory_space<vmem>>, vector<1024x1xi32>
    %iota3A = tpu.iota {dimensions = array<i32: 1>} : vector<1024x64xi32>
    %eq3A = vector.broadcast %get3A_1 : vector<1024x1xi32> to vector<1024x64xi32>
    %eq3A_2 = arith.cmpi eq, %eq3A, %iota3A : vector<1024x64xi32>
    %convert_element_type3A = arith.extui %eq3A_2 : vector<1024x64xi1> to vector<1024x64xi32>
    %convert_element_type3A_3 = arith.sitofp %convert_element_type3A : vector<1024x64xi32> to vector<1024x64xf32>
    %get3A_4 = arith.constant 0 : index
    %get3A_5 = arith.constant 0 : index
    %get3A_6 = vector.load %arg2[%get3A_4, %get3A_5] : memref<64x128xf32, #tpu.memory_space<vmem>>, vector<64x128xf32>
    %dot_general3A = arith.constant dense<0.000000e+00> : vector<1024x128xf32>
    %dot_general3A_7 = tpu.matmul %convert_element_type3A_3, %get3A_6, %dot_general3A {dimension_numbers = #tpu.dot_dimension_numbers<[1], [0], [0], [1], [0, 0, 1, 1], [], []>, transpose_lhs_hint = false} : vector<1024x64xf32>, vector<64x128xf32>, vector<1024x128xf32> -> vector<1024x128xf32>
    %get3A_8 = arith.constant 0 : index
    %get3A_9 = arith.constant 0 : index
    %get3A_10 = vector.load %arg1[%get3A_8, %get3A_9] : memref<1024x128xf32, #tpu.memory_space<vmem>>, vector<1024x128xf32>
    %get3A_11 = arith.constant 0 : index
    %get3A_12 = arith.constant 0 : index
    %get3A_13 = vector.load %arg4[%get3A_11, %get3A_12] : memref<128x256xf32, #tpu.memory_space<vmem>>, vector<128x256xf32>
    %dot_general3A_14 = arith.constant dense<0.000000e+00> : vector<1024x256xf32>
    %dot_general3A_15 = tpu.matmul %get3A_10, %get3A_13, %dot_general3A_14 {dimension_numbers = #tpu.dot_dimension_numbers<[1], [0], [0], [1], [0, 0, 1, 1], [], []>, transpose_lhs_hint = false} : vector<1024x128xf32>, vector<128x256xf32>, vector<1024x256xf32> -> vector<1024x256xf32>
    %get3A_16 = arith.constant 0 : index
    %get3A_17 = arith.constant 0 : index
    %get3A_18 = vector.load %arg5[%get3A_16, %get3A_17] : memref<128x256xf32, #tpu.memory_space<vmem>>, vector<128x256xf32>
    %dot_general3A_19 = arith.constant dense<0.000000e+00> : vector<1024x256xf32>
    %dot_general3A_20 = tpu.matmul %dot_general3A_7, %get3A_18, %dot_general3A_19 {dimension_numbers = #tpu.dot_dimension_numbers<[1], [0], [0], [1], [0, 0, 1, 1], [], []>, transpose_lhs_hint = false} : vector<1024x128xf32>, vector<128x256xf32>, vector<1024x256xf32> -> vector<1024x256xf32>
    %add3A = arith.addf %dot_general3A_15, %dot_general3A_20 : vector<1024x256xf32>
    %get3A_21 = arith.constant 0 : index
    %get3A_22 = arith.constant 0 : index
    %get3A_23 = vector.load %arg6[%get3A_21, %get3A_22] : memref<1x256xf32, #tpu.memory_space<vmem>>, vector<1x256xf32>
    %add3A_24 = vector.broadcast %get3A_23 : vector<1x256xf32> to vector<1024x256xf32>
    %add3A_25 = arith.addf %add3A, %add3A_24 : vector<1024x256xf32>
    %max3A = arith.constant 0.000000e+00 : f32
    %max3A_26 = vector.broadcast %max3A : f32 to vector<1024x256xf32>
    %max3A_27 = arith.maximumf %add3A_25, %max3A_26 : vector<1024x256xf32>
    %get3A_28 = arith.constant 0 : index
    %get3A_29 = arith.constant 0 : index
    %get3A_30 = vector.load %arg7[%get3A_28, %get3A_29] : memref<256x10xf32, #tpu.memory_space<vmem>>, vector<256x10xf32>
    %dot_general3A_31 = arith.constant dense<0.000000e+00> : vector<1024x10xf32>
    %dot_general3A_32 = tpu.matmul %max3A_27, %get3A_30, %dot_general3A_31 {dimension_numbers = #tpu.dot_dimension_numbers<[1], [0], [0], [1], [0, 0, 1, 1], [], []>, transpose_lhs_hint = false} : vector<1024x256xf32>, vector<256x10xf32>, vector<1024x10xf32> -> vector<1024x10xf32>
    %get3A_33 = arith.constant 0 : index
    %get3A_34 = arith.constant 0 : index
    %get3A_35 = vector.load %arg8[%get3A_33, %get3A_34] : memref<1x10xf32, #tpu.memory_space<vmem>>, vector<1x10xf32>
    %add3A_36 = vector.broadcast %get3A_35 : vector<1x10xf32> to vector<1024x10xf32>
    %add3A_37 = arith.addf %dot_general3A_32, %add3A_36 : vector<1024x10xf32>
    %swap3A = arith.constant 0 : index
    %swap3A_38 = arith.constant 0 : index
    %swap3A_39 = vector.load %arg9[%swap3A, %swap3A_38] : memref<1024x10xf32, #tpu.memory_space<vmem>>, vector<1024x10xf32>
    tpu.vector_store %arg9[%swap3A, %swap3A_38], %add3A_37 {strides = array<i32>} : memref<1024x10xf32, #tpu.memory_space<vmem>>, vector<1024x10xf32>,
    return
  }
  func.func @transform_0(%arg0: i32) -> (i32, i32) {
    %c0_i32 = arith.constant 0 : i32
    %c0_i32_0 = arith.constant 0 : i32
    return %arg0, %c0_i32 : i32, i32
  }
  func.func @transform_1(%arg0: i32) -> (i32, i32) {
    %c0_i32 = arith.constant 0 : i32
    %c0_i32_0 = arith.constant 0 : i32
    %c0_i32_1 = arith.constant 0 : i32
    return %c0_i32, %c0_i32_0 : i32, i32
  }
  func.func @transform_2(%arg0: i32) -> (i32, i32) {
    %c0_i32 = arith.constant 0 : i32
    %c0_i32_0 = arith.constant 0 : i32
    return %arg0, %c0_i32 : i32, i32
  }
  func.func @transform_3(%arg0: i32) -> (i32, i32) {
    %c0_i32 = arith.constant 0 : i32
    %c0_i32_0 = arith.constant 0 : i32
    %c0_i32_1 = arith.constant 0 : i32
    return %c0_i32, %c0_i32_0 : i32, i32
  }
  func.func @transform_4(%arg0: i32) -> (i32, i32) {
    %c0_i32 = arith.constant 0 : i32
    %c0_i32_0 = arith.constant 0 : i32
    %c0_i32_1 = arith.constant 0 : i32
    return %c0_i32, %c0_i32_0 : i32, i32
  }
  func.func @transform_5(%arg0: i32) -> (i32, i32) {
    %c0_i32 = arith.constant 0 : i32
    %c0_i32_0 = arith.constant 0 : i32
    %c0_i32_1 = arith.constant 0 : i32
    return %c0_i32, %c0_i32_0 : i32, i32
  }
  func.func @transform_6(%arg0: i32) -> (i32, i32) {
    %c0_i32 = arith.constant 0 : i32
    %c0_i32_0 = arith.constant 0 : i32
    %c0_i32_1 = arith.constant 0 : i32
    return %c0_i32, %c0_i32_0 : i32, i32
  }
  func.func @transform_7(%arg0: i32) -> (i32, i32) {
    %c0_i32 = arith.constant 0 : i32
    %c0_i32_0 = arith.constant 0 : i32
    %c0_i32_1 = arith.constant 0 : i32
    return %c0_i32, %c0_i32_0 : i32, i32
  }
  func.func @transform_8(%arg0: i32) -> (i32, i32) {
    %c0_i32 = arith.constant 0 : i32
    %c0_i32_0 = arith.constant 0 : i32
    return %arg0, %c0_i32 : i32, i32
  }
}

</mosaic_0001>

<sc_bundles>
// kernel: kernel.10.cloned.1.call-start
scs
__scs_entry_jumppad:
0x0: {  	(pc) =	sbr.rel $0x88, $3  }
0x1: {  	(tag) =	ssettag $0x0;
	lr =	simm.s32 $0x1  }
0x2: {  	[smem:$0x3F91] =	sst lr;
	_ =	strace $0xD0000000  }
0x3: {  	_ = 	snop  }
0x4: {  	_ = 	snop  }
0x5: {  	_ = 	snop  }
0x6: {  	_ = 	snop  }
0x7: {  	_ = 	snop  }
__scs_overlays_trampoline_lowered:
0x8: {  	[smem:$0x3FA0] =	sst s0  }
0x9: {  	[smem:$0x3FA1] =	sst s1  }
0xa: {  	[smem:$0x3FA2] =	sst s2  }
0xb: {  	[smem:$0x3FA3] =	sst s3  }
0xc: {  	[smem:$0x3FA4] =	sst s4  }
0xd: {  	[smem:$0x3FA5] =	sst s5  }
0xe: {  	[smem:$0x3FA6] =	sst s6  }
0xf: {  	[smem:$0x3FA7] =	sst s7  }
0x10: {  	[smem:$0x3FA8] =	sst s8  }
0x11: {  	[smem:$0x3FA9] =	sst s9;
	s0 =	simm.s32 @!p0 $0x0  }
0x12: {  	s1 =	sld [smem:$0x3F8F];
	s0 =	simm.s32 @p0 $0x1  }
0x13: {  	[smem:$0x3FAA] =	sst s0;
	s0 =	simm.s32 @!p1 $0x0  }
0x14: {  	s2 =	sld [smem:$0x3F8E];
	s0 =	simm.s32 @p1 $0x1  }
0x15: {  	[smem:$0x3FAB] =	sst s0;
	s0 =	simm.s32 @!p2 $0x0  }
0x16: {  	s3 =	sld [smem:$0x3FDB];
	s0 =	simm.s32 @p2 $0x1  }
0x17: {  	s4 =	simm.s32 $0x1BF5;
	[smem:$0x3FAD] =	sst s0  }
0x18: {  	s0 =	sld [smem:$0x3F90];
	_ =	swait.ge [sflag:s4], $0x0  }
0x19: {  	s7 =	sld [smem:$0x3F91]  }
0x1a: {  	s8 =	sadd.s32 $0xFFFFE003, lr  }
0x1b: {  	s9 =	sadd.s32 $0xFFFFFEF7, lr;
	s5 =	simm.s32 $0xFFFFFFFF;
	p2 =	slt.u32 s8, $0xFFFFF086  }
0x1c: {  	p1 =	slt.u32 s9, $0xF7A;
	s5 =	simm.s32 @!p2 $0x0  }
0x1d: {  	s5 =	simm.s32 @p1 $0x1;
	p0 =	seq.s32 s7, s2  }
0x1e: {  	s7 =	smul.u32 @!p0 $0xF7A, s2;
	p2 =	seq.s32 @!p0 s5, $0x0  }
0x1f: {  	s9 =	smul.u32 $0xF7A, s1;
	s8 =	simm.s32 @!p0 $0x1BF5;
	p2 =	por !p2, p0  }
0x20: {  	[sflag:s8] =	ssyncset.s32 @!p0 $0xFFFFF086;
	s6 =	sadd.s32 @!p0 s3, s7;
	s7 =	simm.s32 @!p0 $0x108  }
0x21: {  	s3 =	sadd.s32 s3, s9;
	s6 =	sadd.s32 @!p0 $0x88, s6;
	s7 =	simm.s32 @p2 $0x1082  }
0x22: {  	[simem:s7], [sflag:s8] =	dma.local @!p0 [hbm:s6], $0xF7A  }
0x23: {  	s9 =	sor.u32 $0xD0000000, s2;
	s6 =	simm.s32 $0x108;
	_ =	swait.ge @!p0 [sflag:s8], $0x0  }
0x24: {  	s3 =	sadd.s32 $0x88, s3;
	s6 =	simm.s32 @!p1 $0x1082;
	[sflag:s4] =	ssyncset.s32 $0xFFFFF086  }
0x25: {  	[simem:s6], [sflag:s4] =	dma.local [hbm:s3], $0xF7A  }
0x26: {  	[smem:$0x3F91] =	sst s1;
	(tag) =	ssettag s2;
	_ =	strace s9  }
0x27: {  	s1 =	sld [smem:$0x3FA1]  }
0x28: {  	s2 =	sld [smem:$0x3FA2]  }
0x29: {  	s4 =	sld [smem:$0x3FA4]  }
0x2a: {  	p0 =	seq.s32 s5, $0x0;
	s5 =	sld [smem:$0x3FA5]  }
0x2b: {  	s6 =	sld [smem:$0x3FA6]  }
0x2c: {  	s7 =	sld [smem:$0x3FA7]  }
0x2d: {  	s3 =	simm.s32 $0x108;
	s8 =	sld [smem:$0x3FA8]  }
0x2e: {  	s3 =	simm.s32 @!p0 $0x1082;
	s9 =	sld [smem:$0x3FA9]  }
0x2f: {  	lr =	sadd.s32 s0, s3;
	s0 =	sld [smem:$0x3FA0]  }
0x30: {  	s3 =	sld [smem:$0x3FA3]  }
0x31: {  	[smem:$0x3FAC] =	sst s10  }
0x32: {  	s10 =	sld [smem:$0x3FAA];
	_ =	sdelay $0x3  }
0x33: {  	p0 =	seq.s32 s10, $0x1;
	s10 =	sld [smem:$0x3FAC];
	_ =	sdelay $0x3  }
0x34: {  	[smem:$0x3FAC] =	sst s10  }
0x35: {  	s10 =	sld [smem:$0x3FAB];
	_ =	sdelay $0x3  }
0x36: {  	p1 =	seq.s32 s10, $0x1;
	s10 =	sld [smem:$0x3FAC];
	_ =	sdelay $0x3  }
0x37: {  	[smem:$0x3FAC] =	sst s10  }
0x38: {  	s10 =	sld [smem:$0x3FAD]  }
0x39: {  	_ = 	snop;
	(pc) =	sbr.ind lr, $3  }
0x3a: {  	_ = 	snop  }
0x3b: {  	_ = 	snop  }
0x3c: {  	p2 =	seq.s32 s10, $0x1;
	s10 =	sld [smem:$0x3FAC]  }
0x3d: {  	_ =	shalt  }
0x3e: {  	_ =	shalt  }
0x3f: {  	_ =	shalt  }
0x40: {  	_ =	shalt  }
0x41: {  	_ =	shalt  }
0x42: {  	_ =	shalt  }
0x43: {  	_ =	shalt  }
0x44: {  	_ =	shalt  }
0x45: {  	_ =	shalt  }
0x46: {  	_ =	shalt  }
0x47: {  	_ =	shalt  }
0x48: {  	_ =	shalt  }
0x49: {  	_ =	shalt  }
0x4a: {  	_ =	shalt  }
0x4b: {  	_ =	shalt  }
0x4c: {  	_ =	shalt  }
0x4d: {  	_ =	shalt  }
0x4e: {  	_ =	shalt  }
0x4f: {  	_ =	shalt  }
0x50: {  	_ =	shalt  }
0x51: {  	_ =	shalt  }
0x52: {  	_ =	shalt  }
0x53: {  	_ =	shalt  }
0x54: {  	_ =	shalt  }
0x55: {  	_ =	shalt  }
0x56: {  	_ =	shalt  }
0x57: {  	_ =	shalt  }
0x58: {  	_ =	shalt  }
0x59: {  	_ =	shalt  }
0x5a: {  	_ =	shalt  }
0x5b: {  	_ =	shalt  }
0x5c: {  	_ =	shalt  }
0x5d: {  	_ =	shalt  }
0x5e: {  	_ =	shalt  }
0x5f: {  	_ =	shalt  }
0x60: {  	_ =	shalt  }
0x61: {  	_ =	shalt  }
0x62: {  	_ =	shalt  }
0x63: {  	_ =	shalt  }
0x64: {  	_ =	shalt  }
0x65: {  	_ =	shalt  }
0x66: {  	_ =	shalt  }
0x67: {  	_ =	shalt  }
0x68: {  	_ =	shalt  }
0x69: {  	_ =	shalt  }
0x6a: {  	_ =	shalt  }
0x6b: {  	_ =	shalt  }
0x6c: {  	_ =	shalt  }
0x6d: {  	_ =	shalt  }
0x6e: {  	_ =	shalt  }
0x6f: {  	_ =	shalt  }
0x70: {  	_ =	shalt  }
0x71: {  	_ =	shalt  }
0x72: {  	_ =	shalt  }
0x73: {  	_ =	shalt  }
0x74: {  	_ =	shalt  }
0x75: {  	_ =	shalt  }
0x76: {  	_ =	shalt  }
0x77: {  	_ =	shalt  }
0x78: {  	_ =	shalt  }
0x79: {  	_ =	shalt  }
0x7a: {  	_ =	shalt  }
0x7b: {  	_ =	shalt  }
0x7c: {  	_ =	shalt  }
0x7d: {  	_ =	shalt  }
0x7e: {  	_ =	shalt  }
0x7f: {  	_ =	shalt  }
0x80: {  	_ =	shalt  }
0x81: {  	_ =	shalt  }
0x82: {  	_ =	shalt  }
0x83: {  	_ =	shalt  }
0x84: {  	_ =	shalt  }
0x85: {  	_ =	shalt  }
0x86: {  	_ =	shalt  }
0x87: {  	_ =	shalt  }
.Lfunc_end0:
.L_simem_size_0:
called_computation_lowered:
.L_overlay_start_0:
0x88: {  	s2 =	sld [smem:$0x3FD9]  }
0x89: {  	s3 =	sld [smem:$0x3FFE];
	_ =	sdelay $0x1  }
0x8a: {  	s1 =	srdreg.scid  }
0x8b: {  	s0 =	sand.u32 $0x1, s1  }
0x8c: {  	s17 =	sshll.u32 s0, $0xA;
	s2 =	sadd.s32 s3, s2  }
0x8d: {  	s2 =	sadd.s32 s2, s17  }
0x8e: {  	[smem:$0x3FB8] =	sst s2  }
0x8f: {  	_ = 	snop  }
0x90: {  	s18 =	sld [smem:$0x3FD0];
	(tm) =	ssettm $0x1  }
0x91: {  	s19 =	sld [smem:$0x3FFB];
	_ =	sdelay $0x3  }
0x92: {  	_ =	strace s19  }
0x93: {  	s2 =	sld [smem:$0x3FFC];
	_ =	sdelay $0x3  }
0x94: {  	_ =	strace s2  }
0x95: {  	s2 =	sld [smem:$0x3FFD];
	_ =	sdelay $0x3  }
0x96: {  	_ =	strace s2  }
0x97: {  	_ =	strace $0x8FFFFFFF  }
0x98: {  	s20 =	sld [smem:$0x3FDB];
	_ =	sdelay $0x1  }
0x99: {  	s4 =	simm.s32 $_scs_section_size  }
0x9a: {  	s5 =	simm.s32 $_size__tile_overlayer_lowered;
	s6 =	simm.s32 $_tile_overlayer_lowered  }
0x9b: {  	s7 =	simm.s32 $0x1BFF;
	s21 =	sshll.u32 s6, $0x1;
	s4 =	sadd.s32 s4, s20  }
0x9c: {  	s22 =	simm.s32 $0x0;
	s5 =	sshll.u32 s5, $0x1;
	s6 =	sadd.s32 s21, s4  }
0x9d: {  	[timem:s22], [sflag:s7] =	dma.local [hbm:s6], s5  }
0x9e: {  	_ =	swait.ge [sflag:s7], s5  }
0x9f: {  	s5 =	ssub.s32 $0x0, s5;
	[sflag:s7] =	ssyncset.done $0x0  }
0xa0: {  	[sflag:s7] =	ssyncadd.s32 s5;
	_ =	sdelay $0x1  }
0xa1: {  	s23 =	simm.s32 $0x1B8B  }
0xa2: {  	_ =	swait.ge [sflag:s23], $0x1  }
0xa3: {  	[sflag:s23] =	ssyncset.done $0x0  }
0xa4: {  	[sflag:s23] =	ssyncadd.s32 $0xFFFFFFFF  }
0xa5: {  	s5 =	sld [smem:$0x0]  }
0xa6: {  	s6 =	sand.u32 $0xFFFFFFFE, s1  }
0xa7: {  	p0 =	sne.s32 s1, s6  }
0xa8: {  	s6 =	sshll.u32 @p0 s6, $0xE  }
0xa9: {  	s6 =	sadd.s32 @p0 $0x11B8D, s6;
	s7 =	sshll.u32 @p0 s5, $0x11  }
0xaa: {  	s6 =	sor.u32 @p0 s7, s6  }
0xab: {  	[sflag:s6] =	ssyncadd.remote.s32 @p0 $0x1;
	_ =	sdelay $0x1  }
0xac: {  	s6 =	simm.s32 @p0 $0x1B8D  }
0xad: {  	_ =	swait.eq @p0 [sflag:s6], $0x1  }
0xae: {  	[sflag:s6] =	ssyncadd.s32 @p0 $0xFFFFFFFF  }
0xaf: {  	s7 =	sshll.u32 @!p0 s1, $0xE  }
0xb0: {  	s7 =	sor.u32 @!p0 $0x4000, s7;
	s6 =	simm.s32 @!p0 $0x1B8D  }
0xb1: {  	s5 =	sshll.u32 @!p0 s5, $0x11;
	s7 =	sadd.s32 @!p0 $0x11B8D, s7;
	_ =	swait.eq @!p0 [sflag:s6], $0x1  }
0xb2: {  	s5 =	sor.u32 @!p0 s5, s7;
	[sflag:s6] =	ssyncadd.s32 @!p0 $0xFFFFFFFF  }
0xb3: {  	s25 =	simm.s32 $0x1B8E;
	s24 =	sld [smem:$0x3FFE];
	[sflag:s5] =	ssyncadd.remote.s32 @!p0 $0x1  }
0xb4: {  	s26 =	simm.s32 $execute0_lowered;
	[smem:$0x3FD2] =	sst s25  }
0xb5: {  	s6 =	sshll.u32 s26, $0x1;
	_ =	strace $0x80000049;
	[dreg:$0x1] =	wrdreg $0xFFFFFFFF  }
0xb6: {  	s28 =	simm.s32 $_size_execute0_lowered;
	s4 =	sadd.s32 s4, s6;
	[dreg:$0x0] =	wrdreg $0x0  }
0xb7: {  	s6 =	sshll.u32 s28, $0x1;
	[dreg:$0x2] =	wrdreg s4  }
0xb8: {  	[dreg:$0x3] =	wrdreg s6  }
0xb9: {  	[dreg:$0x4] =	wrdreg $0xC0  }
0xba: {  	_ =	task [dreg:s22], $0x5FFFF  }
0xbb: {  	[dreg:$0x1] =	wrdreg $0xFFFFFFFF  }
0xbc: {  	[dreg:$0x0] =	wrdreg $0x60  }
0xbd: {  	[dreg:$0x2] =	wrdreg s24  }
0xbe: {  	[dreg:$0x3] =	wrdreg s18  }
0xbf: {  	[dreg:$0x4] =	wrdreg $0x0  }
0xc0: {  	[dreg:$0x5] =	wrdreg $0x9  }
0xc1: {  	_ =	task.clear_ibuf [dreg:s22], $0x6FFFF;
	_ =	strace $0x90000049  }
0xc2: {  	s29 =	simm.s32 $0x9;
	_ =	strace $0x8000004B  }
0xc3: {  	_ =	swait.ge [sflag:s29], $0x1  }
0xc4: {  	[sflag:s29] =	ssyncadd.s32 $0xFFFFFFFF  }
0xc5: {  	_ =	strace $0x9000004B  }
0xc6: {  	_ =	sfence  }
0xc7: {  	s30 =	sld [smem:$0x0];
	_ =	sdelay $0x2  }
0xc8: {  	s31 =	sshll.u32 s1, $0xD;
	s1 =	sshrl.u32 s1, $0x2  }
0xc9: {  	s4 =	sand.u32 $0x4000, s31;
	s1 =	sadd.s32 s1, s30  }
0xca: {  	s0 =	sor.u32 s4, s0;
	s1 =	sshll.u32 s1, $0x11  }
0xcb: {  	s0 =	sor.u32 s1, s0  }
0xcc: {  	s0 =	sadd.s32 $0x8F2B, s0  }
0xcd: {  	[sflag:s0] =	ssyncadd.remote.s32 $0x1  }
0xce: {  	_ =	sfence.sel $0xFFFF  }
0xcf: {  	[dreg:$0x0] =	wrdreg $0xFFFFFFFF;
	(pc) =	sbr.abs _section_cstart, $3  }
0xd0: {  	[dreg:$0x1] =	wrdreg $0xFFFFFFFF  }
0xd1: {  	_ =	task.clear_ibuf [dreg:s22], $0x2FFFF;
	_ =	strace $0x9FFFFFFF  }
0xd2: {  	(tm) =	ssettm $0x7FFFFFFF  }
0xd3: {  	_ =	shalt  }
tec
execute0_lowered:
.L_overlay_start_1:
0x0: {  	(tag) =	ssettag $0x1  }
0x1: {  	s0 =	rddreg [dreg:$0x0];
	s7 =	stileid.u32  }
0x2: {  	s1 =	srdreg.scid;
	s3 =	rddreg [dreg:$0x2]  }
0x3: {  	s4 =	simm.s32 $0x0;
	s18 =	simm.s32 $0x14400;
	s2 =	smul.u32 $0x5000, s7  }
0x4: {  	s19 =	simm.s32 $0x5;
	s28 =	simm.s32 $0x4;
	s6 =	smul.u32 $0x50000, s7  }
0x5: {  	s29 =	simm.s32 $0x14100;
	s1 =	sand.u32 $0x1, s1;
	s9 =	smul.u32 $0x14000, s7  }
0x6: {  	s30 =	simm.s32 $0x14180;
	[smem:$0x7FF] =	sst s4;
	s5 =	smul.u32 $0x2800, s1  }
0x7: {  	s31 =	simm.s32 $0x14200;
	_ =	strace $0x8000004A;
	s15 =	smul.u32 $0x140000, s1  }
0x8: {  	s20 =	ssub.s32 $0x2, s1;
	s1 =	smul.u32 $0x28000, s1;
	s10 =	sadd.s32 s6, s0  }
0x9: {  	s21 =	sshrl.u32 s20, $0x1;
	s6 =	sshrl.u32 s6, $0x2;
	s12 =	sadd.s32 $0x4000, s9  }
0xa: {  	s13 =	sadd.s32 $0x8000, s9;
	s14 =	sadd.s32 $0xC000, s9;
	s16 =	sadd.s32 $0x10000, s9  }
0xb: {  	s2 =	sadd.s32 s5, s2;
	s11 =	ssub.s32 s20, s21;
	s5 =	sadd.s32 s6, s3  }
0xc: {  	s6 =	sadd.s32 s12, s3;
	s7 =	sadd.s32 s13, s3;
	s8 =	sadd.s32 s14, s3  }
0xd: {  	s17 =	sadd.s32 s9, s15;
	s12 =	sadd.s32 s15, s12;
	s9 =	sadd.s32 s16, s3  }
0xe: {  	s22 =	sadd.s32 s15, s13;
	s23 =	sadd.s32 s15, s14;
	s24 =	sadd.s32 s15, s16  }
0xf: {  	s26 =	sadd.s32 s1, s10;
	s20 =	simm.s32 $0x14000;
	s21 =	simm.s32 $0x18400  }
0x10: {  	s1 =	simm.s32 $0x14280;
	s10 =	simm.s32 $0x0;
	s2 =	sshrl.u32 s2, $0x3  }
0x11: {  	s17 =	sshrl.u32 s17, $0x3;
	s12 =	sshrl.u32 s12, $0x3;
	s13 =	sshrl.u32 s23, $0x3  }
0x12: {  	s14 =	sshrl.u32 s24, $0x3;
	s2 =	sadd.s32 s2, s0;
	s0 =	sadd.s32 $0x90C00, s0  }
0x13: {  	s15 =	smax.u32 s11, $0x1;
	s23 =	simm.s32 $0x80;
	s17 =	sadd.s32 s0, s17  }
0x14: {  	s24 =	simm.s32 $0x3;
	s12 =	sadd.s32 s0, s12;
	[dreg:$0x4] =	wrdreg s17  }
0x15: {  	s25 =	sadd.s32 s0, s13;
	[dreg:$0x5] =	wrdreg s12;
	s12 =	sshrl.u32 s22, $0x3  }
0x16: {  	[dreg:$0x7] =	wrdreg s25;
	s17 =	sadd.s32 $0x572C00, s26;
	s12 =	sadd.s32 s0, s12  }
0x17: {  	s22 =	simm.s32 $0x1;
	s0 =	sadd.s32 s0, s14;
	[dreg:$0x6] =	wrdreg s12  }
0x18: {  	s25 =	simm.s32 $0x2;
	s26 =	simm.s32 $0x14080;
	[dreg:$0x8] =	wrdreg s0  }
0x19: {  	s12 =	sadd.s32 $0x36C00, s2;
	s0 =	simm.s32 $0x14300;
	s2 =	simm.s32 $0x14380  }
.LBB2_1:
0x1a: {  	s11 =	rddreg [dreg:$0x1]  }
0x1b: {  	[tilespmem:s18], [sflag:$0x5] =	stream.linear.gather [hbm4b:s11+s4], $0x4000, $0x38;
	[tilespmem:$0x1C400] =	vst v63  }
0x1c: {  	_ =	swait.ge [sflag:s19], $0x4000  }
0x1d: {  	[sflag:s19] =	ssyncset.done $0x0  }
0x1e: {  	[sflag:s19] =	ssyncadd.s32 $0xFFFFC000  }
0x1f: {  	[spmem:s5] =	stream.linear.scatter [tilespmem:s18], [sflag:$0x5], $0x4000, $0x38;
	[tilespmem:$0x1C400] =	vst v63  }
0x20: {  	_ =	swait.ge [sflag:s19], $0x4000  }
0x21: {  	[sflag:s19] =	ssyncset.done $0x0  }
0x22: {  	[sflag:s19] =	ssyncadd.s32 $0xFFFFC000  }
0x23: {  	[spmem:s6] =	stream.linear.scatter [tilespmem:s18], [sflag:$0x5], $0x4000, $0x38;
	[tilespmem:$0x1C400] =	vst v63  }
0x24: {  	_ =	swait.ge [sflag:s19], $0x4000  }
0x25: {  	[sflag:s19] =	ssyncset.done $0x0  }
0x26: {  	[sflag:s19] =	ssyncadd.s32 $0xFFFFC000  }
0x27: {  	[spmem:s7] =	stream.linear.scatter [tilespmem:s18], [sflag:$0x5], $0x4000, $0x38;
	[tilespmem:$0x1C400] =	vst v63  }
0x28: {  	_ =	swait.ge [sflag:s19], $0x4000  }
0x29: {  	[sflag:s19] =	ssyncset.done $0x0  }
0x2a: {  	[sflag:s19] =	ssyncadd.s32 $0xFFFFC000  }
0x2b: {  	[spmem:s8] =	stream.linear.scatter [tilespmem:s18], [sflag:$0x5], $0x4000, $0x38;
	[tilespmem:$0x1C400] =	vst v63  }
0x2c: {  	_ =	swait.ge [sflag:s19], $0x4000  }
0x2d: {  	[sflag:s19] =	ssyncset.done $0x0  }
0x2e: {  	[sflag:s19] =	ssyncadd.s32 $0xFFFFC000  }
0x2f: {  	[spmem:s9] =	stream.linear.scatter [tilespmem:s18], [sflag:$0x5], $0x4000, $0x38;
	[tilespmem:$0x1C400] =	vst v63  }
0x30: {  	_ =	swait.ge [sflag:s19], $0x4000  }
0x31: {  	[sflag:s19] =	ssyncset.done $0x0  }
0x32: {  	[sflag:s19] =	ssyncadd.s32 $0xFFFFC000  }
0x33: {  	[bflag:$0x0] =	sbarrier.arrive $0xFFFF  }
0x34: {  	[tilespmem:s20], [sflag:$0x5] =	stream.linear.gather [hbm4b:s12+s4], $0x400, $0x38;
	[tilespmem:$0x1C400] =	vst v63  }
0x35: {  	_ =	swait.ge [sflag:s19], $0x400  }
0x36: {  	[sflag:s19] =	ssyncset.done $0x0  }
0x37: {  	s11 =	sadd.s32 $0x0, s17;
	[sflag:s19] =	ssyncadd.s32 $0xFFFFFC00  }
0x38: {  	[tilespmem:s18], [sflag:$0x1] =	stream.linear.gather [hbm4b:s11+s4], $0x4000, $0x38;
	[tilespmem:$0x1C400] =	vst v63  }
0x39: {  	s13 =	sadd.s32 $0x800, s11  }
0x3a: {  	[tilespmem:s21], [sflag:$0x2] =	stream.linear.gather [hbm4b:s13+s4], $0x4000, $0x38;
	[tilespmem:$0x1C400] =	vst v63  }
0x3b: {  	_ =	swait.ge [sflag:s22], $0x4000  }
0x3c: {  	[sflag:s22] =	ssyncset.done $0x0  }
0x3d: {  	[sflag:s22] =	ssyncadd.s32 $0xFFFFC000  }
0x3e: {  	[spmem:s3] =	stream.indirect.scatter.add.f32 [tilespmem:s18], [sflag:$0x3], $0x80, s20, s23, $0xb8;
	[tilespmem:$0x1C400] =	vst v63  }
0x3f: {  	_ =	swait.ge [sflag:s24], $0x4000  }
0x40: {  	[sflag:s24] =	ssyncset.done $0x0  }
0x41: {  	s16 =	sadd.s32 $0x1000, s11;
	[sflag:s24] =	ssyncadd.s32 $0xFFFFC000  }
0x42: {  	[tilespmem:s18], [sflag:$0x1] =	stream.linear.gather [hbm4b:s16+s4], $0x4000, $0x38;
	[tilespmem:$0x1C400] =	vst v63  }
0x43: {  	_ =	swait.ge [sflag:s25], $0x4000  }
0x44: {  	[sflag:s25] =	ssyncset.done $0x0  }
0x45: {  	[sflag:s25] =	ssyncadd.s32 $0xFFFFC000  }
0x46: {  	[spmem:s3] =	stream.indirect.scatter.add.f32 [tilespmem:s21], [sflag:$0x4], $0x80, s26, s23, $0xb8;
	[tilespmem:$0x1C400] =	vst v63  }
0x47: {  	_ =	swait.ge [sflag:s28], $0x4000  }
0x48: {  	[sflag:s28] =	ssyncset.done $0x0  }
0x49: {  	s14 =	sadd.s32 $0x1800, s11;
	[sflag:s28] =	ssyncadd.s32 $0xFFFFC000  }
0x4a: {  	[tilespmem:s21], [sflag:$0x2] =	stream.linear.gather [hbm4b:s14+s4], $0x4000, $0x38;
	[tilespmem:$0x1C400] =	vst v63  }
0x4b: {  	_ =	swait.ge [sflag:s22], $0x4000  }
0x4c: {  	[sflag:s22] =	ssyncset.done $0x0  }
0x4d: {  	[sflag:s22] =	ssyncadd.s32 $0xFFFFC000  }
0x4e: {  	[spmem:s3] =	stream.indirect.scatter.add.f32 [tilespmem:s18], [sflag:$0x3], $0x80, s29, s23, $0xb8;
	[tilespmem:$0x1C400] =	vst v63  }
0x4f: {  	_ =	swait.ge [sflag:s24], $0x4000  }
0x50: {  	[sflag:s24] =	ssyncset.done $0x0  }
0x51: {  	s16 =	sadd.s32 $0x2000, s11;
	[sflag:s24] =	ssyncadd.s32 $0xFFFFC000  }
0x52: {  	[tilespmem:s18], [sflag:$0x1] =	stream.linear.gather [hbm4b:s16+s4], $0x4000, $0x38;
	[tilespmem:$0x1C400] =	vst v63  }
0x53: {  	_ =	swait.ge [sflag:s25], $0x4000  }
0x54: {  	[sflag:s25] =	ssyncset.done $0x0  }
0x55: {  	[sflag:s25] =	ssyncadd.s32 $0xFFFFC000  }
0x56: {  	[spmem:s3] =	stream.indirect.scatter.add.f32 [tilespmem:s21], [sflag:$0x4], $0x80, s30, s23, $0xb8;
	[tilespmem:$0x1C400] =	vst v63  }
0x57: {  	_ =	swait.ge [sflag:s28], $0x4000  }
0x58: {  	[sflag:s28] =	ssyncset.done $0x0  }
0x59: {  	s14 =	sadd.s32 $0x2800, s11;
	[sflag:s28] =	ssyncadd.s32 $0xFFFFC000  }
0x5a: {  	[tilespmem:s21], [sflag:$0x2] =	stream.linear.gather [hbm4b:s14+s4], $0x4000, $0x38;
	[tilespmem:$0x1C400] =	vst v63  }
0x5b: {  	_ =	swait.ge [sflag:s22], $0x4000  }
0x5c: {  	[sflag:s22] =	ssyncset.done $0x0  }
0x5d: {  	[sflag:s22] =	ssyncadd.s32 $0xFFFFC000  }
0x5e: {  	[spmem:s3] =	stream.indirect.scatter.add.f32 [tilespmem:s18], [sflag:$0x3], $0x80, s31, s23, $0xb8;
	[tilespmem:$0x1C400] =	vst v63  }
0x5f: {  	_ =	swait.ge [sflag:s24], $0x4000  }
0x60: {  	[sflag:s24] =	ssyncset.done $0x0  }
0x61: {  	s16 =	sadd.s32 $0x3000, s11;
	[sflag:s24] =	ssyncadd.s32 $0xFFFFC000  }
0x62: {  	[tilespmem:s18], [sflag:$0x1] =	stream.linear.gather [hbm4b:s16+s4], $0x4000, $0x38;
	[tilespmem:$0x1C400] =	vst v63  }
0x63: {  	_ =	swait.ge [sflag:s25], $0x4000  }
0x64: {  	[sflag:s25] =	ssyncset.done $0x0  }
0x65: {  	[sflag:s25] =	ssyncadd.s32 $0xFFFFC000  }
0x66: {  	[spmem:s3] =	stream.indirect.scatter.add.f32 [tilespmem:s21], [sflag:$0x4], $0x80, s1, s23, $0xb8;
	[tilespmem:$0x1C400] =	vst v63  }
0x67: {  	_ =	swait.ge [sflag:s28], $0x4000  }
0x68: {  	[sflag:s28] =	ssyncset.done $0x0  }
0x69: {  	s11 =	sadd.s32 $0x3800, s11;
	[sflag:s28] =	ssyncadd.s32 $0xFFFFC000  }
0x6a: {  	[tilespmem:s21], [sflag:$0x2] =	stream.linear.gather [hbm4b:s11+s4], $0x4000, $0x38;
	[tilespmem:$0x1C400] =	vst v63  }
0x6b: {  	_ =	swait.ge [sflag:s22], $0x4000  }
0x6c: {  	[sflag:s22] =	ssyncset.done $0x0  }
0x6d: {  	[sflag:s22] =	ssyncadd.s32 $0xFFFFC000  }
0x6e: {  	[spmem:s3] =	stream.indirect.scatter.add.f32 [tilespmem:s18], [sflag:$0x3], $0x80, s0, s23, $0xb8;
	[tilespmem:$0x1C400] =	vst v63  }
0x6f: {  	_ =	swait.ge [sflag:s25], $0x4000  }
0x70: {  	[sflag:s25] =	ssyncset.done $0x0  }
0x71: {  	[sflag:s25] =	ssyncadd.s32 $0xFFFFC000  }
0x72: {  	[spmem:s3] =	stream.indirect.scatter.add.f32 [tilespmem:s21], [sflag:$0x4], $0x80, s2, s23, $0xb8;
	[tilespmem:$0x1C400] =	vst v63  }
0x73: {  	_ =	swait.ge [sflag:s24], $0x4000  }
0x74: {  	[sflag:s24] =	ssyncset.done $0x0  }
0x75: {  	[sflag:s24] =	ssyncadd.s32 $0xFFFFC000  }
0x76: {  	_ =	swait.ge [sflag:s28], $0x4000  }
0x77: {  	s16 =	smov.u32 s12;
	s11 =	simm.s32 $0x4000;
	[sflag:s28] =	ssyncset.done $0x0  }
.LBB2_2:
0x78: {  	p0 =	sne.s32 s11, $0x24000;
	[sflag:s28] =	ssyncadd.s32 $0xFFFFC000;
	s16 =	sadd.s32 $0x80, s16  }
0x79: {  	[tilespmem:s20], [sflag:$0x5] =	stream.linear.gather [hbm4b:s16+s4], $0x400, $0x38;
	[tilespmem:$0x1C400] =	vst v63  }
0x7a: {  	s13 =	smov.u32 s11;
	s11 =	sadd.s32 $0x4000, s11;
	_ =	swait.ge [sflag:s19], $0x400  }
0x7b: {  	[sflag:s19] =	ssyncset.done $0x0  }
0x7c: {  	s13 =	sadd.s32 s13, s17;
	[sflag:s19] =	ssyncadd.s32 $0xFFFFFC00  }
0x7d: {  	[tilespmem:s18], [sflag:$0x1] =	stream.linear.gather [hbm4b:s13+s4], $0x4000, $0x38;
	[tilespmem:$0x1C400] =	vst v63  }
0x7e: {  	s14 =	sadd.s32 $0x800, s13  }
0x7f: {  	[tilespmem:s21], [sflag:$0x2] =	stream.linear.gather [hbm4b:s14+s4], $0x4000, $0x38;
	[tilespmem:$0x1C400] =	vst v63  }
0x80: {  	_ =	swait.ge [sflag:s22], $0x4000  }
0x81: {  	[sflag:s22] =	ssyncset.done $0x0  }
0x82: {  	[sflag:s22] =	ssyncadd.s32 $0xFFFFC000  }
0x83: {  	[spmem:s3] =	stream.indirect.scatter.add.f32 [tilespmem:s18], [sflag:$0x3], $0x80, s20, s23, $0xb8;
	[tilespmem:$0x1C400] =	vst v63  }
0x84: {  	_ =	swait.ge [sflag:s24], $0x4000  }
0x85: {  	[sflag:s24] =	ssyncset.done $0x0  }
0x86: {  	s14 =	sadd.s32 $0x1000, s13;
	[sflag:s24] =	ssyncadd.s32 $0xFFFFC000  }
0x87: {  	[tilespmem:s18], [sflag:$0x1] =	stream.linear.gather [hbm4b:s14+s4], $0x4000, $0x38;
	[tilespmem:$0x1C400] =	vst v63  }
0x88: {  	_ =	swait.ge [sflag:s25], $0x4000  }
0x89: {  	[sflag:s25] =	ssyncset.done $0x0  }
0x8a: {  	[sflag:s25] =	ssyncadd.s32 $0xFFFFC000  }
0x8b: {  	[spmem:s3] =	stream.indirect.scatter.add.f32 [tilespmem:s21], [sflag:$0x4], $0x80, s26, s23, $0xb8;
	[tilespmem:$0x1C400] =	vst v63  }
0x8c: {  	_ =	swait.ge [sflag:s28], $0x4000  }
0x8d: {  	[sflag:s28] =	ssyncset.done $0x0  }
0x8e: {  	s14 =	sadd.s32 $0x1800, s13;
	[sflag:s28] =	ssyncadd.s32 $0xFFFFC000  }
0x8f: {  	[tilespmem:s21], [sflag:$0x2] =	stream.linear.gather [hbm4b:s14+s4], $0x4000, $0x38;
	[tilespmem:$0x1C400] =	vst v63  }
0x90: {  	_ =	swait.ge [sflag:s22], $0x4000  }
0x91: {  	[sflag:s22] =	ssyncset.done $0x0  }
0x92: {  	[sflag:s22] =	ssyncadd.s32 $0xFFFFC000  }
0x93: {  	[spmem:s3] =	stream.indirect.scatter.add.f32 [tilespmem:s18], [sflag:$0x3], $0x80, s29, s23, $0xb8;
	[tilespmem:$0x1C400] =	vst v63  }
0x94: {  	_ =	swait.ge [sflag:s24], $0x4000  }
0x95: {  	[sflag:s24] =	ssyncset.done $0x0  }
0x96: {  	s14 =	sadd.s32 $0x2000, s13;
	[sflag:s24] =	ssyncadd.s32 $0xFFFFC000  }
0x97: {  	[tilespmem:s18], [sflag:$0x1] =	stream.linear.gather [hbm4b:s14+s4], $0x4000, $0x38;
	[tilespmem:$0x1C400] =	vst v63  }
0x98: {  	_ =	swait.ge [sflag:s25], $0x4000  }
0x99: {  	[sflag:s25] =	ssyncset.done $0x0  }
0x9a: {  	[sflag:s25] =	ssyncadd.s32 $0xFFFFC000  }
0x9b: {  	[spmem:s3] =	stream.indirect.scatter.add.f32 [tilespmem:s21], [sflag:$0x4], $0x80, s30, s23, $0xb8;
	[tilespmem:$0x1C400] =	vst v63  }
0x9c: {  	_ =	swait.ge [sflag:s28], $0x4000  }
0x9d: {  	[sflag:s28] =	ssyncset.done $0x0  }
0x9e: {  	s14 =	sadd.s32 $0x2800, s13;
	[sflag:s28] =	ssyncadd.s32 $0xFFFFC000  }
0x9f: {  	[tilespmem:s21], [sflag:$0x2] =	stream.linear.gather [hbm4b:s14+s4], $0x4000, $0x38;
	[tilespmem:$0x1C400] =	vst v63  }
0xa0: {  	_ =	swait.ge [sflag:s22], $0x4000  }
0xa1: {  	[sflag:s22] =	ssyncset.done $0x0  }
0xa2: {  	[sflag:s22] =	ssyncadd.s32 $0xFFFFC000  }
0xa3: {  	[spmem:s3] =	stream.indirect.scatter.add.f32 [tilespmem:s18], [sflag:$0x3], $0x80, s31, s23, $0xb8;
	[tilespmem:$0x1C400] =	vst v63  }
0xa4: {  	_ =	swait.ge [sflag:s24], $0x4000  }
0xa5: {  	[sflag:s24] =	ssyncset.done $0x0  }
0xa6: {  	s14 =	sadd.s32 $0x3000, s13;
	[sflag:s24] =	ssyncadd.s32 $0xFFFFC000  }
0xa7: {  	[tilespmem:s18], [sflag:$0x1] =	stream.linear.gather [hbm4b:s14+s4], $0x4000, $0x38;
	[tilespmem:$0x1C400] =	vst v63  }
0xa8: {  	_ =	swait.ge [sflag:s25], $0x4000  }
0xa9: {  	[sflag:s25] =	ssyncset.done $0x0  }
0xaa: {  	[sflag:s25] =	ssyncadd.s32 $0xFFFFC000  }
0xab: {  	[spmem:s3] =	stream.indirect.scatter.add.f32 [tilespmem:s21], [sflag:$0x4], $0x80, s1, s23, $0xb8;
	[tilespmem:$0x1C400] =	vst v63  }
0xac: {  	_ =	swait.ge [sflag:s28], $0x4000  }
0xad: {  	[sflag:s28] =	ssyncset.done $0x0  }
0xae: {  	s13 =	sadd.s32 $0x3800, s13;
	[sflag:s28] =	ssyncadd.s32 $0xFFFFC000  }
0xaf: {  	[tilespmem:s21], [sflag:$0x2] =	stream.linear.gather [hbm4b:s13+s4], $0x4000, $0x38;
	[tilespmem:$0x1C400] =	vst v63  }
0xb0: {  	_ =	swait.ge [sflag:s22], $0x4000  }
0xb1: {  	[sflag:s22] =	ssyncset.done $0x0  }
0xb2: {  	[sflag:s22] =	ssyncadd.s32 $0xFFFFC000  }
0xb3: {  	[spmem:s3] =	stream.indirect.scatter.add.f32 [tilespmem:s18], [sflag:$0x3], $0x80, s0, s23, $0xb8;
	[tilespmem:$0x1C400] =	vst v63  }
0xb4: {  	_ =	swait.ge [sflag:s25], $0x4000  }
0xb5: {  	[sflag:s25] =	ssyncset.done $0x0  }
0xb6: {  	[sflag:s25] =	ssyncadd.s32 $0xFFFFC000  }
0xb7: {  	[spmem:s3] =	stream.indirect.scatter.add.f32 [tilespmem:s21], [sflag:$0x4], $0x80, s2, s23, $0xb8;
	[tilespmem:$0x1C400] =	vst v63  }
.Ltmp0:
0xb8: {  	_ =	swait.ge [sflag:s24], $0x4000;
	(pc) =	sbr.rel @p0 .LBB2_2-.Ltmp0, $4  }
0xb9: {  	[sflag:s24] =	ssyncset.done $0x0  }
0xba: {  	[sflag:s24] =	ssyncadd.s32 $0xFFFFC000  }
0xbb: {  	_ =	swait.ge [sflag:s28], $0x4000  }
0xbc: {  	[sflag:s28] =	ssyncset.done $0x0  }
0xbd: {  	[sflag:s28] =	ssyncadd.s32 $0xFFFFC000  }
0xbe: {  	[bflag:$0x0] =	sbarrier.arrive $0xFFFF  }
0xbf: {  	[tilespmem:s18], [sflag:$0x5] =	stream.linear.gather [spmem:s5], $0x4000, $0x38;
	[tilespmem:$0x1C400] =	vst v63  }
0xc0: {  	_ =	swait.ge [sflag:s19], $0x4000  }
0xc1: {  	[sflag:s19] =	ssyncset.done $0x0  }
0xc2: {  	s11 =	rddreg [dreg:$0x4];
	[sflag:s19] =	ssyncadd.s32 $0xFFFFC000  }
0xc3: {  	[hbm4b:s11+s4] =	stream.linear.scatter [tilespmem:s18], [sflag:$0x5], $0x4000, $0x38;
	[tilespmem:$0x1C400] =	vst v63  }
0xc4: {  	_ =	swait.ge [sflag:s19], $0x4000  }
0xc5: {  	[sflag:s19] =	ssyncset.done $0x0  }
0xc6: {  	[sflag:s19] =	ssyncadd.s32 $0xFFFFC000  }
0xc7: {  	[tilespmem:s18], [sflag:$0x5] =	stream.linear.gather [spmem:s6], $0x4000, $0x38;
	[tilespmem:$0x1C400] =	vst v63  }
0xc8: {  	_ =	swait.ge [sflag:s19], $0x4000  }
0xc9: {  	[sflag:s19] =	ssyncset.done $0x0  }
0xca: {  	s16 =	rddreg [dreg:$0x5];
	[sflag:s19] =	ssyncadd.s32 $0xFFFFC000  }
0xcb: {  	[hbm4b:s16+s4] =	stream.linear.scatter [tilespmem:s18], [sflag:$0x5], $0x4000, $0x38;
	[tilespmem:$0x1C400] =	vst v63  }
0xcc: {  	_ =	swait.ge [sflag:s19], $0x4000  }
0xcd: {  	[sflag:s19] =	ssyncset.done $0x0  }
0xce: {  	[sflag:s19] =	ssyncadd.s32 $0xFFFFC000  }
0xcf: {  	[tilespmem:s18], [sflag:$0x5] =	stream.linear.gather [spmem:s7], $0x4000, $0x38;
	[tilespmem:$0x1C400] =	vst v63  }
0xd0: {  	_ =	swait.ge [sflag:s19], $0x4000  }
0xd1: {  	[sflag:s19] =	ssyncset.done $0x0  }
0xd2: {  	s13 =	rddreg [dreg:$0x6];
	[sflag:s19] =	ssyncadd.s32 $0xFFFFC000  }
0xd3: {  	[hbm4b:s13+s4] =	stream.linear.scatter [tilespmem:s18], [sflag:$0x5], $0x4000, $0x38;
	[tilespmem:$0x1C400] =	vst v63  }
0xd4: {  	_ =	swait.ge [sflag:s19], $0x4000  }
0xd5: {  	[sflag:s19] =	ssyncset.done $0x0  }
0xd6: {  	[sflag:s19] =	ssyncadd.s32 $0xFFFFC000  }
0xd7: {  	[tilespmem:s18], [sflag:$0x5] =	stream.linear.gather [spmem:s8], $0x4000, $0x38;
	[tilespmem:$0x1C400] =	vst v63  }
0xd8: {  	_ =	swait.ge [sflag:s19], $0x4000  }
0xd9: {  	[sflag:s19] =	ssyncset.done $0x0  }
0xda: {  	s14 =	rddreg [dreg:$0x7];
	[sflag:s19] =	ssyncadd.s32 $0xFFFFC000  }
0xdb: {  	[hbm4b:s14+s4] =	stream.linear.scatter [tilespmem:s18], [sflag:$0x5], $0x4000, $0x38;
	[tilespmem:$0x1C400] =	vst v63  }
0xdc: {  	_ =	swait.ge [sflag:s19], $0x4000  }
0xdd: {  	[sflag:s19] =	ssyncset.done $0x0  }
0xde: {  	[sflag:s19] =	ssyncadd.s32 $0xFFFFC000  }
0xdf: {  	[tilespmem:s18], [sflag:$0x5] =	stream.linear.gather [spmem:s9], $0x4000, $0x38;
	[tilespmem:$0x1C400] =	vst v63  }
0xe0: {  	s10 =	sadd.s32 $0x1, s10;
	_ =	swait.ge [sflag:s19], $0x4000  }
0xe1: {  	p0 =	sne.s32 s10, s15;
	[sflag:s19] =	ssyncset.done $0x0  }
.Ltmp1:
0xe2: {  	s16 =	rddreg [dreg:$0x8];
	[sflag:s19] =	ssyncadd.s32 $0xFFFFC000;
	(pc) =	sbr.rel @p0 .LBB2_1-.Ltmp1, $4  }
0xe3: {  	[hbm4b:s16+s4] =	stream.linear.scatter [tilespmem:s18], [sflag:$0x5], $0x4000, $0x38;
	[tilespmem:$0x1C400] =	vst v63  }
0xe4: {  	_ =	swait.ge [sflag:s19], $0x4000  }
0xe5: {  	[sflag:s19] =	ssyncset.done $0x0  }
0xe6: {  	[sflag:s19] =	ssyncadd.s32 $0xFFFFC000  }
0xe7: {  	_ =	sfence.sel $0x180000  }
0xe8: {  	[bflag:$0x0] =	sbarrier.arrive $0xFFFF  }
0xe9: {  	_ =	strace $0x9000004A  }
0xea: {  	s0 =	stileid.u32;
	[bflag:$0x2] =	sbarrier.arrive $0xFFFF  }
0xeb: {  	p0 =	sne.s32 s0, $0x0;
	s0 =	rddreg [dreg:$0x3]  }
0xec: {  	s0 =	sadd.s32 @!p0 $0x100000, s0  }
0xed: {  	[sflag:s0] =	ssyncadd.tile.s32 @!p0 $0x1;
	_ =	shalt  }
.Lfunc_end2:
_tile_overlayer_lowered:
.L_overlay_start_2:
0xee: {  	(tag) =	ssettag $0x2  }
0xef: {  	s0 =	rddreg [dreg:$0x0];
	s2 =	stileid.u32  }
0xf0: {  	s1 =	rddreg [dreg:$0x1];
	p0 =	sne.s32 s2, $0x0  }
0xf1: {  	s3 =	rddreg [dreg:$0x2];
	[bflag:$0x3] =	sbarrier.arrive $0xFFFF;
	s2 =	simm.s32 @!p0 $0x1C05  }
0xf2: {  	[timem:s3], [sflag:s2] =	dma.local @!p0 [hbm:s0], s1  }
0xf3: {  	s0 =	simm.s32 @!p0 $0x5  }
0xf4: {  	_ =	swait.ge @!p0 [sflag:s0], s1  }
0xf5: {  	s1 =	ssub.s32 @!p0 $0x0, s1;
	[sflag:s0] =	ssyncset.done @!p0 $0x0  }
0xf6: {  	[sflag:s0] =	ssyncadd.s32 @!p0 s1  }
0xf7: {  	[bflag:$0x3] =	sbarrier.arrive $0xFFFF  }
0xf8: {  	_ =	shalt  }

// kernel: kernel.13.cloned.1.call-start
scs
__scs_entry_jumppad:
0x0: {  	(pc) =	sbr.rel $0x88, $3  }
0x1: {  	(tag) =	ssettag $0x0;
	lr =	simm.s32 $0x1  }
0x2: {  	[smem:$0x3F91] =	sst lr;
	_ =	strace $0xD0000000  }
0x3: {  	_ = 	snop  }
0x4: {  	_ = 	snop  }
0x5: {  	_ = 	snop  }
0x6: {  	_ = 	snop  }
0x7: {  	_ = 	snop  }
__scs_overlays_trampoline_lowered:
0x8: {  	[smem:$0x3FA0] =	sst s0  }
0x9: {  	[smem:$0x3FA1] =	sst s1  }
0xa: {  	[smem:$0x3FA2] =	sst s2  }
0xb: {  	[smem:$0x3FA3] =	sst s3  }
0xc: {  	[smem:$0x3FA4] =	sst s4  }
0xd: {  	[smem:$0x3FA5] =	sst s5  }
0xe: {  	[smem:$0x3FA6] =	sst s6  }
0xf: {  	[smem:$0x3FA7] =	sst s7  }
0x10: {  	[smem:$0x3FA8] =	sst s8  }
0x11: {  	[smem:$0x3FA9] =	sst s9;
	s0 =	simm.s32 @!p0 $0x0  }
0x12: {  	s1 =	sld [smem:$0x3F8F];
	s0 =	simm.s32 @p0 $0x1  }
0x13: {  	[smem:$0x3FAA] =	sst s0;
	s0 =	simm.s32 @!p1 $0x0  }
0x14: {  	s2 =	sld [smem:$0x3F8E];
	s0 =	simm.s32 @p1 $0x1  }
0x15: {  	[smem:$0x3FAB] =	sst s0;
	s0 =	simm.s32 @!p2 $0x0  }
0x16: {  	s3 =	sld [smem:$0x3FDB];
	s0 =	simm.s32 @p2 $0x1  }
0x17: {  	s4 =	simm.s32 $0x1BF5;
	[smem:$0x3FAD] =	sst s0  }
0x18: {  	s0 =	sld [smem:$0x3F90];
	_ =	swait.ge [sflag:s4], $0x0  }
0x19: {  	s7 =	sld [smem:$0x3F91]  }
0x1a: {  	s8 =	sadd.s32 $0xFFFFE003, lr  }
0x1b: {  	s9 =	sadd.s32 $0xFFFFFEF7, lr;
	s5 =	simm.s32 $0xFFFFFFFF;
	p2 =	slt.u32 s8, $0xFFFFF086  }
0x1c: {  	p1 =	slt.u32 s9, $0xF7A;
	s5 =	simm.s32 @!p2 $0x0  }
0x1d: {  	s5 =	simm.s32 @p1 $0x1;
	p0 =	seq.s32 s7, s2  }
0x1e: {  	s7 =	smul.u32 @!p0 $0xF7A, s2;
	p2 =	seq.s32 @!p0 s5, $0x0  }
0x1f: {  	s9 =	smul.u32 $0xF7A, s1;
	s8 =	simm.s32 @!p0 $0x1BF5;
	p2 =	por !p2, p0  }
0x20: {  	[sflag:s8] =	ssyncset.s32 @!p0 $0xFFFFF086;
	s6 =	sadd.s32 @!p0 s3, s7;
	s7 =	simm.s32 @!p0 $0x108  }
0x21: {  	s3 =	sadd.s32 s3, s9;
	s6 =	sadd.s32 @!p0 $0x88, s6;
	s7 =	simm.s32 @p2 $0x1082  }
0x22: {  	[simem:s7], [sflag:s8] =	dma.local @!p0 [hbm:s6], $0xF7A  }
0x23: {  	s9 =	sor.u32 $0xD0000000, s2;
	s6 =	simm.s32 $0x108;
	_ =	swait.ge @!p0 [sflag:s8], $0x0  }
0x24: {  	s3 =	sadd.s32 $0x88, s3;
	s6 =	simm.s32 @!p1 $0x1082;
	[sflag:s4] =	ssyncset.s32 $0xFFFFF086  }
0x25: {  	[simem:s6], [sflag:s4] =	dma.local [hbm:s3], $0xF7A  }
0x26: {  	[smem:$0x3F91] =	sst s1;
	(tag) =	ssettag s2;
	_ =	strace s9  }
0x27: {  	s1 =	sld [smem:$0x3FA1]  }
0x28: {  	s2 =	sld [smem:$0x3FA2]  }
0x29: {  	s4 =	sld [smem:$0x3FA4]  }
0x2a: {  	p0 =	seq.s32 s5, $0x0;
	s5 =	sld [smem:$0x3FA5]  }
0x2b: {  	s6 =	sld [smem:$0x3FA6]  }
0x2c: {  	s7 =	sld [smem:$0x3FA7]  }
0x2d: {  	s3 =	simm.s32 $0x108;
	s8 =	sld [smem:$0x3FA8]  }
0x2e: {  	s3 =	simm.s32 @!p0 $0x1082;
	s9 =	sld [smem:$0x3FA9]  }
0x2f: {  	lr =	sadd.s32 s0, s3;
	s0 =	sld [smem:$0x3FA0]  }
0x30: {  	s3 =	sld [smem:$0x3FA3]  }
0x31: {  	[smem:$0x3FAC] =	sst s10  }
0x32: {  	s10 =	sld [smem:$0x3FAA];
	_ =	sdelay $0x3  }
0x33: {  	p0 =	seq.s32 s10, $0x1;
	s10 =	sld [smem:$0x3FAC];
	_ =	sdelay $0x3  }
0x34: {  	[smem:$0x3FAC] =	sst s10  }
0x35: {  	s10 =	sld [smem:$0x3FAB];
	_ =	sdelay $0x3  }
0x36: {  	p1 =	seq.s32 s10, $0x1;
	s10 =	sld [smem:$0x3FAC];
	_ =	sdelay $0x3  }
0x37: {  	[smem:$0x3FAC] =	sst s10  }
0x38: {  	s10 =	sld [smem:$0x3FAD]  }
0x39: {  	_ = 	snop;
	(pc) =	sbr.ind lr, $3  }
0x3a: {  	_ = 	snop  }
0x3b: {  	_ = 	snop  }
0x3c: {  	p2 =	seq.s32 s10, $0x1;
	s10 =	sld [smem:$0x3FAC]  }
0x3d: {  	_ =	shalt  }
0x3e: {  	_ =	shalt  }
0x3f: {  	_ =	shalt  }
0x40: {  	_ =	shalt  }
0x41: {  	_ =	shalt  }
0x42: {  	_ =	shalt  }
0x43: {  	_ =	shalt  }
0x44: {  	_ =	shalt  }
0x45: {  	_ =	shalt  }
0x46: {  	_ =	shalt  }
0x47: {  	_ =	shalt  }
0x48: {  	_ =	shalt  }
0x49: {  	_ =	shalt  }
0x4a: {  	_ =	shalt  }
0x4b: {  	_ =	shalt  }
0x4c: {  	_ =	shalt  }
0x4d: {  	_ =	shalt  }
0x4e: {  	_ =	shalt  }
0x4f: {  	_ =	shalt  }
0x50: {  	_ =	shalt  }
0x51: {  	_ =	shalt  }
0x52: {  	_ =	shalt  }
0x53: {  	_ =	shalt  }
0x54: {  	_ =	shalt  }
0x55: {  	_ =	shalt  }
0x56: {  	_ =	shalt  }
0x57: {  	_ =	shalt  }
0x58: {  	_ =	shalt  }
0x59: {  	_ =	shalt  }
0x5a: {  	_ =	shalt  }
0x5b: {  	_ =	shalt  }
0x5c: {  	_ =	shalt  }
0x5d: {  	_ =	shalt  }
0x5e: {  	_ =	shalt  }
0x5f: {  	_ =	shalt  }
0x60: {  	_ =	shalt  }
0x61: {  	_ =	shalt  }
0x62: {  	_ =	shalt  }
0x63: {  	_ =	shalt  }
0x64: {  	_ =	shalt  }
0x65: {  	_ =	shalt  }
0x66: {  	_ =	shalt  }
0x67: {  	_ =	shalt  }
0x68: {  	_ =	shalt  }
0x69: {  	_ =	shalt  }
0x6a: {  	_ =	shalt  }
0x6b: {  	_ =	shalt  }
0x6c: {  	_ =	shalt  }
0x6d: {  	_ =	shalt  }
0x6e: {  	_ =	shalt  }
0x6f: {  	_ =	shalt  }
0x70: {  	_ =	shalt  }
0x71: {  	_ =	shalt  }
0x72: {  	_ =	shalt  }
0x73: {  	_ =	shalt  }
0x74: {  	_ =	shalt  }
0x75: {  	_ =	shalt  }
0x76: {  	_ =	shalt  }
0x77: {  	_ =	shalt  }
0x78: {  	_ =	shalt  }
0x79: {  	_ =	shalt  }
0x7a: {  	_ =	shalt  }
0x7b: {  	_ =	shalt  }
0x7c: {  	_ =	shalt  }
0x7d: {  	_ =	shalt  }
0x7e: {  	_ =	shalt  }
0x7f: {  	_ =	shalt  }
0x80: {  	_ =	shalt  }
0x81: {  	_ =	shalt  }
0x82: {  	_ =	shalt  }
0x83: {  	_ =	shalt  }
0x84: {  	_ =	shalt  }
0x85: {  	_ =	shalt  }
0x86: {  	_ =	shalt  }
0x87: {  	_ =	shalt  }
.Lfunc_end0:
.L_simem_size_0:
called_computation.1_lowered:
.L_overlay_start_0:
0x88: {  	s2 =	sld [smem:$0x3FD9]  }
0x89: {  	s3 =	sld [smem:$0x3FFE];
	_ =	sdelay $0x1  }
0x8a: {  	s1 =	srdreg.scid  }
0x8b: {  	s0 =	sand.u32 $0x1, s1  }
0x8c: {  	s17 =	sshll.u32 s0, $0xA;
	s2 =	sadd.s32 s3, s2  }
0x8d: {  	s2 =	sadd.s32 s2, s17  }
0x8e: {  	[smem:$0x3FB8] =	sst s2  }
0x8f: {  	_ = 	snop  }
0x90: {  	s2 =	sld [smem:$0x3FD0];
	(tm) =	ssettm $0x1  }
0x91: {  	s18 =	sld [smem:$0x3FFB];
	_ =	sdelay $0x3  }
0x92: {  	_ =	strace s18  }
0x93: {  	s3 =	sld [smem:$0x3FFC];
	_ =	sdelay $0x3  }
0x94: {  	_ =	strace s3  }
0x95: {  	s3 =	sld [smem:$0x3FFD];
	_ =	sdelay $0x3  }
0x96: {  	_ =	strace s3  }
0x97: {  	_ =	strace $0x8FFFFFFF  }
0x98: {  	s19 =	sld [smem:$0x3FDB];
	_ =	sdelay $0x1  }
0x99: {  	s4 =	simm.s32 $_scs_section_size  }
0x9a: {  	s5 =	simm.s32 $_size__tile_overlayer_lowered;
	s6 =	simm.s32 $_tile_overlayer_lowered  }
0x9b: {  	s22 =	simm.s32 $0x1BFF;
	s21 =	sshll.u32 s6, $0x1;
	s3 =	sadd.s32 s4, s19  }
0x9c: {  	s7 =	simm.s32 $0x0;
	s20 =	sshll.u32 s5, $0x1;
	s5 =	sadd.s32 s21, s3  }
0x9d: {  	[timem:s7], [sflag:s22] =	dma.local [hbm:s5], s20  }
0x9e: {  	_ =	swait.ge [sflag:s22], s20  }
0x9f: {  	s4 =	ssub.s32 $0x0, s20;
	[sflag:s22] =	ssyncset.done $0x0  }
0xa0: {  	[sflag:s22] =	ssyncadd.s32 s4;
	_ =	sdelay $0x1  }
0xa1: {  	s23 =	simm.s32 $0x1B8B  }
0xa2: {  	_ =	swait.ge [sflag:s23], $0x1  }
0xa3: {  	[sflag:s23] =	ssyncset.done $0x0  }
0xa4: {  	s25 =	simm.s32 $0x1B8E;
	s24 =	sld [smem:$0x3FFE];
	[sflag:s23] =	ssyncadd.s32 $0xFFFFFFFF  }
0xa5: {  	s26 =	simm.s32 $execute0_lowered;
	[smem:$0x3FD2] =	sst s25  }
0xa6: {  	s5 =	sshll.u32 s26, $0x1;
	_ =	strace $0x80000046;
	[dreg:$0x1] =	wrdreg $0xFFFFFFFF  }
0xa7: {  	s28 =	simm.s32 $_size_execute0_lowered;
	s3 =	sadd.s32 s3, s5;
	[dreg:$0x0] =	wrdreg $0x0  }
0xa8: {  	s5 =	sshll.u32 s28, $0x1;
	[dreg:$0x2] =	wrdreg s3  }
0xa9: {  	[dreg:$0x3] =	wrdreg s5  }
0xaa: {  	[dreg:$0x4] =	wrdreg $0xC0  }
0xab: {  	_ =	task [dreg:s7], $0x5FFFF  }
0xac: {  	[dreg:$0x1] =	wrdreg $0xFFFFFFFF  }
0xad: {  	[dreg:$0x0] =	wrdreg $0x60  }
0xae: {  	[dreg:$0x2] =	wrdreg s24  }
0xaf: {  	[dreg:$0x3] =	wrdreg s2  }
0xb0: {  	[dreg:$0x4] =	wrdreg $0x0  }
0xb1: {  	[dreg:$0x5] =	wrdreg $0xA  }
0xb2: {  	_ =	task.clear_ibuf [dreg:s7], $0x6FFFF;
	_ =	strace $0x90000046  }
0xb3: {  	s29 =	simm.s32 $0xA;
	_ =	strace $0x80000048  }
0xb4: {  	_ =	swait.ge [sflag:s29], $0x1  }
0xb5: {  	[sflag:s29] =	ssyncadd.s32 $0xFFFFFFFF  }
0xb6: {  	_ =	strace $0x90000048  }
0xb7: {  	_ =	sfence  }
0xb8: {  	s30 =	sld [smem:$0x0];
	_ =	sdelay $0x2  }
0xb9: {  	s31 =	sshll.u32 s1, $0xD;
	s1 =	sshrl.u32 s1, $0x2  }
0xba: {  	s3 =	sand.u32 $0x4000, s31;
	s1 =	sadd.s32 s1, s30  }
0xbb: {  	s0 =	sor.u32 s3, s0;
	s1 =	sshll.u32 s1, $0x11  }
0xbc: {  	s0 =	sor.u32 s1, s0  }
0xbd: {  	s0 =	sadd.s32 $0x8F2B, s0  }
0xbe: {  	[sflag:s0] =	ssyncadd.remote.s32 $0x1  }
0xbf: {  	_ =	sfence.sel $0xFFFF  }
0xc0: {  	[dreg:$0x0] =	wrdreg $0xFFFFFFFF;
	(pc) =	sbr.abs _section_cstart, $3  }
0xc1: {  	[dreg:$0x1] =	wrdreg $0xFFFFFFFF  }
0xc2: {  	_ =	task.clear_ibuf [dreg:s7], $0x2FFFF;
	_ =	strace $0x9FFFFFFF  }
0xc3: {  	(tm) =	ssettm $0x7FFFFFFF  }
tec
execute0_lowered:
.L_overlay_start_1:
0x0: {  	(tag) =	ssettag $0x1  }
0x1: {  	s0 =	rddreg [dreg:$0x0];
	s1 =	srdreg.scid  }
0x2: {  	s9 =	stileid.u32;
	s3 =	rddreg [dreg:$0x2];
	s4 =	simm.s32 $0x0  }
0x3: {  	s17 =	simm.s32 $0x14800;
	s28 =	simm.s32 $0x2;
	s2 =	smul.u32 $0x5000, s9  }
0x4: {  	s29 =	simm.s32 $0x14480;
	s30 =	simm.s32 $0x4;
	s6 =	smul.u32 $0x50000, s9  }
0x5: {  	s31 =	simm.s32 $0x14180;
	s1 =	sand.u32 $0x1, s1;
	s10 =	smul.u32 $0x14000, s9  }
0x6: {  	s16 =	simm.s32 $0x14700;
	[smem:$0x7FF] =	sst s4;
	s5 =	smul.u32 $0x2800, s1  }
0x7: {  	_ =	strace $0x80000047;
	s7 =	ssub.s32 $0x2, s1;
	s1 =	smul.u32 $0x140000, s1  }
0x8: {  	s8 =	sshrl.u32 s7, $0x1;
	s6 =	sshrl.u32 s6, $0x2;
	s18 =	sadd.s32 $0x4000, s10  }
0x9: {  	s19 =	sadd.s32 $0x8000, s10;
	s11 =	sadd.s32 $0xC000, s10;
	s12 =	sadd.s32 $0x10000, s10  }
0xa: {  	s2 =	sadd.s32 s5, s2;
	s5 =	sadd.s32 $0x4C00, s0;
	s15 =	ssub.s32 s7, s8  }
0xb: {  	s6 =	sadd.s32 s6, s3;
	s14 =	sadd.s32 s18, s3;
	s20 =	sadd.s32 s19, s3  }
0xc: {  	s9 =	sadd.s32 s11, s3;
	s13 =	sadd.s32 s10, s1;
	s7 =	sadd.s32 s12, s3  }
0xd: {  	s8 =	sadd.s32 s1, s19;
	s22 =	sadd.s32 s1, s11;
	s19 =	simm.s32 $0x14000  }
0xe: {  	s11 =	simm.s32 $0x14280;
	s2 =	sshrl.u32 s2, $0x3;
	[dreg:$0x6] =	wrdreg s6  }
0xf: {  	[dreg:$0x8] =	wrdreg s20;
	s10 =	smov.u32 s14;
	s13 =	sshrl.u32 s13, $0x3  }
0x10: {  	s6 =	sadd.s32 s1, s18;
	s21 =	sshrl.u32 s8, $0x3;
	s23 =	sshrl.u32 s22, $0x3  }
0x11: {  	s1 =	sadd.s32 s1, s12;
	s26 =	smax.u32 s15, $0x1;
	s18 =	simm.s32 $0x5  }
0x12: {  	s20 =	simm.s32 $0x14400;
	s22 =	simm.s32 $0x14080;
	[dreg:$0x9] =	wrdreg s9  }
0x13: {  	s12 =	simm.s32 $0x14600;
	s14 =	simm.s32 $0x14680;
	[dreg:$0xa] =	wrdreg s7  }
0x14: {  	s15 =	simm.s32 $0x14380;
	s8 =	simm.s32 $0x0;
	[dreg:$0x10] =	wrdreg s26  }
0x15: {  	s2 =	sadd.s32 s2, s0;
	s0 =	sadd.s32 $0x40C00, s0;
	[dreg:$0x11] =	wrdreg s8  }
0x16: {  	s6 =	sshrl.u32 s6, $0x3;
	[dreg:$0x7] =	wrdreg s10;
	s13 =	sadd.s32 s0, s13  }
0x17: {  	s1 =	sshrl.u32 s1, $0x3;
	s6 =	sadd.s32 s0, s6;
	[dreg:$0xb] =	wrdreg s13  }
0x18: {  	s26 =	simm.s32 $0x14100;
	s24 =	sadd.s32 $0x36C00, s2;
	[dreg:$0xc] =	wrdreg s6  }
0x19: {  	s25 =	sadd.s32 $0x2CC00, s2;
	s2 =	simm.s32 $0x14580;
	[dreg:$0x4] =	wrdreg s24  }
0x1a: {  	s6 =	sadd.s32 s0, s21;
	[dreg:$0x5] =	wrdreg s25;
	s21 =	simm.s32 $0x80  }
0x1b: {  	s24 =	simm.s32 $0x1;
	s25 =	simm.s32 $0x3;
	s13 =	simm.s32 $0x14300  }
0x1c: {  	[dreg:$0xd] =	wrdreg s6;
	s6 =	sadd.s32 s0, s23;
	s0 =	sadd.s32 s0, s1  }
0x1d: {  	s23 =	simm.s32 $0x18800;
	s1 =	simm.s32 $0x14500;
	[dreg:$0xe] =	wrdreg s6  }
0x1e: {  	[dreg:$0xf] =	wrdreg s0;
	s0 =	simm.s32 $0x14200;
	s6 =	simm.s32 $0x14780  }
.LBB2_1:
0x1f: {  	s8 =	rddreg [dreg:$0x1]  }
0x20: {  	[tilespmem:s17], [sflag:$0x5] =	stream.linear.gather [hbm4b:s8+s4], $0x4000, $0x38;
	[tilespmem:$0x1C800] =	vst v63  }
0x21: {  	_ =	swait.ge [sflag:s18], $0x4000  }
0x22: {  	[sflag:s18] =	ssyncset.done $0x0  }
0x23: {  	s8 =	rddreg [dreg:$0x6];
	[sflag:s18] =	ssyncadd.s32 $0xFFFFC000  }
0x24: {  	[spmem:s8] =	stream.linear.scatter [tilespmem:s17], [sflag:$0x5], $0x4000, $0x38;
	[tilespmem:$0x1C800] =	vst v63  }
0x25: {  	_ =	swait.ge [sflag:s18], $0x4000  }
0x26: {  	[sflag:s18] =	ssyncset.done $0x0  }
0x27: {  	[sflag:s18] =	ssyncadd.s32 $0xFFFFC000  }
0x28: {  	[spmem:s10] =	stream.linear.scatter [tilespmem:s17], [sflag:$0x5], $0x4000, $0x38;
	[tilespmem:$0x1C800] =	vst v63  }
0x29: {  	_ =	swait.ge [sflag:s18], $0x4000  }
0x2a: {  	[sflag:s18] =	ssyncset.done $0x0  }
0x2b: {  	s10 =	rddreg [dreg:$0x8];
	[sflag:s18] =	ssyncadd.s32 $0xFFFFC000  }
0x2c: {  	[spmem:s10] =	stream.linear.scatter [tilespmem:s17], [sflag:$0x5], $0x4000, $0x38;
	[tilespmem:$0x1C800] =	vst v63  }
0x2d: {  	_ =	swait.ge [sflag:s18], $0x4000  }
0x2e: {  	[sflag:s18] =	ssyncset.done $0x0  }
0x2f: {  	[sflag:s18] =	ssyncadd.s32 $0xFFFFC000  }
0x30: {  	[spmem:s9] =	stream.linear.scatter [tilespmem:s17], [sflag:$0x5], $0x4000, $0x38;
	[tilespmem:$0x1C800] =	vst v63  }
0x31: {  	_ =	swait.ge [sflag:s18], $0x4000  }
0x32: {  	[sflag:s18] =	ssyncset.done $0x0  }
0x33: {  	[sflag:s18] =	ssyncadd.s32 $0xFFFFC000  }
0x34: {  	[spmem:s7] =	stream.linear.scatter [tilespmem:s17], [sflag:$0x5], $0x4000, $0x38;
	[tilespmem:$0x1C800] =	vst v63  }
0x35: {  	_ =	swait.ge [sflag:s18], $0x4000  }
0x36: {  	[sflag:s18] =	ssyncset.done $0x0  }
0x37: {  	[sflag:s18] =	ssyncadd.s32 $0xFFFFC000  }
0x38: {  	[bflag:$0x0] =	sbarrier.arrive $0xFFFF  }
0x39: {  	s9 =	rddreg [dreg:$0x5]  }
0x3a: {  	s8 =	sadd.s32 $0x0, s9  }
0x3b: {  	[tilespmem:s19], [sflag:$0x5] =	stream.linear.gather [hbm4b:s8+s4], $0x400, $0x38;
	[tilespmem:$0x1C800] =	vst v63  }
0x3c: {  	_ =	swait.ge [sflag:s18], $0x400  }
0x3d: {  	s10 =	rddreg [dreg:$0x4];
	[sflag:s18] =	ssyncset.done $0x0  }
0x3e: {  	[sflag:s18] =	ssyncadd.s32 $0xFFFFFC00;
	s8 =	sadd.s32 $0x0, s10  }
0x3f: {  	[tilespmem:s20], [sflag:$0x5] =	stream.linear.gather [hbm4b:s8+s4], $0x400, $0x38;
	[tilespmem:$0x1C800] =	vst v63  }
0x40: {  	_ =	swait.ge [sflag:s18], $0x400  }
0x41: {  	[sflag:s18] =	ssyncset.done $0x0  }
0x42: {  	[sflag:s18] =	ssyncadd.s32 $0xFFFFFC00  }
0x43: {  	[tilespmem:s17], [sflag:$0x1] =	stream.indirect.gather [hbm4b:s5+s21], $0x80, s19, s21, $0xb8;
	[tilespmem:$0x1C800] =	vst v63  }
0x44: {  	_ = 	snop  }
0x45: {  	[tilespmem:s23], [sflag:$0x2] =	stream.indirect.gather [hbm4b:s5+s21], $0x80, s22, s21, $0xb8;
	[tilespmem:$0x1C800] =	vst v63  }
0x46: {  	_ =	swait.ge [sflag:s24], $0x4000  }
0x47: {  	[sflag:s24] =	ssyncset.done $0x0  }
0x48: {  	[sflag:s24] =	ssyncadd.s32 $0xFFFFC000  }
0x49: {  	[spmem:s3] =	stream.indirect.scatter.add.f32 [tilespmem:s17], [sflag:$0x3], $0x80, s20, s21, $0xb8;
	[tilespmem:$0x1C800] =	vst v63  }
0x4a: {  	_ =	swait.ge [sflag:s25], $0x4000  }
0x4b: {  	[sflag:s25] =	ssyncset.done $0x0  }
0x4c: {  	[sflag:s25] =	ssyncadd.s32 $0xFFFFC000  }
0x4d: {  	[tilespmem:s17], [sflag:$0x1] =	stream.indirect.gather [hbm4b:s5+s21], $0x80, s26, s21, $0xb8;
	[tilespmem:$0x1C800] =	vst v63  }
0x4e: {  	_ =	swait.ge [sflag:s28], $0x4000  }
0x4f: {  	[sflag:s28] =	ssyncset.done $0x0  }
0x50: {  	[sflag:s28] =	ssyncadd.s32 $0xFFFFC000  }
0x51: {  	[spmem:s3] =	stream.indirect.scatter.add.f32 [tilespmem:s23], [sflag:$0x4], $0x80, s29, s21, $0xb8;
	[tilespmem:$0x1C800] =	vst v63  }
0x52: {  	_ =	swait.ge [sflag:s30], $0x4000  }
0x53: {  	[sflag:s30] =	ssyncset.done $0x0  }
0x54: {  	[sflag:s30] =	ssyncadd.s32 $0xFFFFC000  }
0x55: {  	[tilespmem:s23], [sflag:$0x2] =	stream.indirect.gather [hbm4b:s5+s21], $0x80, s31, s21, $0xb8;
	[tilespmem:$0x1C800] =	vst v63  }
0x56: {  	_ =	swait.ge [sflag:s24], $0x4000  }
0x57: {  	[sflag:s24] =	ssyncset.done $0x0  }
0x58: {  	[sflag:s24] =	ssyncadd.s32 $0xFFFFC000  }
0x59: {  	[spmem:s3] =	stream.indirect.scatter.add.f32 [tilespmem:s17], [sflag:$0x3], $0x80, s1, s21, $0xb8;
	[tilespmem:$0x1C800] =	vst v63  }
0x5a: {  	_ =	swait.ge [sflag:s25], $0x4000  }
0x5b: {  	[sflag:s25] =	ssyncset.done $0x0  }
0x5c: {  	[sflag:s25] =	ssyncadd.s32 $0xFFFFC000  }
0x5d: {  	[tilespmem:s17], [sflag:$0x1] =	stream.indirect.gather [hbm4b:s5+s21], $0x80, s0, s21, $0xb8;
	[tilespmem:$0x1C800] =	vst v63  }
0x5e: {  	_ =	swait.ge [sflag:s28], $0x4000  }
0x5f: {  	[sflag:s28] =	ssyncset.done $0x0  }
0x60: {  	[sflag:s28] =	ssyncadd.s32 $0xFFFFC000  }
0x61: {  	[spmem:s3] =	stream.indirect.scatter.add.f32 [tilespmem:s23], [sflag:$0x4], $0x80, s2, s21, $0xb8;
	[tilespmem:$0x1C800] =	vst v63  }
0x62: {  	_ =	swait.ge [sflag:s30], $0x4000  }
0x63: {  	[sflag:s30] =	ssyncset.done $0x0  }
0x64: {  	[sflag:s30] =	ssyncadd.s32 $0xFFFFC000  }
0x65: {  	[tilespmem:s23], [sflag:$0x2] =	stream.indirect.gather [hbm4b:s5+s21], $0x80, s11, s21, $0xb8;
	[tilespmem:$0x1C800] =	vst v63  }
0x66: {  	_ =	swait.ge [sflag:s24], $0x4000  }
0x67: {  	[sflag:s24] =	ssyncset.done $0x0  }
0x68: {  	[sflag:s24] =	ssyncadd.s32 $0xFFFFC000  }
0x69: {  	[spmem:s3] =	stream.indirect.scatter.add.f32 [tilespmem:s17], [sflag:$0x3], $0x80, s12, s21, $0xb8;
	[tilespmem:$0x1C800] =	vst v63  }
0x6a: {  	_ =	swait.ge [sflag:s25], $0x4000  }
0x6b: {  	[sflag:s25] =	ssyncset.done $0x0  }
0x6c: {  	[sflag:s25] =	ssyncadd.s32 $0xFFFFC000  }
0x6d: {  	[tilespmem:s17], [sflag:$0x1] =	stream.indirect.gather [hbm4b:s5+s21], $0x80, s13, s21, $0xb8;
	[tilespmem:$0x1C800] =	vst v63  }
0x6e: {  	_ =	swait.ge [sflag:s28], $0x4000  }
0x6f: {  	[sflag:s28] =	ssyncset.done $0x0  }
0x70: {  	[sflag:s28] =	ssyncadd.s32 $0xFFFFC000  }
0x71: {  	[spmem:s3] =	stream.indirect.scatter.add.f32 [tilespmem:s23], [sflag:$0x4], $0x80, s14, s21, $0xb8;
	[tilespmem:$0x1C800] =	vst v63  }
0x72: {  	_ =	swait.ge [sflag:s30], $0x4000  }
0x73: {  	[sflag:s30] =	ssyncset.done $0x0  }
0x74: {  	[sflag:s30] =	ssyncadd.s32 $0xFFFFC000  }
0x75: {  	[tilespmem:s23], [sflag:$0x2] =	stream.indirect.gather [hbm4b:s5+s21], $0x80, s15, s21, $0xb8;
	[tilespmem:$0x1C800] =	vst v63  }
0x76: {  	_ =	swait.ge [sflag:s24], $0x4000  }
0x77: {  	[sflag:s24] =	ssyncset.done $0x0  }
0x78: {  	[sflag:s24] =	ssyncadd.s32 $0xFFFFC000  }
0x79: {  	[spmem:s3] =	stream.indirect.scatter.add.f32 [tilespmem:s17], [sflag:$0x3], $0x80, s16, s21, $0xb8;
	[tilespmem:$0x1C800] =	vst v63  }
0x7a: {  	_ =	swait.ge [sflag:s28], $0x4000  }
0x7b: {  	[sflag:s28] =	ssyncset.done $0x0  }
0x7c: {  	[sflag:s28] =	ssyncadd.s32 $0xFFFFC000  }
0x7d: {  	[spmem:s3] =	stream.indirect.scatter.add.f32 [tilespmem:s23], [sflag:$0x4], $0x80, s6, s21, $0xb8;
	[tilespmem:$0x1C800] =	vst v63  }
0x7e: {  	_ =	swait.ge [sflag:s25], $0x4000  }
0x7f: {  	[sflag:s25] =	ssyncset.done $0x0  }
0x80: {  	[sflag:s25] =	ssyncadd.s32 $0xFFFFC000  }
0x81: {  	_ =	swait.ge [sflag:s30], $0x4000  }
0x82: {  	s8 =	simm.s32 $0x80;
	[sflag:s30] =	ssyncset.done $0x0  }
.LBB2_2:
0x83: {  	s9 =	rddreg [dreg:$0x5];
	s10 =	smov.u32 s8  }
0x84: {  	[sflag:s30] =	ssyncadd.s32 $0xFFFFC000;
	s9 =	sadd.s32 s10, s9  }
0x85: {  	[tilespmem:s19], [sflag:$0x5] =	stream.linear.gather [hbm4b:s9+s4], $0x400, $0x38;
	[tilespmem:$0x1C800] =	vst v63  }
0x86: {  	_ =	swait.ge [sflag:s18], $0x400  }
0x87: {  	s7 =	rddreg [dreg:$0x4];
	[sflag:s18] =	ssyncset.done $0x0  }
0x88: {  	[sflag:s18] =	ssyncadd.s32 $0xFFFFFC00;
	s9 =	sadd.s32 s10, s7  }
0x89: {  	[tilespmem:s20], [sflag:$0x5] =	stream.linear.gather [hbm4b:s9+s4], $0x400, $0x38;
	[tilespmem:$0x1C800] =	vst v63  }
0x8a: {  	_ =	swait.ge [sflag:s18], $0x400  }
0x8b: {  	[sflag:s18] =	ssyncset.done $0x0  }
0x8c: {  	[sflag:s18] =	ssyncadd.s32 $0xFFFFFC00  }
0x8d: {  	[tilespmem:s17], [sflag:$0x1] =	stream.indirect.gather [hbm4b:s5+s21], $0x80, s19, s21, $0xb8;
	[tilespmem:$0x1C800] =	vst v63  }
0x8e: {  	_ = 	snop  }
0x8f: {  	[tilespmem:s23], [sflag:$0x2] =	stream.indirect.gather [hbm4b:s5+s21], $0x80, s22, s21, $0xb8;
	[tilespmem:$0x1C800] =	vst v63  }
0x90: {  	_ =	swait.ge [sflag:s24], $0x4000  }
0x91: {  	[sflag:s24] =	ssyncset.done $0x0  }
0x92: {  	[sflag:s24] =	ssyncadd.s32 $0xFFFFC000  }
0x93: {  	[spmem:s3] =	stream.indirect.scatter.add.f32 [tilespmem:s17], [sflag:$0x3], $0x80, s20, s21, $0xb8;
	[tilespmem:$0x1C800] =	vst v63  }
0x94: {  	_ =	swait.ge [sflag:s25], $0x4000  }
0x95: {  	[sflag:s25] =	ssyncset.done $0x0  }
0x96: {  	[sflag:s25] =	ssyncadd.s32 $0xFFFFC000  }
0x97: {  	[tilespmem:s17], [sflag:$0x1] =	stream.indirect.gather [hbm4b:s5+s21], $0x80, s26, s21, $0xb8;
	[tilespmem:$0x1C800] =	vst v63  }
0x98: {  	_ =	swait.ge [sflag:s28], $0x4000  }
0x99: {  	[sflag:s28] =	ssyncset.done $0x0  }
0x9a: {  	[sflag:s28] =	ssyncadd.s32 $0xFFFFC000  }
0x9b: {  	[spmem:s3] =	stream.indirect.scatter.add.f32 [tilespmem:s23], [sflag:$0x4], $0x80, s29, s21, $0xb8;
	[tilespmem:$0x1C800] =	vst v63  }
0x9c: {  	_ =	swait.ge [sflag:s30], $0x4000  }
0x9d: {  	[sflag:s30] =	ssyncset.done $0x0  }
0x9e: {  	[sflag:s30] =	ssyncadd.s32 $0xFFFFC000  }
0x9f: {  	[tilespmem:s23], [sflag:$0x2] =	stream.indirect.gather [hbm4b:s5+s21], $0x80, s31, s21, $0xb8;
	[tilespmem:$0x1C800] =	vst v63  }
0xa0: {  	_ =	swait.ge [sflag:s24], $0x4000  }
0xa1: {  	[sflag:s24] =	ssyncset.done $0x0  }
0xa2: {  	[sflag:s24] =	ssyncadd.s32 $0xFFFFC000  }
0xa3: {  	[spmem:s3] =	stream.indirect.scatter.add.f32 [tilespmem:s17], [sflag:$0x3], $0x80, s1, s21, $0xb8;
	[tilespmem:$0x1C800] =	vst v63  }
0xa4: {  	_ =	swait.ge [sflag:s25], $0x4000  }
0xa5: {  	[sflag:s25] =	ssyncset.done $0x0  }
0xa6: {  	[sflag:s25] =	ssyncadd.s32 $0xFFFFC000  }
0xa7: {  	[tilespmem:s17], [sflag:$0x1] =	stream.indirect.gather [hbm4b:s5+s21], $0x80, s0, s21, $0xb8;
	[tilespmem:$0x1C800] =	vst v63  }
0xa8: {  	_ =	swait.ge [sflag:s28], $0x4000  }
0xa9: {  	[sflag:s28] =	ssyncset.done $0x0  }
0xaa: {  	[sflag:s28] =	ssyncadd.s32 $0xFFFFC000  }
0xab: {  	[spmem:s3] =	stream.indirect.scatter.add.f32 [tilespmem:s23], [sflag:$0x4], $0x80, s2, s21, $0xb8;
	[tilespmem:$0x1C800] =	vst v63  }
0xac: {  	_ =	swait.ge [sflag:s30], $0x4000  }
0xad: {  	[sflag:s30] =	ssyncset.done $0x0  }
0xae: {  	[sflag:s30] =	ssyncadd.s32 $0xFFFFC000  }
0xaf: {  	[tilespmem:s23], [sflag:$0x2] =	stream.indirect.gather [hbm4b:s5+s21], $0x80, s11, s21, $0xb8;
	[tilespmem:$0x1C800] =	vst v63  }
0xb0: {  	_ =	swait.ge [sflag:s24], $0x4000  }
0xb1: {  	[sflag:s24] =	ssyncset.done $0x0  }
0xb2: {  	[sflag:s24] =	ssyncadd.s32 $0xFFFFC000  }
0xb3: {  	[spmem:s3] =	stream.indirect.scatter.add.f32 [tilespmem:s17], [sflag:$0x3], $0x80, s12, s21, $0xb8;
	[tilespmem:$0x1C800] =	vst v63  }
0xb4: {  	_ =	swait.ge [sflag:s25], $0x4000  }
0xb5: {  	[sflag:s25] =	ssyncset.done $0x0  }
0xb6: {  	[sflag:s25] =	ssyncadd.s32 $0xFFFFC000  }
0xb7: {  	[tilespmem:s17], [sflag:$0x1] =	stream.indirect.gather [hbm4b:s5+s21], $0x80, s13, s21, $0xb8;
	[tilespmem:$0x1C800] =	vst v63  }
0xb8: {  	_ =	swait.ge [sflag:s28], $0x4000  }
0xb9: {  	[sflag:s28] =	ssyncset.done $0x0  }
0xba: {  	[sflag:s28] =	ssyncadd.s32 $0xFFFFC000  }
0xbb: {  	[spmem:s3] =	stream.indirect.scatter.add.f32 [tilespmem:s23], [sflag:$0x4], $0x80, s14, s21, $0xb8;
	[tilespmem:$0x1C800] =	vst v63  }
0xbc: {  	_ =	swait.ge [sflag:s30], $0x4000  }
0xbd: {  	[sflag:s30] =	ssyncset.done $0x0  }
0xbe: {  	[sflag:s30] =	ssyncadd.s32 $0xFFFFC000  }
0xbf: {  	[tilespmem:s23], [sflag:$0x2] =	stream.indirect.gather [hbm4b:s5+s21], $0x80, s15, s21, $0xb8;
	[tilespmem:$0x1C800] =	vst v63  }
0xc0: {  	_ =	swait.ge [sflag:s24], $0x4000  }
0xc1: {  	[sflag:s24] =	ssyncset.done $0x0  }
0xc2: {  	[sflag:s24] =	ssyncadd.s32 $0xFFFFC000  }
0xc3: {  	[spmem:s3] =	stream.indirect.scatter.add.f32 [tilespmem:s17], [sflag:$0x3], $0x80, s16, s21, $0xb8;
	[tilespmem:$0x1C800] =	vst v63  }
0xc4: {  	_ =	swait.ge [sflag:s28], $0x4000  }
0xc5: {  	[sflag:s28] =	ssyncset.done $0x0  }
0xc6: {  	p0 =	sne.s32 s8, $0x480;
	[sflag:s28] =	ssyncadd.s32 $0xFFFFC000  }
0xc7: {  	[spmem:s3] =	stream.indirect.scatter.add.f32 [tilespmem:s23], [sflag:$0x4], $0x80, s6, s21, $0xb8;
	[tilespmem:$0x1C800] =	vst v63  }
.Ltmp0:
0xc8: {  	_ =	swait.ge [sflag:s25], $0x4000;
	(pc) =	sbr.rel @p0 .LBB2_2-.Ltmp0, $4  }
0xc9: {  	[sflag:s25] =	ssyncset.done $0x0  }
0xca: {  	[sflag:s25] =	ssyncadd.s32 $0xFFFFC000  }
0xcb: {  	_ =	swait.ge [sflag:s30], $0x4000  }
0xcc: {  	s8 =	sadd.s32 $0x80, s8;
	[sflag:s30] =	ssyncset.done $0x0  }
0xcd: {  	[sflag:s30] =	ssyncadd.s32 $0xFFFFC000  }
0xce: {  	[bflag:$0x0] =	sbarrier.arrive $0xFFFF  }
0xcf: {  	s7 =	rddreg [dreg:$0x6]  }
0xd0: {  	[tilespmem:s17], [sflag:$0x5] =	stream.linear.gather [spmem:s7], $0x4000, $0x38;
	[tilespmem:$0x1C800] =	vst v63  }
0xd1: {  	_ =	swait.ge [sflag:s18], $0x4000  }
0xd2: {  	[sflag:s18] =	ssyncset.done $0x0  }
0xd3: {  	s8 =	rddreg [dreg:$0xb];
	[sflag:s18] =	ssyncadd.s32 $0xFFFFC000  }
0xd4: {  	[hbm4b:s8+s4] =	stream.linear.scatter [tilespmem:s17], [sflag:$0x5], $0x4000, $0x38;
	[tilespmem:$0x1C800] =	vst v63  }
0xd5: {  	_ =	swait.ge [sflag:s18], $0x4000  }
0xd6: {  	[sflag:s18] =	ssyncset.done $0x0  }
0xd7: {  	s9 =	rddreg [dreg:$0x7];
	[sflag:s18] =	ssyncadd.s32 $0xFFFFC000  }
0xd8: {  	[tilespmem:s17], [sflag:$0x5] =	stream.linear.gather [spmem:s9], $0x4000, $0x38;
	[tilespmem:$0x1C800] =	vst v63  }
0xd9: {  	_ =	swait.ge [sflag:s18], $0x4000  }
0xda: {  	[sflag:s18] =	ssyncset.done $0x0  }
0xdb: {  	s10 =	rddreg [dreg:$0xc];
	[sflag:s18] =	ssyncadd.s32 $0xFFFFC000  }
0xdc: {  	[hbm4b:s10+s4] =	stream.linear.scatter [tilespmem:s17], [sflag:$0x5], $0x4000, $0x38;
	[tilespmem:$0x1C800] =	vst v63  }
0xdd: {  	_ =	swait.ge [sflag:s18], $0x4000  }
0xde: {  	[sflag:s18] =	ssyncset.done $0x0  }
0xdf: {  	s8 =	rddreg [dreg:$0x8];
	[sflag:s18] =	ssyncadd.s32 $0xFFFFC000  }
0xe0: {  	[tilespmem:s17], [sflag:$0x5] =	stream.linear.gather [spmem:s8], $0x4000, $0x38;
	[tilespmem:$0x1C800] =	vst v63  }
0xe1: {  	_ =	swait.ge [sflag:s18], $0x4000  }
0xe2: {  	[sflag:s18] =	ssyncset.done $0x0  }
0xe3: {  	s9 =	rddreg [dreg:$0xd];
	[sflag:s18] =	ssyncadd.s32 $0xFFFFC000  }
0xe4: {  	[hbm4b:s9+s4] =	stream.linear.scatter [tilespmem:s17], [sflag:$0x5], $0x4000, $0x38;
	[tilespmem:$0x1C800] =	vst v63  }
0xe5: {  	_ =	swait.ge [sflag:s18], $0x4000  }
0xe6: {  	[sflag:s18] =	ssyncset.done $0x0  }
0xe7: {  	s9 =	rddreg [dreg:$0x9];
	[sflag:s18] =	ssyncadd.s32 $0xFFFFC000  }
0xe8: {  	[tilespmem:s17], [sflag:$0x5] =	stream.linear.gather [spmem:s9], $0x4000, $0x38;
	[tilespmem:$0x1C800] =	vst v63  }
0xe9: {  	_ =	swait.ge [sflag:s18], $0x4000  }
0xea: {  	[sflag:s18] =	ssyncset.done $0x0  }
0xeb: {  	s10 =	rddreg [dreg:$0xe];
	[sflag:s18] =	ssyncadd.s32 $0xFFFFC000  }
0xec: {  	[hbm4b:s10+s4] =	stream.linear.scatter [tilespmem:s17], [sflag:$0x5], $0x4000, $0x38;
	[tilespmem:$0x1C800] =	vst v63  }
0xed: {  	_ =	swait.ge [sflag:s18], $0x4000  }
0xee: {  	[sflag:s18] =	ssyncset.done $0x0  }
0xef: {  	s7 =	rddreg [dreg:$0xa];
	[sflag:s18] =	ssyncadd.s32 $0xFFFFC000  }
0xf0: {  	[tilespmem:s17], [sflag:$0x5] =	stream.linear.gather [spmem:s7], $0x4000, $0x38;
	[tilespmem:$0x1C800] =	vst v63  }
0xf1: {  	_ =	swait.ge [sflag:s18], $0x4000  }
0xf2: {  	[sflag:s18] =	ssyncset.done $0x0  }
0xf3: {  	s8 =	rddreg [dreg:$0xf];
	[sflag:s18] =	ssyncadd.s32 $0xFFFFC000  }
0xf4: {  	[hbm4b:s8+s4] =	stream.linear.scatter [tilespmem:s17], [sflag:$0x5], $0x4000, $0x38;
	[tilespmem:$0x1C800] =	vst v63  }
0xf5: {  	_ =	swait.ge [sflag:s18], $0x4000  }
0xf6: {  	s10 =	rddreg [dreg:$0x11]  }
0xf7: {  	s8 =	rddreg [dreg:$0x10];
	s10 =	sadd.s32 $0x1, s10  }
0xf8: {  	p0 =	sne.s32 s10, s8  }
.Ltmp1:
0xf9: {  	_ = 	snop;
	(pc) =	sbr.rel @p0 .LBB2_1-.Ltmp1, $3  }
0xfa: {  	_ =	sdelay $0x1  }
0xfb: {  	[sflag:s18] =	ssyncset.done $0x0;
	[dreg:$0x11] =	wrdreg s10  }
0xfc: {  	[sflag:s18] =	ssyncadd.s32 $0xFFFFC000;
	s10 =	rddreg [dreg:$0x7]  }
0xfd: {  	_ =	sfence.sel $0x180000  }
0xfe: {  	[bflag:$0x0] =	sbarrier.arrive $0xFFFF  }
0xff: {  	_ =	strace $0x90000047  }
0x100: {  	s0 =	stileid.u32;
	[bflag:$0x2] =	sbarrier.arrive $0xFFFF  }
0x101: {  	p0 =	sne.s32 s0, $0x0;
	s0 =	rddreg [dreg:$0x3]  }
0x102: {  	s0 =	sadd.s32 @!p0 $0x100000, s0  }
0x103: {  	[sflag:s0] =	ssyncadd.tile.s32 @!p0 $0x1;
	_ =	shalt  }
.Lfunc_end2:
_tile_overlayer_lowered:
.L_overlay_start_2:
0x104: {  	(tag) =	ssettag $0x2  }
0x105: {  	s0 =	rddreg [dreg:$0x0];
	s2 =	stileid.u32  }
0x106: {  	s1 =	rddreg [dreg:$0x1];
	p0 =	sne.s32 s2, $0x0  }
0x107: {  	s3 =	rddreg [dreg:$0x2];
	[bflag:$0x3] =	sbarrier.arrive $0xFFFF;
	s2 =	simm.s32 @!p0 $0x1C05  }
0x108: {  	[timem:s3], [sflag:s2] =	dma.local @!p0 [hbm:s0], s1  }
0x109: {  	s0 =	simm.s32 @!p0 $0x5  }
0x10a: {  	_ =	swait.ge @!p0 [sflag:s0], s1  }
0x10b: {  	s1 =	ssub.s32 @!p0 $0x0, s1;
	[sflag:s0] =	ssyncset.done @!p0 $0x0  }
0x10c: {  	[sflag:s0] =	ssyncadd.s32 @!p0 s1  }
0x10d: {  	[bflag:$0x3] =	sbarrier.arrive $0xFFFF  }
0x10e: {  	_ =	shalt  }

// kernel: kernel.16.cloned.1.call-start
scs
__scs_entry_jumppad:
0x0: {  	(pc) =	sbr.rel $0x88, $3  }
0x1: {  	(tag) =	ssettag $0x0;
	lr =	simm.s32 $0x1  }
0x2: {  	[smem:$0x3F91] =	sst lr;
	_ =	strace $0xD0000000  }
0x3: {  	_ = 	snop  }
0x4: {  	_ = 	snop  }
0x5: {  	_ = 	snop  }
0x6: {  	_ = 	snop  }
0x7: {  	_ = 	snop  }
__scs_overlays_trampoline_lowered:
0x8: {  	[smem:$0x3FA0] =	sst s0  }
0x9: {  	[smem:$0x3FA1] =	sst s1  }
0xa: {  	[smem:$0x3FA2] =	sst s2  }
0xb: {  	[smem:$0x3FA3] =	sst s3  }
0xc: {  	[smem:$0x3FA4] =	sst s4  }
0xd: {  	[smem:$0x3FA5] =	sst s5  }
0xe: {  	[smem:$0x3FA6] =	sst s6  }
0xf: {  	[smem:$0x3FA7] =	sst s7  }
0x10: {  	[smem:$0x3FA8] =	sst s8  }
0x11: {  	[smem:$0x3FA9] =	sst s9;
	s0 =	simm.s32 @!p0 $0x0  }
0x12: {  	s1 =	sld [smem:$0x3F8F];
	s0 =	simm.s32 @p0 $0x1  }
0x13: {  	[smem:$0x3FAA] =	sst s0;
	s0 =	simm.s32 @!p1 $0x0  }
0x14: {  	s2 =	sld [smem:$0x3F8E];
	s0 =	simm.s32 @p1 $0x1  }
0x15: {  	[smem:$0x3FAB] =	sst s0;
	s0 =	simm.s32 @!p2 $0x0  }
0x16: {  	s3 =	sld [smem:$0x3FDB];
	s0 =	simm.s32 @p2 $0x1  }
0x17: {  	s4 =	simm.s32 $0x1BF5;
	[smem:$0x3FAD] =	sst s0  }
0x18: {  	s0 =	sld [smem:$0x3F90];
	_ =	swait.ge [sflag:s4], $0x0  }
0x19: {  	s7 =	sld [smem:$0x3F91]  }
0x1a: {  	s8 =	sadd.s32 $0xFFFFE003, lr  }
0x1b: {  	s9 =	sadd.s32 $0xFFFFFEF7, lr;
	s5 =	simm.s32 $0xFFFFFFFF;
	p2 =	slt.u32 s8, $0xFFFFF086  }
0x1c: {  	p1 =	slt.u32 s9, $0xF7A;
	s5 =	simm.s32 @!p2 $0x0  }
0x1d: {  	s5 =	simm.s32 @p1 $0x1;
	p0 =	seq.s32 s7, s2  }
0x1e: {  	s7 =	smul.u32 @!p0 $0xF7A, s2;
	p2 =	seq.s32 @!p0 s5, $0x0  }
0x1f: {  	s9 =	smul.u32 $0xF7A, s1;
	s8 =	simm.s32 @!p0 $0x1BF5;
	p2 =	por !p2, p0  }
0x20: {  	[sflag:s8] =	ssyncset.s32 @!p0 $0xFFFFF086;
	s6 =	sadd.s32 @!p0 s3, s7;
	s7 =	simm.s32 @!p0 $0x108  }
0x21: {  	s3 =	sadd.s32 s3, s9;
	s6 =	sadd.s32 @!p0 $0x88, s6;
	s7 =	simm.s32 @p2 $0x1082  }
0x22: {  	[simem:s7], [sflag:s8] =	dma.local @!p0 [hbm:s6], $0xF7A  }
0x23: {  	s9 =	sor.u32 $0xD0000000, s2;
	s6 =	simm.s32 $0x108;
	_ =	swait.ge @!p0 [sflag:s8], $0x0  }
0x24: {  	s3 =	sadd.s32 $0x88, s3;
	s6 =	simm.s32 @!p1 $0x1082;
	[sflag:s4] =	ssyncset.s32 $0xFFFFF086  }
0x25: {  	[simem:s6], [sflag:s4] =	dma.local [hbm:s3], $0xF7A  }
0x26: {  	[smem:$0x3F91] =	sst s1;
	(tag) =	ssettag s2;
	_ =	strace s9  }
0x27: {  	s1 =	sld [smem:$0x3FA1]  }
0x28: {  	s2 =	sld [smem:$0x3FA2]  }
0x29: {  	s4 =	sld [smem:$0x3FA4]  }
0x2a: {  	p0 =	seq.s32 s5, $0x0;
	s5 =	sld [smem:$0x3FA5]  }
0x2b: {  	s6 =	sld [smem:$0x3FA6]  }
0x2c: {  	s7 =	sld [smem:$0x3FA7]  }
0x2d: {  	s3 =	simm.s32 $0x108;
	s8 =	sld [smem:$0x3FA8]  }
0x2e: {  	s3 =	simm.s32 @!p0 $0x1082;
	s9 =	sld [smem:$0x3FA9]  }
0x2f: {  	lr =	sadd.s32 s0, s3;
	s0 =	sld [smem:$0x3FA0]  }
0x30: {  	s3 =	sld [smem:$0x3FA3]  }
0x31: {  	[smem:$0x3FAC] =	sst s10  }
0x32: {  	s10 =	sld [smem:$0x3FAA];
	_ =	sdelay $0x3  }
0x33: {  	p0 =	seq.s32 s10, $0x1;
	s10 =	sld [smem:$0x3FAC];
	_ =	sdelay $0x3  }
0x34: {  	[smem:$0x3FAC] =	sst s10  }
0x35: {  	s10 =	sld [smem:$0x3FAB];
	_ =	sdelay $0x3  }
0x36: {  	p1 =	seq.s32 s10, $0x1;
	s10 =	sld [smem:$0x3FAC];
	_ =	sdelay $0x3  }
0x37: {  	[smem:$0x3FAC] =	sst s10  }
0x38: {  	s10 =	sld [smem:$0x3FAD]  }
0x39: {  	_ = 	snop;
	(pc) =	sbr.ind lr, $3  }
0x3a: {  	_ = 	snop  }
0x3b: {  	_ = 	snop  }
0x3c: {  	p2 =	seq.s32 s10, $0x1;
	s10 =	sld [smem:$0x3FAC]  }
0x3d: {  	_ =	shalt  }
0x3e: {  	_ =	shalt  }
0x3f: {  	_ =	shalt  }
0x40: {  	_ =	shalt  }
0x41: {  	_ =	shalt  }
0x42: {  	_ =	shalt  }
0x43: {  	_ =	shalt  }
0x44: {  	_ =	shalt  }
0x45: {  	_ =	shalt  }
0x46: {  	_ =	shalt  }
0x47: {  	_ =	shalt  }
0x48: {  	_ =	shalt  }
0x49: {  	_ =	shalt  }
0x4a: {  	_ =	shalt  }
0x4b: {  	_ =	shalt  }
0x4c: {  	_ =	shalt  }
0x4d: {  	_ =	shalt  }
0x4e: {  	_ =	shalt  }
0x4f: {  	_ =	shalt  }
0x50: {  	_ =	shalt  }
0x51: {  	_ =	shalt  }
0x52: {  	_ =	shalt  }
0x53: {  	_ =	shalt  }
0x54: {  	_ =	shalt  }
0x55: {  	_ =	shalt  }
0x56: {  	_ =	shalt  }
0x57: {  	_ =	shalt  }
0x58: {  	_ =	shalt  }
0x59: {  	_ =	shalt  }
0x5a: {  	_ =	shalt  }
0x5b: {  	_ =	shalt  }
0x5c: {  	_ =	shalt  }
0x5d: {  	_ =	shalt  }
0x5e: {  	_ =	shalt  }
0x5f: {  	_ =	shalt  }
0x60: {  	_ =	shalt  }
0x61: {  	_ =	shalt  }
0x62: {  	_ =	shalt  }
0x63: {  	_ =	shalt  }
0x64: {  	_ =	shalt  }
0x65: {  	_ =	shalt  }
0x66: {  	_ =	shalt  }
0x67: {  	_ =	shalt  }
0x68: {  	_ =	shalt  }
0x69: {  	_ =	shalt  }
0x6a: {  	_ =	shalt  }
0x6b: {  	_ =	shalt  }
0x6c: {  	_ =	shalt  }
0x6d: {  	_ =	shalt  }
0x6e: {  	_ =	shalt  }
0x6f: {  	_ =	shalt  }
0x70: {  	_ =	shalt  }
0x71: {  	_ =	shalt  }
0x72: {  	_ =	shalt  }
0x73: {  	_ =	shalt  }
0x74: {  	_ =	shalt  }
0x75: {  	_ =	shalt  }
0x76: {  	_ =	shalt  }
0x77: {  	_ =	shalt  }
0x78: {  	_ =	shalt  }
0x79: {  	_ =	shalt  }
0x7a: {  	_ =	shalt  }
0x7b: {  	_ =	shalt  }
0x7c: {  	_ =	shalt  }
0x7d: {  	_ =	shalt  }
0x7e: {  	_ =	shalt  }
0x7f: {  	_ =	shalt  }
0x80: {  	_ =	shalt  }
0x81: {  	_ =	shalt  }
0x82: {  	_ =	shalt  }
0x83: {  	_ =	shalt  }
0x84: {  	_ =	shalt  }
0x85: {  	_ =	shalt  }
0x86: {  	_ =	shalt  }
0x87: {  	_ =	shalt  }
.Lfunc_end0:
.L_simem_size_0:
called_computation.2_lowered:
.L_overlay_start_0:
0x88: {  	s2 =	sld [smem:$0x3FD9]  }
0x89: {  	s3 =	sld [smem:$0x3FFE];
	_ =	sdelay $0x1  }
0x8a: {  	s1 =	srdreg.scid  }
0x8b: {  	s0 =	sand.u32 $0x1, s1  }
0x8c: {  	s17 =	sshll.u32 s0, $0xA;
	s2 =	sadd.s32 s3, s2  }
0x8d: {  	s2 =	sadd.s32 s2, s17  }
0x8e: {  	[smem:$0x3FB8] =	sst s2  }
0x8f: {  	_ = 	snop  }
0x90: {  	s2 =	sld [smem:$0x3FD0];
	(tm) =	ssettm $0x1  }
0x91: {  	s18 =	sld [smem:$0x3FFB];
	_ =	sdelay $0x3  }
0x92: {  	_ =	strace s18  }
0x93: {  	s3 =	sld [smem:$0x3FFC];
	_ =	sdelay $0x3  }
0x94: {  	_ =	strace s3  }
0x95: {  	s3 =	sld [smem:$0x3FFD];
	_ =	sdelay $0x3  }
0x96: {  	_ =	strace s3  }
0x97: {  	_ =	strace $0x8FFFFFFF  }
0x98: {  	s19 =	sld [smem:$0x3FDB];
	_ =	sdelay $0x1  }
0x99: {  	s4 =	simm.s32 $_scs_section_size  }
0x9a: {  	s5 =	simm.s32 $_size__tile_overlayer_lowered;
	s6 =	simm.s32 $_tile_overlayer_lowered  }
0x9b: {  	s22 =	simm.s32 $0x1BFF;
	s21 =	sshll.u32 s6, $0x1;
	s3 =	sadd.s32 s4, s19  }
0x9c: {  	s7 =	simm.s32 $0x0;
	s20 =	sshll.u32 s5, $0x1;
	s5 =	sadd.s32 s21, s3  }
0x9d: {  	[timem:s7], [sflag:s22] =	dma.local [hbm:s5], s20  }
0x9e: {  	_ =	swait.ge [sflag:s22], s20  }
0x9f: {  	s4 =	ssub.s32 $0x0, s20;
	[sflag:s22] =	ssyncset.done $0x0  }
0xa0: {  	[sflag:s22] =	ssyncadd.s32 s4;
	_ =	sdelay $0x1  }
0xa1: {  	s23 =	simm.s32 $0x1B8B  }
0xa2: {  	_ =	swait.ge [sflag:s23], $0x1  }
0xa3: {  	[sflag:s23] =	ssyncset.done $0x0  }
0xa4: {  	s25 =	simm.s32 $0x1B8E;
	s24 =	sld [smem:$0x3FFE];
	[sflag:s23] =	ssyncadd.s32 $0xFFFFFFFF  }
0xa5: {  	s26 =	simm.s32 $execute0_lowered;
	[smem:$0x3FD2] =	sst s25  }
0xa6: {  	s5 =	sshll.u32 s26, $0x1;
	_ =	strace $0x8000004C;
	[dreg:$0x1] =	wrdreg $0xFFFFFFFF  }
0xa7: {  	s28 =	simm.s32 $_size_execute0_lowered;
	s3 =	sadd.s32 s3, s5;
	[dreg:$0x0] =	wrdreg $0x0  }
0xa8: {  	s5 =	sshll.u32 s28, $0x1;
	[dreg:$0x2] =	wrdreg s3  }
0xa9: {  	[dreg:$0x3] =	wrdreg s5  }
0xaa: {  	[dreg:$0x4] =	wrdreg $0xC0  }
0xab: {  	_ =	task [dreg:s7], $0x5FFFF  }
0xac: {  	[dreg:$0x1] =	wrdreg $0xFFFFFFFF  }
0xad: {  	[dreg:$0x0] =	wrdreg $0x60  }
0xae: {  	[dreg:$0x2] =	wrdreg s24  }
0xaf: {  	[dreg:$0x3] =	wrdreg s2  }
0xb0: {  	[dreg:$0x4] =	wrdreg $0x0  }
0xb1: {  	[dreg:$0x5] =	wrdreg $0x9  }
0xb2: {  	_ =	task.clear_ibuf [dreg:s7], $0x6FFFF;
	_ =	strace $0x9000004C  }
0xb3: {  	s29 =	simm.s32 $0x9;
	_ =	strace $0x8000004E  }
0xb4: {  	_ =	swait.ge [sflag:s29], $0x1  }
0xb5: {  	[sflag:s29] =	ssyncadd.s32 $0xFFFFFFFF  }
0xb6: {  	_ =	strace $0x9000004E  }
0xb7: {  	_ =	sfence  }
0xb8: {  	s30 =	sld [smem:$0x0];
	_ =	sdelay $0x2  }
0xb9: {  	s31 =	sshll.u32 s1, $0xD;
	s1 =	sshrl.u32 s1, $0x2  }
0xba: {  	s3 =	sand.u32 $0x4000, s31;
	s1 =	sadd.s32 s1, s30  }
0xbb: {  	s0 =	sor.u32 s3, s0;
	s1 =	sshll.u32 s1, $0x11  }
0xbc: {  	s0 =	sor.u32 s1, s0  }
0xbd: {  	s0 =	sadd.s32 $0x8F2B, s0  }
0xbe: {  	[sflag:s0] =	ssyncadd.remote.s32 $0x1  }
0xbf: {  	_ =	sfence.sel $0xFFFF  }
0xc0: {  	[dreg:$0x0] =	wrdreg $0xFFFFFFFF;
	(pc) =	sbr.abs _section_cstart, $3  }
0xc1: {  	[dreg:$0x1] =	wrdreg $0xFFFFFFFF  }
0xc2: {  	_ =	task.clear_ibuf [dreg:s7], $0x2FFFF;
	_ =	strace $0x9FFFFFFF  }
0xc3: {  	(tm) =	ssettm $0x7FFFFFFF  }
tec
execute0_lowered:
.L_overlay_start_1:
0x0: {  	(tag) =	ssettag $0x1  }
0x1: {  	s0 =	rddreg [dreg:$0x0];
	s1 =	srdreg.scid  }
0x2: {  	s9 =	stileid.u32;
	s3 =	rddreg [dreg:$0x2];
	s4 =	simm.s32 $0x0  }
0x3: {  	s17 =	simm.s32 $0x14800;
	s28 =	simm.s32 $0x2;
	s2 =	smul.u32 $0x5000, s9  }
0x4: {  	s29 =	simm.s32 $0x14480;
	s30 =	simm.s32 $0x4;
	s6 =	smul.u32 $0x50000, s9  }
0x5: {  	s31 =	simm.s32 $0x14180;
	s1 =	sand.u32 $0x1, s1;
	s10 =	smul.u32 $0x14000, s9  }
0x6: {  	s16 =	simm.s32 $0x14700;
	[smem:$0x7FF] =	sst s4;
	s5 =	smul.u32 $0x2800, s1  }
0x7: {  	_ =	strace $0x8000004D;
	s7 =	ssub.s32 $0x2, s1;
	s1 =	smul.u32 $0x140000, s1  }
0x8: {  	s8 =	sshrl.u32 s7, $0x1;
	s6 =	sshrl.u32 s6, $0x2;
	s18 =	sadd.s32 $0x4000, s10  }
0x9: {  	s19 =	sadd.s32 $0x8000, s10;
	s11 =	sadd.s32 $0xC000, s10;
	s12 =	sadd.s32 $0x10000, s10  }
0xa: {  	s2 =	sadd.s32 s5, s2;
	s5 =	sadd.s32 $0x4C00, s0;
	s15 =	ssub.s32 s7, s8  }
0xb: {  	s6 =	sadd.s32 s6, s3;
	s14 =	sadd.s32 s18, s3;
	s20 =	sadd.s32 s19, s3  }
0xc: {  	s9 =	sadd.s32 s11, s3;
	s13 =	sadd.s32 s10, s1;
	s7 =	sadd.s32 s12, s3  }
0xd: {  	s8 =	sadd.s32 s1, s19;
	s22 =	sadd.s32 s1, s11;
	s19 =	simm.s32 $0x14000  }
0xe: {  	s11 =	simm.s32 $0x14280;
	s2 =	sshrl.u32 s2, $0x3;
	[dreg:$0x6] =	wrdreg s6  }
0xf: {  	[dreg:$0x8] =	wrdreg s20;
	s10 =	smov.u32 s14;
	s13 =	sshrl.u32 s13, $0x3  }
0x10: {  	s6 =	sadd.s32 s1, s18;
	s21 =	sshrl.u32 s8, $0x3;
	s23 =	sshrl.u32 s22, $0x3  }
0x11: {  	s1 =	sadd.s32 s1, s12;
	s26 =	smax.u32 s15, $0x1;
	s18 =	simm.s32 $0x5  }
0x12: {  	s20 =	simm.s32 $0x14400;
	s22 =	simm.s32 $0x14080;
	[dreg:$0x9] =	wrdreg s9  }
0x13: {  	s12 =	simm.s32 $0x14600;
	s14 =	simm.s32 $0x14680;
	[dreg:$0xa] =	wrdreg s7  }
0x14: {  	s15 =	simm.s32 $0x14380;
	s8 =	simm.s32 $0x0;
	[dreg:$0x10] =	wrdreg s26  }
0x15: {  	s2 =	sadd.s32 s2, s0;
	s0 =	sadd.s32 $0x40C00, s0;
	[dreg:$0x11] =	wrdreg s8  }
0x16: {  	s6 =	sshrl.u32 s6, $0x3;
	[dreg:$0x7] =	wrdreg s10;
	s13 =	sadd.s32 s0, s13  }
0x17: {  	s1 =	sshrl.u32 s1, $0x3;
	s6 =	sadd.s32 s0, s6;
	[dreg:$0xb] =	wrdreg s13  }
0x18: {  	s26 =	simm.s32 $0x14100;
	s24 =	sadd.s32 $0x36C00, s2;
	[dreg:$0xc] =	wrdreg s6  }
0x19: {  	s25 =	sadd.s32 $0x2CC00, s2;
	s2 =	simm.s32 $0x14580;
	[dreg:$0x4] =	wrdreg s24  }
0x1a: {  	s6 =	sadd.s32 s0, s21;
	[dreg:$0x5] =	wrdreg s25;
	s21 =	simm.s32 $0x80  }
0x1b: {  	s24 =	simm.s32 $0x1;
	s25 =	simm.s32 $0x3;
	s13 =	simm.s32 $0x14300  }
0x1c: {  	[dreg:$0xd] =	wrdreg s6;
	s6 =	sadd.s32 s0, s23;
	s0 =	sadd.s32 s0, s1  }
0x1d: {  	s23 =	simm.s32 $0x18800;
	s1 =	simm.s32 $0x14500;
	[dreg:$0xe] =	wrdreg s6  }
0x1e: {  	[dreg:$0xf] =	wrdreg s0;
	s0 =	simm.s32 $0x14200;
	s6 =	simm.s32 $0x14780  }
.LBB2_1:
0x1f: {  	s8 =	rddreg [dreg:$0x1]  }
0x20: {  	[tilespmem:s17], [sflag:$0x5] =	stream.linear.gather [hbm4b:s8+s4], $0x4000, $0x38;
	[tilespmem:$0x1C800] =	vst v63  }
0x21: {  	_ =	swait.ge [sflag:s18], $0x4000  }
0x22: {  	[sflag:s18] =	ssyncset.done $0x0  }
0x23: {  	s8 =	rddreg [dreg:$0x6];
	[sflag:s18] =	ssyncadd.s32 $0xFFFFC000  }
0x24: {  	[spmem:s8] =	stream.linear.scatter [tilespmem:s17], [sflag:$0x5], $0x4000, $0x38;
	[tilespmem:$0x1C800] =	vst v63  }
0x25: {  	_ =	swait.ge [sflag:s18], $0x4000  }
0x26: {  	[sflag:s18] =	ssyncset.done $0x0  }
0x27: {  	[sflag:s18] =	ssyncadd.s32 $0xFFFFC000  }
0x28: {  	[spmem:s10] =	stream.linear.scatter [tilespmem:s17], [sflag:$0x5], $0x4000, $0x38;
	[tilespmem:$0x1C800] =	vst v63  }
0x29: {  	_ =	swait.ge [sflag:s18], $0x4000  }
0x2a: {  	[sflag:s18] =	ssyncset.done $0x0  }
0x2b: {  	s10 =	rddreg [dreg:$0x8];
	[sflag:s18] =	ssyncadd.s32 $0xFFFFC000  }
0x2c: {  	[spmem:s10] =	stream.linear.scatter [tilespmem:s17], [sflag:$0x5], $0x4000, $0x38;
	[tilespmem:$0x1C800] =	vst v63  }
0x2d: {  	_ =	swait.ge [sflag:s18], $0x4000  }
0x2e: {  	[sflag:s18] =	ssyncset.done $0x0  }
0x2f: {  	[sflag:s18] =	ssyncadd.s32 $0xFFFFC000  }
0x30: {  	[spmem:s9] =	stream.linear.scatter [tilespmem:s17], [sflag:$0x5], $0x4000, $0x38;
	[tilespmem:$0x1C800] =	vst v63  }
0x31: {  	_ =	swait.ge [sflag:s18], $0x4000  }
0x32: {  	[sflag:s18] =	ssyncset.done $0x0  }
0x33: {  	[sflag:s18] =	ssyncadd.s32 $0xFFFFC000  }
0x34: {  	[spmem:s7] =	stream.linear.scatter [tilespmem:s17], [sflag:$0x5], $0x4000, $0x38;
	[tilespmem:$0x1C800] =	vst v63  }
0x35: {  	_ =	swait.ge [sflag:s18], $0x4000  }
0x36: {  	[sflag:s18] =	ssyncset.done $0x0  }
0x37: {  	[sflag:s18] =	ssyncadd.s32 $0xFFFFC000  }
0x38: {  	[bflag:$0x0] =	sbarrier.arrive $0xFFFF  }
0x39: {  	s9 =	rddreg [dreg:$0x5]  }
0x3a: {  	s8 =	sadd.s32 $0x0, s9  }
0x3b: {  	[tilespmem:s19], [sflag:$0x5] =	stream.linear.gather [hbm4b:s8+s4], $0x400, $0x38;
	[tilespmem:$0x1C800] =	vst v63  }
0x3c: {  	_ =	swait.ge [sflag:s18], $0x400  }
0x3d: {  	s10 =	rddreg [dreg:$0x4];
	[sflag:s18] =	ssyncset.done $0x0  }
0x3e: {  	[sflag:s18] =	ssyncadd.s32 $0xFFFFFC00;
	s8 =	sadd.s32 $0x0, s10  }
0x3f: {  	[tilespmem:s20], [sflag:$0x5] =	stream.linear.gather [hbm4b:s8+s4], $0x400, $0x38;
	[tilespmem:$0x1C800] =	vst v63  }
0x40: {  	_ =	swait.ge [sflag:s18], $0x400  }
0x41: {  	[sflag:s18] =	ssyncset.done $0x0  }
0x42: {  	[sflag:s18] =	ssyncadd.s32 $0xFFFFFC00  }
0x43: {  	[tilespmem:s17], [sflag:$0x1] =	stream.indirect.gather [hbm4b:s5+s21], $0x80, s19, s21, $0xb8;
	[tilespmem:$0x1C800] =	vst v63  }
0x44: {  	_ = 	snop  }
0x45: {  	[tilespmem:s23], [sflag:$0x2] =	stream.indirect.gather [hbm4b:s5+s21], $0x80, s22, s21, $0xb8;
	[tilespmem:$0x1C800] =	vst v63  }
0x46: {  	_ =	swait.ge [sflag:s24], $0x4000  }
0x47: {  	[sflag:s24] =	ssyncset.done $0x0  }
0x48: {  	[sflag:s24] =	ssyncadd.s32 $0xFFFFC000  }
0x49: {  	[spmem:s3] =	stream.indirect.scatter.add.f32 [tilespmem:s17], [sflag:$0x3], $0x80, s20, s21, $0xb8;
	[tilespmem:$0x1C800] =	vst v63  }
0x4a: {  	_ =	swait.ge [sflag:s25], $0x4000  }
0x4b: {  	[sflag:s25] =	ssyncset.done $0x0  }
0x4c: {  	[sflag:s25] =	ssyncadd.s32 $0xFFFFC000  }
0x4d: {  	[tilespmem:s17], [sflag:$0x1] =	stream.indirect.gather [hbm4b:s5+s21], $0x80, s26, s21, $0xb8;
	[tilespmem:$0x1C800] =	vst v63  }
0x4e: {  	_ =	swait.ge [sflag:s28], $0x4000  }
0x4f: {  	[sflag:s28] =	ssyncset.done $0x0  }
0x50: {  	[sflag:s28] =	ssyncadd.s32 $0xFFFFC000  }
0x51: {  	[spmem:s3] =	stream.indirect.scatter.add.f32 [tilespmem:s23], [sflag:$0x4], $0x80, s29, s21, $0xb8;
	[tilespmem:$0x1C800] =	vst v63  }
0x52: {  	_ =	swait.ge [sflag:s30], $0x4000  }
0x53: {  	[sflag:s30] =	ssyncset.done $0x0  }
0x54: {  	[sflag:s30] =	ssyncadd.s32 $0xFFFFC000  }
0x55: {  	[tilespmem:s23], [sflag:$0x2] =	stream.indirect.gather [hbm4b:s5+s21], $0x80, s31, s21, $0xb8;
	[tilespmem:$0x1C800] =	vst v63  }
0x56: {  	_ =	swait.ge [sflag:s24], $0x4000  }
0x57: {  	[sflag:s24] =	ssyncset.done $0x0  }
0x58: {  	[sflag:s24] =	ssyncadd.s32 $0xFFFFC000  }
0x59: {  	[spmem:s3] =	stream.indirect.scatter.add.f32 [tilespmem:s17], [sflag:$0x3], $0x80, s1, s21, $0xb8;
	[tilespmem:$0x1C800] =	vst v63  }
0x5a: {  	_ =	swait.ge [sflag:s25], $0x4000  }
0x5b: {  	[sflag:s25] =	ssyncset.done $0x0  }
0x5c: {  	[sflag:s25] =	ssyncadd.s32 $0xFFFFC000  }
0x5d: {  	[tilespmem:s17], [sflag:$0x1] =	stream.indirect.gather [hbm4b:s5+s21], $0x80, s0, s21, $0xb8;
	[tilespmem:$0x1C800] =	vst v63  }
0x5e: {  	_ =	swait.ge [sflag:s28], $0x4000  }
0x5f: {  	[sflag:s28] =	ssyncset.done $0x0  }
0x60: {  	[sflag:s28] =	ssyncadd.s32 $0xFFFFC000  }
0x61: {  	[spmem:s3] =	stream.indirect.scatter.add.f32 [tilespmem:s23], [sflag:$0x4], $0x80, s2, s21, $0xb8;
	[tilespmem:$0x1C800] =	vst v63  }
0x62: {  	_ =	swait.ge [sflag:s30], $0x4000  }
0x63: {  	[sflag:s30] =	ssyncset.done $0x0  }
0x64: {  	[sflag:s30] =	ssyncadd.s32 $0xFFFFC000  }
0x65: {  	[tilespmem:s23], [sflag:$0x2] =	stream.indirect.gather [hbm4b:s5+s21], $0x80, s11, s21, $0xb8;
	[tilespmem:$0x1C800] =	vst v63  }
0x66: {  	_ =	swait.ge [sflag:s24], $0x4000  }
0x67: {  	[sflag:s24] =	ssyncset.done $0x0  }
0x68: {  	[sflag:s24] =	ssyncadd.s32 $0xFFFFC000  }
0x69: {  	[spmem:s3] =	stream.indirect.scatter.add.f32 [tilespmem:s17], [sflag:$0x3], $0x80, s12, s21, $0xb8;
	[tilespmem:$0x1C800] =	vst v63  }
0x6a: {  	_ =	swait.ge [sflag:s25], $0x4000  }
0x6b: {  	[sflag:s25] =	ssyncset.done $0x0  }
0x6c: {  	[sflag:s25] =	ssyncadd.s32 $0xFFFFC000  }
0x6d: {  	[tilespmem:s17], [sflag:$0x1] =	stream.indirect.gather [hbm4b:s5+s21], $0x80, s13, s21, $0xb8;
	[tilespmem:$0x1C800] =	vst v63  }
0x6e: {  	_ =	swait.ge [sflag:s28], $0x4000  }
0x6f: {  	[sflag:s28] =	ssyncset.done $0x0  }
0x70: {  	[sflag:s28] =	ssyncadd.s32 $0xFFFFC000  }
0x71: {  	[spmem:s3] =	stream.indirect.scatter.add.f32 [tilespmem:s23], [sflag:$0x4], $0x80, s14, s21, $0xb8;
	[tilespmem:$0x1C800] =	vst v63  }
0x72: {  	_ =	swait.ge [sflag:s30], $0x4000  }
0x73: {  	[sflag:s30] =	ssyncset.done $0x0  }
0x74: {  	[sflag:s30] =	ssyncadd.s32 $0xFFFFC000  }
0x75: {  	[tilespmem:s23], [sflag:$0x2] =	stream.indirect.gather [hbm4b:s5+s21], $0x80, s15, s21, $0xb8;
	[tilespmem:$0x1C800] =	vst v63  }
0x76: {  	_ =	swait.ge [sflag:s24], $0x4000  }
0x77: {  	[sflag:s24] =	ssyncset.done $0x0  }
0x78: {  	[sflag:s24] =	ssyncadd.s32 $0xFFFFC000  }
0x79: {  	[spmem:s3] =	stream.indirect.scatter.add.f32 [tilespmem:s17], [sflag:$0x3], $0x80, s16, s21, $0xb8;
	[tilespmem:$0x1C800] =	vst v63  }
0x7a: {  	_ =	swait.ge [sflag:s28], $0x4000  }
0x7b: {  	[sflag:s28] =	ssyncset.done $0x0  }
0x7c: {  	[sflag:s28] =	ssyncadd.s32 $0xFFFFC000  }
0x7d: {  	[spmem:s3] =	stream.indirect.scatter.add.f32 [tilespmem:s23], [sflag:$0x4], $0x80, s6, s21, $0xb8;
	[tilespmem:$0x1C800] =	vst v63  }
0x7e: {  	_ =	swait.ge [sflag:s25], $0x4000  }
0x7f: {  	[sflag:s25] =	ssyncset.done $0x0  }
0x80: {  	[sflag:s25] =	ssyncadd.s32 $0xFFFFC000  }
0x81: {  	_ =	swait.ge [sflag:s30], $0x4000  }
0x82: {  	s8 =	simm.s32 $0x80;
	[sflag:s30] =	ssyncset.done $0x0  }
.LBB2_2:
0x83: {  	s9 =	rddreg [dreg:$0x5];
	s10 =	smov.u32 s8  }
0x84: {  	[sflag:s30] =	ssyncadd.s32 $0xFFFFC000;
	s9 =	sadd.s32 s10, s9  }
0x85: {  	[tilespmem:s19], [sflag:$0x5] =	stream.linear.gather [hbm4b:s9+s4], $0x400, $0x38;
	[tilespmem:$0x1C800] =	vst v63  }
0x86: {  	_ =	swait.ge [sflag:s18], $0x400  }
0x87: {  	s7 =	rddreg [dreg:$0x4];
	[sflag:s18] =	ssyncset.done $0x0  }
0x88: {  	[sflag:s18] =	ssyncadd.s32 $0xFFFFFC00;
	s9 =	sadd.s32 s10, s7  }
0x89: {  	[tilespmem:s20], [sflag:$0x5] =	stream.linear.gather [hbm4b:s9+s4], $0x400, $0x38;
	[tilespmem:$0x1C800] =	vst v63  }
0x8a: {  	_ =	swait.ge [sflag:s18], $0x400  }
0x8b: {  	[sflag:s18] =	ssyncset.done $0x0  }
0x8c: {  	[sflag:s18] =	ssyncadd.s32 $0xFFFFFC00  }
0x8d: {  	[tilespmem:s17], [sflag:$0x1] =	stream.indirect.gather [hbm4b:s5+s21], $0x80, s19, s21, $0xb8;
	[tilespmem:$0x1C800] =	vst v63  }
0x8e: {  	_ = 	snop  }
0x8f: {  	[tilespmem:s23], [sflag:$0x2] =	stream.indirect.gather [hbm4b:s5+s21], $0x80, s22, s21, $0xb8;
	[tilespmem:$0x1C800] =	vst v63  }
0x90: {  	_ =	swait.ge [sflag:s24], $0x4000  }
0x91: {  	[sflag:s24] =	ssyncset.done $0x0  }
0x92: {  	[sflag:s24] =	ssyncadd.s32 $0xFFFFC000  }
0x93: {  	[spmem:s3] =	stream.indirect.scatter.add.f32 [tilespmem:s17], [sflag:$0x3], $0x80, s20, s21, $0xb8;
	[tilespmem:$0x1C800] =	vst v63  }
0x94: {  	_ =	swait.ge [sflag:s25], $0x4000  }
0x95: {  	[sflag:s25] =	ssyncset.done $0x0  }
0x96: {  	[sflag:s25] =	ssyncadd.s32 $0xFFFFC000  }
0x97: {  	[tilespmem:s17], [sflag:$0x1] =	stream.indirect.gather [hbm4b:s5+s21], $0x80, s26, s21, $0xb8;
	[tilespmem:$0x1C800] =	vst v63  }
0x98: {  	_ =	swait.ge [sflag:s28], $0x4000  }
0x99: {  	[sflag:s28] =	ssyncset.done $0x0  }
0x9a: {  	[sflag:s28] =	ssyncadd.s32 $0xFFFFC000  }
0x9b: {  	[spmem:s3] =	stream.indirect.scatter.add.f32 [tilespmem:s23], [sflag:$0x4], $0x80, s29, s21, $0xb8;
	[tilespmem:$0x1C800] =	vst v63  }
0x9c: {  	_ =	swait.ge [sflag:s30], $0x4000  }
0x9d: {  	[sflag:s30] =	ssyncset.done $0x0  }
0x9e: {  	[sflag:s30] =	ssyncadd.s32 $0xFFFFC000  }
0x9f: {  	[tilespmem:s23], [sflag:$0x2] =	stream.indirect.gather [hbm4b:s5+s21], $0x80, s31, s21, $0xb8;
	[tilespmem:$0x1C800] =	vst v63  }
0xa0: {  	_ =	swait.ge [sflag:s24], $0x4000  }
0xa1: {  	[sflag:s24] =	ssyncset.done $0x0  }
0xa2: {  	[sflag:s24] =	ssyncadd.s32 $0xFFFFC000  }
0xa3: {  	[spmem:s3] =	stream.indirect.scatter.add.f32 [tilespmem:s17], [sflag:$0x3], $0x80, s1, s21, $0xb8;
	[tilespmem:$0x1C800] =	vst v63  }
0xa4: {  	_ =	swait.ge [sflag:s25], $0x4000  }
0xa5: {  	[sflag:s25] =	ssyncset.done $0x0  }
0xa6: {  	[sflag:s25] =	ssyncadd.s32 $0xFFFFC000  }
0xa7: {  	[tilespmem:s17], [sflag:$0x1] =	stream.indirect.gather [hbm4b:s5+s21], $0x80, s0, s21, $0xb8;
	[tilespmem:$0x1C800] =	vst v63  }
0xa8: {  	_ =	swait.ge [sflag:s28], $0x4000  }
0xa9: {  	[sflag:s28] =	ssyncset.done $0x0  }
0xaa: {  	[sflag:s28] =	ssyncadd.s32 $0xFFFFC000  }
0xab: {  	[spmem:s3] =	stream.indirect.scatter.add.f32 [tilespmem:s23], [sflag:$0x4], $0x80, s2, s21, $0xb8;
	[tilespmem:$0x1C800] =	vst v63  }
0xac: {  	_ =	swait.ge [sflag:s30], $0x4000  }
0xad: {  	[sflag:s30] =	ssyncset.done $0x0  }
0xae: {  	[sflag:s30] =	ssyncadd.s32 $0xFFFFC000  }
0xaf: {  	[tilespmem:s23], [sflag:$0x2] =	stream.indirect.gather [hbm4b:s5+s21], $0x80, s11, s21, $0xb8;
	[tilespmem:$0x1C800] =	vst v63  }
0xb0: {  	_ =	swait.ge [sflag:s24], $0x4000  }
0xb1: {  	[sflag:s24] =	ssyncset.done $0x0  }
0xb2: {  	[sflag:s24] =	ssyncadd.s32 $0xFFFFC000  }
0xb3: {  	[spmem:s3] =	stream.indirect.scatter.add.f32 [tilespmem:s17], [sflag:$0x3], $0x80, s12, s21, $0xb8;
	[tilespmem:$0x1C800] =	vst v63  }
0xb4: {  	_ =	swait.ge [sflag:s25], $0x4000  }
0xb5: {  	[sflag:s25] =	ssyncset.done $0x0  }
0xb6: {  	[sflag:s25] =	ssyncadd.s32 $0xFFFFC000  }
0xb7: {  	[tilespmem:s17], [sflag:$0x1] =	stream.indirect.gather [hbm4b:s5+s21], $0x80, s13, s21, $0xb8;
	[tilespmem:$0x1C800] =	vst v63  }
0xb8: {  	_ =	swait.ge [sflag:s28], $0x4000  }
0xb9: {  	[sflag:s28] =	ssyncset.done $0x0  }
0xba: {  	[sflag:s28] =	ssyncadd.s32 $0xFFFFC000  }
0xbb: {  	[spmem:s3] =	stream.indirect.scatter.add.f32 [tilespmem:s23], [sflag:$0x4], $0x80, s14, s21, $0xb8;
	[tilespmem:$0x1C800] =	vst v63  }
0xbc: {  	_ =	swait.ge [sflag:s30], $0x4000  }
0xbd: {  	[sflag:s30] =	ssyncset.done $0x0  }
0xbe: {  	[sflag:s30] =	ssyncadd.s32 $0xFFFFC000  }
0xbf: {  	[tilespmem:s23], [sflag:$0x2] =	stream.indirect.gather [hbm4b:s5+s21], $0x80, s15, s21, $0xb8;
	[tilespmem:$0x1C800] =	vst v63  }
0xc0: {  	_ =	swait.ge [sflag:s24], $0x4000  }
0xc1: {  	[sflag:s24] =	ssyncset.done $0x0  }
0xc2: {  	[sflag:s24] =	ssyncadd.s32 $0xFFFFC000  }
0xc3: {  	[spmem:s3] =	stream.indirect.scatter.add.f32 [tilespmem:s17], [sflag:$0x3], $0x80, s16, s21, $0xb8;
	[tilespmem:$0x1C800] =	vst v63  }
0xc4: {  	_ =	swait.ge [sflag:s28], $0x4000  }
0xc5: {  	[sflag:s28] =	ssyncset.done $0x0  }
0xc6: {  	p0 =	sne.s32 s8, $0x480;
	[sflag:s28] =	ssyncadd.s32 $0xFFFFC000  }
0xc7: {  	[spmem:s3] =	stream.indirect.scatter.add.f32 [tilespmem:s23], [sflag:$0x4], $0x80, s6, s21, $0xb8;
	[tilespmem:$0x1C800] =	vst v63  }
.Ltmp0:
0xc8: {  	_ =	swait.ge [sflag:s25], $0x4000;
	(pc) =	sbr.rel @p0 .LBB2_2-.Ltmp0, $4  }
0xc9: {  	[sflag:s25] =	ssyncset.done $0x0  }
0xca: {  	[sflag:s25] =	ssyncadd.s32 $0xFFFFC000  }
0xcb: {  	_ =	swait.ge [sflag:s30], $0x4000  }
0xcc: {  	s8 =	sadd.s32 $0x80, s8;
	[sflag:s30] =	ssyncset.done $0x0  }
0xcd: {  	[sflag:s30] =	ssyncadd.s32 $0xFFFFC000  }
0xce: {  	[bflag:$0x0] =	sbarrier.arrive $0xFFFF  }
0xcf: {  	s7 =	rddreg [dreg:$0x6]  }
0xd0: {  	[tilespmem:s17], [sflag:$0x5] =	stream.linear.gather [spmem:s7], $0x4000, $0x38;
	[tilespmem:$0x1C800] =	vst v63  }
0xd1: {  	_ =	swait.ge [sflag:s18], $0x4000  }
0xd2: {  	[sflag:s18] =	ssyncset.done $0x0  }
0xd3: {  	s8 =	rddreg [dreg:$0xb];
	[sflag:s18] =	ssyncadd.s32 $0xFFFFC000  }
0xd4: {  	[hbm4b:s8+s4] =	stream.linear.scatter [tilespmem:s17], [sflag:$0x5], $0x4000, $0x38;
	[tilespmem:$0x1C800] =	vst v63  }
0xd5: {  	_ =	swait.ge [sflag:s18], $0x4000  }
0xd6: {  	[sflag:s18] =	ssyncset.done $0x0  }
0xd7: {  	s9 =	rddreg [dreg:$0x7];
	[sflag:s18] =	ssyncadd.s32 $0xFFFFC000  }
0xd8: {  	[tilespmem:s17], [sflag:$0x5] =	stream.linear.gather [spmem:s9], $0x4000, $0x38;
	[tilespmem:$0x1C800] =	vst v63  }
0xd9: {  	_ =	swait.ge [sflag:s18], $0x4000  }
0xda: {  	[sflag:s18] =	ssyncset.done $0x0  }
0xdb: {  	s10 =	rddreg [dreg:$0xc];
	[sflag:s18] =	ssyncadd.s32 $0xFFFFC000  }
0xdc: {  	[hbm4b:s10+s4] =	stream.linear.scatter [tilespmem:s17], [sflag:$0x5], $0x4000, $0x38;
	[tilespmem:$0x1C800] =	vst v63  }
0xdd: {  	_ =	swait.ge [sflag:s18], $0x4000  }
0xde: {  	[sflag:s18] =	ssyncset.done $0x0  }
0xdf: {  	s8 =	rddreg [dreg:$0x8];
	[sflag:s18] =	ssyncadd.s32 $0xFFFFC000  }
0xe0: {  	[tilespmem:s17], [sflag:$0x5] =	stream.linear.gather [spmem:s8], $0x4000, $0x38;
	[tilespmem:$0x1C800] =	vst v63  }
0xe1: {  	_ =	swait.ge [sflag:s18], $0x4000  }
0xe2: {  	[sflag:s18] =	ssyncset.done $0x0  }
0xe3: {  	s9 =	rddreg [dreg:$0xd];
	[sflag:s18] =	ssyncadd.s32 $0xFFFFC000  }
0xe4: {  	[hbm4b:s9+s4] =	stream.linear.scatter [tilespmem:s17], [sflag:$0x5], $0x4000, $0x38;
	[tilespmem:$0x1C800] =	vst v63  }
0xe5: {  	_ =	swait.ge [sflag:s18], $0x4000  }
0xe6: {  	[sflag:s18] =	ssyncset.done $0x0  }
0xe7: {  	s9 =	rddreg [dreg:$0x9];
	[sflag:s18] =	ssyncadd.s32 $0xFFFFC000  }
0xe8: {  	[tilespmem:s17], [sflag:$0x5] =	stream.linear.gather [spmem:s9], $0x4000, $0x38;
	[tilespmem:$0x1C800] =	vst v63  }
0xe9: {  	_ =	swait.ge [sflag:s18], $0x4000  }
0xea: {  	[sflag:s18] =	ssyncset.done $0x0  }
0xeb: {  	s10 =	rddreg [dreg:$0xe];
	[sflag:s18] =	ssyncadd.s32 $0xFFFFC000  }
0xec: {  	[hbm4b:s10+s4] =	stream.linear.scatter [tilespmem:s17], [sflag:$0x5], $0x4000, $0x38;
	[tilespmem:$0x1C800] =	vst v63  }
0xed: {  	_ =	swait.ge [sflag:s18], $0x4000  }
0xee: {  	[sflag:s18] =	ssyncset.done $0x0  }
0xef: {  	s7 =	rddreg [dreg:$0xa];
	[sflag:s18] =	ssyncadd.s32 $0xFFFFC000  }
0xf0: {  	[tilespmem:s17], [sflag:$0x5] =	stream.linear.gather [spmem:s7], $0x4000, $0x38;
	[tilespmem:$0x1C800] =	vst v63  }
0xf1: {  	_ =	swait.ge [sflag:s18], $0x4000  }
0xf2: {  	[sflag:s18] =	ssyncset.done $0x0  }
0xf3: {  	s8 =	rddreg [dreg:$0xf];
	[sflag:s18] =	ssyncadd.s32 $0xFFFFC000  }
0xf4: {  	[hbm4b:s8+s4] =	stream.linear.scatter [tilespmem:s17], [sflag:$0x5], $0x4000, $0x38;
	[tilespmem:$0x1C800] =	vst v63  }
0xf5: {  	_ =	swait.ge [sflag:s18], $0x4000  }
0xf6: {  	s10 =	rddreg [dreg:$0x11]  }
0xf7: {  	s8 =	rddreg [dreg:$0x10];
	s10 =	sadd.s32 $0x1, s10  }
0xf8: {  	p0 =	sne.s32 s10, s8  }
.Ltmp1:
0xf9: {  	_ = 	snop;
	(pc) =	sbr.rel @p0 .LBB2_1-.Ltmp1, $3  }
0xfa: {  	_ =	sdelay $0x1  }
0xfb: {  	[sflag:s18] =	ssyncset.done $0x0;
	[dreg:$0x11] =	wrdreg s10  }
0xfc: {  	[sflag:s18] =	ssyncadd.s32 $0xFFFFC000;
	s10 =	rddreg [dreg:$0x7]  }
0xfd: {  	_ =	sfence.sel $0x180000  }
0xfe: {  	[bflag:$0x0] =	sbarrier.arrive $0xFFFF  }
0xff: {  	_ =	strace $0x9000004D  }
0x100: {  	s0 =	stileid.u32;
	[bflag:$0x2] =	sbarrier.arrive $0xFFFF  }
0x101: {  	p0 =	sne.s32 s0, $0x0;
	s0 =	rddreg [dreg:$0x3]  }
0x102: {  	s0 =	sadd.s32 @!p0 $0x100000, s0  }
0x103: {  	[sflag:s0] =	ssyncadd.tile.s32 @!p0 $0x1;
	_ =	shalt  }
.Lfunc_end2:
_tile_overlayer_lowered:
.L_overlay_start_2:
0x104: {  	(tag) =	ssettag $0x2  }
0x105: {  	s0 =	rddreg [dreg:$0x0];
	s2 =	stileid.u32  }
0x106: {  	s1 =	rddreg [dreg:$0x1];
	p0 =	sne.s32 s2, $0x0  }
0x107: {  	s3 =	rddreg [dreg:$0x2];
	[bflag:$0x3] =	sbarrier.arrive $0xFFFF;
	s2 =	simm.s32 @!p0 $0x1C05  }
0x108: {  	[timem:s3], [sflag:s2] =	dma.local @!p0 [hbm:s0], s1  }
0x109: {  	s0 =	simm.s32 @!p0 $0x5  }
0x10a: {  	_ =	swait.ge @!p0 [sflag:s0], s1  }
0x10b: {  	s1 =	ssub.s32 @!p0 $0x0, s1;
	[sflag:s0] =	ssyncset.done @!p0 $0x0  }
0x10c: {  	[sflag:s0] =	ssyncadd.s32 @!p0 s1  }
0x10d: {  	[bflag:$0x3] =	sbarrier.arrive $0xFFFF  }
0x10e: {  	_ =	shalt  }

</sc_bundles>
